<compile_context>
chip_gen: v7x
topology: tpu7x:2x2x1
jax: 0.10.2.dev20260603
libtpu: 0.0.44.dev20260713+nightly
codegen_flags: <defaults>
</compile_context>

<pallas_src>
import jax
import jax.numpy as jnp
from jax import lax
from jax.experimental import pallas as pl
from jax.experimental.pallas import tpu as pltpu
from jax.experimental.pallas import tpu_sc as plsc

N = 100000
K = 64
KH = 32
NP = 100096
NB = 102
NBPAD = 112
R_MIN = 0.0
R_MAX = 10.0


_BP = 5888
_NBLK = NP // _BP


def _tc_bins_body(x_ref, o_ref):
    i = pl.program_id(0)
    v = x_ref[...]
    sq = v * v
    s = sq[:, 0, :] + sq[:, 1, :] + sq[:, 2, :]
    r = jnp.sqrt(s)
    t = (r / 10.0) * 102
    t = jnp.minimum(t, 101.5)
    b = t.astype(jnp.int32)
    col = i * _BP + lax.broadcasted_iota(jnp.int32, (KH, _BP), 1)
    b = jnp.where(col < N, b, NB - 1)
    o_ref[...] = b[:, : _BP // 2] | (b[:, _BP // 2:] << 16)


def _tc_bins(t, half):
    return pl.pallas_call(
        _tc_bins_body,
        grid=(_NBLK,),
        in_specs=[pl.BlockSpec((KH, 4, _BP), lambda i, h=half: (h, 0, i))],
        out_specs=pl.BlockSpec((KH, _BP // 2), lambda i: (0, i)),
        out_shape=jax.ShapeDtypeStruct((KH, NP // 2), jnp.int32),
    )(t)



_NC = 2
_NS = 16
_NW = _NC * _NS
_ROWW = NP // 2
_CHUNK = 2944
_NCHUNK = _ROWW // _CHUNK


def _sc_hist_body(b_hbm, out_hbm, buf0, buf1, hist, sem0, sem1):
    wid = lax.axis_index("s") * _NC + lax.axis_index("c")
    lanes = lax.iota(jnp.int32, 16)
    lane_base = lanes * NBPAD
    hi_base = lane_base + 16 * NBPAD
    ones = jnp.ones((16,), jnp.float32)
    zeros = jnp.zeros((16,), jnp.float32)
    for j in range(2 * 16 * NBPAD // 16):
        hist[pl.ds(j * 16, 16)] = zeros
    bufs = (buf0, buf1)
    sems = (sem0, sem1)

    def start(k):
        return pltpu.async_copy(
            b_hbm.at[wid, pl.ds(k * _CHUNK, _CHUNK)], bufs[k % 2], sems[k % 2])

    pending = start(0)
    for k in range(_NCHUNK):
        nxt = start(k + 1) if k + 1 < _NCHUNK else None
        pending.wait()
        buf = bufs[k % 2]

        def body(i, carry):
            base = i * 64
            for u in range(4):
                w = buf[pl.ds(base + u * 16, 16)]
                lo = w & 0xFFFF
                hi = lax.shift_right_logical(w, 16)
                plsc.addupdate_scatter(hist, [lane_base + lo], ones)
                plsc.addupdate_scatter(hist, [hi_base + hi], ones)
            return carry

        lax.fori_loop(0, _CHUNK // 64, body, 0)
        pending = nxt
    pltpu.sync_copy(hist, out_hbm.at[wid])


def _sc_hist(b_words):
    mesh = plsc.VectorSubcoreMesh(core_axis_name="c", subcore_axis_name="s")
    f = pl.kernel(
        _sc_hist_body,
        mesh=mesh,
        out_type=jax.ShapeDtypeStruct((_NW, 2 * 16 * NBPAD), jnp.float32),
        scratch_types=[
            pltpu.VMEM((_CHUNK,), jnp.int32),
            pltpu.VMEM((_CHUNK,), jnp.int32),
            pltpu.VMEM((2 * 16 * NBPAD,), jnp.float32),
            pltpu.SemaphoreType.DMA,
            pltpu.SemaphoreType.DMA,
        ],
        compiler_params=pltpu.CompilerParams(needs_layout_passes=False),
    )
    return f(b_words)




def kernel(nlist, positions):
    t = jnp.transpose(nlist, (1, 2, 0))
    bins0 = _tc_bins(t, 0)
    part0 = _sc_hist(bins0)
    bins1 = _tc_bins(t, 1)
    part1 = _sc_hist(bins1)
    hist = (part0.reshape(_NW * 32, NBPAD) + part1.reshape(_NW * 32, NBPAD)
            ).sum(0)
    shell_rs = jnp.linspace(R_MIN, R_MAX, 101)
    vols = shell_rs[1:] ** 3 - shell_rs[:-1] ** 3
    return hist[1:NB - 1] / vols

# --- scband reference (transcript-rebuilt; emitter-appended) ---
"""Pipeline reference for scband-sim-model-42253888258304 (READ-ONLY COPY).

The authoritative reference and input builder live on the scoring server;
editing this copy changes nothing except your own understanding.
"""

import jax, jax.numpy as jnp
import numpy as np

R_MIN = 0.0
R_MAX = 10.0
NBINS = 100


def _histogram_fixed_width(values, r_min, r_max, nbins):
    # TF tf.histogram_fixed_width semantics: nbins equal-width bins over
    # [r_min, r_max]; values below r_min go to bin 0, above r_max to bin nbins-1.
    scaled = (values - r_min) / (r_max - r_min) * nbins
    idx = jnp.clip(jnp.floor(scaled).astype(jnp.int32), 0, nbins - 1)
    hist = jnp.zeros((nbins,), dtype=jnp.float32).at[idx.ravel()].add(1.0)
    return hist


def setup_inputs(seed: int = 0) -> dict:
    key = jax.random.key(seed)
    k1, k2 = jax.random.split(key)
    # nlist: [N, nneighbor_cutoff, 4] (dx, dy, dz, neighbor_type)
    nlist = jax.random.normal(k1, (100000, 64, 4), dtype=jnp.float32)
    # positions: [N, 4] (x, y, z, type)
    positions = jax.random.normal(k2, (100000, 4), dtype=jnp.float32)
    return {"nlist": nlist, "positions": positions}


def reference(nlist, positions):
    # Faithful translation of SimModel.compute_rdf with type_i=type_j=None
    # (masked_nlist is the identity in that case).
    # r = tf.norm(nlist[:, :, :3], axis=2)
    r = jnp.linalg.norm(nlist[:, :, :3], axis=2)
    # hist = tf.cast(tf.histogram_fixed_width(r, r_range, nbins + 2), tf.float32)
    hist = _histogram_fixed_width(r, R_MIN, R_MAX, NBINS + 2)
    # shell_rs = tf.linspace(r_range[0], r_range[1], nbins + 1)
    shell_rs = jnp.linspace(R_MIN, R_MAX, NBINS + 1)
    vols = shell_rs[1:] ** 3 - shell_rs[:-1] ** 3
    result = hist[1:-1] / vols
    return result

if __name__ == "__main__":
    import jax
    _d = setup_inputs()
    print(jax.jit(kernel)(*tuple(_d.values())))

</pallas_src>

<mosaic_0001>
#map = affine_map<(d0, d1) -> (0, 0)>
module attributes {stable_mosaic.version = 14 : i64} {
  func.func @_sc_hist_body(%arg0: i32, %arg1: i32, %arg2: memref<32x50048xi32, #tpu.memory_space<hbm>>, %arg3: memref<32x3584xf32, #tpu.memory_space<hbm>>, %arg4: memref<2944xi32, #tpu.memory_space<vmem>>, %arg5: memref<2944xi32, #tpu.memory_space<vmem>>, %arg6: memref<3584xf32, #tpu.memory_space<vmem>>, %arg7: memref<!tpu.dma_semaphore, #tpu.memory_space<semaphore_mem>>, %arg8: memref<!tpu.dma_semaphore, #tpu.memory_space<semaphore_mem>>) attributes {dimension_semantics = [#tpu.dimension_semantics<core_parallel>, #tpu.dimension_semantics<subcore_parallel>], iteration_bounds = array<i64: 2, 16>, scalar_prefetch = 0 : i64, scratch_operands = 5 : i64, tpu.core_type = #tpu.core_type<sc_vector_subcore>, window_params = [{transform_indices = #map}, {transform_indices = #map}]} {
    %mul3A = arith.constant 2 : i32
    %mul3A_0 = arith.muli %arg1, %mul3A : i32
    %add3A = arith.addi %mul3A_0, %arg0 : i32
    %iota3A = tpu.iota {dimensions = array<i32: 0>} : vector<16xi32>
    %mul3A_1 = arith.constant 112 : i32
    %mul3A_2 = vector.broadcast %mul3A_1 : i32 to vector<16xi32>
    %mul3A_3 = arith.muli %iota3A, %mul3A_2 : vector<16xi32>
    %add3A_4 = arith.constant 1792 : i32
    %add3A_5 = vector.broadcast %add3A_4 : i32 to vector<16xi32>
    %add3A_6 = arith.addi %mul3A_3, %add3A_5 : vector<16xi32>
    %broadcast_in_dim3A = arith.constant 1.000000e+00 : f32
    %broadcast_in_dim3A_7 = vector.broadcast %broadcast_in_dim3A : f32 to vector<16xf32>
    %broadcast_in_dim3A_8 = arith.constant 0.000000e+00 : f32
    %broadcast_in_dim3A_9 = vector.broadcast %broadcast_in_dim3A_8 : f32 to vector<16xf32>
    %swap3A = arith.constant 0 : index
    %swap3A_10 = tpu.vector_load %arg6[%swap3A] {strides = array<i32>} : memref<3584xf32, #tpu.memory_space<vmem>>, vector<16xf32>,
    tpu.vector_store %arg6[%swap3A], %broadcast_in_dim3A_9 {strides = array<i32>} : memref<3584xf32, #tpu.memory_space<vmem>>, vector<16xf32>,
    %swap3A_11 = arith.constant 16 : index
    %swap3A_12 = tpu.vector_load %arg6[%swap3A_11] {strides = array<i32>} : memref<3584xf32, #tpu.memory_space<vmem>>, vector<16xf32>,
    tpu.vector_store %arg6[%swap3A_11], %broadcast_in_dim3A_9 {strides = array<i32>} : memref<3584xf32, #tpu.memory_space<vmem>>, vector<16xf32>,
    %swap3A_13 = arith.constant 32 : index
    %swap3A_14 = tpu.vector_load %arg6[%swap3A_13] {strides = array<i32>} : memref<3584xf32, #tpu.memory_space<vmem>>, vector<16xf32>,
    tpu.vector_store %arg6[%swap3A_13], %broadcast_in_dim3A_9 {strides = array<i32>} : memref<3584xf32, #tpu.memory_space<vmem>>, vector<16xf32>,
    %swap3A_15 = arith.constant 48 : index
    %swap3A_16 = tpu.vector_load %arg6[%swap3A_15] {strides = array<i32>} : memref<3584xf32, #tpu.memory_space<vmem>>, vector<16xf32>,
    tpu.vector_store %arg6[%swap3A_15], %broadcast_in_dim3A_9 {strides = array<i32>} : memref<3584xf32, #tpu.memory_space<vmem>>, vector<16xf32>,
    %swap3A_17 = arith.constant 64 : index
    %swap3A_18 = tpu.vector_load %arg6[%swap3A_17] {strides = array<i32>} : memref<3584xf32, #tpu.memory_space<vmem>>, vector<16xf32>,
    tpu.vector_store %arg6[%swap3A_17], %broadcast_in_dim3A_9 {strides = array<i32>} : memref<3584xf32, #tpu.memory_space<vmem>>, vector<16xf32>,
    %swap3A_19 = arith.constant 80 : index
    %swap3A_20 = tpu.vector_load %arg6[%swap3A_19] {strides = array<i32>} : memref<3584xf32, #tpu.memory_space<vmem>>, vector<16xf32>,
    tpu.vector_store %arg6[%swap3A_19], %broadcast_in_dim3A_9 {strides = array<i32>} : memref<3584xf32, #tpu.memory_space<vmem>>, vector<16xf32>,
    %swap3A_21 = arith.constant 96 : index
    %swap3A_22 = tpu.vector_load %arg6[%swap3A_21] {strides = array<i32>} : memref<3584xf32, #tpu.memory_space<vmem>>, vector<16xf32>,
    tpu.vector_store %arg6[%swap3A_21], %broadcast_in_dim3A_9 {strides = array<i32>} : memref<3584xf32, #tpu.memory_space<vmem>>, vector<16xf32>,
    %swap3A_23 = arith.constant 112 : index
    %swap3A_24 = tpu.vector_load %arg6[%swap3A_23] {strides = array<i32>} : memref<3584xf32, #tpu.memory_space<vmem>>, vector<16xf32>,
    tpu.vector_store %arg6[%swap3A_23], %broadcast_in_dim3A_9 {strides = array<i32>} : memref<3584xf32, #tpu.memory_space<vmem>>, vector<16xf32>,
    %swap3A_25 = arith.constant 128 : index
    %swap3A_26 = tpu.vector_load %arg6[%swap3A_25] {strides = array<i32>} : memref<3584xf32, #tpu.memory_space<vmem>>, vector<16xf32>,
    tpu.vector_store %arg6[%swap3A_25], %broadcast_in_dim3A_9 {strides = array<i32>} : memref<3584xf32, #tpu.memory_space<vmem>>, vector<16xf32>,
    %swap3A_27 = arith.constant 144 : index
    %swap3A_28 = tpu.vector_load %arg6[%swap3A_27] {strides = array<i32>} : memref<3584xf32, #tpu.memory_space<vmem>>, vector<16xf32>,
    tpu.vector_store %arg6[%swap3A_27], %broadcast_in_dim3A_9 {strides = array<i32>} : memref<3584xf32, #tpu.memory_space<vmem>>, vector<16xf32>,
    %swap3A_29 = arith.constant 160 : index
    %swap3A_30 = tpu.vector_load %arg6[%swap3A_29] {strides = array<i32>} : memref<3584xf32, #tpu.memory_space<vmem>>, vector<16xf32>,
    tpu.vector_store %arg6[%swap3A_29], %broadcast_in_dim3A_9 {strides = array<i32>} : memref<3584xf32, #tpu.memory_space<vmem>>, vector<16xf32>,
    %swap3A_31 = arith.constant 176 : index
    %swap3A_32 = tpu.vector_load %arg6[%swap3A_31] {strides = array<i32>} : memref<3584xf32, #tpu.memory_space<vmem>>, vector<16xf32>,
    tpu.vector_store %arg6[%swap3A_31], %broadcast_in_dim3A_9 {strides = array<i32>} : memref<3584xf32, #tpu.memory_space<vmem>>, vector<16xf32>,
    %swap3A_33 = arith.constant 192 : index
    %swap3A_34 = tpu.vector_load %arg6[%swap3A_33] {strides = array<i32>} : memref<3584xf32, #tpu.memory_space<vmem>>, vector<16xf32>,
    tpu.vector_store %arg6[%swap3A_33], %broadcast_in_dim3A_9 {strides = array<i32>} : memref<3584xf32, #tpu.memory_space<vmem>>, vector<16xf32>,
    %swap3A_35 = arith.constant 208 : index
    %swap3A_36 = tpu.vector_load %arg6[%swap3A_35] {strides = array<i32>} : memref<3584xf32, #tpu.memory_space<vmem>>, vector<16xf32>,
    tpu.vector_store %arg6[%swap3A_35], %broadcast_in_dim3A_9 {strides = array<i32>} : memref<3584xf32, #tpu.memory_space<vmem>>, vector<16xf32>,
    %swap3A_37 = arith.constant 224 : index
    %swap3A_38 = tpu.vector_load %arg6[%swap3A_37] {strides = array<i32>} : memref<3584xf32, #tpu.memory_space<vmem>>, vector<16xf32>,
    tpu.vector_store %arg6[%swap3A_37], %broadcast_in_dim3A_9 {strides = array<i32>} : memref<3584xf32, #tpu.memory_space<vmem>>, vector<16xf32>,
    %swap3A_39 = arith.constant 240 : index
    %swap3A_40 = tpu.vector_load %arg6[%swap3A_39] {strides = array<i32>} : memref<3584xf32, #tpu.memory_space<vmem>>, vector<16xf32>,
    tpu.vector_store %arg6[%swap3A_39], %broadcast_in_dim3A_9 {strides = array<i32>} : memref<3584xf32, #tpu.memory_space<vmem>>, vector<16xf32>,
    %swap3A_41 = arith.constant 256 : index
    %swap3A_42 = tpu.vector_load %arg6[%swap3A_41] {strides = array<i32>} : memref<3584xf32, #tpu.memory_space<vmem>>, vector<16xf32>,
    tpu.vector_store %arg6[%swap3A_41], %broadcast_in_dim3A_9 {strides = array<i32>} : memref<3584xf32, #tpu.memory_space<vmem>>, vector<16xf32>,
    %swap3A_43 = arith.constant 272 : index
    %swap3A_44 = tpu.vector_load %arg6[%swap3A_43] {strides = array<i32>} : memref<3584xf32, #tpu.memory_space<vmem>>, vector<16xf32>,
    tpu.vector_store %arg6[%swap3A_43], %broadcast_in_dim3A_9 {strides = array<i32>} : memref<3584xf32, #tpu.memory_space<vmem>>, vector<16xf32>,
    %swap3A_45 = arith.constant 288 : index
    %swap3A_46 = tpu.vector_load %arg6[%swap3A_45] {strides = array<i32>} : memref<3584xf32, #tpu.memory_space<vmem>>, vector<16xf32>,
    tpu.vector_store %arg6[%swap3A_45], %broadcast_in_dim3A_9 {strides = array<i32>} : memref<3584xf32, #tpu.memory_space<vmem>>, vector<16xf32>,
    %swap3A_47 = arith.constant 304 : index
    %swap3A_48 = tpu.vector_load %arg6[%swap3A_47] {strides = array<i32>} : memref<3584xf32, #tpu.memory_space<vmem>>, vector<16xf32>,
    tpu.vector_store %arg6[%swap3A_47], %broadcast_in_dim3A_9 {strides = array<i32>} : memref<3584xf32, #tpu.memory_space<vmem>>, vector<16xf32>,
    %swap3A_49 = arith.constant 320 : index
    %swap3A_50 = tpu.vector_load %arg6[%swap3A_49] {strides = array<i32>} : memref<3584xf32, #tpu.memory_space<vmem>>, vector<16xf32>,
    tpu.vector_store %arg6[%swap3A_49], %broadcast_in_dim3A_9 {strides = array<i32>} : memref<3584xf32, #tpu.memory_space<vmem>>, vector<16xf32>,
    %swap3A_51 = arith.constant 336 : index
    %swap3A_52 = tpu.vector_load %arg6[%swap3A_51] {strides = array<i32>} : memref<3584xf32, #tpu.memory_space<vmem>>, vector<16xf32>,
    tpu.vector_store %arg6[%swap3A_51], %broadcast_in_dim3A_9 {strides = array<i32>} : memref<3584xf32, #tpu.memory_space<vmem>>, vector<16xf32>,
    %swap3A_53 = arith.constant 352 : index
    %swap3A_54 = tpu.vector_load %arg6[%swap3A_53] {strides = array<i32>} : memref<3584xf32, #tpu.memory_space<vmem>>, vector<16xf32>,
    tpu.vector_store %arg6[%swap3A_53], %broadcast_in_dim3A_9 {strides = array<i32>} : memref<3584xf32, #tpu.memory_space<vmem>>, vector<16xf32>,
    %swap3A_55 = arith.constant 368 : index
    %swap3A_56 = tpu.vector_load %arg6[%swap3A_55] {strides = array<i32>} : memref<3584xf32, #tpu.memory_space<vmem>>, vector<16xf32>,
    tpu.vector_store %arg6[%swap3A_55], %broadcast_in_dim3A_9 {strides = array<i32>} : memref<3584xf32, #tpu.memory_space<vmem>>, vector<16xf32>,
    %swap3A_57 = arith.constant 384 : index
    %swap3A_58 = tpu.vector_load %arg6[%swap3A_57] {strides = array<i32>} : memref<3584xf32, #tpu.memory_space<vmem>>, vector<16xf32>,
    tpu.vector_store %arg6[%swap3A_57], %broadcast_in_dim3A_9 {strides = array<i32>} : memref<3584xf32, #tpu.memory_space<vmem>>, vector<16xf32>,
    %swap3A_59 = arith.constant 400 : index
    %swap3A_60 = tpu.vector_load %arg6[%swap3A_59] {strides = array<i32>} : memref<3584xf32, #tpu.memory_space<vmem>>, vector<16xf32>,
    tpu.vector_store %arg6[%swap3A_59], %broadcast_in_dim3A_9 {strides = array<i32>} : memref<3584xf32, #tpu.memory_space<vmem>>, vector<16xf32>,
    %swap3A_61 = arith.constant 416 : index
    %swap3A_62 = tpu.vector_load %arg6[%swap3A_61] {strides = array<i32>} : memref<3584xf32, #tpu.memory_space<vmem>>, vector<16xf32>,
    tpu.vector_store %arg6[%swap3A_61], %broadcast_in_dim3A_9 {strides = array<i32>} : memref<3584xf32, #tpu.memory_space<vmem>>, vector<16xf32>,
    %swap3A_63 = arith.constant 432 : index
    %swap3A_64 = tpu.vector_load %arg6[%swap3A_63] {strides = array<i32>} : memref<3584xf32, #tpu.memory_space<vmem>>, vector<16xf32>,
    tpu.vector_store %arg6[%swap3A_63], %broadcast_in_dim3A_9 {strides = array<i32>} : memref<3584xf32, #tpu.memory_space<vmem>>, vector<16xf32>,
    %swap3A_65 = arith.constant 448 : index
    %swap3A_66 = tpu.vector_load %arg6[%swap3A_65] {strides = array<i32>} : memref<3584xf32, #tpu.memory_space<vmem>>, vector<16xf32>,
    tpu.vector_store %arg6[%swap3A_65], %broadcast_in_dim3A_9 {strides = array<i32>} : memref<3584xf32, #tpu.memory_space<vmem>>, vector<16xf32>,
    %swap3A_67 = arith.constant 464 : index
    %swap3A_68 = tpu.vector_load %arg6[%swap3A_67] {strides = array<i32>} : memref<3584xf32, #tpu.memory_space<vmem>>, vector<16xf32>,
    tpu.vector_store %arg6[%swap3A_67], %broadcast_in_dim3A_9 {strides = array<i32>} : memref<3584xf32, #tpu.memory_space<vmem>>, vector<16xf32>,
    %swap3A_69 = arith.constant 480 : index
    %swap3A_70 = tpu.vector_load %arg6[%swap3A_69] {strides = array<i32>} : memref<3584xf32, #tpu.memory_space<vmem>>, vector<16xf32>,
    tpu.vector_store %arg6[%swap3A_69], %broadcast_in_dim3A_9 {strides = array<i32>} : memref<3584xf32, #tpu.memory_space<vmem>>, vector<16xf32>,
    %swap3A_71 = arith.constant 496 : index
    %swap3A_72 = tpu.vector_load %arg6[%swap3A_71] {strides = array<i32>} : memref<3584xf32, #tpu.memory_space<vmem>>, vector<16xf32>,
    tpu.vector_store %arg6[%swap3A_71], %broadcast_in_dim3A_9 {strides = array<i32>} : memref<3584xf32, #tpu.memory_space<vmem>>, vector<16xf32>,
    %swap3A_73 = arith.constant 512 : index
    %swap3A_74 = tpu.vector_load %arg6[%swap3A_73] {strides = array<i32>} : memref<3584xf32, #tpu.memory_space<vmem>>, vector<16xf32>,
    tpu.vector_store %arg6[%swap3A_73], %broadcast_in_dim3A_9 {strides = array<i32>} : memref<3584xf32, #tpu.memory_space<vmem>>, vector<16xf32>,
    %swap3A_75 = arith.constant 528 : index
    %swap3A_76 = tpu.vector_load %arg6[%swap3A_75] {strides = array<i32>} : memref<3584xf32, #tpu.memory_space<vmem>>, vector<16xf32>,
    tpu.vector_store %arg6[%swap3A_75], %broadcast_in_dim3A_9 {strides = array<i32>} : memref<3584xf32, #tpu.memory_space<vmem>>, vector<16xf32>,
    %swap3A_77 = arith.constant 544 : index
    %swap3A_78 = tpu.vector_load %arg6[%swap3A_77] {strides = array<i32>} : memref<3584xf32, #tpu.memory_space<vmem>>, vector<16xf32>,
    tpu.vector_store %arg6[%swap3A_77], %broadcast_in_dim3A_9 {strides = array<i32>} : memref<3584xf32, #tpu.memory_space<vmem>>, vector<16xf32>,
    %swap3A_79 = arith.constant 560 : index
    %swap3A_80 = tpu.vector_load %arg6[%swap3A_79] {strides = array<i32>} : memref<3584xf32, #tpu.memory_space<vmem>>, vector<16xf32>,
    tpu.vector_store %arg6[%swap3A_79], %broadcast_in_dim3A_9 {strides = array<i32>} : memref<3584xf32, #tpu.memory_space<vmem>>, vector<16xf32>,
    %swap3A_81 = arith.constant 576 : index
    %swap3A_82 = tpu.vector_load %arg6[%swap3A_81] {strides = array<i32>} : memref<3584xf32, #tpu.memory_space<vmem>>, vector<16xf32>,
    tpu.vector_store %arg6[%swap3A_81], %broadcast_in_dim3A_9 {strides = array<i32>} : memref<3584xf32, #tpu.memory_space<vmem>>, vector<16xf32>,
    %swap3A_83 = arith.constant 592 : index
    %swap3A_84 = tpu.vector_load %arg6[%swap3A_83] {strides = array<i32>} : memref<3584xf32, #tpu.memory_space<vmem>>, vector<16xf32>,
    tpu.vector_store %arg6[%swap3A_83], %broadcast_in_dim3A_9 {strides = array<i32>} : memref<3584xf32, #tpu.memory_space<vmem>>, vector<16xf32>,
    %swap3A_85 = arith.constant 608 : index
    %swap3A_86 = tpu.vector_load %arg6[%swap3A_85] {strides = array<i32>} : memref<3584xf32, #tpu.memory_space<vmem>>, vector<16xf32>,
    tpu.vector_store %arg6[%swap3A_85], %broadcast_in_dim3A_9 {strides = array<i32>} : memref<3584xf32, #tpu.memory_space<vmem>>, vector<16xf32>,
    %swap3A_87 = arith.constant 624 : index
    %swap3A_88 = tpu.vector_load %arg6[%swap3A_87] {strides = array<i32>} : memref<3584xf32, #tpu.memory_space<vmem>>, vector<16xf32>,
    tpu.vector_store %arg6[%swap3A_87], %broadcast_in_dim3A_9 {strides = array<i32>} : memref<3584xf32, #tpu.memory_space<vmem>>, vector<16xf32>,
    %swap3A_89 = arith.constant 640 : index
    %swap3A_90 = tpu.vector_load %arg6[%swap3A_89] {strides = array<i32>} : memref<3584xf32, #tpu.memory_space<vmem>>, vector<16xf32>,
    tpu.vector_store %arg6[%swap3A_89], %broadcast_in_dim3A_9 {strides = array<i32>} : memref<3584xf32, #tpu.memory_space<vmem>>, vector<16xf32>,
    %swap3A_91 = arith.constant 656 : index
    %swap3A_92 = tpu.vector_load %arg6[%swap3A_91] {strides = array<i32>} : memref<3584xf32, #tpu.memory_space<vmem>>, vector<16xf32>,
    tpu.vector_store %arg6[%swap3A_91], %broadcast_in_dim3A_9 {strides = array<i32>} : memref<3584xf32, #tpu.memory_space<vmem>>, vector<16xf32>,
    %swap3A_93 = arith.constant 672 : index
    %swap3A_94 = tpu.vector_load %arg6[%swap3A_93] {strides = array<i32>} : memref<3584xf32, #tpu.memory_space<vmem>>, vector<16xf32>,
    tpu.vector_store %arg6[%swap3A_93], %broadcast_in_dim3A_9 {strides = array<i32>} : memref<3584xf32, #tpu.memory_space<vmem>>, vector<16xf32>,
    %swap3A_95 = arith.constant 688 : index
    %swap3A_96 = tpu.vector_load %arg6[%swap3A_95] {strides = array<i32>} : memref<3584xf32, #tpu.memory_space<vmem>>, vector<16xf32>,
    tpu.vector_store %arg6[%swap3A_95], %broadcast_in_dim3A_9 {strides = array<i32>} : memref<3584xf32, #tpu.memory_space<vmem>>, vector<16xf32>,
    %swap3A_97 = arith.constant 704 : index
    %swap3A_98 = tpu.vector_load %arg6[%swap3A_97] {strides = array<i32>} : memref<3584xf32, #tpu.memory_space<vmem>>, vector<16xf32>,
    tpu.vector_store %arg6[%swap3A_97], %broadcast_in_dim3A_9 {strides = array<i32>} : memref<3584xf32, #tpu.memory_space<vmem>>, vector<16xf32>,
    %swap3A_99 = arith.constant 720 : index
    %swap3A_100 = tpu.vector_load %arg6[%swap3A_99] {strides = array<i32>} : memref<3584xf32, #tpu.memory_space<vmem>>, vector<16xf32>,
    tpu.vector_store %arg6[%swap3A_99], %broadcast_in_dim3A_9 {strides = array<i32>} : memref<3584xf32, #tpu.memory_space<vmem>>, vector<16xf32>,
    %swap3A_101 = arith.constant 736 : index
    %swap3A_102 = tpu.vector_load %arg6[%swap3A_101] {strides = array<i32>} : memref<3584xf32, #tpu.memory_space<vmem>>, vector<16xf32>,
    tpu.vector_store %arg6[%swap3A_101], %broadcast_in_dim3A_9 {strides = array<i32>} : memref<3584xf32, #tpu.memory_space<vmem>>, vector<16xf32>,
    %swap3A_103 = arith.constant 752 : index
    %swap3A_104 = tpu.vector_load %arg6[%swap3A_103] {strides = array<i32>} : memref<3584xf32, #tpu.memory_space<vmem>>, vector<16xf32>,
    tpu.vector_store %arg6[%swap3A_103], %broadcast_in_dim3A_9 {strides = array<i32>} : memref<3584xf32, #tpu.memory_space<vmem>>, vector<16xf32>,
    %swap3A_105 = arith.constant 768 : index
    %swap3A_106 = tpu.vector_load %arg6[%swap3A_105] {strides = array<i32>} : memref<3584xf32, #tpu.memory_space<vmem>>, vector<16xf32>,
    tpu.vector_store %arg6[%swap3A_105], %broadcast_in_dim3A_9 {strides = array<i32>} : memref<3584xf32, #tpu.memory_space<vmem>>, vector<16xf32>,
    %swap3A_107 = arith.constant 784 : index
    %swap3A_108 = tpu.vector_load %arg6[%swap3A_107] {strides = array<i32>} : memref<3584xf32, #tpu.memory_space<vmem>>, vector<16xf32>,
    tpu.vector_store %arg6[%swap3A_107], %broadcast_in_dim3A_9 {strides = array<i32>} : memref<3584xf32, #tpu.memory_space<vmem>>, vector<16xf32>,
    %swap3A_109 = arith.constant 800 : index
    %swap3A_110 = tpu.vector_load %arg6[%swap3A_109] {strides = array<i32>} : memref<3584xf32, #tpu.memory_space<vmem>>, vector<16xf32>,
    tpu.vector_store %arg6[%swap3A_109], %broadcast_in_dim3A_9 {strides = array<i32>} : memref<3584xf32, #tpu.memory_space<vmem>>, vector<16xf32>,
    %swap3A_111 = arith.constant 816 : index
    %swap3A_112 = tpu.vector_load %arg6[%swap3A_111] {strides = array<i32>} : memref<3584xf32, #tpu.memory_space<vmem>>, vector<16xf32>,
    tpu.vector_store %arg6[%swap3A_111], %broadcast_in_dim3A_9 {strides = array<i32>} : memref<3584xf32, #tpu.memory_space<vmem>>, vector<16xf32>,
    %swap3A_113 = arith.constant 832 : index
    %swap3A_114 = tpu.vector_load %arg6[%swap3A_113] {strides = array<i32>} : memref<3584xf32, #tpu.memory_space<vmem>>, vector<16xf32>,
    tpu.vector_store %arg6[%swap3A_113], %broadcast_in_dim3A_9 {strides = array<i32>} : memref<3584xf32, #tpu.memory_space<vmem>>, vector<16xf32>,
    %swap3A_115 = arith.constant 848 : index
    %swap3A_116 = tpu.vector_load %arg6[%swap3A_115] {strides = array<i32>} : memref<3584xf32, #tpu.memory_space<vmem>>, vector<16xf32>,
    tpu.vector_store %arg6[%swap3A_115], %broadcast_in_dim3A_9 {strides = array<i32>} : memref<3584xf32, #tpu.memory_space<vmem>>, vector<16xf32>,
    %swap3A_117 = arith.constant 864 : index
    %swap3A_118 = tpu.vector_load %arg6[%swap3A_117] {strides = array<i32>} : memref<3584xf32, #tpu.memory_space<vmem>>, vector<16xf32>,
    tpu.vector_store %arg6[%swap3A_117], %broadcast_in_dim3A_9 {strides = array<i32>} : memref<3584xf32, #tpu.memory_space<vmem>>, vector<16xf32>,
    %swap3A_119 = arith.constant 880 : index
    %swap3A_120 = tpu.vector_load %arg6[%swap3A_119] {strides = array<i32>} : memref<3584xf32, #tpu.memory_space<vmem>>, vector<16xf32>,
    tpu.vector_store %arg6[%swap3A_119], %broadcast_in_dim3A_9 {strides = array<i32>} : memref<3584xf32, #tpu.memory_space<vmem>>, vector<16xf32>,
    %swap3A_121 = arith.constant 896 : index
    %swap3A_122 = tpu.vector_load %arg6[%swap3A_121] {strides = array<i32>} : memref<3584xf32, #tpu.memory_space<vmem>>, vector<16xf32>,
    tpu.vector_store %arg6[%swap3A_121], %broadcast_in_dim3A_9 {strides = array<i32>} : memref<3584xf32, #tpu.memory_space<vmem>>, vector<16xf32>,
    %swap3A_123 = arith.constant 912 : index
    %swap3A_124 = tpu.vector_load %arg6[%swap3A_123] {strides = array<i32>} : memref<3584xf32, #tpu.memory_space<vmem>>, vector<16xf32>,
    tpu.vector_store %arg6[%swap3A_123], %broadcast_in_dim3A_9 {strides = array<i32>} : memref<3584xf32, #tpu.memory_space<vmem>>, vector<16xf32>,
    %swap3A_125 = arith.constant 928 : index
    %swap3A_126 = tpu.vector_load %arg6[%swap3A_125] {strides = array<i32>} : memref<3584xf32, #tpu.memory_space<vmem>>, vector<16xf32>,
    tpu.vector_store %arg6[%swap3A_125], %broadcast_in_dim3A_9 {strides = array<i32>} : memref<3584xf32, #tpu.memory_space<vmem>>, vector<16xf32>,
    %swap3A_127 = arith.constant 944 : index
    %swap3A_128 = tpu.vector_load %arg6[%swap3A_127] {strides = array<i32>} : memref<3584xf32, #tpu.memory_space<vmem>>, vector<16xf32>,
    tpu.vector_store %arg6[%swap3A_127], %broadcast_in_dim3A_9 {strides = array<i32>} : memref<3584xf32, #tpu.memory_space<vmem>>, vector<16xf32>,
    %swap3A_129 = arith.constant 960 : index
    %swap3A_130 = tpu.vector_load %arg6[%swap3A_129] {strides = array<i32>} : memref<3584xf32, #tpu.memory_space<vmem>>, vector<16xf32>,
    tpu.vector_store %arg6[%swap3A_129], %broadcast_in_dim3A_9 {strides = array<i32>} : memref<3584xf32, #tpu.memory_space<vmem>>, vector<16xf32>,
    %swap3A_131 = arith.constant 976 : index
    %swap3A_132 = tpu.vector_load %arg6[%swap3A_131] {strides = array<i32>} : memref<3584xf32, #tpu.memory_space<vmem>>, vector<16xf32>,
    tpu.vector_store %arg6[%swap3A_131], %broadcast_in_dim3A_9 {strides = array<i32>} : memref<3584xf32, #tpu.memory_space<vmem>>, vector<16xf32>,
    %swap3A_133 = arith.constant 992 : index
    %swap3A_134 = tpu.vector_load %arg6[%swap3A_133] {strides = array<i32>} : memref<3584xf32, #tpu.memory_space<vmem>>, vector<16xf32>,
    tpu.vector_store %arg6[%swap3A_133], %broadcast_in_dim3A_9 {strides = array<i32>} : memref<3584xf32, #tpu.memory_space<vmem>>, vector<16xf32>,
    %swap3A_135 = arith.constant 1008 : index
    %swap3A_136 = tpu.vector_load %arg6[%swap3A_135] {strides = array<i32>} : memref<3584xf32, #tpu.memory_space<vmem>>, vector<16xf32>,
    tpu.vector_store %arg6[%swap3A_135], %broadcast_in_dim3A_9 {strides = array<i32>} : memref<3584xf32, #tpu.memory_space<vmem>>, vector<16xf32>,
    %swap3A_137 = arith.constant 1024 : index
    %swap3A_138 = tpu.vector_load %arg6[%swap3A_137] {strides = array<i32>} : memref<3584xf32, #tpu.memory_space<vmem>>, vector<16xf32>,
    tpu.vector_store %arg6[%swap3A_137], %broadcast_in_dim3A_9 {strides = array<i32>} : memref<3584xf32, #tpu.memory_space<vmem>>, vector<16xf32>,
    %swap3A_139 = arith.constant 1040 : index
    %swap3A_140 = tpu.vector_load %arg6[%swap3A_139] {strides = array<i32>} : memref<3584xf32, #tpu.memory_space<vmem>>, vector<16xf32>,
    tpu.vector_store %arg6[%swap3A_139], %broadcast_in_dim3A_9 {strides = array<i32>} : memref<3584xf32, #tpu.memory_space<vmem>>, vector<16xf32>,
    %swap3A_141 = arith.constant 1056 : index
    %swap3A_142 = tpu.vector_load %arg6[%swap3A_141] {strides = array<i32>} : memref<3584xf32, #tpu.memory_space<vmem>>, vector<16xf32>,
    tpu.vector_store %arg6[%swap3A_141], %broadcast_in_dim3A_9 {strides = array<i32>} : memref<3584xf32, #tpu.memory_space<vmem>>, vector<16xf32>,
    %swap3A_143 = arith.constant 1072 : index
    %swap3A_144 = tpu.vector_load %arg6[%swap3A_143] {strides = array<i32>} : memref<3584xf32, #tpu.memory_space<vmem>>, vector<16xf32>,
    tpu.vector_store %arg6[%swap3A_143], %broadcast_in_dim3A_9 {strides = array<i32>} : memref<3584xf32, #tpu.memory_space<vmem>>, vector<16xf32>,
    %swap3A_145 = arith.constant 1088 : index
    %swap3A_146 = tpu.vector_load %arg6[%swap3A_145] {strides = array<i32>} : memref<3584xf32, #tpu.memory_space<vmem>>, vector<16xf32>,
    tpu.vector_store %arg6[%swap3A_145], %broadcast_in_dim3A_9 {strides = array<i32>} : memref<3584xf32, #tpu.memory_space<vmem>>, vector<16xf32>,
    %swap3A_147 = arith.constant 1104 : index
    %swap3A_148 = tpu.vector_load %arg6[%swap3A_147] {strides = array<i32>} : memref<3584xf32, #tpu.memory_space<vmem>>, vector<16xf32>,
    tpu.vector_store %arg6[%swap3A_147], %broadcast_in_dim3A_9 {strides = array<i32>} : memref<3584xf32, #tpu.memory_space<vmem>>, vector<16xf32>,
    %swap3A_149 = arith.constant 1120 : index
    %swap3A_150 = tpu.vector_load %arg6[%swap3A_149] {strides = array<i32>} : memref<3584xf32, #tpu.memory_space<vmem>>, vector<16xf32>,
    tpu.vector_store %arg6[%swap3A_149], %broadcast_in_dim3A_9 {strides = array<i32>} : memref<3584xf32, #tpu.memory_space<vmem>>, vector<16xf32>,
    %swap3A_151 = arith.constant 1136 : index
    %swap3A_152 = tpu.vector_load %arg6[%swap3A_151] {strides = array<i32>} : memref<3584xf32, #tpu.memory_space<vmem>>, vector<16xf32>,
    tpu.vector_store %arg6[%swap3A_151], %broadcast_in_dim3A_9 {strides = array<i32>} : memref<3584xf32, #tpu.memory_space<vmem>>, vector<16xf32>,
    %swap3A_153 = arith.constant 1152 : index
    %swap3A_154 = tpu.vector_load %arg6[%swap3A_153] {strides = array<i32>} : memref<3584xf32, #tpu.memory_space<vmem>>, vector<16xf32>,
    tpu.vector_store %arg6[%swap3A_153], %broadcast_in_dim3A_9 {strides = array<i32>} : memref<3584xf32, #tpu.memory_space<vmem>>, vector<16xf32>,
    %swap3A_155 = arith.constant 1168 : index
    %swap3A_156 = tpu.vector_load %arg6[%swap3A_155] {strides = array<i32>} : memref<3584xf32, #tpu.memory_space<vmem>>, vector<16xf32>,
    tpu.vector_store %arg6[%swap3A_155], %broadcast_in_dim3A_9 {strides = array<i32>} : memref<3584xf32, #tpu.memory_space<vmem>>, vector<16xf32>,
    %swap3A_157 = arith.constant 1184 : index
    %swap3A_158 = tpu.vector_load %arg6[%swap3A_157] {strides = array<i32>} : memref<3584xf32, #tpu.memory_space<vmem>>, vector<16xf32>,
    tpu.vector_store %arg6[%swap3A_157], %broadcast_in_dim3A_9 {strides = array<i32>} : memref<3584xf32, #tpu.memory_space<vmem>>, vector<16xf32>,
    %swap3A_159 = arith.constant 1200 : index
    %swap3A_160 = tpu.vector_load %arg6[%swap3A_159] {strides = array<i32>} : memref<3584xf32, #tpu.memory_space<vmem>>, vector<16xf32>,
    tpu.vector_store %arg6[%swap3A_159], %broadcast_in_dim3A_9 {strides = array<i32>} : memref<3584xf32, #tpu.memory_space<vmem>>, vector<16xf32>,
    %swap3A_161 = arith.constant 1216 : index
    %swap3A_162 = tpu.vector_load %arg6[%swap3A_161] {strides = array<i32>} : memref<3584xf32, #tpu.memory_space<vmem>>, vector<16xf32>,
    tpu.vector_store %arg6[%swap3A_161], %broadcast_in_dim3A_9 {strides = array<i32>} : memref<3584xf32, #tpu.memory_space<vmem>>, vector<16xf32>,
    %swap3A_163 = arith.constant 1232 : index
    %swap3A_164 = tpu.vector_load %arg6[%swap3A_163] {strides = array<i32>} : memref<3584xf32, #tpu.memory_space<vmem>>, vector<16xf32>,
    tpu.vector_store %arg6[%swap3A_163], %broadcast_in_dim3A_9 {strides = array<i32>} : memref<3584xf32, #tpu.memory_space<vmem>>, vector<16xf32>,
    %swap3A_165 = arith.constant 1248 : index
    %swap3A_166 = tpu.vector_load %arg6[%swap3A_165] {strides = array<i32>} : memref<3584xf32, #tpu.memory_space<vmem>>, vector<16xf32>,
    tpu.vector_store %arg6[%swap3A_165], %broadcast_in_dim3A_9 {strides = array<i32>} : memref<3584xf32, #tpu.memory_space<vmem>>, vector<16xf32>,
    %swap3A_167 = arith.constant 1264 : index
    %swap3A_168 = tpu.vector_load %arg6[%swap3A_167] {strides = array<i32>} : memref<3584xf32, #tpu.memory_space<vmem>>, vector<16xf32>,
    tpu.vector_store %arg6[%swap3A_167], %broadcast_in_dim3A_9 {strides = array<i32>} : memref<3584xf32, #tpu.memory_space<vmem>>, vector<16xf32>,
    %swap3A_169 = arith.constant 1280 : index
    %swap3A_170 = tpu.vector_load %arg6[%swap3A_169] {strides = array<i32>} : memref<3584xf32, #tpu.memory_space<vmem>>, vector<16xf32>,
    tpu.vector_store %arg6[%swap3A_169], %broadcast_in_dim3A_9 {strides = array<i32>} : memref<3584xf32, #tpu.memory_space<vmem>>, vector<16xf32>,
    %swap3A_171 = arith.constant 1296 : index
    %swap3A_172 = tpu.vector_load %arg6[%swap3A_171] {strides = array<i32>} : memref<3584xf32, #tpu.memory_space<vmem>>, vector<16xf32>,
    tpu.vector_store %arg6[%swap3A_171], %broadcast_in_dim3A_9 {strides = array<i32>} : memref<3584xf32, #tpu.memory_space<vmem>>, vector<16xf32>,
    %swap3A_173 = arith.constant 1312 : index
    %swap3A_174 = tpu.vector_load %arg6[%swap3A_173] {strides = array<i32>} : memref<3584xf32, #tpu.memory_space<vmem>>, vector<16xf32>,
    tpu.vector_store %arg6[%swap3A_173], %broadcast_in_dim3A_9 {strides = array<i32>} : memref<3584xf32, #tpu.memory_space<vmem>>, vector<16xf32>,
    %swap3A_175 = arith.constant 1328 : index
    %swap3A_176 = tpu.vector_load %arg6[%swap3A_175] {strides = array<i32>} : memref<3584xf32, #tpu.memory_space<vmem>>, vector<16xf32>,
    tpu.vector_store %arg6[%swap3A_175], %broadcast_in_dim3A_9 {strides = array<i32>} : memref<3584xf32, #tpu.memory_space<vmem>>, vector<16xf32>,
    %swap3A_177 = arith.constant 1344 : index
    %swap3A_178 = tpu.vector_load %arg6[%swap3A_177] {strides = array<i32>} : memref<3584xf32, #tpu.memory_space<vmem>>, vector<16xf32>,
    tpu.vector_store %arg6[%swap3A_177], %broadcast_in_dim3A_9 {strides = array<i32>} : memref<3584xf32, #tpu.memory_space<vmem>>, vector<16xf32>,
    %swap3A_179 = arith.constant 1360 : index
    %swap3A_180 = tpu.vector_load %arg6[%swap3A_179] {strides = array<i32>} : memref<3584xf32, #tpu.memory_space<vmem>>, vector<16xf32>,
    tpu.vector_store %arg6[%swap3A_179], %broadcast_in_dim3A_9 {strides = array<i32>} : memref<3584xf32, #tpu.memory_space<vmem>>, vector<16xf32>,
    %swap3A_181 = arith.constant 1376 : index
    %swap3A_182 = tpu.vector_load %arg6[%swap3A_181] {strides = array<i32>} : memref<3584xf32, #tpu.memory_space<vmem>>, vector<16xf32>,
    tpu.vector_store %arg6[%swap3A_181], %broadcast_in_dim3A_9 {strides = array<i32>} : memref<3584xf32, #tpu.memory_space<vmem>>, vector<16xf32>,
    %swap3A_183 = arith.constant 1392 : index
    %swap3A_184 = tpu.vector_load %arg6[%swap3A_183] {strides = array<i32>} : memref<3584xf32, #tpu.memory_space<vmem>>, vector<16xf32>,
    tpu.vector_store %arg6[%swap3A_183], %broadcast_in_dim3A_9 {strides = array<i32>} : memref<3584xf32, #tpu.memory_space<vmem>>, vector<16xf32>,
    %swap3A_185 = arith.constant 1408 : index
    %swap3A_186 = tpu.vector_load %arg6[%swap3A_185] {strides = array<i32>} : memref<3584xf32, #tpu.memory_space<vmem>>, vector<16xf32>,
    tpu.vector_store %arg6[%swap3A_185], %broadcast_in_dim3A_9 {strides = array<i32>} : memref<3584xf32, #tpu.memory_space<vmem>>, vector<16xf32>,
    %swap3A_187 = arith.constant 1424 : index
    %swap3A_188 = tpu.vector_load %arg6[%swap3A_187] {strides = array<i32>} : memref<3584xf32, #tpu.memory_space<vmem>>, vector<16xf32>,
    tpu.vector_store %arg6[%swap3A_187], %broadcast_in_dim3A_9 {strides = array<i32>} : memref<3584xf32, #tpu.memory_space<vmem>>, vector<16xf32>,
    %swap3A_189 = arith.constant 1440 : index
    %swap3A_190 = tpu.vector_load %arg6[%swap3A_189] {strides = array<i32>} : memref<3584xf32, #tpu.memory_space<vmem>>, vector<16xf32>,
    tpu.vector_store %arg6[%swap3A_189], %broadcast_in_dim3A_9 {strides = array<i32>} : memref<3584xf32, #tpu.memory_space<vmem>>, vector<16xf32>,
    %swap3A_191 = arith.constant 1456 : index
    %swap3A_192 = tpu.vector_load %arg6[%swap3A_191] {strides = array<i32>} : memref<3584xf32, #tpu.memory_space<vmem>>, vector<16xf32>,
    tpu.vector_store %arg6[%swap3A_191], %broadcast_in_dim3A_9 {strides = array<i32>} : memref<3584xf32, #tpu.memory_space<vmem>>, vector<16xf32>,
    %swap3A_193 = arith.constant 1472 : index
    %swap3A_194 = tpu.vector_load %arg6[%swap3A_193] {strides = array<i32>} : memref<3584xf32, #tpu.memory_space<vmem>>, vector<16xf32>,
    tpu.vector_store %arg6[%swap3A_193], %broadcast_in_dim3A_9 {strides = array<i32>} : memref<3584xf32, #tpu.memory_space<vmem>>, vector<16xf32>,
    %swap3A_195 = arith.constant 1488 : index
    %swap3A_196 = tpu.vector_load %arg6[%swap3A_195] {strides = array<i32>} : memref<3584xf32, #tpu.memory_space<vmem>>, vector<16xf32>,
    tpu.vector_store %arg6[%swap3A_195], %broadcast_in_dim3A_9 {strides = array<i32>} : memref<3584xf32, #tpu.memory_space<vmem>>, vector<16xf32>,
    %swap3A_197 = arith.constant 1504 : index
    %swap3A_198 = tpu.vector_load %arg6[%swap3A_197] {strides = array<i32>} : memref<3584xf32, #tpu.memory_space<vmem>>, vector<16xf32>,
    tpu.vector_store %arg6[%swap3A_197], %broadcast_in_dim3A_9 {strides = array<i32>} : memref<3584xf32, #tpu.memory_space<vmem>>, vector<16xf32>,
    %swap3A_199 = arith.constant 1520 : index
    %swap3A_200 = tpu.vector_load %arg6[%swap3A_199] {strides = array<i32>} : memref<3584xf32, #tpu.memory_space<vmem>>, vector<16xf32>,
    tpu.vector_store %arg6[%swap3A_199], %broadcast_in_dim3A_9 {strides = array<i32>} : memref<3584xf32, #tpu.memory_space<vmem>>, vector<16xf32>,
    %swap3A_201 = arith.constant 1536 : index
    %swap3A_202 = tpu.vector_load %arg6[%swap3A_201] {strides = array<i32>} : memref<3584xf32, #tpu.memory_space<vmem>>, vector<16xf32>,
    tpu.vector_store %arg6[%swap3A_201], %broadcast_in_dim3A_9 {strides = array<i32>} : memref<3584xf32, #tpu.memory_space<vmem>>, vector<16xf32>,
    %swap3A_203 = arith.constant 1552 : index
    %swap3A_204 = tpu.vector_load %arg6[%swap3A_203] {strides = array<i32>} : memref<3584xf32, #tpu.memory_space<vmem>>, vector<16xf32>,
    tpu.vector_store %arg6[%swap3A_203], %broadcast_in_dim3A_9 {strides = array<i32>} : memref<3584xf32, #tpu.memory_space<vmem>>, vector<16xf32>,
    %swap3A_205 = arith.constant 1568 : index
    %swap3A_206 = tpu.vector_load %arg6[%swap3A_205] {strides = array<i32>} : memref<3584xf32, #tpu.memory_space<vmem>>, vector<16xf32>,
    tpu.vector_store %arg6[%swap3A_205], %broadcast_in_dim3A_9 {strides = array<i32>} : memref<3584xf32, #tpu.memory_space<vmem>>, vector<16xf32>,
    %swap3A_207 = arith.constant 1584 : index
    %swap3A_208 = tpu.vector_load %arg6[%swap3A_207] {strides = array<i32>} : memref<3584xf32, #tpu.memory_space<vmem>>, vector<16xf32>,
    tpu.vector_store %arg6[%swap3A_207], %broadcast_in_dim3A_9 {strides = array<i32>} : memref<3584xf32, #tpu.memory_space<vmem>>, vector<16xf32>,
    %swap3A_209 = arith.constant 1600 : index
    %swap3A_210 = tpu.vector_load %arg6[%swap3A_209] {strides = array<i32>} : memref<3584xf32, #tpu.memory_space<vmem>>, vector<16xf32>,
    tpu.vector_store %arg6[%swap3A_209], %broadcast_in_dim3A_9 {strides = array<i32>} : memref<3584xf32, #tpu.memory_space<vmem>>, vector<16xf32>,
    %swap3A_211 = arith.constant 1616 : index
    %swap3A_212 = tpu.vector_load %arg6[%swap3A_211] {strides = array<i32>} : memref<3584xf32, #tpu.memory_space<vmem>>, vector<16xf32>,
    tpu.vector_store %arg6[%swap3A_211], %broadcast_in_dim3A_9 {strides = array<i32>} : memref<3584xf32, #tpu.memory_space<vmem>>, vector<16xf32>,
    %swap3A_213 = arith.constant 1632 : index
    %swap3A_214 = tpu.vector_load %arg6[%swap3A_213] {strides = array<i32>} : memref<3584xf32, #tpu.memory_space<vmem>>, vector<16xf32>,
    tpu.vector_store %arg6[%swap3A_213], %broadcast_in_dim3A_9 {strides = array<i32>} : memref<3584xf32, #tpu.memory_space<vmem>>, vector<16xf32>,
    %swap3A_215 = arith.constant 1648 : index
    %swap3A_216 = tpu.vector_load %arg6[%swap3A_215] {strides = array<i32>} : memref<3584xf32, #tpu.memory_space<vmem>>, vector<16xf32>,
    tpu.vector_store %arg6[%swap3A_215], %broadcast_in_dim3A_9 {strides = array<i32>} : memref<3584xf32, #tpu.memory_space<vmem>>, vector<16xf32>,
    %swap3A_217 = arith.constant 1664 : index
    %swap3A_218 = tpu.vector_load %arg6[%swap3A_217] {strides = array<i32>} : memref<3584xf32, #tpu.memory_space<vmem>>, vector<16xf32>,
    tpu.vector_store %arg6[%swap3A_217], %broadcast_in_dim3A_9 {strides = array<i32>} : memref<3584xf32, #tpu.memory_space<vmem>>, vector<16xf32>,
    %swap3A_219 = arith.constant 1680 : index
    %swap3A_220 = tpu.vector_load %arg6[%swap3A_219] {strides = array<i32>} : memref<3584xf32, #tpu.memory_space<vmem>>, vector<16xf32>,
    tpu.vector_store %arg6[%swap3A_219], %broadcast_in_dim3A_9 {strides = array<i32>} : memref<3584xf32, #tpu.memory_space<vmem>>, vector<16xf32>,
    %swap3A_221 = arith.constant 1696 : index
    %swap3A_222 = tpu.vector_load %arg6[%swap3A_221] {strides = array<i32>} : memref<3584xf32, #tpu.memory_space<vmem>>, vector<16xf32>,
    tpu.vector_store %arg6[%swap3A_221], %broadcast_in_dim3A_9 {strides = array<i32>} : memref<3584xf32, #tpu.memory_space<vmem>>, vector<16xf32>,
    %swap3A_223 = arith.constant 1712 : index
    %swap3A_224 = tpu.vector_load %arg6[%swap3A_223] {strides = array<i32>} : memref<3584xf32, #tpu.memory_space<vmem>>, vector<16xf32>,
    tpu.vector_store %arg6[%swap3A_223], %broadcast_in_dim3A_9 {strides = array<i32>} : memref<3584xf32, #tpu.memory_space<vmem>>, vector<16xf32>,
    %swap3A_225 = arith.constant 1728 : index
    %swap3A_226 = tpu.vector_load %arg6[%swap3A_225] {strides = array<i32>} : memref<3584xf32, #tpu.memory_space<vmem>>, vector<16xf32>,
    tpu.vector_store %arg6[%swap3A_225], %broadcast_in_dim3A_9 {strides = array<i32>} : memref<3584xf32, #tpu.memory_space<vmem>>, vector<16xf32>,
    %swap3A_227 = arith.constant 1744 : index
    %swap3A_228 = tpu.vector_load %arg6[%swap3A_227] {strides = array<i32>} : memref<3584xf32, #tpu.memory_space<vmem>>, vector<16xf32>,
    tpu.vector_store %arg6[%swap3A_227], %broadcast_in_dim3A_9 {strides = array<i32>} : memref<3584xf32, #tpu.memory_space<vmem>>, vector<16xf32>,
    %swap3A_229 = arith.constant 1760 : index
    %swap3A_230 = tpu.vector_load %arg6[%swap3A_229] {strides = array<i32>} : memref<3584xf32, #tpu.memory_space<vmem>>, vector<16xf32>,
    tpu.vector_store %arg6[%swap3A_229], %broadcast_in_dim3A_9 {strides = array<i32>} : memref<3584xf32, #tpu.memory_space<vmem>>, vector<16xf32>,
    %swap3A_231 = arith.constant 1776 : index
    %swap3A_232 = tpu.vector_load %arg6[%swap3A_231] {strides = array<i32>} : memref<3584xf32, #tpu.memory_space<vmem>>, vector<16xf32>,
    tpu.vector_store %arg6[%swap3A_231], %broadcast_in_dim3A_9 {strides = array<i32>} : memref<3584xf32, #tpu.memory_space<vmem>>, vector<16xf32>,
    %swap3A_233 = arith.constant 1792 : index
    %swap3A_234 = tpu.vector_load %arg6[%swap3A_233] {strides = array<i32>} : memref<3584xf32, #tpu.memory_space<vmem>>, vector<16xf32>,
    tpu.vector_store %arg6[%swap3A_233], %broadcast_in_dim3A_9 {strides = array<i32>} : memref<3584xf32, #tpu.memory_space<vmem>>, vector<16xf32>,
    %swap3A_235 = arith.constant 1808 : index
    %swap3A_236 = tpu.vector_load %arg6[%swap3A_235] {strides = array<i32>} : memref<3584xf32, #tpu.memory_space<vmem>>, vector<16xf32>,
    tpu.vector_store %arg6[%swap3A_235], %broadcast_in_dim3A_9 {strides = array<i32>} : memref<3584xf32, #tpu.memory_space<vmem>>, vector<16xf32>,
    %swap3A_237 = arith.constant 1824 : index
    %swap3A_238 = tpu.vector_load %arg6[%swap3A_237] {strides = array<i32>} : memref<3584xf32, #tpu.memory_space<vmem>>, vector<16xf32>,
    tpu.vector_store %arg6[%swap3A_237], %broadcast_in_dim3A_9 {strides = array<i32>} : memref<3584xf32, #tpu.memory_space<vmem>>, vector<16xf32>,
    %swap3A_239 = arith.constant 1840 : index
    %swap3A_240 = tpu.vector_load %arg6[%swap3A_239] {strides = array<i32>} : memref<3584xf32, #tpu.memory_space<vmem>>, vector<16xf32>,
    tpu.vector_store %arg6[%swap3A_239], %broadcast_in_dim3A_9 {strides = array<i32>} : memref<3584xf32, #tpu.memory_space<vmem>>, vector<16xf32>,
    %swap3A_241 = arith.constant 1856 : index
    %swap3A_242 = tpu.vector_load %arg6[%swap3A_241] {strides = array<i32>} : memref<3584xf32, #tpu.memory_space<vmem>>, vector<16xf32>,
    tpu.vector_store %arg6[%swap3A_241], %broadcast_in_dim3A_9 {strides = array<i32>} : memref<3584xf32, #tpu.memory_space<vmem>>, vector<16xf32>,
    %swap3A_243 = arith.constant 1872 : index
    %swap3A_244 = tpu.vector_load %arg6[%swap3A_243] {strides = array<i32>} : memref<3584xf32, #tpu.memory_space<vmem>>, vector<16xf32>,
    tpu.vector_store %arg6[%swap3A_243], %broadcast_in_dim3A_9 {strides = array<i32>} : memref<3584xf32, #tpu.memory_space<vmem>>, vector<16xf32>,
    %swap3A_245 = arith.constant 1888 : index
    %swap3A_246 = tpu.vector_load %arg6[%swap3A_245] {strides = array<i32>} : memref<3584xf32, #tpu.memory_space<vmem>>, vector<16xf32>,
    tpu.vector_store %arg6[%swap3A_245], %broadcast_in_dim3A_9 {strides = array<i32>} : memref<3584xf32, #tpu.memory_space<vmem>>, vector<16xf32>,
    %swap3A_247 = arith.constant 1904 : index
    %swap3A_248 = tpu.vector_load %arg6[%swap3A_247] {strides = array<i32>} : memref<3584xf32, #tpu.memory_space<vmem>>, vector<16xf32>,
    tpu.vector_store %arg6[%swap3A_247], %broadcast_in_dim3A_9 {strides = array<i32>} : memref<3584xf32, #tpu.memory_space<vmem>>, vector<16xf32>,
    %swap3A_249 = arith.constant 1920 : index
    %swap3A_250 = tpu.vector_load %arg6[%swap3A_249] {strides = array<i32>} : memref<3584xf32, #tpu.memory_space<vmem>>, vector<16xf32>,
    tpu.vector_store %arg6[%swap3A_249], %broadcast_in_dim3A_9 {strides = array<i32>} : memref<3584xf32, #tpu.memory_space<vmem>>, vector<16xf32>,
    %swap3A_251 = arith.constant 1936 : index
    %swap3A_252 = tpu.vector_load %arg6[%swap3A_251] {strides = array<i32>} : memref<3584xf32, #tpu.memory_space<vmem>>, vector<16xf32>,
    tpu.vector_store %arg6[%swap3A_251], %broadcast_in_dim3A_9 {strides = array<i32>} : memref<3584xf32, #tpu.memory_space<vmem>>, vector<16xf32>,
    %swap3A_253 = arith.constant 1952 : index
    %swap3A_254 = tpu.vector_load %arg6[%swap3A_253] {strides = array<i32>} : memref<3584xf32, #tpu.memory_space<vmem>>, vector<16xf32>,
    tpu.vector_store %arg6[%swap3A_253], %broadcast_in_dim3A_9 {strides = array<i32>} : memref<3584xf32, #tpu.memory_space<vmem>>, vector<16xf32>,
    %swap3A_255 = arith.constant 1968 : index
    %swap3A_256 = tpu.vector_load %arg6[%swap3A_255] {strides = array<i32>} : memref<3584xf32, #tpu.memory_space<vmem>>, vector<16xf32>,
    tpu.vector_store %arg6[%swap3A_255], %broadcast_in_dim3A_9 {strides = array<i32>} : memref<3584xf32, #tpu.memory_space<vmem>>, vector<16xf32>,
    %swap3A_257 = arith.constant 1984 : index
    %swap3A_258 = tpu.vector_load %arg6[%swap3A_257] {strides = array<i32>} : memref<3584xf32, #tpu.memory_space<vmem>>, vector<16xf32>,
    tpu.vector_store %arg6[%swap3A_257], %broadcast_in_dim3A_9 {strides = array<i32>} : memref<3584xf32, #tpu.memory_space<vmem>>, vector<16xf32>,
    %swap3A_259 = arith.constant 2000 : index
    %swap3A_260 = tpu.vector_load %arg6[%swap3A_259] {strides = array<i32>} : memref<3584xf32, #tpu.memory_space<vmem>>, vector<16xf32>,
    tpu.vector_store %arg6[%swap3A_259], %broadcast_in_dim3A_9 {strides = array<i32>} : memref<3584xf32, #tpu.memory_space<vmem>>, vector<16xf32>,
    %swap3A_261 = arith.constant 2016 : index
    %swap3A_262 = tpu.vector_load %arg6[%swap3A_261] {strides = array<i32>} : memref<3584xf32, #tpu.memory_space<vmem>>, vector<16xf32>,
    tpu.vector_store %arg6[%swap3A_261], %broadcast_in_dim3A_9 {strides = array<i32>} : memref<3584xf32, #tpu.memory_space<vmem>>, vector<16xf32>,
    %swap3A_263 = arith.constant 2032 : index
    %swap3A_264 = tpu.vector_load %arg6[%swap3A_263] {strides = array<i32>} : memref<3584xf32, #tpu.memory_space<vmem>>, vector<16xf32>,
    tpu.vector_store %arg6[%swap3A_263], %broadcast_in_dim3A_9 {strides = array<i32>} : memref<3584xf32, #tpu.memory_space<vmem>>, vector<16xf32>,
    %swap3A_265 = arith.constant 2048 : index
    %swap3A_266 = tpu.vector_load %arg6[%swap3A_265] {strides = array<i32>} : memref<3584xf32, #tpu.memory_space<vmem>>, vector<16xf32>,
    tpu.vector_store %arg6[%swap3A_265], %broadcast_in_dim3A_9 {strides = array<i32>} : memref<3584xf32, #tpu.memory_space<vmem>>, vector<16xf32>,
    %swap3A_267 = arith.constant 2064 : index
    %swap3A_268 = tpu.vector_load %arg6[%swap3A_267] {strides = array<i32>} : memref<3584xf32, #tpu.memory_space<vmem>>, vector<16xf32>,
    tpu.vector_store %arg6[%swap3A_267], %broadcast_in_dim3A_9 {strides = array<i32>} : memref<3584xf32, #tpu.memory_space<vmem>>, vector<16xf32>,
    %swap3A_269 = arith.constant 2080 : index
    %swap3A_270 = tpu.vector_load %arg6[%swap3A_269] {strides = array<i32>} : memref<3584xf32, #tpu.memory_space<vmem>>, vector<16xf32>,
    tpu.vector_store %arg6[%swap3A_269], %broadcast_in_dim3A_9 {strides = array<i32>} : memref<3584xf32, #tpu.memory_space<vmem>>, vector<16xf32>,
    %swap3A_271 = arith.constant 2096 : index
    %swap3A_272 = tpu.vector_load %arg6[%swap3A_271] {strides = array<i32>} : memref<3584xf32, #tpu.memory_space<vmem>>, vector<16xf32>,
    tpu.vector_store %arg6[%swap3A_271], %broadcast_in_dim3A_9 {strides = array<i32>} : memref<3584xf32, #tpu.memory_space<vmem>>, vector<16xf32>,
    %swap3A_273 = arith.constant 2112 : index
    %swap3A_274 = tpu.vector_load %arg6[%swap3A_273] {strides = array<i32>} : memref<3584xf32, #tpu.memory_space<vmem>>, vector<16xf32>,
    tpu.vector_store %arg6[%swap3A_273], %broadcast_in_dim3A_9 {strides = array<i32>} : memref<3584xf32, #tpu.memory_space<vmem>>, vector<16xf32>,
    %swap3A_275 = arith.constant 2128 : index
    %swap3A_276 = tpu.vector_load %arg6[%swap3A_275] {strides = array<i32>} : memref<3584xf32, #tpu.memory_space<vmem>>, vector<16xf32>,
    tpu.vector_store %arg6[%swap3A_275], %broadcast_in_dim3A_9 {strides = array<i32>} : memref<3584xf32, #tpu.memory_space<vmem>>, vector<16xf32>,
    %swap3A_277 = arith.constant 2144 : index
    %swap3A_278 = tpu.vector_load %arg6[%swap3A_277] {strides = array<i32>} : memref<3584xf32, #tpu.memory_space<vmem>>, vector<16xf32>,
    tpu.vector_store %arg6[%swap3A_277], %broadcast_in_dim3A_9 {strides = array<i32>} : memref<3584xf32, #tpu.memory_space<vmem>>, vector<16xf32>,
    %swap3A_279 = arith.constant 2160 : index
    %swap3A_280 = tpu.vector_load %arg6[%swap3A_279] {strides = array<i32>} : memref<3584xf32, #tpu.memory_space<vmem>>, vector<16xf32>,
    tpu.vector_store %arg6[%swap3A_279], %broadcast_in_dim3A_9 {strides = array<i32>} : memref<3584xf32, #tpu.memory_space<vmem>>, vector<16xf32>,
    %swap3A_281 = arith.constant 2176 : index
    %swap3A_282 = tpu.vector_load %arg6[%swap3A_281] {strides = array<i32>} : memref<3584xf32, #tpu.memory_space<vmem>>, vector<16xf32>,
    tpu.vector_store %arg6[%swap3A_281], %broadcast_in_dim3A_9 {strides = array<i32>} : memref<3584xf32, #tpu.memory_space<vmem>>, vector<16xf32>,
    %swap3A_283 = arith.constant 2192 : index
    %swap3A_284 = tpu.vector_load %arg6[%swap3A_283] {strides = array<i32>} : memref<3584xf32, #tpu.memory_space<vmem>>, vector<16xf32>,
    tpu.vector_store %arg6[%swap3A_283], %broadcast_in_dim3A_9 {strides = array<i32>} : memref<3584xf32, #tpu.memory_space<vmem>>, vector<16xf32>,
    %swap3A_285 = arith.constant 2208 : index
    %swap3A_286 = tpu.vector_load %arg6[%swap3A_285] {strides = array<i32>} : memref<3584xf32, #tpu.memory_space<vmem>>, vector<16xf32>,
    tpu.vector_store %arg6[%swap3A_285], %broadcast_in_dim3A_9 {strides = array<i32>} : memref<3584xf32, #tpu.memory_space<vmem>>, vector<16xf32>,
    %swap3A_287 = arith.constant 2224 : index
    %swap3A_288 = tpu.vector_load %arg6[%swap3A_287] {strides = array<i32>} : memref<3584xf32, #tpu.memory_space<vmem>>, vector<16xf32>,
    tpu.vector_store %arg6[%swap3A_287], %broadcast_in_dim3A_9 {strides = array<i32>} : memref<3584xf32, #tpu.memory_space<vmem>>, vector<16xf32>,
    %swap3A_289 = arith.constant 2240 : index
    %swap3A_290 = tpu.vector_load %arg6[%swap3A_289] {strides = array<i32>} : memref<3584xf32, #tpu.memory_space<vmem>>, vector<16xf32>,
    tpu.vector_store %arg6[%swap3A_289], %broadcast_in_dim3A_9 {strides = array<i32>} : memref<3584xf32, #tpu.memory_space<vmem>>, vector<16xf32>,
    %swap3A_291 = arith.constant 2256 : index
    %swap3A_292 = tpu.vector_load %arg6[%swap3A_291] {strides = array<i32>} : memref<3584xf32, #tpu.memory_space<vmem>>, vector<16xf32>,
    tpu.vector_store %arg6[%swap3A_291], %broadcast_in_dim3A_9 {strides = array<i32>} : memref<3584xf32, #tpu.memory_space<vmem>>, vector<16xf32>,
    %swap3A_293 = arith.constant 2272 : index
    %swap3A_294 = tpu.vector_load %arg6[%swap3A_293] {strides = array<i32>} : memref<3584xf32, #tpu.memory_space<vmem>>, vector<16xf32>,
    tpu.vector_store %arg6[%swap3A_293], %broadcast_in_dim3A_9 {strides = array<i32>} : memref<3584xf32, #tpu.memory_space<vmem>>, vector<16xf32>,
    %swap3A_295 = arith.constant 2288 : index
    %swap3A_296 = tpu.vector_load %arg6[%swap3A_295] {strides = array<i32>} : memref<3584xf32, #tpu.memory_space<vmem>>, vector<16xf32>,
    tpu.vector_store %arg6[%swap3A_295], %broadcast_in_dim3A_9 {strides = array<i32>} : memref<3584xf32, #tpu.memory_space<vmem>>, vector<16xf32>,
    %swap3A_297 = arith.constant 2304 : index
    %swap3A_298 = tpu.vector_load %arg6[%swap3A_297] {strides = array<i32>} : memref<3584xf32, #tpu.memory_space<vmem>>, vector<16xf32>,
    tpu.vector_store %arg6[%swap3A_297], %broadcast_in_dim3A_9 {strides = array<i32>} : memref<3584xf32, #tpu.memory_space<vmem>>, vector<16xf32>,
    %swap3A_299 = arith.constant 2320 : index
    %swap3A_300 = tpu.vector_load %arg6[%swap3A_299] {strides = array<i32>} : memref<3584xf32, #tpu.memory_space<vmem>>, vector<16xf32>,
    tpu.vector_store %arg6[%swap3A_299], %broadcast_in_dim3A_9 {strides = array<i32>} : memref<3584xf32, #tpu.memory_space<vmem>>, vector<16xf32>,
    %swap3A_301 = arith.constant 2336 : index
    %swap3A_302 = tpu.vector_load %arg6[%swap3A_301] {strides = array<i32>} : memref<3584xf32, #tpu.memory_space<vmem>>, vector<16xf32>,
    tpu.vector_store %arg6[%swap3A_301], %broadcast_in_dim3A_9 {strides = array<i32>} : memref<3584xf32, #tpu.memory_space<vmem>>, vector<16xf32>,
    %swap3A_303 = arith.constant 2352 : index
    %swap3A_304 = tpu.vector_load %arg6[%swap3A_303] {strides = array<i32>} : memref<3584xf32, #tpu.memory_space<vmem>>, vector<16xf32>,
    tpu.vector_store %arg6[%swap3A_303], %broadcast_in_dim3A_9 {strides = array<i32>} : memref<3584xf32, #tpu.memory_space<vmem>>, vector<16xf32>,
    %swap3A_305 = arith.constant 2368 : index
    %swap3A_306 = tpu.vector_load %arg6[%swap3A_305] {strides = array<i32>} : memref<3584xf32, #tpu.memory_space<vmem>>, vector<16xf32>,
    tpu.vector_store %arg6[%swap3A_305], %broadcast_in_dim3A_9 {strides = array<i32>} : memref<3584xf32, #tpu.memory_space<vmem>>, vector<16xf32>,
    %swap3A_307 = arith.constant 2384 : index
    %swap3A_308 = tpu.vector_load %arg6[%swap3A_307] {strides = array<i32>} : memref<3584xf32, #tpu.memory_space<vmem>>, vector<16xf32>,
    tpu.vector_store %arg6[%swap3A_307], %broadcast_in_dim3A_9 {strides = array<i32>} : memref<3584xf32, #tpu.memory_space<vmem>>, vector<16xf32>,
    %swap3A_309 = arith.constant 2400 : index
    %swap3A_310 = tpu.vector_load %arg6[%swap3A_309] {strides = array<i32>} : memref<3584xf32, #tpu.memory_space<vmem>>, vector<16xf32>,
    tpu.vector_store %arg6[%swap3A_309], %broadcast_in_dim3A_9 {strides = array<i32>} : memref<3584xf32, #tpu.memory_space<vmem>>, vector<16xf32>,
    %swap3A_311 = arith.constant 2416 : index
    %swap3A_312 = tpu.vector_load %arg6[%swap3A_311] {strides = array<i32>} : memref<3584xf32, #tpu.memory_space<vmem>>, vector<16xf32>,
    tpu.vector_store %arg6[%swap3A_311], %broadcast_in_dim3A_9 {strides = array<i32>} : memref<3584xf32, #tpu.memory_space<vmem>>, vector<16xf32>,
    %swap3A_313 = arith.constant 2432 : index
    %swap3A_314 = tpu.vector_load %arg6[%swap3A_313] {strides = array<i32>} : memref<3584xf32, #tpu.memory_space<vmem>>, vector<16xf32>,
    tpu.vector_store %arg6[%swap3A_313], %broadcast_in_dim3A_9 {strides = array<i32>} : memref<3584xf32, #tpu.memory_space<vmem>>, vector<16xf32>,
    %swap3A_315 = arith.constant 2448 : index
    %swap3A_316 = tpu.vector_load %arg6[%swap3A_315] {strides = array<i32>} : memref<3584xf32, #tpu.memory_space<vmem>>, vector<16xf32>,
    tpu.vector_store %arg6[%swap3A_315], %broadcast_in_dim3A_9 {strides = array<i32>} : memref<3584xf32, #tpu.memory_space<vmem>>, vector<16xf32>,
    %swap3A_317 = arith.constant 2464 : index
    %swap3A_318 = tpu.vector_load %arg6[%swap3A_317] {strides = array<i32>} : memref<3584xf32, #tpu.memory_space<vmem>>, vector<16xf32>,
    tpu.vector_store %arg6[%swap3A_317], %broadcast_in_dim3A_9 {strides = array<i32>} : memref<3584xf32, #tpu.memory_space<vmem>>, vector<16xf32>,
    %swap3A_319 = arith.constant 2480 : index
    %swap3A_320 = tpu.vector_load %arg6[%swap3A_319] {strides = array<i32>} : memref<3584xf32, #tpu.memory_space<vmem>>, vector<16xf32>,
    tpu.vector_store %arg6[%swap3A_319], %broadcast_in_dim3A_9 {strides = array<i32>} : memref<3584xf32, #tpu.memory_space<vmem>>, vector<16xf32>,
    %swap3A_321 = arith.constant 2496 : index
    %swap3A_322 = tpu.vector_load %arg6[%swap3A_321] {strides = array<i32>} : memref<3584xf32, #tpu.memory_space<vmem>>, vector<16xf32>,
    tpu.vector_store %arg6[%swap3A_321], %broadcast_in_dim3A_9 {strides = array<i32>} : memref<3584xf32, #tpu.memory_space<vmem>>, vector<16xf32>,
    %swap3A_323 = arith.constant 2512 : index
    %swap3A_324 = tpu.vector_load %arg6[%swap3A_323] {strides = array<i32>} : memref<3584xf32, #tpu.memory_space<vmem>>, vector<16xf32>,
    tpu.vector_store %arg6[%swap3A_323], %broadcast_in_dim3A_9 {strides = array<i32>} : memref<3584xf32, #tpu.memory_space<vmem>>, vector<16xf32>,
    %swap3A_325 = arith.constant 2528 : index
    %swap3A_326 = tpu.vector_load %arg6[%swap3A_325] {strides = array<i32>} : memref<3584xf32, #tpu.memory_space<vmem>>, vector<16xf32>,
    tpu.vector_store %arg6[%swap3A_325], %broadcast_in_dim3A_9 {strides = array<i32>} : memref<3584xf32, #tpu.memory_space<vmem>>, vector<16xf32>,
    %swap3A_327 = arith.constant 2544 : index
    %swap3A_328 = tpu.vector_load %arg6[%swap3A_327] {strides = array<i32>} : memref<3584xf32, #tpu.memory_space<vmem>>, vector<16xf32>,
    tpu.vector_store %arg6[%swap3A_327], %broadcast_in_dim3A_9 {strides = array<i32>} : memref<3584xf32, #tpu.memory_space<vmem>>, vector<16xf32>,
    %swap3A_329 = arith.constant 2560 : index
    %swap3A_330 = tpu.vector_load %arg6[%swap3A_329] {strides = array<i32>} : memref<3584xf32, #tpu.memory_space<vmem>>, vector<16xf32>,
    tpu.vector_store %arg6[%swap3A_329], %broadcast_in_dim3A_9 {strides = array<i32>} : memref<3584xf32, #tpu.memory_space<vmem>>, vector<16xf32>,
    %swap3A_331 = arith.constant 2576 : index
    %swap3A_332 = tpu.vector_load %arg6[%swap3A_331] {strides = array<i32>} : memref<3584xf32, #tpu.memory_space<vmem>>, vector<16xf32>,
    tpu.vector_store %arg6[%swap3A_331], %broadcast_in_dim3A_9 {strides = array<i32>} : memref<3584xf32, #tpu.memory_space<vmem>>, vector<16xf32>,
    %swap3A_333 = arith.constant 2592 : index
    %swap3A_334 = tpu.vector_load %arg6[%swap3A_333] {strides = array<i32>} : memref<3584xf32, #tpu.memory_space<vmem>>, vector<16xf32>,
    tpu.vector_store %arg6[%swap3A_333], %broadcast_in_dim3A_9 {strides = array<i32>} : memref<3584xf32, #tpu.memory_space<vmem>>, vector<16xf32>,
    %swap3A_335 = arith.constant 2608 : index
    %swap3A_336 = tpu.vector_load %arg6[%swap3A_335] {strides = array<i32>} : memref<3584xf32, #tpu.memory_space<vmem>>, vector<16xf32>,
    tpu.vector_store %arg6[%swap3A_335], %broadcast_in_dim3A_9 {strides = array<i32>} : memref<3584xf32, #tpu.memory_space<vmem>>, vector<16xf32>,
    %swap3A_337 = arith.constant 2624 : index
    %swap3A_338 = tpu.vector_load %arg6[%swap3A_337] {strides = array<i32>} : memref<3584xf32, #tpu.memory_space<vmem>>, vector<16xf32>,
    tpu.vector_store %arg6[%swap3A_337], %broadcast_in_dim3A_9 {strides = array<i32>} : memref<3584xf32, #tpu.memory_space<vmem>>, vector<16xf32>,
    %swap3A_339 = arith.constant 2640 : index
    %swap3A_340 = tpu.vector_load %arg6[%swap3A_339] {strides = array<i32>} : memref<3584xf32, #tpu.memory_space<vmem>>, vector<16xf32>,
    tpu.vector_store %arg6[%swap3A_339], %broadcast_in_dim3A_9 {strides = array<i32>} : memref<3584xf32, #tpu.memory_space<vmem>>, vector<16xf32>,
    %swap3A_341 = arith.constant 2656 : index
    %swap3A_342 = tpu.vector_load %arg6[%swap3A_341] {strides = array<i32>} : memref<3584xf32, #tpu.memory_space<vmem>>, vector<16xf32>,
    tpu.vector_store %arg6[%swap3A_341], %broadcast_in_dim3A_9 {strides = array<i32>} : memref<3584xf32, #tpu.memory_space<vmem>>, vector<16xf32>,
    %swap3A_343 = arith.constant 2672 : index
    %swap3A_344 = tpu.vector_load %arg6[%swap3A_343] {strides = array<i32>} : memref<3584xf32, #tpu.memory_space<vmem>>, vector<16xf32>,
    tpu.vector_store %arg6[%swap3A_343], %broadcast_in_dim3A_9 {strides = array<i32>} : memref<3584xf32, #tpu.memory_space<vmem>>, vector<16xf32>,
    %swap3A_345 = arith.constant 2688 : index
    %swap3A_346 = tpu.vector_load %arg6[%swap3A_345] {strides = array<i32>} : memref<3584xf32, #tpu.memory_space<vmem>>, vector<16xf32>,
    tpu.vector_store %arg6[%swap3A_345], %broadcast_in_dim3A_9 {strides = array<i32>} : memref<3584xf32, #tpu.memory_space<vmem>>, vector<16xf32>,
    %swap3A_347 = arith.constant 2704 : index
    %swap3A_348 = tpu.vector_load %arg6[%swap3A_347] {strides = array<i32>} : memref<3584xf32, #tpu.memory_space<vmem>>, vector<16xf32>,
    tpu.vector_store %arg6[%swap3A_347], %broadcast_in_dim3A_9 {strides = array<i32>} : memref<3584xf32, #tpu.memory_space<vmem>>, vector<16xf32>,
    %swap3A_349 = arith.constant 2720 : index
    %swap3A_350 = tpu.vector_load %arg6[%swap3A_349] {strides = array<i32>} : memref<3584xf32, #tpu.memory_space<vmem>>, vector<16xf32>,
    tpu.vector_store %arg6[%swap3A_349], %broadcast_in_dim3A_9 {strides = array<i32>} : memref<3584xf32, #tpu.memory_space<vmem>>, vector<16xf32>,
    %swap3A_351 = arith.constant 2736 : index
    %swap3A_352 = tpu.vector_load %arg6[%swap3A_351] {strides = array<i32>} : memref<3584xf32, #tpu.memory_space<vmem>>, vector<16xf32>,
    tpu.vector_store %arg6[%swap3A_351], %broadcast_in_dim3A_9 {strides = array<i32>} : memref<3584xf32, #tpu.memory_space<vmem>>, vector<16xf32>,
    %swap3A_353 = arith.constant 2752 : index
    %swap3A_354 = tpu.vector_load %arg6[%swap3A_353] {strides = array<i32>} : memref<3584xf32, #tpu.memory_space<vmem>>, vector<16xf32>,
    tpu.vector_store %arg6[%swap3A_353], %broadcast_in_dim3A_9 {strides = array<i32>} : memref<3584xf32, #tpu.memory_space<vmem>>, vector<16xf32>,
    %swap3A_355 = arith.constant 2768 : index
    %swap3A_356 = tpu.vector_load %arg6[%swap3A_355] {strides = array<i32>} : memref<3584xf32, #tpu.memory_space<vmem>>, vector<16xf32>,
    tpu.vector_store %arg6[%swap3A_355], %broadcast_in_dim3A_9 {strides = array<i32>} : memref<3584xf32, #tpu.memory_space<vmem>>, vector<16xf32>,
    %swap3A_357 = arith.constant 2784 : index
    %swap3A_358 = tpu.vector_load %arg6[%swap3A_357] {strides = array<i32>} : memref<3584xf32, #tpu.memory_space<vmem>>, vector<16xf32>,
    tpu.vector_store %arg6[%swap3A_357], %broadcast_in_dim3A_9 {strides = array<i32>} : memref<3584xf32, #tpu.memory_space<vmem>>, vector<16xf32>,
    %swap3A_359 = arith.constant 2800 : index
    %swap3A_360 = tpu.vector_load %arg6[%swap3A_359] {strides = array<i32>} : memref<3584xf32, #tpu.memory_space<vmem>>, vector<16xf32>,
    tpu.vector_store %arg6[%swap3A_359], %broadcast_in_dim3A_9 {strides = array<i32>} : memref<3584xf32, #tpu.memory_space<vmem>>, vector<16xf32>,
    %swap3A_361 = arith.constant 2816 : index
    %swap3A_362 = tpu.vector_load %arg6[%swap3A_361] {strides = array<i32>} : memref<3584xf32, #tpu.memory_space<vmem>>, vector<16xf32>,
    tpu.vector_store %arg6[%swap3A_361], %broadcast_in_dim3A_9 {strides = array<i32>} : memref<3584xf32, #tpu.memory_space<vmem>>, vector<16xf32>,
    %swap3A_363 = arith.constant 2832 : index
    %swap3A_364 = tpu.vector_load %arg6[%swap3A_363] {strides = array<i32>} : memref<3584xf32, #tpu.memory_space<vmem>>, vector<16xf32>,
    tpu.vector_store %arg6[%swap3A_363], %broadcast_in_dim3A_9 {strides = array<i32>} : memref<3584xf32, #tpu.memory_space<vmem>>, vector<16xf32>,
    %swap3A_365 = arith.constant 2848 : index
    %swap3A_366 = tpu.vector_load %arg6[%swap3A_365] {strides = array<i32>} : memref<3584xf32, #tpu.memory_space<vmem>>, vector<16xf32>,
    tpu.vector_store %arg6[%swap3A_365], %broadcast_in_dim3A_9 {strides = array<i32>} : memref<3584xf32, #tpu.memory_space<vmem>>, vector<16xf32>,
    %swap3A_367 = arith.constant 2864 : index
    %swap3A_368 = tpu.vector_load %arg6[%swap3A_367] {strides = array<i32>} : memref<3584xf32, #tpu.memory_space<vmem>>, vector<16xf32>,
    tpu.vector_store %arg6[%swap3A_367], %broadcast_in_dim3A_9 {strides = array<i32>} : memref<3584xf32, #tpu.memory_space<vmem>>, vector<16xf32>,
    %swap3A_369 = arith.constant 2880 : index
    %swap3A_370 = tpu.vector_load %arg6[%swap3A_369] {strides = array<i32>} : memref<3584xf32, #tpu.memory_space<vmem>>, vector<16xf32>,
    tpu.vector_store %arg6[%swap3A_369], %broadcast_in_dim3A_9 {strides = array<i32>} : memref<3584xf32, #tpu.memory_space<vmem>>, vector<16xf32>,
    %swap3A_371 = arith.constant 2896 : index
    %swap3A_372 = tpu.vector_load %arg6[%swap3A_371] {strides = array<i32>} : memref<3584xf32, #tpu.memory_space<vmem>>, vector<16xf32>,
    tpu.vector_store %arg6[%swap3A_371], %broadcast_in_dim3A_9 {strides = array<i32>} : memref<3584xf32, #tpu.memory_space<vmem>>, vector<16xf32>,
    %swap3A_373 = arith.constant 2912 : index
    %swap3A_374 = tpu.vector_load %arg6[%swap3A_373] {strides = array<i32>} : memref<3584xf32, #tpu.memory_space<vmem>>, vector<16xf32>,
    tpu.vector_store %arg6[%swap3A_373], %broadcast_in_dim3A_9 {strides = array<i32>} : memref<3584xf32, #tpu.memory_space<vmem>>, vector<16xf32>,
    %swap3A_375 = arith.constant 2928 : index
    %swap3A_376 = tpu.vector_load %arg6[%swap3A_375] {strides = array<i32>} : memref<3584xf32, #tpu.memory_space<vmem>>, vector<16xf32>,
    tpu.vector_store %arg6[%swap3A_375], %broadcast_in_dim3A_9 {strides = array<i32>} : memref<3584xf32, #tpu.memory_space<vmem>>, vector<16xf32>,
    %swap3A_377 = arith.constant 2944 : index
    %swap3A_378 = tpu.vector_load %arg6[%swap3A_377] {strides = array<i32>} : memref<3584xf32, #tpu.memory_space<vmem>>, vector<16xf32>,
    tpu.vector_store %arg6[%swap3A_377], %broadcast_in_dim3A_9 {strides = array<i32>} : memref<3584xf32, #tpu.memory_space<vmem>>, vector<16xf32>,
    %swap3A_379 = arith.constant 2960 : index
    %swap3A_380 = tpu.vector_load %arg6[%swap3A_379] {strides = array<i32>} : memref<3584xf32, #tpu.memory_space<vmem>>, vector<16xf32>,
    tpu.vector_store %arg6[%swap3A_379], %broadcast_in_dim3A_9 {strides = array<i32>} : memref<3584xf32, #tpu.memory_space<vmem>>, vector<16xf32>,
    %swap3A_381 = arith.constant 2976 : index
    %swap3A_382 = tpu.vector_load %arg6[%swap3A_381] {strides = array<i32>} : memref<3584xf32, #tpu.memory_space<vmem>>, vector<16xf32>,
    tpu.vector_store %arg6[%swap3A_381], %broadcast_in_dim3A_9 {strides = array<i32>} : memref<3584xf32, #tpu.memory_space<vmem>>, vector<16xf32>,
    %swap3A_383 = arith.constant 2992 : index
    %swap3A_384 = tpu.vector_load %arg6[%swap3A_383] {strides = array<i32>} : memref<3584xf32, #tpu.memory_space<vmem>>, vector<16xf32>,
    tpu.vector_store %arg6[%swap3A_383], %broadcast_in_dim3A_9 {strides = array<i32>} : memref<3584xf32, #tpu.memory_space<vmem>>, vector<16xf32>,
    %swap3A_385 = arith.constant 3008 : index
    %swap3A_386 = tpu.vector_load %arg6[%swap3A_385] {strides = array<i32>} : memref<3584xf32, #tpu.memory_space<vmem>>, vector<16xf32>,
    tpu.vector_store %arg6[%swap3A_385], %broadcast_in_dim3A_9 {strides = array<i32>} : memref<3584xf32, #tpu.memory_space<vmem>>, vector<16xf32>,
    %swap3A_387 = arith.constant 3024 : index
    %swap3A_388 = tpu.vector_load %arg6[%swap3A_387] {strides = array<i32>} : memref<3584xf32, #tpu.memory_space<vmem>>, vector<16xf32>,
    tpu.vector_store %arg6[%swap3A_387], %broadcast_in_dim3A_9 {strides = array<i32>} : memref<3584xf32, #tpu.memory_space<vmem>>, vector<16xf32>,
    %swap3A_389 = arith.constant 3040 : index
    %swap3A_390 = tpu.vector_load %arg6[%swap3A_389] {strides = array<i32>} : memref<3584xf32, #tpu.memory_space<vmem>>, vector<16xf32>,
    tpu.vector_store %arg6[%swap3A_389], %broadcast_in_dim3A_9 {strides = array<i32>} : memref<3584xf32, #tpu.memory_space<vmem>>, vector<16xf32>,
    %swap3A_391 = arith.constant 3056 : index
    %swap3A_392 = tpu.vector_load %arg6[%swap3A_391] {strides = array<i32>} : memref<3584xf32, #tpu.memory_space<vmem>>, vector<16xf32>,
    tpu.vector_store %arg6[%swap3A_391], %broadcast_in_dim3A_9 {strides = array<i32>} : memref<3584xf32, #tpu.memory_space<vmem>>, vector<16xf32>,
    %swap3A_393 = arith.constant 3072 : index
    %swap3A_394 = tpu.vector_load %arg6[%swap3A_393] {strides = array<i32>} : memref<3584xf32, #tpu.memory_space<vmem>>, vector<16xf32>,
    tpu.vector_store %arg6[%swap3A_393], %broadcast_in_dim3A_9 {strides = array<i32>} : memref<3584xf32, #tpu.memory_space<vmem>>, vector<16xf32>,
    %swap3A_395 = arith.constant 3088 : index
    %swap3A_396 = tpu.vector_load %arg6[%swap3A_395] {strides = array<i32>} : memref<3584xf32, #tpu.memory_space<vmem>>, vector<16xf32>,
    tpu.vector_store %arg6[%swap3A_395], %broadcast_in_dim3A_9 {strides = array<i32>} : memref<3584xf32, #tpu.memory_space<vmem>>, vector<16xf32>,
    %swap3A_397 = arith.constant 3104 : index
    %swap3A_398 = tpu.vector_load %arg6[%swap3A_397] {strides = array<i32>} : memref<3584xf32, #tpu.memory_space<vmem>>, vector<16xf32>,
    tpu.vector_store %arg6[%swap3A_397], %broadcast_in_dim3A_9 {strides = array<i32>} : memref<3584xf32, #tpu.memory_space<vmem>>, vector<16xf32>,
    %swap3A_399 = arith.constant 3120 : index
    %swap3A_400 = tpu.vector_load %arg6[%swap3A_399] {strides = array<i32>} : memref<3584xf32, #tpu.memory_space<vmem>>, vector<16xf32>,
    tpu.vector_store %arg6[%swap3A_399], %broadcast_in_dim3A_9 {strides = array<i32>} : memref<3584xf32, #tpu.memory_space<vmem>>, vector<16xf32>,
    %swap3A_401 = arith.constant 3136 : index
    %swap3A_402 = tpu.vector_load %arg6[%swap3A_401] {strides = array<i32>} : memref<3584xf32, #tpu.memory_space<vmem>>, vector<16xf32>,
    tpu.vector_store %arg6[%swap3A_401], %broadcast_in_dim3A_9 {strides = array<i32>} : memref<3584xf32, #tpu.memory_space<vmem>>, vector<16xf32>,
    %swap3A_403 = arith.constant 3152 : index
    %swap3A_404 = tpu.vector_load %arg6[%swap3A_403] {strides = array<i32>} : memref<3584xf32, #tpu.memory_space<vmem>>, vector<16xf32>,
    tpu.vector_store %arg6[%swap3A_403], %broadcast_in_dim3A_9 {strides = array<i32>} : memref<3584xf32, #tpu.memory_space<vmem>>, vector<16xf32>,
    %swap3A_405 = arith.constant 3168 : index
    %swap3A_406 = tpu.vector_load %arg6[%swap3A_405] {strides = array<i32>} : memref<3584xf32, #tpu.memory_space<vmem>>, vector<16xf32>,
    tpu.vector_store %arg6[%swap3A_405], %broadcast_in_dim3A_9 {strides = array<i32>} : memref<3584xf32, #tpu.memory_space<vmem>>, vector<16xf32>,
    %swap3A_407 = arith.constant 3184 : index
    %swap3A_408 = tpu.vector_load %arg6[%swap3A_407] {strides = array<i32>} : memref<3584xf32, #tpu.memory_space<vmem>>, vector<16xf32>,
    tpu.vector_store %arg6[%swap3A_407], %broadcast_in_dim3A_9 {strides = array<i32>} : memref<3584xf32, #tpu.memory_space<vmem>>, vector<16xf32>,
    %swap3A_409 = arith.constant 3200 : index
    %swap3A_410 = tpu.vector_load %arg6[%swap3A_409] {strides = array<i32>} : memref<3584xf32, #tpu.memory_space<vmem>>, vector<16xf32>,
    tpu.vector_store %arg6[%swap3A_409], %broadcast_in_dim3A_9 {strides = array<i32>} : memref<3584xf32, #tpu.memory_space<vmem>>, vector<16xf32>,
    %swap3A_411 = arith.constant 3216 : index
    %swap3A_412 = tpu.vector_load %arg6[%swap3A_411] {strides = array<i32>} : memref<3584xf32, #tpu.memory_space<vmem>>, vector<16xf32>,
    tpu.vector_store %arg6[%swap3A_411], %broadcast_in_dim3A_9 {strides = array<i32>} : memref<3584xf32, #tpu.memory_space<vmem>>, vector<16xf32>,
    %swap3A_413 = arith.constant 3232 : index
    %swap3A_414 = tpu.vector_load %arg6[%swap3A_413] {strides = array<i32>} : memref<3584xf32, #tpu.memory_space<vmem>>, vector<16xf32>,
    tpu.vector_store %arg6[%swap3A_413], %broadcast_in_dim3A_9 {strides = array<i32>} : memref<3584xf32, #tpu.memory_space<vmem>>, vector<16xf32>,
    %swap3A_415 = arith.constant 3248 : index
    %swap3A_416 = tpu.vector_load %arg6[%swap3A_415] {strides = array<i32>} : memref<3584xf32, #tpu.memory_space<vmem>>, vector<16xf32>,
    tpu.vector_store %arg6[%swap3A_415], %broadcast_in_dim3A_9 {strides = array<i32>} : memref<3584xf32, #tpu.memory_space<vmem>>, vector<16xf32>,
    %swap3A_417 = arith.constant 3264 : index
    %swap3A_418 = tpu.vector_load %arg6[%swap3A_417] {strides = array<i32>} : memref<3584xf32, #tpu.memory_space<vmem>>, vector<16xf32>,
    tpu.vector_store %arg6[%swap3A_417], %broadcast_in_dim3A_9 {strides = array<i32>} : memref<3584xf32, #tpu.memory_space<vmem>>, vector<16xf32>,
    %swap3A_419 = arith.constant 3280 : index
    %swap3A_420 = tpu.vector_load %arg6[%swap3A_419] {strides = array<i32>} : memref<3584xf32, #tpu.memory_space<vmem>>, vector<16xf32>,
    tpu.vector_store %arg6[%swap3A_419], %broadcast_in_dim3A_9 {strides = array<i32>} : memref<3584xf32, #tpu.memory_space<vmem>>, vector<16xf32>,
    %swap3A_421 = arith.constant 3296 : index
    %swap3A_422 = tpu.vector_load %arg6[%swap3A_421] {strides = array<i32>} : memref<3584xf32, #tpu.memory_space<vmem>>, vector<16xf32>,
    tpu.vector_store %arg6[%swap3A_421], %broadcast_in_dim3A_9 {strides = array<i32>} : memref<3584xf32, #tpu.memory_space<vmem>>, vector<16xf32>,
    %swap3A_423 = arith.constant 3312 : index
    %swap3A_424 = tpu.vector_load %arg6[%swap3A_423] {strides = array<i32>} : memref<3584xf32, #tpu.memory_space<vmem>>, vector<16xf32>,
    tpu.vector_store %arg6[%swap3A_423], %broadcast_in_dim3A_9 {strides = array<i32>} : memref<3584xf32, #tpu.memory_space<vmem>>, vector<16xf32>,
    %swap3A_425 = arith.constant 3328 : index
    %swap3A_426 = tpu.vector_load %arg6[%swap3A_425] {strides = array<i32>} : memref<3584xf32, #tpu.memory_space<vmem>>, vector<16xf32>,
    tpu.vector_store %arg6[%swap3A_425], %broadcast_in_dim3A_9 {strides = array<i32>} : memref<3584xf32, #tpu.memory_space<vmem>>, vector<16xf32>,
    %swap3A_427 = arith.constant 3344 : index
    %swap3A_428 = tpu.vector_load %arg6[%swap3A_427] {strides = array<i32>} : memref<3584xf32, #tpu.memory_space<vmem>>, vector<16xf32>,
    tpu.vector_store %arg6[%swap3A_427], %broadcast_in_dim3A_9 {strides = array<i32>} : memref<3584xf32, #tpu.memory_space<vmem>>, vector<16xf32>,
    %swap3A_429 = arith.constant 3360 : index
    %swap3A_430 = tpu.vector_load %arg6[%swap3A_429] {strides = array<i32>} : memref<3584xf32, #tpu.memory_space<vmem>>, vector<16xf32>,
    tpu.vector_store %arg6[%swap3A_429], %broadcast_in_dim3A_9 {strides = array<i32>} : memref<3584xf32, #tpu.memory_space<vmem>>, vector<16xf32>,
    %swap3A_431 = arith.constant 3376 : index
    %swap3A_432 = tpu.vector_load %arg6[%swap3A_431] {strides = array<i32>} : memref<3584xf32, #tpu.memory_space<vmem>>, vector<16xf32>,
    tpu.vector_store %arg6[%swap3A_431], %broadcast_in_dim3A_9 {strides = array<i32>} : memref<3584xf32, #tpu.memory_space<vmem>>, vector<16xf32>,
    %swap3A_433 = arith.constant 3392 : index
    %swap3A_434 = tpu.vector_load %arg6[%swap3A_433] {strides = array<i32>} : memref<3584xf32, #tpu.memory_space<vmem>>, vector<16xf32>,
    tpu.vector_store %arg6[%swap3A_433], %broadcast_in_dim3A_9 {strides = array<i32>} : memref<3584xf32, #tpu.memory_space<vmem>>, vector<16xf32>,
    %swap3A_435 = arith.constant 3408 : index
    %swap3A_436 = tpu.vector_load %arg6[%swap3A_435] {strides = array<i32>} : memref<3584xf32, #tpu.memory_space<vmem>>, vector<16xf32>,
    tpu.vector_store %arg6[%swap3A_435], %broadcast_in_dim3A_9 {strides = array<i32>} : memref<3584xf32, #tpu.memory_space<vmem>>, vector<16xf32>,
    %swap3A_437 = arith.constant 3424 : index
    %swap3A_438 = tpu.vector_load %arg6[%swap3A_437] {strides = array<i32>} : memref<3584xf32, #tpu.memory_space<vmem>>, vector<16xf32>,
    tpu.vector_store %arg6[%swap3A_437], %broadcast_in_dim3A_9 {strides = array<i32>} : memref<3584xf32, #tpu.memory_space<vmem>>, vector<16xf32>,
    %swap3A_439 = arith.constant 3440 : index
    %swap3A_440 = tpu.vector_load %arg6[%swap3A_439] {strides = array<i32>} : memref<3584xf32, #tpu.memory_space<vmem>>, vector<16xf32>,
    tpu.vector_store %arg6[%swap3A_439], %broadcast_in_dim3A_9 {strides = array<i32>} : memref<3584xf32, #tpu.memory_space<vmem>>, vector<16xf32>,
    %swap3A_441 = arith.constant 3456 : index
    %swap3A_442 = tpu.vector_load %arg6[%swap3A_441] {strides = array<i32>} : memref<3584xf32, #tpu.memory_space<vmem>>, vector<16xf32>,
    tpu.vector_store %arg6[%swap3A_441], %broadcast_in_dim3A_9 {strides = array<i32>} : memref<3584xf32, #tpu.memory_space<vmem>>, vector<16xf32>,
    %swap3A_443 = arith.constant 3472 : index
    %swap3A_444 = tpu.vector_load %arg6[%swap3A_443] {strides = array<i32>} : memref<3584xf32, #tpu.memory_space<vmem>>, vector<16xf32>,
    tpu.vector_store %arg6[%swap3A_443], %broadcast_in_dim3A_9 {strides = array<i32>} : memref<3584xf32, #tpu.memory_space<vmem>>, vector<16xf32>,
    %swap3A_445 = arith.constant 3488 : index
    %swap3A_446 = tpu.vector_load %arg6[%swap3A_445] {strides = array<i32>} : memref<3584xf32, #tpu.memory_space<vmem>>, vector<16xf32>,
    tpu.vector_store %arg6[%swap3A_445], %broadcast_in_dim3A_9 {strides = array<i32>} : memref<3584xf32, #tpu.memory_space<vmem>>, vector<16xf32>,
    %swap3A_447 = arith.constant 3504 : index
    %swap3A_448 = tpu.vector_load %arg6[%swap3A_447] {strides = array<i32>} : memref<3584xf32, #tpu.memory_space<vmem>>, vector<16xf32>,
    tpu.vector_store %arg6[%swap3A_447], %broadcast_in_dim3A_9 {strides = array<i32>} : memref<3584xf32, #tpu.memory_space<vmem>>, vector<16xf32>,
    %swap3A_449 = arith.constant 3520 : index
    %swap3A_450 = tpu.vector_load %arg6[%swap3A_449] {strides = array<i32>} : memref<3584xf32, #tpu.memory_space<vmem>>, vector<16xf32>,
    tpu.vector_store %arg6[%swap3A_449], %broadcast_in_dim3A_9 {strides = array<i32>} : memref<3584xf32, #tpu.memory_space<vmem>>, vector<16xf32>,
    %swap3A_451 = arith.constant 3536 : index
    %swap3A_452 = tpu.vector_load %arg6[%swap3A_451] {strides = array<i32>} : memref<3584xf32, #tpu.memory_space<vmem>>, vector<16xf32>,
    tpu.vector_store %arg6[%swap3A_451], %broadcast_in_dim3A_9 {strides = array<i32>} : memref<3584xf32, #tpu.memory_space<vmem>>, vector<16xf32>,
    %swap3A_453 = arith.constant 3552 : index
    %swap3A_454 = tpu.vector_load %arg6[%swap3A_453] {strides = array<i32>} : memref<3584xf32, #tpu.memory_space<vmem>>, vector<16xf32>,
    tpu.vector_store %arg6[%swap3A_453], %broadcast_in_dim3A_9 {strides = array<i32>} : memref<3584xf32, #tpu.memory_space<vmem>>, vector<16xf32>,
    %swap3A_455 = arith.constant 3568 : index
    %swap3A_456 = tpu.vector_load %arg6[%swap3A_455] {strides = array<i32>} : memref<3584xf32, #tpu.memory_space<vmem>>, vector<16xf32>,
    tpu.vector_store %arg6[%swap3A_455], %broadcast_in_dim3A_9 {strides = array<i32>} : memref<3584xf32, #tpu.memory_space<vmem>>, vector<16xf32>,
    %dma_start3A = arith.constant 0 : i32
    %dma_start3A_457 = tpu.memref_slice %arg2[%add3A, %dma_start3A] : memref<32x50048xi32, #tpu.memory_space<hbm>> -> memref<1x2944xi32, #tpu.memory_space<hbm>>
    %dma_start3A_458 = tpu.memref_squeeze %dma_start3A_457 : memref<1x2944xi32, #tpu.memory_space<hbm>> -> memref<2944xi32, #tpu.memory_space<hbm>>
    %dma_start3A_459 = arith.constant 0 : i32
    %dma_start3A_460 = tpu.memref_slice %arg2[%add3A, %dma_start3A_459] : memref<32x50048xi32, #tpu.memory_space<hbm>> -> memref<1x2944xi32, #tpu.memory_space<hbm>>
    %dma_start3A_461 = tpu.memref_squeeze %dma_start3A_460 : memref<1x2944xi32, #tpu.memory_space<hbm>> -> memref<2944xi32, #tpu.memory_space<hbm>>
    tpu.enqueue_dma source(%dma_start3A_461 : memref<2944xi32, #tpu.memory_space<hbm>>) target(%arg4 : memref<2944xi32, #tpu.memory_space<vmem>>) target_semaphore(%arg7 : memref<!tpu.dma_semaphore, #tpu.memory_space<semaphore_mem>>)
    %dma_start3A_462 = arith.constant 2944 : i32
    %dma_start3A_463 = tpu.memref_slice %arg2[%add3A, %dma_start3A_462] : memref<32x50048xi32, #tpu.memory_space<hbm>> -> memref<1x2944xi32, #tpu.memory_space<hbm>>
    %dma_start3A_464 = tpu.memref_squeeze %dma_start3A_463 : memref<1x2944xi32, #tpu.memory_space<hbm>> -> memref<2944xi32, #tpu.memory_space<hbm>>
    %dma_start3A_465 = arith.constant 2944 : i32
    %dma_start3A_466 = tpu.memref_slice %arg2[%add3A, %dma_start3A_465] : memref<32x50048xi32, #tpu.memory_space<hbm>> -> memref<1x2944xi32, #tpu.memory_space<hbm>>
    %dma_start3A_467 = tpu.memref_squeeze %dma_start3A_466 : memref<1x2944xi32, #tpu.memory_space<hbm>> -> memref<2944xi32, #tpu.memory_space<hbm>>
    tpu.enqueue_dma source(%dma_start3A_467 : memref<2944xi32, #tpu.memory_space<hbm>>) target(%arg5 : memref<2944xi32, #tpu.memory_space<vmem>>) target_semaphore(%arg8 : memref<!tpu.dma_semaphore, #tpu.memory_space<semaphore_mem>>)
    %dma_wait3A = arith.constant 0 : i32
    %dma_wait3A_468 = tpu.memref_slice %arg2[%add3A, %dma_wait3A] : memref<32x50048xi32, #tpu.memory_space<hbm>> -> memref<1x2944xi32, #tpu.memory_space<hbm>>
    %dma_wait3A_469 = tpu.memref_squeeze %dma_wait3A_468 : memref<1x2944xi32, #tpu.memory_space<hbm>> -> memref<2944xi32, #tpu.memory_space<hbm>>
    %dma_wait3A_470 = arith.constant 0 : i32
    %dma_wait3A_471 = tpu.memref_slice %arg2[%add3A, %dma_wait3A_470] : memref<32x50048xi32, #tpu.memory_space<hbm>> -> memref<1x2944xi32, #tpu.memory_space<hbm>>
    %dma_wait3A_472 = tpu.memref_squeeze %dma_wait3A_471 : memref<1x2944xi32, #tpu.memory_space<hbm>> -> memref<2944xi32, #tpu.memory_space<hbm>>
    tpu.wait_dma2 semaphore(%arg7 : memref<!tpu.dma_semaphore, #tpu.memory_space<semaphore_mem>>) src(%dma_wait3A_472 : memref<2944xi32, #tpu.memory_space<hbm>>) dst(%arg4 : memref<2944xi32, #tpu.memory_space<vmem>>)
    %scan3A = arith.constant 0 : i32
    %scan3A_473 = arith.constant 0 : i32
    %scan3A_474 = arith.constant 46 : i32
    %scan3A_475 = arith.addi %scan3A_473, %scan3A_474 : i32
    %scan3A_476 = arith.constant 1 : i32
    scf.for %scan3A_760 = %scan3A_473 to %scan3A_475 step %scan3A_476  : i32 {
      %mul3A_761 = arith.constant 64 : i32
      %mul3A_762 = arith.muli %scan3A_760, %mul3A_761 : i32
      %add3A_763 = arith.constant 0 : i32
      %add3A_764 = arith.addi %mul3A_762, %add3A_763 : i32
      %get3A = arith.index_cast %add3A_764 : i32 to index
      %get3A_765 = tpu.vector_load %arg4[%get3A] {strides = array<i32>} : memref<2944xi32, #tpu.memory_space<vmem>>, vector<16xi32>,
      %and3A = arith.constant 65535 : i32
      %and3A_766 = vector.broadcast %and3A : i32 to vector<16xi32>
      %and3A_767 = arith.andi %get3A_765, %and3A_766 : vector<16xi32>
      %shift_right_logical3A = arith.constant 16 : i32
      %shift_right_logical3A_768 = vector.broadcast %shift_right_logical3A : i32 to vector<16xi32>
      %shift_right_logical3A_769 = arith.shrui %get3A_765, %shift_right_logical3A_768 : vector<16xi32>
      %add3A_770 = arith.addi %mul3A_3, %and3A_767 : vector<16xi32>
      tpu.vector_store_idx %arg6[%add3A_770], %broadcast_in_dim3A_7 {add = true} : memref<3584xf32, #tpu.memory_space<vmem>>[vector<16xi32>], vector<16xf32>,
      %add3A_771 = arith.addi %add3A_6, %shift_right_logical3A_769 : vector<16xi32>
      tpu.vector_store_idx %arg6[%add3A_771], %broadcast_in_dim3A_7 {add = true} : memref<3584xf32, #tpu.memory_space<vmem>>[vector<16xi32>], vector<16xf32>,
      %add3A_772 = arith.constant 16 : i32
      %add3A_773 = arith.addi %mul3A_762, %add3A_772 : i32
      %get3A_774 = arith.index_cast %add3A_773 : i32 to index
      %get3A_775 = tpu.vector_load %arg4[%get3A_774] {strides = array<i32>} : memref<2944xi32, #tpu.memory_space<vmem>>, vector<16xi32>,
      %and3A_776 = arith.constant 65535 : i32
      %and3A_777 = vector.broadcast %and3A_776 : i32 to vector<16xi32>
      %and3A_778 = arith.andi %get3A_775, %and3A_777 : vector<16xi32>
      %shift_right_logical3A_779 = arith.constant 16 : i32
      %shift_right_logical3A_780 = vector.broadcast %shift_right_logical3A_779 : i32 to vector<16xi32>
      %shift_right_logical3A_781 = arith.shrui %get3A_775, %shift_right_logical3A_780 : vector<16xi32>
      %add3A_782 = arith.addi %mul3A_3, %and3A_778 : vector<16xi32>
      tpu.vector_store_idx %arg6[%add3A_782], %broadcast_in_dim3A_7 {add = true} : memref<3584xf32, #tpu.memory_space<vmem>>[vector<16xi32>], vector<16xf32>,
      %add3A_783 = arith.addi %add3A_6, %shift_right_logical3A_781 : vector<16xi32>
      tpu.vector_store_idx %arg6[%add3A_783], %broadcast_in_dim3A_7 {add = true} : memref<3584xf32, #tpu.memory_space<vmem>>[vector<16xi32>], vector<16xf32>,
      %add3A_784 = arith.constant 32 : i32
      %add3A_785 = arith.addi %mul3A_762, %add3A_784 : i32
      %get3A_786 = arith.index_cast %add3A_785 : i32 to index
      %get3A_787 = tpu.vector_load %arg4[%get3A_786] {strides = array<i32>} : memref<2944xi32, #tpu.memory_space<vmem>>, vector<16xi32>,
      %and3A_788 = arith.constant 65535 : i32
      %and3A_789 = vector.broadcast %and3A_788 : i32 to vector<16xi32>
      %and3A_790 = arith.andi %get3A_787, %and3A_789 : vector<16xi32>
      %shift_right_logical3A_791 = arith.constant 16 : i32
      %shift_right_logical3A_792 = vector.broadcast %shift_right_logical3A_791 : i32 to vector<16xi32>
      %shift_right_logical3A_793 = arith.shrui %get3A_787, %shift_right_logical3A_792 : vector<16xi32>
      %add3A_794 = arith.addi %mul3A_3, %and3A_790 : vector<16xi32>
      tpu.vector_store_idx %arg6[%add3A_794], %broadcast_in_dim3A_7 {add = true} : memref<3584xf32, #tpu.memory_space<vmem>>[vector<16xi32>], vector<16xf32>,
      %add3A_795 = arith.addi %add3A_6, %shift_right_logical3A_793 : vector<16xi32>
      tpu.vector_store_idx %arg6[%add3A_795], %broadcast_in_dim3A_7 {add = true} : memref<3584xf32, #tpu.memory_space<vmem>>[vector<16xi32>], vector<16xf32>,
      %add3A_796 = arith.constant 48 : i32
      %add3A_797 = arith.addi %mul3A_762, %add3A_796 : i32
      %get3A_798 = arith.index_cast %add3A_797 : i32 to index
      %get3A_799 = tpu.vector_load %arg4[%get3A_798] {strides = array<i32>} : memref<2944xi32, #tpu.memory_space<vmem>>, vector<16xi32>,
      %and3A_800 = arith.constant 65535 : i32
      %and3A_801 = vector.broadcast %and3A_800 : i32 to vector<16xi32>
      %and3A_802 = arith.andi %get3A_799, %and3A_801 : vector<16xi32>
      %shift_right_logical3A_803 = arith.constant 16 : i32
      %shift_right_logical3A_804 = vector.broadcast %shift_right_logical3A_803 : i32 to vector<16xi32>
      %shift_right_logical3A_805 = arith.shrui %get3A_799, %shift_right_logical3A_804 : vector<16xi32>
      %add3A_806 = arith.addi %mul3A_3, %and3A_802 : vector<16xi32>
      tpu.vector_store_idx %arg6[%add3A_806], %broadcast_in_dim3A_7 {add = true} : memref<3584xf32, #tpu.memory_space<vmem>>[vector<16xi32>], vector<16xf32>,
      %add3A_807 = arith.addi %add3A_6, %shift_right_logical3A_805 : vector<16xi32>
      tpu.vector_store_idx %arg6[%add3A_807], %broadcast_in_dim3A_7 {add = true} : memref<3584xf32, #tpu.memory_space<vmem>>[vector<16xi32>], vector<16xf32>,
    }
    %scan3A_477 = arith.constant 46 : i32
    %dma_start3A_478 = arith.constant 5888 : i32
    %dma_start3A_479 = tpu.memref_slice %arg2[%add3A, %dma_start3A_478] : memref<32x50048xi32, #tpu.memory_space<hbm>> -> memref<1x2944xi32, #tpu.memory_space<hbm>>
    %dma_start3A_480 = tpu.memref_squeeze %dma_start3A_479 : memref<1x2944xi32, #tpu.memory_space<hbm>> -> memref<2944xi32, #tpu.memory_space<hbm>>
    %dma_start3A_481 = arith.constant 5888 : i32
    %dma_start3A_482 = tpu.memref_slice %arg2[%add3A, %dma_start3A_481] : memref<32x50048xi32, #tpu.memory_space<hbm>> -> memref<1x2944xi32, #tpu.memory_space<hbm>>
    %dma_start3A_483 = tpu.memref_squeeze %dma_start3A_482 : memref<1x2944xi32, #tpu.memory_space<hbm>> -> memref<2944xi32, #tpu.memory_space<hbm>>
    tpu.enqueue_dma source(%dma_start3A_483 : memref<2944xi32, #tpu.memory_space<hbm>>) target(%arg4 : memref<2944xi32, #tpu.memory_space<vmem>>) target_semaphore(%arg7 : memref<!tpu.dma_semaphore, #tpu.memory_space<semaphore_mem>>)
    %dma_wait3A_484 = arith.constant 2944 : i32
    %dma_wait3A_485 = tpu.memref_slice %arg2[%add3A, %dma_wait3A_484] : memref<32x50048xi32, #tpu.memory_space<hbm>> -> memref<1x2944xi32, #tpu.memory_space<hbm>>
    %dma_wait3A_486 = tpu.memref_squeeze %dma_wait3A_485 : memref<1x2944xi32, #tpu.memory_space<hbm>> -> memref<2944xi32, #tpu.memory_space<hbm>>
    %dma_wait3A_487 = arith.constant 2944 : i32
    %dma_wait3A_488 = tpu.memref_slice %arg2[%add3A, %dma_wait3A_487] : memref<32x50048xi32, #tpu.memory_space<hbm>> -> memref<1x2944xi32, #tpu.memory_space<hbm>>
    %dma_wait3A_489 = tpu.memref_squeeze %dma_wait3A_488 : memref<1x2944xi32, #tpu.memory_space<hbm>> -> memref<2944xi32, #tpu.memory_space<hbm>>
    tpu.wait_dma2 semaphore(%arg8 : memref<!tpu.dma_semaphore, #tpu.memory_space<semaphore_mem>>) src(%dma_wait3A_489 : memref<2944xi32, #tpu.memory_space<hbm>>) dst(%arg5 : memref<2944xi32, #tpu.memory_space<vmem>>)
    %scan3A_490 = arith.constant 0 : i32
    %scan3A_491 = arith.constant 0 : i32
    %scan3A_492 = arith.constant 46 : i32
    %scan3A_493 = arith.addi %scan3A_491, %scan3A_492 : i32
    %scan3A_494 = arith.constant 1 : i32
    scf.for %scan3A_760 = %scan3A_491 to %scan3A_493 step %scan3A_494  : i32 {
      %mul3A_761 = arith.constant 64 : i32
      %mul3A_762 = arith.muli %scan3A_760, %mul3A_761 : i32
      %add3A_763 = arith.constant 0 : i32
      %add3A_764 = arith.addi %mul3A_762, %add3A_763 : i32
      %get3A = arith.index_cast %add3A_764 : i32 to index
      %get3A_765 = tpu.vector_load %arg5[%get3A] {strides = array<i32>} : memref<2944xi32, #tpu.memory_space<vmem>>, vector<16xi32>,
      %and3A = arith.constant 65535 : i32
      %and3A_766 = vector.broadcast %and3A : i32 to vector<16xi32>
      %and3A_767 = arith.andi %get3A_765, %and3A_766 : vector<16xi32>
      %shift_right_logical3A = arith.constant 16 : i32
      %shift_right_logical3A_768 = vector.broadcast %shift_right_logical3A : i32 to vector<16xi32>
      %shift_right_logical3A_769 = arith.shrui %get3A_765, %shift_right_logical3A_768 : vector<16xi32>
      %add3A_770 = arith.addi %mul3A_3, %and3A_767 : vector<16xi32>
      tpu.vector_store_idx %arg6[%add3A_770], %broadcast_in_dim3A_7 {add = true} : memref<3584xf32, #tpu.memory_space<vmem>>[vector<16xi32>], vector<16xf32>,
      %add3A_771 = arith.addi %add3A_6, %shift_right_logical3A_769 : vector<16xi32>
      tpu.vector_store_idx %arg6[%add3A_771], %broadcast_in_dim3A_7 {add = true} : memref<3584xf32, #tpu.memory_space<vmem>>[vector<16xi32>], vector<16xf32>,
      %add3A_772 = arith.constant 16 : i32
      %add3A_773 = arith.addi %mul3A_762, %add3A_772 : i32
      %get3A_774 = arith.index_cast %add3A_773 : i32 to index
      %get3A_775 = tpu.vector_load %arg5[%get3A_774] {strides = array<i32>} : memref<2944xi32, #tpu.memory_space<vmem>>, vector<16xi32>,
      %and3A_776 = arith.constant 65535 : i32
      %and3A_777 = vector.broadcast %and3A_776 : i32 to vector<16xi32>
      %and3A_778 = arith.andi %get3A_775, %and3A_777 : vector<16xi32>
      %shift_right_logical3A_779 = arith.constant 16 : i32
      %shift_right_logical3A_780 = vector.broadcast %shift_right_logical3A_779 : i32 to vector<16xi32>
      %shift_right_logical3A_781 = arith.shrui %get3A_775, %shift_right_logical3A_780 : vector<16xi32>
      %add3A_782 = arith.addi %mul3A_3, %and3A_778 : vector<16xi32>
      tpu.vector_store_idx %arg6[%add3A_782], %broadcast_in_dim3A_7 {add = true} : memref<3584xf32, #tpu.memory_space<vmem>>[vector<16xi32>], vector<16xf32>,
      %add3A_783 = arith.addi %add3A_6, %shift_right_logical3A_781 : vector<16xi32>
      tpu.vector_store_idx %arg6[%add3A_783], %broadcast_in_dim3A_7 {add = true} : memref<3584xf32, #tpu.memory_space<vmem>>[vector<16xi32>], vector<16xf32>,
      %add3A_784 = arith.constant 32 : i32
      %add3A_785 = arith.addi %mul3A_762, %add3A_784 : i32
      %get3A_786 = arith.index_cast %add3A_785 : i32 to index
      %get3A_787 = tpu.vector_load %arg5[%get3A_786] {strides = array<i32>} : memref<2944xi32, #tpu.memory_space<vmem>>, vector<16xi32>,
      %and3A_788 = arith.constant 65535 : i32
      %and3A_789 = vector.broadcast %and3A_788 : i32 to vector<16xi32>
      %and3A_790 = arith.andi %get3A_787, %and3A_789 : vector<16xi32>
      %shift_right_logical3A_791 = arith.constant 16 : i32
      %shift_right_logical3A_792 = vector.broadcast %shift_right_logical3A_791 : i32 to vector<16xi32>
      %shift_right_logical3A_793 = arith.shrui %get3A_787, %shift_right_logical3A_792 : vector<16xi32>
      %add3A_794 = arith.addi %mul3A_3, %and3A_790 : vector<16xi32>
      tpu.vector_store_idx %arg6[%add3A_794], %broadcast_in_dim3A_7 {add = true} : memref<3584xf32, #tpu.memory_space<vmem>>[vector<16xi32>], vector<16xf32>,
      %add3A_795 = arith.addi %add3A_6, %shift_right_logical3A_793 : vector<16xi32>
      tpu.vector_store_idx %arg6[%add3A_795], %broadcast_in_dim3A_7 {add = true} : memref<3584xf32, #tpu.memory_space<vmem>>[vector<16xi32>], vector<16xf32>,
      %add3A_796 = arith.constant 48 : i32
      %add3A_797 = arith.addi %mul3A_762, %add3A_796 : i32
      %get3A_798 = arith.index_cast %add3A_797 : i32 to index
      %get3A_799 = tpu.vector_load %arg5[%get3A_798] {strides = array<i32>} : memref<2944xi32, #tpu.memory_space<vmem>>, vector<16xi32>,
      %and3A_800 = arith.constant 65535 : i32
      %and3A_801 = vector.broadcast %and3A_800 : i32 to vector<16xi32>
      %and3A_802 = arith.andi %get3A_799, %and3A_801 : vector<16xi32>
      %shift_right_logical3A_803 = arith.constant 16 : i32
      %shift_right_logical3A_804 = vector.broadcast %shift_right_logical3A_803 : i32 to vector<16xi32>
      %shift_right_logical3A_805 = arith.shrui %get3A_799, %shift_right_logical3A_804 : vector<16xi32>
      %add3A_806 = arith.addi %mul3A_3, %and3A_802 : vector<16xi32>
      tpu.vector_store_idx %arg6[%add3A_806], %broadcast_in_dim3A_7 {add = true} : memref<3584xf32, #tpu.memory_space<vmem>>[vector<16xi32>], vector<16xf32>,
      %add3A_807 = arith.addi %add3A_6, %shift_right_logical3A_805 : vector<16xi32>
      tpu.vector_store_idx %arg6[%add3A_807], %broadcast_in_dim3A_7 {add = true} : memref<3584xf32, #tpu.memory_space<vmem>>[vector<16xi32>], vector<16xf32>,
    }
    %scan3A_495 = arith.constant 46 : i32
    %dma_start3A_496 = arith.constant 8832 : i32
    %dma_start3A_497 = tpu.memref_slice %arg2[%add3A, %dma_start3A_496] : memref<32x50048xi32, #tpu.memory_space<hbm>> -> memref<1x2944xi32, #tpu.memory_space<hbm>>
    %dma_start3A_498 = tpu.memref_squeeze %dma_start3A_497 : memref<1x2944xi32, #tpu.memory_space<hbm>> -> memref<2944xi32, #tpu.memory_space<hbm>>
    %dma_start3A_499 = arith.constant 8832 : i32
    %dma_start3A_500 = tpu.memref_slice %arg2[%add3A, %dma_start3A_499] : memref<32x50048xi32, #tpu.memory_space<hbm>> -> memref<1x2944xi32, #tpu.memory_space<hbm>>
    %dma_start3A_501 = tpu.memref_squeeze %dma_start3A_500 : memref<1x2944xi32, #tpu.memory_space<hbm>> -> memref<2944xi32, #tpu.memory_space<hbm>>
    tpu.enqueue_dma source(%dma_start3A_501 : memref<2944xi32, #tpu.memory_space<hbm>>) target(%arg5 : memref<2944xi32, #tpu.memory_space<vmem>>) target_semaphore(%arg8 : memref<!tpu.dma_semaphore, #tpu.memory_space<semaphore_mem>>)
    %dma_wait3A_502 = arith.constant 5888 : i32
    %dma_wait3A_503 = tpu.memref_slice %arg2[%add3A, %dma_wait3A_502] : memref<32x50048xi32, #tpu.memory_space<hbm>> -> memref<1x2944xi32, #tpu.memory_space<hbm>>
    %dma_wait3A_504 = tpu.memref_squeeze %dma_wait3A_503 : memref<1x2944xi32, #tpu.memory_space<hbm>> -> memref<2944xi32, #tpu.memory_space<hbm>>
    %dma_wait3A_505 = arith.constant 5888 : i32
    %dma_wait3A_506 = tpu.memref_slice %arg2[%add3A, %dma_wait3A_505] : memref<32x50048xi32, #tpu.memory_space<hbm>> -> memref<1x2944xi32, #tpu.memory_space<hbm>>
    %dma_wait3A_507 = tpu.memref_squeeze %dma_wait3A_506 : memref<1x2944xi32, #tpu.memory_space<hbm>> -> memref<2944xi32, #tpu.memory_space<hbm>>
    tpu.wait_dma2 semaphore(%arg7 : memref<!tpu.dma_semaphore, #tpu.memory_space<semaphore_mem>>) src(%dma_wait3A_507 : memref<2944xi32, #tpu.memory_space<hbm>>) dst(%arg4 : memref<2944xi32, #tpu.memory_space<vmem>>)
    %scan3A_508 = arith.constant 0 : i32
    %scan3A_509 = arith.constant 0 : i32
    %scan3A_510 = arith.constant 46 : i32
    %scan3A_511 = arith.addi %scan3A_509, %scan3A_510 : i32
    %scan3A_512 = arith.constant 1 : i32
    scf.for %scan3A_760 = %scan3A_509 to %scan3A_511 step %scan3A_512  : i32 {
      %mul3A_761 = arith.constant 64 : i32
      %mul3A_762 = arith.muli %scan3A_760, %mul3A_761 : i32
      %add3A_763 = arith.constant 0 : i32
      %add3A_764 = arith.addi %mul3A_762, %add3A_763 : i32
      %get3A = arith.index_cast %add3A_764 : i32 to index
      %get3A_765 = tpu.vector_load %arg4[%get3A] {strides = array<i32>} : memref<2944xi32, #tpu.memory_space<vmem>>, vector<16xi32>,
      %and3A = arith.constant 65535 : i32
      %and3A_766 = vector.broadcast %and3A : i32 to vector<16xi32>
      %and3A_767 = arith.andi %get3A_765, %and3A_766 : vector<16xi32>
      %shift_right_logical3A = arith.constant 16 : i32
      %shift_right_logical3A_768 = vector.broadcast %shift_right_logical3A : i32 to vector<16xi32>
      %shift_right_logical3A_769 = arith.shrui %get3A_765, %shift_right_logical3A_768 : vector<16xi32>
      %add3A_770 = arith.addi %mul3A_3, %and3A_767 : vector<16xi32>
      tpu.vector_store_idx %arg6[%add3A_770], %broadcast_in_dim3A_7 {add = true} : memref<3584xf32, #tpu.memory_space<vmem>>[vector<16xi32>], vector<16xf32>,
      %add3A_771 = arith.addi %add3A_6, %shift_right_logical3A_769 : vector<16xi32>
      tpu.vector_store_idx %arg6[%add3A_771], %broadcast_in_dim3A_7 {add = true} : memref<3584xf32, #tpu.memory_space<vmem>>[vector<16xi32>], vector<16xf32>,
      %add3A_772 = arith.constant 16 : i32
      %add3A_773 = arith.addi %mul3A_762, %add3A_772 : i32
      %get3A_774 = arith.index_cast %add3A_773 : i32 to index
      %get3A_775 = tpu.vector_load %arg4[%get3A_774] {strides = array<i32>} : memref<2944xi32, #tpu.memory_space<vmem>>, vector<16xi32>,
      %and3A_776 = arith.constant 65535 : i32
      %and3A_777 = vector.broadcast %and3A_776 : i32 to vector<16xi32>
      %and3A_778 = arith.andi %get3A_775, %and3A_777 : vector<16xi32>
      %shift_right_logical3A_779 = arith.constant 16 : i32
      %shift_right_logical3A_780 = vector.broadcast %shift_right_logical3A_779 : i32 to vector<16xi32>
      %shift_right_logical3A_781 = arith.shrui %get3A_775, %shift_right_logical3A_780 : vector<16xi32>
      %add3A_782 = arith.addi %mul3A_3, %and3A_778 : vector<16xi32>
      tpu.vector_store_idx %arg6[%add3A_782], %broadcast_in_dim3A_7 {add = true} : memref<3584xf32, #tpu.memory_space<vmem>>[vector<16xi32>], vector<16xf32>,
      %add3A_783 = arith.addi %add3A_6, %shift_right_logical3A_781 : vector<16xi32>
      tpu.vector_store_idx %arg6[%add3A_783], %broadcast_in_dim3A_7 {add = true} : memref<3584xf32, #tpu.memory_space<vmem>>[vector<16xi32>], vector<16xf32>,
      %add3A_784 = arith.constant 32 : i32
      %add3A_785 = arith.addi %mul3A_762, %add3A_784 : i32
      %get3A_786 = arith.index_cast %add3A_785 : i32 to index
      %get3A_787 = tpu.vector_load %arg4[%get3A_786] {strides = array<i32>} : memref<2944xi32, #tpu.memory_space<vmem>>, vector<16xi32>,
      %and3A_788 = arith.constant 65535 : i32
      %and3A_789 = vector.broadcast %and3A_788 : i32 to vector<16xi32>
      %and3A_790 = arith.andi %get3A_787, %and3A_789 : vector<16xi32>
      %shift_right_logical3A_791 = arith.constant 16 : i32
      %shift_right_logical3A_792 = vector.broadcast %shift_right_logical3A_791 : i32 to vector<16xi32>
      %shift_right_logical3A_793 = arith.shrui %get3A_787, %shift_right_logical3A_792 : vector<16xi32>
      %add3A_794 = arith.addi %mul3A_3, %and3A_790 : vector<16xi32>
      tpu.vector_store_idx %arg6[%add3A_794], %broadcast_in_dim3A_7 {add = true} : memref<3584xf32, #tpu.memory_space<vmem>>[vector<16xi32>], vector<16xf32>,
      %add3A_795 = arith.addi %add3A_6, %shift_right_logical3A_793 : vector<16xi32>
      tpu.vector_store_idx %arg6[%add3A_795], %broadcast_in_dim3A_7 {add = true} : memref<3584xf32, #tpu.memory_space<vmem>>[vector<16xi32>], vector<16xf32>,
      %add3A_796 = arith.constant 48 : i32
      %add3A_797 = arith.addi %mul3A_762, %add3A_796 : i32
      %get3A_798 = arith.index_cast %add3A_797 : i32 to index
      %get3A_799 = tpu.vector_load %arg4[%get3A_798] {strides = array<i32>} : memref<2944xi32, #tpu.memory_space<vmem>>, vector<16xi32>,
      %and3A_800 = arith.constant 65535 : i32
      %and3A_801 = vector.broadcast %and3A_800 : i32 to vector<16xi32>
      %and3A_802 = arith.andi %get3A_799, %and3A_801 : vector<16xi32>
      %shift_right_logical3A_803 = arith.constant 16 : i32
      %shift_right_logical3A_804 = vector.broadcast %shift_right_logical3A_803 : i32 to vector<16xi32>
      %shift_right_logical3A_805 = arith.shrui %get3A_799, %shift_right_logical3A_804 : vector<16xi32>
      %add3A_806 = arith.addi %mul3A_3, %and3A_802 : vector<16xi32>
      tpu.vector_store_idx %arg6[%add3A_806], %broadcast_in_dim3A_7 {add = true} : memref<3584xf32, #tpu.memory_space<vmem>>[vector<16xi32>], vector<16xf32>,
      %add3A_807 = arith.addi %add3A_6, %shift_right_logical3A_805 : vector<16xi32>
      tpu.vector_store_idx %arg6[%add3A_807], %broadcast_in_dim3A_7 {add = true} : memref<3584xf32, #tpu.memory_space<vmem>>[vector<16xi32>], vector<16xf32>,
    }
    %scan3A_513 = arith.constant 46 : i32
    %dma_start3A_514 = arith.constant 11776 : i32
    %dma_start3A_515 = tpu.memref_slice %arg2[%add3A, %dma_start3A_514] : memref<32x50048xi32, #tpu.memory_space<hbm>> -> memref<1x2944xi32, #tpu.memory_space<hbm>>
    %dma_start3A_516 = tpu.memref_squeeze %dma_start3A_515 : memref<1x2944xi32, #tpu.memory_space<hbm>> -> memref<2944xi32, #tpu.memory_space<hbm>>
    %dma_start3A_517 = arith.constant 11776 : i32
    %dma_start3A_518 = tpu.memref_slice %arg2[%add3A, %dma_start3A_517] : memref<32x50048xi32, #tpu.memory_space<hbm>> -> memref<1x2944xi32, #tpu.memory_space<hbm>>
    %dma_start3A_519 = tpu.memref_squeeze %dma_start3A_518 : memref<1x2944xi32, #tpu.memory_space<hbm>> -> memref<2944xi32, #tpu.memory_space<hbm>>
    tpu.enqueue_dma source(%dma_start3A_519 : memref<2944xi32, #tpu.memory_space<hbm>>) target(%arg4 : memref<2944xi32, #tpu.memory_space<vmem>>) target_semaphore(%arg7 : memref<!tpu.dma_semaphore, #tpu.memory_space<semaphore_mem>>)
    %dma_wait3A_520 = arith.constant 8832 : i32
    %dma_wait3A_521 = tpu.memref_slice %arg2[%add3A, %dma_wait3A_520] : memref<32x50048xi32, #tpu.memory_space<hbm>> -> memref<1x2944xi32, #tpu.memory_space<hbm>>
    %dma_wait3A_522 = tpu.memref_squeeze %dma_wait3A_521 : memref<1x2944xi32, #tpu.memory_space<hbm>> -> memref<2944xi32, #tpu.memory_space<hbm>>
    %dma_wait3A_523 = arith.constant 8832 : i32
    %dma_wait3A_524 = tpu.memref_slice %arg2[%add3A, %dma_wait3A_523] : memref<32x50048xi32, #tpu.memory_space<hbm>> -> memref<1x2944xi32, #tpu.memory_space<hbm>>
    %dma_wait3A_525 = tpu.memref_squeeze %dma_wait3A_524 : memref<1x2944xi32, #tpu.memory_space<hbm>> -> memref<2944xi32, #tpu.memory_space<hbm>>
    tpu.wait_dma2 semaphore(%arg8 : memref<!tpu.dma_semaphore, #tpu.memory_space<semaphore_mem>>) src(%dma_wait3A_525 : memref<2944xi32, #tpu.memory_space<hbm>>) dst(%arg5 : memref<2944xi32, #tpu.memory_space<vmem>>)
    %scan3A_526 = arith.constant 0 : i32
    %scan3A_527 = arith.constant 0 : i32
    %scan3A_528 = arith.constant 46 : i32
    %scan3A_529 = arith.addi %scan3A_527, %scan3A_528 : i32
    %scan3A_530 = arith.constant 1 : i32
    scf.for %scan3A_760 = %scan3A_527 to %scan3A_529 step %scan3A_530  : i32 {
      %mul3A_761 = arith.constant 64 : i32
      %mul3A_762 = arith.muli %scan3A_760, %mul3A_761 : i32
      %add3A_763 = arith.constant 0 : i32
      %add3A_764 = arith.addi %mul3A_762, %add3A_763 : i32
      %get3A = arith.index_cast %add3A_764 : i32 to index
      %get3A_765 = tpu.vector_load %arg5[%get3A] {strides = array<i32>} : memref<2944xi32, #tpu.memory_space<vmem>>, vector<16xi32>,
      %and3A = arith.constant 65535 : i32
      %and3A_766 = vector.broadcast %and3A : i32 to vector<16xi32>
      %and3A_767 = arith.andi %get3A_765, %and3A_766 : vector<16xi32>
      %shift_right_logical3A = arith.constant 16 : i32
      %shift_right_logical3A_768 = vector.broadcast %shift_right_logical3A : i32 to vector<16xi32>
      %shift_right_logical3A_769 = arith.shrui %get3A_765, %shift_right_logical3A_768 : vector<16xi32>
      %add3A_770 = arith.addi %mul3A_3, %and3A_767 : vector<16xi32>
      tpu.vector_store_idx %arg6[%add3A_770], %broadcast_in_dim3A_7 {add = true} : memref<3584xf32, #tpu.memory_space<vmem>>[vector<16xi32>], vector<16xf32>,
      %add3A_771 = arith.addi %add3A_6, %shift_right_logical3A_769 : vector<16xi32>
      tpu.vector_store_idx %arg6[%add3A_771], %broadcast_in_dim3A_7 {add = true} : memref<3584xf32, #tpu.memory_space<vmem>>[vector<16xi32>], vector<16xf32>,
      %add3A_772 = arith.constant 16 : i32
      %add3A_773 = arith.addi %mul3A_762, %add3A_772 : i32
      %get3A_774 = arith.index_cast %add3A_773 : i32 to index
      %get3A_775 = tpu.vector_load %arg5[%get3A_774] {strides = array<i32>} : memref<2944xi32, #tpu.memory_space<vmem>>, vector<16xi32>,
      %and3A_776 = arith.constant 65535 : i32
      %and3A_777 = vector.broadcast %and3A_776 : i32 to vector<16xi32>
      %and3A_778 = arith.andi %get3A_775, %and3A_777 : vector<16xi32>
      %shift_right_logical3A_779 = arith.constant 16 : i32
      %shift_right_logical3A_780 = vector.broadcast %shift_right_logical3A_779 : i32 to vector<16xi32>
      %shift_right_logical3A_781 = arith.shrui %get3A_775, %shift_right_logical3A_780 : vector<16xi32>
      %add3A_782 = arith.addi %mul3A_3, %and3A_778 : vector<16xi32>
      tpu.vector_store_idx %arg6[%add3A_782], %broadcast_in_dim3A_7 {add = true} : memref<3584xf32, #tpu.memory_space<vmem>>[vector<16xi32>], vector<16xf32>,
      %add3A_783 = arith.addi %add3A_6, %shift_right_logical3A_781 : vector<16xi32>
      tpu.vector_store_idx %arg6[%add3A_783], %broadcast_in_dim3A_7 {add = true} : memref<3584xf32, #tpu.memory_space<vmem>>[vector<16xi32>], vector<16xf32>,
      %add3A_784 = arith.constant 32 : i32
      %add3A_785 = arith.addi %mul3A_762, %add3A_784 : i32
      %get3A_786 = arith.index_cast %add3A_785 : i32 to index
      %get3A_787 = tpu.vector_load %arg5[%get3A_786] {strides = array<i32>} : memref<2944xi32, #tpu.memory_space<vmem>>, vector<16xi32>,
      %and3A_788 = arith.constant 65535 : i32
      %and3A_789 = vector.broadcast %and3A_788 : i32 to vector<16xi32>
      %and3A_790 = arith.andi %get3A_787, %and3A_789 : vector<16xi32>
      %shift_right_logical3A_791 = arith.constant 16 : i32
      %shift_right_logical3A_792 = vector.broadcast %shift_right_logical3A_791 : i32 to vector<16xi32>
      %shift_right_logical3A_793 = arith.shrui %get3A_787, %shift_right_logical3A_792 : vector<16xi32>
      %add3A_794 = arith.addi %mul3A_3, %and3A_790 : vector<16xi32>
      tpu.vector_store_idx %arg6[%add3A_794], %broadcast_in_dim3A_7 {add = true} : memref<3584xf32, #tpu.memory_space<vmem>>[vector<16xi32>], vector<16xf32>,
      %add3A_795 = arith.addi %add3A_6, %shift_right_logical3A_793 : vector<16xi32>
      tpu.vector_store_idx %arg6[%add3A_795], %broadcast_in_dim3A_7 {add = true} : memref<3584xf32, #tpu.memory_space<vmem>>[vector<16xi32>], vector<16xf32>,
      %add3A_796 = arith.constant 48 : i32
      %add3A_797 = arith.addi %mul3A_762, %add3A_796 : i32
      %get3A_798 = arith.index_cast %add3A_797 : i32 to index
      %get3A_799 = tpu.vector_load %arg5[%get3A_798] {strides = array<i32>} : memref<2944xi32, #tpu.memory_space<vmem>>, vector<16xi32>,
      %and3A_800 = arith.constant 65535 : i32
      %and3A_801 = vector.broadcast %and3A_800 : i32 to vector<16xi32>
      %and3A_802 = arith.andi %get3A_799, %and3A_801 : vector<16xi32>
      %shift_right_logical3A_803 = arith.constant 16 : i32
      %shift_right_logical3A_804 = vector.broadcast %shift_right_logical3A_803 : i32 to vector<16xi32>
      %shift_right_logical3A_805 = arith.shrui %get3A_799, %shift_right_logical3A_804 : vector<16xi32>
      %add3A_806 = arith.addi %mul3A_3, %and3A_802 : vector<16xi32>
      tpu.vector_store_idx %arg6[%add3A_806], %broadcast_in_dim3A_7 {add = true} : memref<3584xf32, #tpu.memory_space<vmem>>[vector<16xi32>], vector<16xf32>,
      %add3A_807 = arith.addi %add3A_6, %shift_right_logical3A_805 : vector<16xi32>
      tpu.vector_store_idx %arg6[%add3A_807], %broadcast_in_dim3A_7 {add = true} : memref<3584xf32, #tpu.memory_space<vmem>>[vector<16xi32>], vector<16xf32>,
    }
    %scan3A_531 = arith.constant 46 : i32
    %dma_start3A_532 = arith.constant 14720 : i32
    %dma_start3A_533 = tpu.memref_slice %arg2[%add3A, %dma_start3A_532] : memref<32x50048xi32, #tpu.memory_space<hbm>> -> memref<1x2944xi32, #tpu.memory_space<hbm>>
    %dma_start3A_534 = tpu.memref_squeeze %dma_start3A_533 : memref<1x2944xi32, #tpu.memory_space<hbm>> -> memref<2944xi32, #tpu.memory_space<hbm>>
    %dma_start3A_535 = arith.constant 14720 : i32
    %dma_start3A_536 = tpu.memref_slice %arg2[%add3A, %dma_start3A_535] : memref<32x50048xi32, #tpu.memory_space<hbm>> -> memref<1x2944xi32, #tpu.memory_space<hbm>>
    %dma_start3A_537 = tpu.memref_squeeze %dma_start3A_536 : memref<1x2944xi32, #tpu.memory_space<hbm>> -> memref<2944xi32, #tpu.memory_space<hbm>>
    tpu.enqueue_dma source(%dma_start3A_537 : memref<2944xi32, #tpu.memory_space<hbm>>) target(%arg5 : memref<2944xi32, #tpu.memory_space<vmem>>) target_semaphore(%arg8 : memref<!tpu.dma_semaphore, #tpu.memory_space<semaphore_mem>>)
    %dma_wait3A_538 = arith.constant 11776 : i32
    %dma_wait3A_539 = tpu.memref_slice %arg2[%add3A, %dma_wait3A_538] : memref<32x50048xi32, #tpu.memory_space<hbm>> -> memref<1x2944xi32, #tpu.memory_space<hbm>>
    %dma_wait3A_540 = tpu.memref_squeeze %dma_wait3A_539 : memref<1x2944xi32, #tpu.memory_space<hbm>> -> memref<2944xi32, #tpu.memory_space<hbm>>
    %dma_wait3A_541 = arith.constant 11776 : i32
    %dma_wait3A_542 = tpu.memref_slice %arg2[%add3A, %dma_wait3A_541] : memref<32x50048xi32, #tpu.memory_space<hbm>> -> memref<1x2944xi32, #tpu.memory_space<hbm>>
    %dma_wait3A_543 = tpu.memref_squeeze %dma_wait3A_542 : memref<1x2944xi32, #tpu.memory_space<hbm>> -> memref<2944xi32, #tpu.memory_space<hbm>>
    tpu.wait_dma2 semaphore(%arg7 : memref<!tpu.dma_semaphore, #tpu.memory_space<semaphore_mem>>) src(%dma_wait3A_543 : memref<2944xi32, #tpu.memory_space<hbm>>) dst(%arg4 : memref<2944xi32, #tpu.memory_space<vmem>>)
    %scan3A_544 = arith.constant 0 : i32
    %scan3A_545 = arith.constant 0 : i32
    %scan3A_546 = arith.constant 46 : i32
    %scan3A_547 = arith.addi %scan3A_545, %scan3A_546 : i32
    %scan3A_548 = arith.constant 1 : i32
    scf.for %scan3A_760 = %scan3A_545 to %scan3A_547 step %scan3A_548  : i32 {
      %mul3A_761 = arith.constant 64 : i32
      %mul3A_762 = arith.muli %scan3A_760, %mul3A_761 : i32
      %add3A_763 = arith.constant 0 : i32
      %add3A_764 = arith.addi %mul3A_762, %add3A_763 : i32
      %get3A = arith.index_cast %add3A_764 : i32 to index
      %get3A_765 = tpu.vector_load %arg4[%get3A] {strides = array<i32>} : memref<2944xi32, #tpu.memory_space<vmem>>, vector<16xi32>,
      %and3A = arith.constant 65535 : i32
      %and3A_766 = vector.broadcast %and3A : i32 to vector<16xi32>
      %and3A_767 = arith.andi %get3A_765, %and3A_766 : vector<16xi32>
      %shift_right_logical3A = arith.constant 16 : i32
      %shift_right_logical3A_768 = vector.broadcast %shift_right_logical3A : i32 to vector<16xi32>
      %shift_right_logical3A_769 = arith.shrui %get3A_765, %shift_right_logical3A_768 : vector<16xi32>
      %add3A_770 = arith.addi %mul3A_3, %and3A_767 : vector<16xi32>
      tpu.vector_store_idx %arg6[%add3A_770], %broadcast_in_dim3A_7 {add = true} : memref<3584xf32, #tpu.memory_space<vmem>>[vector<16xi32>], vector<16xf32>,
      %add3A_771 = arith.addi %add3A_6, %shift_right_logical3A_769 : vector<16xi32>
      tpu.vector_store_idx %arg6[%add3A_771], %broadcast_in_dim3A_7 {add = true} : memref<3584xf32, #tpu.memory_space<vmem>>[vector<16xi32>], vector<16xf32>,
      %add3A_772 = arith.constant 16 : i32
      %add3A_773 = arith.addi %mul3A_762, %add3A_772 : i32
      %get3A_774 = arith.index_cast %add3A_773 : i32 to index
      %get3A_775 = tpu.vector_load %arg4[%get3A_774] {strides = array<i32>} : memref<2944xi32, #tpu.memory_space<vmem>>, vector<16xi32>,
      %and3A_776 = arith.constant 65535 : i32
      %and3A_777 = vector.broadcast %and3A_776 : i32 to vector<16xi32>
      %and3A_778 = arith.andi %get3A_775, %and3A_777 : vector<16xi32>
      %shift_right_logical3A_779 = arith.constant 16 : i32
      %shift_right_logical3A_780 = vector.broadcast %shift_right_logical3A_779 : i32 to vector<16xi32>
      %shift_right_logical3A_781 = arith.shrui %get3A_775, %shift_right_logical3A_780 : vector<16xi32>
      %add3A_782 = arith.addi %mul3A_3, %and3A_778 : vector<16xi32>
      tpu.vector_store_idx %arg6[%add3A_782], %broadcast_in_dim3A_7 {add = true} : memref<3584xf32, #tpu.memory_space<vmem>>[vector<16xi32>], vector<16xf32>,
      %add3A_783 = arith.addi %add3A_6, %shift_right_logical3A_781 : vector<16xi32>
      tpu.vector_store_idx %arg6[%add3A_783], %broadcast_in_dim3A_7 {add = true} : memref<3584xf32, #tpu.memory_space<vmem>>[vector<16xi32>], vector<16xf32>,
      %add3A_784 = arith.constant 32 : i32
      %add3A_785 = arith.addi %mul3A_762, %add3A_784 : i32
      %get3A_786 = arith.index_cast %add3A_785 : i32 to index
      %get3A_787 = tpu.vector_load %arg4[%get3A_786] {strides = array<i32>} : memref<2944xi32, #tpu.memory_space<vmem>>, vector<16xi32>,
      %and3A_788 = arith.constant 65535 : i32
      %and3A_789 = vector.broadcast %and3A_788 : i32 to vector<16xi32>
      %and3A_790 = arith.andi %get3A_787, %and3A_789 : vector<16xi32>
      %shift_right_logical3A_791 = arith.constant 16 : i32
      %shift_right_logical3A_792 = vector.broadcast %shift_right_logical3A_791 : i32 to vector<16xi32>
      %shift_right_logical3A_793 = arith.shrui %get3A_787, %shift_right_logical3A_792 : vector<16xi32>
      %add3A_794 = arith.addi %mul3A_3, %and3A_790 : vector<16xi32>
      tpu.vector_store_idx %arg6[%add3A_794], %broadcast_in_dim3A_7 {add = true} : memref<3584xf32, #tpu.memory_space<vmem>>[vector<16xi32>], vector<16xf32>,
      %add3A_795 = arith.addi %add3A_6, %shift_right_logical3A_793 : vector<16xi32>
      tpu.vector_store_idx %arg6[%add3A_795], %broadcast_in_dim3A_7 {add = true} : memref<3584xf32, #tpu.memory_space<vmem>>[vector<16xi32>], vector<16xf32>,
      %add3A_796 = arith.constant 48 : i32
      %add3A_797 = arith.addi %mul3A_762, %add3A_796 : i32
      %get3A_798 = arith.index_cast %add3A_797 : i32 to index
      %get3A_799 = tpu.vector_load %arg4[%get3A_798] {strides = array<i32>} : memref<2944xi32, #tpu.memory_space<vmem>>, vector<16xi32>,
      %and3A_800 = arith.constant 65535 : i32
      %and3A_801 = vector.broadcast %and3A_800 : i32 to vector<16xi32>
      %and3A_802 = arith.andi %get3A_799, %and3A_801 : vector<16xi32>
      %shift_right_logical3A_803 = arith.constant 16 : i32
      %shift_right_logical3A_804 = vector.broadcast %shift_right_logical3A_803 : i32 to vector<16xi32>
      %shift_right_logical3A_805 = arith.shrui %get3A_799, %shift_right_logical3A_804 : vector<16xi32>
      %add3A_806 = arith.addi %mul3A_3, %and3A_802 : vector<16xi32>
      tpu.vector_store_idx %arg6[%add3A_806], %broadcast_in_dim3A_7 {add = true} : memref<3584xf32, #tpu.memory_space<vmem>>[vector<16xi32>], vector<16xf32>,
      %add3A_807 = arith.addi %add3A_6, %shift_right_logical3A_805 : vector<16xi32>
      tpu.vector_store_idx %arg6[%add3A_807], %broadcast_in_dim3A_7 {add = true} : memref<3584xf32, #tpu.memory_space<vmem>>[vector<16xi32>], vector<16xf32>,
    }
    %scan3A_549 = arith.constant 46 : i32
    %dma_start3A_550 = arith.constant 17664 : i32
    %dma_start3A_551 = tpu.memref_slice %arg2[%add3A, %dma_start3A_550] : memref<32x50048xi32, #tpu.memory_space<hbm>> -> memref<1x2944xi32, #tpu.memory_space<hbm>>
    %dma_start3A_552 = tpu.memref_squeeze %dma_start3A_551 : memref<1x2944xi32, #tpu.memory_space<hbm>> -> memref<2944xi32, #tpu.memory_space<hbm>>
    %dma_start3A_553 = arith.constant 17664 : i32
    %dma_start3A_554 = tpu.memref_slice %arg2[%add3A, %dma_start3A_553] : memref<32x50048xi32, #tpu.memory_space<hbm>> -> memref<1x2944xi32, #tpu.memory_space<hbm>>
    %dma_start3A_555 = tpu.memref_squeeze %dma_start3A_554 : memref<1x2944xi32, #tpu.memory_space<hbm>> -> memref<2944xi32, #tpu.memory_space<hbm>>
    tpu.enqueue_dma source(%dma_start3A_555 : memref<2944xi32, #tpu.memory_space<hbm>>) target(%arg4 : memref<2944xi32, #tpu.memory_space<vmem>>) target_semaphore(%arg7 : memref<!tpu.dma_semaphore, #tpu.memory_space<semaphore_mem>>)
    %dma_wait3A_556 = arith.constant 14720 : i32
    %dma_wait3A_557 = tpu.memref_slice %arg2[%add3A, %dma_wait3A_556] : memref<32x50048xi32, #tpu.memory_space<hbm>> -> memref<1x2944xi32, #tpu.memory_space<hbm>>
    %dma_wait3A_558 = tpu.memref_squeeze %dma_wait3A_557 : memref<1x2944xi32, #tpu.memory_space<hbm>> -> memref<2944xi32, #tpu.memory_space<hbm>>
    %dma_wait3A_559 = arith.constant 14720 : i32
    %dma_wait3A_560 = tpu.memref_slice %arg2[%add3A, %dma_wait3A_559] : memref<32x50048xi32, #tpu.memory_space<hbm>> -> memref<1x2944xi32, #tpu.memory_space<hbm>>
    %dma_wait3A_561 = tpu.memref_squeeze %dma_wait3A_560 : memref<1x2944xi32, #tpu.memory_space<hbm>> -> memref<2944xi32, #tpu.memory_space<hbm>>
    tpu.wait_dma2 semaphore(%arg8 : memref<!tpu.dma_semaphore, #tpu.memory_space<semaphore_mem>>) src(%dma_wait3A_561 : memref<2944xi32, #tpu.memory_space<hbm>>) dst(%arg5 : memref<2944xi32, #tpu.memory_space<vmem>>)
    %scan3A_562 = arith.constant 0 : i32
    %scan3A_563 = arith.constant 0 : i32
    %scan3A_564 = arith.constant 46 : i32
    %scan3A_565 = arith.addi %scan3A_563, %scan3A_564 : i32
    %scan3A_566 = arith.constant 1 : i32
    scf.for %scan3A_760 = %scan3A_563 to %scan3A_565 step %scan3A_566  : i32 {
      %mul3A_761 = arith.constant 64 : i32
      %mul3A_762 = arith.muli %scan3A_760, %mul3A_761 : i32
      %add3A_763 = arith.constant 0 : i32
      %add3A_764 = arith.addi %mul3A_762, %add3A_763 : i32
      %get3A = arith.index_cast %add3A_764 : i32 to index
      %get3A_765 = tpu.vector_load %arg5[%get3A] {strides = array<i32>} : memref<2944xi32, #tpu.memory_space<vmem>>, vector<16xi32>,
      %and3A = arith.constant 65535 : i32
      %and3A_766 = vector.broadcast %and3A : i32 to vector<16xi32>
      %and3A_767 = arith.andi %get3A_765, %and3A_766 : vector<16xi32>
      %shift_right_logical3A = arith.constant 16 : i32
      %shift_right_logical3A_768 = vector.broadcast %shift_right_logical3A : i32 to vector<16xi32>
      %shift_right_logical3A_769 = arith.shrui %get3A_765, %shift_right_logical3A_768 : vector<16xi32>
      %add3A_770 = arith.addi %mul3A_3, %and3A_767 : vector<16xi32>
      tpu.vector_store_idx %arg6[%add3A_770], %broadcast_in_dim3A_7 {add = true} : memref<3584xf32, #tpu.memory_space<vmem>>[vector<16xi32>], vector<16xf32>,
      %add3A_771 = arith.addi %add3A_6, %shift_right_logical3A_769 : vector<16xi32>
      tpu.vector_store_idx %arg6[%add3A_771], %broadcast_in_dim3A_7 {add = true} : memref<3584xf32, #tpu.memory_space<vmem>>[vector<16xi32>], vector<16xf32>,
      %add3A_772 = arith.constant 16 : i32
      %add3A_773 = arith.addi %mul3A_762, %add3A_772 : i32
      %get3A_774 = arith.index_cast %add3A_773 : i32 to index
      %get3A_775 = tpu.vector_load %arg5[%get3A_774] {strides = array<i32>} : memref<2944xi32, #tpu.memory_space<vmem>>, vector<16xi32>,
      %and3A_776 = arith.constant 65535 : i32
      %and3A_777 = vector.broadcast %and3A_776 : i32 to vector<16xi32>
      %and3A_778 = arith.andi %get3A_775, %and3A_777 : vector<16xi32>
      %shift_right_logical3A_779 = arith.constant 16 : i32
      %shift_right_logical3A_780 = vector.broadcast %shift_right_logical3A_779 : i32 to vector<16xi32>
      %shift_right_logical3A_781 = arith.shrui %get3A_775, %shift_right_logical3A_780 : vector<16xi32>
      %add3A_782 = arith.addi %mul3A_3, %and3A_778 : vector<16xi32>
      tpu.vector_store_idx %arg6[%add3A_782], %broadcast_in_dim3A_7 {add = true} : memref<3584xf32, #tpu.memory_space<vmem>>[vector<16xi32>], vector<16xf32>,
      %add3A_783 = arith.addi %add3A_6, %shift_right_logical3A_781 : vector<16xi32>
      tpu.vector_store_idx %arg6[%add3A_783], %broadcast_in_dim3A_7 {add = true} : memref<3584xf32, #tpu.memory_space<vmem>>[vector<16xi32>], vector<16xf32>,
      %add3A_784 = arith.constant 32 : i32
      %add3A_785 = arith.addi %mul3A_762, %add3A_784 : i32
      %get3A_786 = arith.index_cast %add3A_785 : i32 to index
      %get3A_787 = tpu.vector_load %arg5[%get3A_786] {strides = array<i32>} : memref<2944xi32, #tpu.memory_space<vmem>>, vector<16xi32>,
      %and3A_788 = arith.constant 65535 : i32
      %and3A_789 = vector.broadcast %and3A_788 : i32 to vector<16xi32>
      %and3A_790 = arith.andi %get3A_787, %and3A_789 : vector<16xi32>
      %shift_right_logical3A_791 = arith.constant 16 : i32
      %shift_right_logical3A_792 = vector.broadcast %shift_right_logical3A_791 : i32 to vector<16xi32>
      %shift_right_logical3A_793 = arith.shrui %get3A_787, %shift_right_logical3A_792 : vector<16xi32>
      %add3A_794 = arith.addi %mul3A_3, %and3A_790 : vector<16xi32>
      tpu.vector_store_idx %arg6[%add3A_794], %broadcast_in_dim3A_7 {add = true} : memref<3584xf32, #tpu.memory_space<vmem>>[vector<16xi32>], vector<16xf32>,
      %add3A_795 = arith.addi %add3A_6, %shift_right_logical3A_793 : vector<16xi32>
      tpu.vector_store_idx %arg6[%add3A_795], %broadcast_in_dim3A_7 {add = true} : memref<3584xf32, #tpu.memory_space<vmem>>[vector<16xi32>], vector<16xf32>,
      %add3A_796 = arith.constant 48 : i32
      %add3A_797 = arith.addi %mul3A_762, %add3A_796 : i32
      %get3A_798 = arith.index_cast %add3A_797 : i32 to index
      %get3A_799 = tpu.vector_load %arg5[%get3A_798] {strides = array<i32>} : memref<2944xi32, #tpu.memory_space<vmem>>, vector<16xi32>,
      %and3A_800 = arith.constant 65535 : i32
      %and3A_801 = vector.broadcast %and3A_800 : i32 to vector<16xi32>
      %and3A_802 = arith.andi %get3A_799, %and3A_801 : vector<16xi32>
      %shift_right_logical3A_803 = arith.constant 16 : i32
      %shift_right_logical3A_804 = vector.broadcast %shift_right_logical3A_803 : i32 to vector<16xi32>
      %shift_right_logical3A_805 = arith.shrui %get3A_799, %shift_right_logical3A_804 : vector<16xi32>
      %add3A_806 = arith.addi %mul3A_3, %and3A_802 : vector<16xi32>
      tpu.vector_store_idx %arg6[%add3A_806], %broadcast_in_dim3A_7 {add = true} : memref<3584xf32, #tpu.memory_space<vmem>>[vector<16xi32>], vector<16xf32>,
      %add3A_807 = arith.addi %add3A_6, %shift_right_logical3A_805 : vector<16xi32>
      tpu.vector_store_idx %arg6[%add3A_807], %broadcast_in_dim3A_7 {add = true} : memref<3584xf32, #tpu.memory_space<vmem>>[vector<16xi32>], vector<16xf32>,
    }
    %scan3A_567 = arith.constant 46 : i32
    %dma_start3A_568 = arith.constant 20608 : i32
    %dma_start3A_569 = tpu.memref_slice %arg2[%add3A, %dma_start3A_568] : memref<32x50048xi32, #tpu.memory_space<hbm>> -> memref<1x2944xi32, #tpu.memory_space<hbm>>
    %dma_start3A_570 = tpu.memref_squeeze %dma_start3A_569 : memref<1x2944xi32, #tpu.memory_space<hbm>> -> memref<2944xi32, #tpu.memory_space<hbm>>
    %dma_start3A_571 = arith.constant 20608 : i32
    %dma_start3A_572 = tpu.memref_slice %arg2[%add3A, %dma_start3A_571] : memref<32x50048xi32, #tpu.memory_space<hbm>> -> memref<1x2944xi32, #tpu.memory_space<hbm>>
    %dma_start3A_573 = tpu.memref_squeeze %dma_start3A_572 : memref<1x2944xi32, #tpu.memory_space<hbm>> -> memref<2944xi32, #tpu.memory_space<hbm>>
    tpu.enqueue_dma source(%dma_start3A_573 : memref<2944xi32, #tpu.memory_space<hbm>>) target(%arg5 : memref<2944xi32, #tpu.memory_space<vmem>>) target_semaphore(%arg8 : memref<!tpu.dma_semaphore, #tpu.memory_space<semaphore_mem>>)
    %dma_wait3A_574 = arith.constant 17664 : i32
    %dma_wait3A_575 = tpu.memref_slice %arg2[%add3A, %dma_wait3A_574] : memref<32x50048xi32, #tpu.memory_space<hbm>> -> memref<1x2944xi32, #tpu.memory_space<hbm>>
    %dma_wait3A_576 = tpu.memref_squeeze %dma_wait3A_575 : memref<1x2944xi32, #tpu.memory_space<hbm>> -> memref<2944xi32, #tpu.memory_space<hbm>>
    %dma_wait3A_577 = arith.constant 17664 : i32
    %dma_wait3A_578 = tpu.memref_slice %arg2[%add3A, %dma_wait3A_577] : memref<32x50048xi32, #tpu.memory_space<hbm>> -> memref<1x2944xi32, #tpu.memory_space<hbm>>
    %dma_wait3A_579 = tpu.memref_squeeze %dma_wait3A_578 : memref<1x2944xi32, #tpu.memory_space<hbm>> -> memref<2944xi32, #tpu.memory_space<hbm>>
    tpu.wait_dma2 semaphore(%arg7 : memref<!tpu.dma_semaphore, #tpu.memory_space<semaphore_mem>>) src(%dma_wait3A_579 : memref<2944xi32, #tpu.memory_space<hbm>>) dst(%arg4 : memref<2944xi32, #tpu.memory_space<vmem>>)
    %scan3A_580 = arith.constant 0 : i32
    %scan3A_581 = arith.constant 0 : i32
    %scan3A_582 = arith.constant 46 : i32
    %scan3A_583 = arith.addi %scan3A_581, %scan3A_582 : i32
    %scan3A_584 = arith.constant 1 : i32
    scf.for %scan3A_760 = %scan3A_581 to %scan3A_583 step %scan3A_584  : i32 {
      %mul3A_761 = arith.constant 64 : i32
      %mul3A_762 = arith.muli %scan3A_760, %mul3A_761 : i32
      %add3A_763 = arith.constant 0 : i32
      %add3A_764 = arith.addi %mul3A_762, %add3A_763 : i32
      %get3A = arith.index_cast %add3A_764 : i32 to index
      %get3A_765 = tpu.vector_load %arg4[%get3A] {strides = array<i32>} : memref<2944xi32, #tpu.memory_space<vmem>>, vector<16xi32>,
      %and3A = arith.constant 65535 : i32
      %and3A_766 = vector.broadcast %and3A : i32 to vector<16xi32>
      %and3A_767 = arith.andi %get3A_765, %and3A_766 : vector<16xi32>
      %shift_right_logical3A = arith.constant 16 : i32
      %shift_right_logical3A_768 = vector.broadcast %shift_right_logical3A : i32 to vector<16xi32>
      %shift_right_logical3A_769 = arith.shrui %get3A_765, %shift_right_logical3A_768 : vector<16xi32>
      %add3A_770 = arith.addi %mul3A_3, %and3A_767 : vector<16xi32>
      tpu.vector_store_idx %arg6[%add3A_770], %broadcast_in_dim3A_7 {add = true} : memref<3584xf32, #tpu.memory_space<vmem>>[vector<16xi32>], vector<16xf32>,
      %add3A_771 = arith.addi %add3A_6, %shift_right_logical3A_769 : vector<16xi32>
      tpu.vector_store_idx %arg6[%add3A_771], %broadcast_in_dim3A_7 {add = true} : memref<3584xf32, #tpu.memory_space<vmem>>[vector<16xi32>], vector<16xf32>,
      %add3A_772 = arith.constant 16 : i32
      %add3A_773 = arith.addi %mul3A_762, %add3A_772 : i32
      %get3A_774 = arith.index_cast %add3A_773 : i32 to index
      %get3A_775 = tpu.vector_load %arg4[%get3A_774] {strides = array<i32>} : memref<2944xi32, #tpu.memory_space<vmem>>, vector<16xi32>,
      %and3A_776 = arith.constant 65535 : i32
      %and3A_777 = vector.broadcast %and3A_776 : i32 to vector<16xi32>
      %and3A_778 = arith.andi %get3A_775, %and3A_777 : vector<16xi32>
      %shift_right_logical3A_779 = arith.constant 16 : i32
      %shift_right_logical3A_780 = vector.broadcast %shift_right_logical3A_779 : i32 to vector<16xi32>
      %shift_right_logical3A_781 = arith.shrui %get3A_775, %shift_right_logical3A_780 : vector<16xi32>
      %add3A_782 = arith.addi %mul3A_3, %and3A_778 : vector<16xi32>
      tpu.vector_store_idx %arg6[%add3A_782], %broadcast_in_dim3A_7 {add = true} : memref<3584xf32, #tpu.memory_space<vmem>>[vector<16xi32>], vector<16xf32>,
      %add3A_783 = arith.addi %add3A_6, %shift_right_logical3A_781 : vector<16xi32>
      tpu.vector_store_idx %arg6[%add3A_783], %broadcast_in_dim3A_7 {add = true} : memref<3584xf32, #tpu.memory_space<vmem>>[vector<16xi32>], vector<16xf32>,
      %add3A_784 = arith.constant 32 : i32
      %add3A_785 = arith.addi %mul3A_762, %add3A_784 : i32
      %get3A_786 = arith.index_cast %add3A_785 : i32 to index
      %get3A_787 = tpu.vector_load %arg4[%get3A_786] {strides = array<i32>} : memref<2944xi32, #tpu.memory_space<vmem>>, vector<16xi32>,
      %and3A_788 = arith.constant 65535 : i32
      %and3A_789 = vector.broadcast %and3A_788 : i32 to vector<16xi32>
      %and3A_790 = arith.andi %get3A_787, %and3A_789 : vector<16xi32>
      %shift_right_logical3A_791 = arith.constant 16 : i32
      %shift_right_logical3A_792 = vector.broadcast %shift_right_logical3A_791 : i32 to vector<16xi32>
      %shift_right_logical3A_793 = arith.shrui %get3A_787, %shift_right_logical3A_792 : vector<16xi32>
      %add3A_794 = arith.addi %mul3A_3, %and3A_790 : vector<16xi32>
      tpu.vector_store_idx %arg6[%add3A_794], %broadcast_in_dim3A_7 {add = true} : memref<3584xf32, #tpu.memory_space<vmem>>[vector<16xi32>], vector<16xf32>,
      %add3A_795 = arith.addi %add3A_6, %shift_right_logical3A_793 : vector<16xi32>
      tpu.vector_store_idx %arg6[%add3A_795], %broadcast_in_dim3A_7 {add = true} : memref<3584xf32, #tpu.memory_space<vmem>>[vector<16xi32>], vector<16xf32>,
      %add3A_796 = arith.constant 48 : i32
      %add3A_797 = arith.addi %mul3A_762, %add3A_796 : i32
      %get3A_798 = arith.index_cast %add3A_797 : i32 to index
      %get3A_799 = tpu.vector_load %arg4[%get3A_798] {strides = array<i32>} : memref<2944xi32, #tpu.memory_space<vmem>>, vector<16xi32>,
      %and3A_800 = arith.constant 65535 : i32
      %and3A_801 = vector.broadcast %and3A_800 : i32 to vector<16xi32>
      %and3A_802 = arith.andi %get3A_799, %and3A_801 : vector<16xi32>
      %shift_right_logical3A_803 = arith.constant 16 : i32
      %shift_right_logical3A_804 = vector.broadcast %shift_right_logical3A_803 : i32 to vector<16xi32>
      %shift_right_logical3A_805 = arith.shrui %get3A_799, %shift_right_logical3A_804 : vector<16xi32>
      %add3A_806 = arith.addi %mul3A_3, %and3A_802 : vector<16xi32>
      tpu.vector_store_idx %arg6[%add3A_806], %broadcast_in_dim3A_7 {add = true} : memref<3584xf32, #tpu.memory_space<vmem>>[vector<16xi32>], vector<16xf32>,
      %add3A_807 = arith.addi %add3A_6, %shift_right_logical3A_805 : vector<16xi32>
      tpu.vector_store_idx %arg6[%add3A_807], %broadcast_in_dim3A_7 {add = true} : memref<3584xf32, #tpu.memory_space<vmem>>[vector<16xi32>], vector<16xf32>,
    }
    %scan3A_585 = arith.constant 46 : i32
    %dma_start3A_586 = arith.constant 23552 : i32
    %dma_start3A_587 = tpu.memref_slice %arg2[%add3A, %dma_start3A_586] : memref<32x50048xi32, #tpu.memory_space<hbm>> -> memref<1x2944xi32, #tpu.memory_space<hbm>>
    %dma_start3A_588 = tpu.memref_squeeze %dma_start3A_587 : memref<1x2944xi32, #tpu.memory_space<hbm>> -> memref<2944xi32, #tpu.memory_space<hbm>>
    %dma_start3A_589 = arith.constant 23552 : i32
    %dma_start3A_590 = tpu.memref_slice %arg2[%add3A, %dma_start3A_589] : memref<32x50048xi32, #tpu.memory_space<hbm>> -> memref<1x2944xi32, #tpu.memory_space<hbm>>
    %dma_start3A_591 = tpu.memref_squeeze %dma_start3A_590 : memref<1x2944xi32, #tpu.memory_space<hbm>> -> memref<2944xi32, #tpu.memory_space<hbm>>
    tpu.enqueue_dma source(%dma_start3A_591 : memref<2944xi32, #tpu.memory_space<hbm>>) target(%arg4 : memref<2944xi32, #tpu.memory_space<vmem>>) target_semaphore(%arg7 : memref<!tpu.dma_semaphore, #tpu.memory_space<semaphore_mem>>)
    %dma_wait3A_592 = arith.constant 20608 : i32
    %dma_wait3A_593 = tpu.memref_slice %arg2[%add3A, %dma_wait3A_592] : memref<32x50048xi32, #tpu.memory_space<hbm>> -> memref<1x2944xi32, #tpu.memory_space<hbm>>
    %dma_wait3A_594 = tpu.memref_squeeze %dma_wait3A_593 : memref<1x2944xi32, #tpu.memory_space<hbm>> -> memref<2944xi32, #tpu.memory_space<hbm>>
    %dma_wait3A_595 = arith.constant 20608 : i32
    %dma_wait3A_596 = tpu.memref_slice %arg2[%add3A, %dma_wait3A_595] : memref<32x50048xi32, #tpu.memory_space<hbm>> -> memref<1x2944xi32, #tpu.memory_space<hbm>>
    %dma_wait3A_597 = tpu.memref_squeeze %dma_wait3A_596 : memref<1x2944xi32, #tpu.memory_space<hbm>> -> memref<2944xi32, #tpu.memory_space<hbm>>
    tpu.wait_dma2 semaphore(%arg8 : memref<!tpu.dma_semaphore, #tpu.memory_space<semaphore_mem>>) src(%dma_wait3A_597 : memref<2944xi32, #tpu.memory_space<hbm>>) dst(%arg5 : memref<2944xi32, #tpu.memory_space<vmem>>)
    %scan3A_598 = arith.constant 0 : i32
    %scan3A_599 = arith.constant 0 : i32
    %scan3A_600 = arith.constant 46 : i32
    %scan3A_601 = arith.addi %scan3A_599, %scan3A_600 : i32
    %scan3A_602 = arith.constant 1 : i32
    scf.for %scan3A_760 = %scan3A_599 to %scan3A_601 step %scan3A_602  : i32 {
      %mul3A_761 = arith.constant 64 : i32
      %mul3A_762 = arith.muli %scan3A_760, %mul3A_761 : i32
      %add3A_763 = arith.constant 0 : i32
      %add3A_764 = arith.addi %mul3A_762, %add3A_763 : i32
      %get3A = arith.index_cast %add3A_764 : i32 to index
      %get3A_765 = tpu.vector_load %arg5[%get3A] {strides = array<i32>} : memref<2944xi32, #tpu.memory_space<vmem>>, vector<16xi32>,
      %and3A = arith.constant 65535 : i32
      %and3A_766 = vector.broadcast %and3A : i32 to vector<16xi32>
      %and3A_767 = arith.andi %get3A_765, %and3A_766 : vector<16xi32>
      %shift_right_logical3A = arith.constant 16 : i32
      %shift_right_logical3A_768 = vector.broadcast %shift_right_logical3A : i32 to vector<16xi32>
      %shift_right_logical3A_769 = arith.shrui %get3A_765, %shift_right_logical3A_768 : vector<16xi32>
      %add3A_770 = arith.addi %mul3A_3, %and3A_767 : vector<16xi32>
      tpu.vector_store_idx %arg6[%add3A_770], %broadcast_in_dim3A_7 {add = true} : memref<3584xf32, #tpu.memory_space<vmem>>[vector<16xi32>], vector<16xf32>,
      %add3A_771 = arith.addi %add3A_6, %shift_right_logical3A_769 : vector<16xi32>
      tpu.vector_store_idx %arg6[%add3A_771], %broadcast_in_dim3A_7 {add = true} : memref<3584xf32, #tpu.memory_space<vmem>>[vector<16xi32>], vector<16xf32>,
      %add3A_772 = arith.constant 16 : i32
      %add3A_773 = arith.addi %mul3A_762, %add3A_772 : i32
      %get3A_774 = arith.index_cast %add3A_773 : i32 to index
      %get3A_775 = tpu.vector_load %arg5[%get3A_774] {strides = array<i32>} : memref<2944xi32, #tpu.memory_space<vmem>>, vector<16xi32>,
      %and3A_776 = arith.constant 65535 : i32
      %and3A_777 = vector.broadcast %and3A_776 : i32 to vector<16xi32>
      %and3A_778 = arith.andi %get3A_775, %and3A_777 : vector<16xi32>
      %shift_right_logical3A_779 = arith.constant 16 : i32
      %shift_right_logical3A_780 = vector.broadcast %shift_right_logical3A_779 : i32 to vector<16xi32>
      %shift_right_logical3A_781 = arith.shrui %get3A_775, %shift_right_logical3A_780 : vector<16xi32>
      %add3A_782 = arith.addi %mul3A_3, %and3A_778 : vector<16xi32>
      tpu.vector_store_idx %arg6[%add3A_782], %broadcast_in_dim3A_7 {add = true} : memref<3584xf32, #tpu.memory_space<vmem>>[vector<16xi32>], vector<16xf32>,
      %add3A_783 = arith.addi %add3A_6, %shift_right_logical3A_781 : vector<16xi32>
      tpu.vector_store_idx %arg6[%add3A_783], %broadcast_in_dim3A_7 {add = true} : memref<3584xf32, #tpu.memory_space<vmem>>[vector<16xi32>], vector<16xf32>,
      %add3A_784 = arith.constant 32 : i32
      %add3A_785 = arith.addi %mul3A_762, %add3A_784 : i32
      %get3A_786 = arith.index_cast %add3A_785 : i32 to index
      %get3A_787 = tpu.vector_load %arg5[%get3A_786] {strides = array<i32>} : memref<2944xi32, #tpu.memory_space<vmem>>, vector<16xi32>,
      %and3A_788 = arith.constant 65535 : i32
      %and3A_789 = vector.broadcast %and3A_788 : i32 to vector<16xi32>
      %and3A_790 = arith.andi %get3A_787, %and3A_789 : vector<16xi32>
      %shift_right_logical3A_791 = arith.constant 16 : i32
      %shift_right_logical3A_792 = vector.broadcast %shift_right_logical3A_791 : i32 to vector<16xi32>
      %shift_right_logical3A_793 = arith.shrui %get3A_787, %shift_right_logical3A_792 : vector<16xi32>
      %add3A_794 = arith.addi %mul3A_3, %and3A_790 : vector<16xi32>
      tpu.vector_store_idx %arg6[%add3A_794], %broadcast_in_dim3A_7 {add = true} : memref<3584xf32, #tpu.memory_space<vmem>>[vector<16xi32>], vector<16xf32>,
      %add3A_795 = arith.addi %add3A_6, %shift_right_logical3A_793 : vector<16xi32>
      tpu.vector_store_idx %arg6[%add3A_795], %broadcast_in_dim3A_7 {add = true} : memref<3584xf32, #tpu.memory_space<vmem>>[vector<16xi32>], vector<16xf32>,
      %add3A_796 = arith.constant 48 : i32
      %add3A_797 = arith.addi %mul3A_762, %add3A_796 : i32
      %get3A_798 = arith.index_cast %add3A_797 : i32 to index
      %get3A_799 = tpu.vector_load %arg5[%get3A_798] {strides = array<i32>} : memref<2944xi32, #tpu.memory_space<vmem>>, vector<16xi32>,
      %and3A_800 = arith.constant 65535 : i32
      %and3A_801 = vector.broadcast %and3A_800 : i32 to vector<16xi32>
      %and3A_802 = arith.andi %get3A_799, %and3A_801 : vector<16xi32>
      %shift_right_logical3A_803 = arith.constant 16 : i32
      %shift_right_logical3A_804 = vector.broadcast %shift_right_logical3A_803 : i32 to vector<16xi32>
      %shift_right_logical3A_805 = arith.shrui %get3A_799, %shift_right_logical3A_804 : vector<16xi32>
      %add3A_806 = arith.addi %mul3A_3, %and3A_802 : vector<16xi32>
      tpu.vector_store_idx %arg6[%add3A_806], %broadcast_in_dim3A_7 {add = true} : memref<3584xf32, #tpu.memory_space<vmem>>[vector<16xi32>], vector<16xf32>,
      %add3A_807 = arith.addi %add3A_6, %shift_right_logical3A_805 : vector<16xi32>
      tpu.vector_store_idx %arg6[%add3A_807], %broadcast_in_dim3A_7 {add = true} : memref<3584xf32, #tpu.memory_space<vmem>>[vector<16xi32>], vector<16xf32>,
    }
    %scan3A_603 = arith.constant 46 : i32
    %dma_start3A_604 = arith.constant 26496 : i32
    %dma_start3A_605 = tpu.memref_slice %arg2[%add3A, %dma_start3A_604] : memref<32x50048xi32, #tpu.memory_space<hbm>> -> memref<1x2944xi32, #tpu.memory_space<hbm>>
    %dma_start3A_606 = tpu.memref_squeeze %dma_start3A_605 : memref<1x2944xi32, #tpu.memory_space<hbm>> -> memref<2944xi32, #tpu.memory_space<hbm>>
    %dma_start3A_607 = arith.constant 26496 : i32
    %dma_start3A_608 = tpu.memref_slice %arg2[%add3A, %dma_start3A_607] : memref<32x50048xi32, #tpu.memory_space<hbm>> -> memref<1x2944xi32, #tpu.memory_space<hbm>>
    %dma_start3A_609 = tpu.memref_squeeze %dma_start3A_608 : memref<1x2944xi32, #tpu.memory_space<hbm>> -> memref<2944xi32, #tpu.memory_space<hbm>>
    tpu.enqueue_dma source(%dma_start3A_609 : memref<2944xi32, #tpu.memory_space<hbm>>) target(%arg5 : memref<2944xi32, #tpu.memory_space<vmem>>) target_semaphore(%arg8 : memref<!tpu.dma_semaphore, #tpu.memory_space<semaphore_mem>>)
    %dma_wait3A_610 = arith.constant 23552 : i32
    %dma_wait3A_611 = tpu.memref_slice %arg2[%add3A, %dma_wait3A_610] : memref<32x50048xi32, #tpu.memory_space<hbm>> -> memref<1x2944xi32, #tpu.memory_space<hbm>>
    %dma_wait3A_612 = tpu.memref_squeeze %dma_wait3A_611 : memref<1x2944xi32, #tpu.memory_space<hbm>> -> memref<2944xi32, #tpu.memory_space<hbm>>
    %dma_wait3A_613 = arith.constant 23552 : i32
    %dma_wait3A_614 = tpu.memref_slice %arg2[%add3A, %dma_wait3A_613] : memref<32x50048xi32, #tpu.memory_space<hbm>> -> memref<1x2944xi32, #tpu.memory_space<hbm>>
    %dma_wait3A_615 = tpu.memref_squeeze %dma_wait3A_614 : memref<1x2944xi32, #tpu.memory_space<hbm>> -> memref<2944xi32, #tpu.memory_space<hbm>>
    tpu.wait_dma2 semaphore(%arg7 : memref<!tpu.dma_semaphore, #tpu.memory_space<semaphore_mem>>) src(%dma_wait3A_615 : memref<2944xi32, #tpu.memory_space<hbm>>) dst(%arg4 : memref<2944xi32, #tpu.memory_space<vmem>>)
    %scan3A_616 = arith.constant 0 : i32
    %scan3A_617 = arith.constant 0 : i32
    %scan3A_618 = arith.constant 46 : i32
    %scan3A_619 = arith.addi %scan3A_617, %scan3A_618 : i32
    %scan3A_620 = arith.constant 1 : i32
    scf.for %scan3A_760 = %scan3A_617 to %scan3A_619 step %scan3A_620  : i32 {
      %mul3A_761 = arith.constant 64 : i32
      %mul3A_762 = arith.muli %scan3A_760, %mul3A_761 : i32
      %add3A_763 = arith.constant 0 : i32
      %add3A_764 = arith.addi %mul3A_762, %add3A_763 : i32
      %get3A = arith.index_cast %add3A_764 : i32 to index
      %get3A_765 = tpu.vector_load %arg4[%get3A] {strides = array<i32>} : memref<2944xi32, #tpu.memory_space<vmem>>, vector<16xi32>,
      %and3A = arith.constant 65535 : i32
      %and3A_766 = vector.broadcast %and3A : i32 to vector<16xi32>
      %and3A_767 = arith.andi %get3A_765, %and3A_766 : vector<16xi32>
      %shift_right_logical3A = arith.constant 16 : i32
      %shift_right_logical3A_768 = vector.broadcast %shift_right_logical3A : i32 to vector<16xi32>
      %shift_right_logical3A_769 = arith.shrui %get3A_765, %shift_right_logical3A_768 : vector<16xi32>
      %add3A_770 = arith.addi %mul3A_3, %and3A_767 : vector<16xi32>
      tpu.vector_store_idx %arg6[%add3A_770], %broadcast_in_dim3A_7 {add = true} : memref<3584xf32, #tpu.memory_space<vmem>>[vector<16xi32>], vector<16xf32>,
      %add3A_771 = arith.addi %add3A_6, %shift_right_logical3A_769 : vector<16xi32>
      tpu.vector_store_idx %arg6[%add3A_771], %broadcast_in_dim3A_7 {add = true} : memref<3584xf32, #tpu.memory_space<vmem>>[vector<16xi32>], vector<16xf32>,
      %add3A_772 = arith.constant 16 : i32
      %add3A_773 = arith.addi %mul3A_762, %add3A_772 : i32
      %get3A_774 = arith.index_cast %add3A_773 : i32 to index
      %get3A_775 = tpu.vector_load %arg4[%get3A_774] {strides = array<i32>} : memref<2944xi32, #tpu.memory_space<vmem>>, vector<16xi32>,
      %and3A_776 = arith.constant 65535 : i32
      %and3A_777 = vector.broadcast %and3A_776 : i32 to vector<16xi32>
      %and3A_778 = arith.andi %get3A_775, %and3A_777 : vector<16xi32>
      %shift_right_logical3A_779 = arith.constant 16 : i32
      %shift_right_logical3A_780 = vector.broadcast %shift_right_logical3A_779 : i32 to vector<16xi32>
      %shift_right_logical3A_781 = arith.shrui %get3A_775, %shift_right_logical3A_780 : vector<16xi32>
      %add3A_782 = arith.addi %mul3A_3, %and3A_778 : vector<16xi32>
      tpu.vector_store_idx %arg6[%add3A_782], %broadcast_in_dim3A_7 {add = true} : memref<3584xf32, #tpu.memory_space<vmem>>[vector<16xi32>], vector<16xf32>,
      %add3A_783 = arith.addi %add3A_6, %shift_right_logical3A_781 : vector<16xi32>
      tpu.vector_store_idx %arg6[%add3A_783], %broadcast_in_dim3A_7 {add = true} : memref<3584xf32, #tpu.memory_space<vmem>>[vector<16xi32>], vector<16xf32>,
      %add3A_784 = arith.constant 32 : i32
      %add3A_785 = arith.addi %mul3A_762, %add3A_784 : i32
      %get3A_786 = arith.index_cast %add3A_785 : i32 to index
      %get3A_787 = tpu.vector_load %arg4[%get3A_786] {strides = array<i32>} : memref<2944xi32, #tpu.memory_space<vmem>>, vector<16xi32>,
      %and3A_788 = arith.constant 65535 : i32
      %and3A_789 = vector.broadcast %and3A_788 : i32 to vector<16xi32>
      %and3A_790 = arith.andi %get3A_787, %and3A_789 : vector<16xi32>
      %shift_right_logical3A_791 = arith.constant 16 : i32
      %shift_right_logical3A_792 = vector.broadcast %shift_right_logical3A_791 : i32 to vector<16xi32>
      %shift_right_logical3A_793 = arith.shrui %get3A_787, %shift_right_logical3A_792 : vector<16xi32>
      %add3A_794 = arith.addi %mul3A_3, %and3A_790 : vector<16xi32>
      tpu.vector_store_idx %arg6[%add3A_794], %broadcast_in_dim3A_7 {add = true} : memref<3584xf32, #tpu.memory_space<vmem>>[vector<16xi32>], vector<16xf32>,
      %add3A_795 = arith.addi %add3A_6, %shift_right_logical3A_793 : vector<16xi32>
      tpu.vector_store_idx %arg6[%add3A_795], %broadcast_in_dim3A_7 {add = true} : memref<3584xf32, #tpu.memory_space<vmem>>[vector<16xi32>], vector<16xf32>,
      %add3A_796 = arith.constant 48 : i32
      %add3A_797 = arith.addi %mul3A_762, %add3A_796 : i32
      %get3A_798 = arith.index_cast %add3A_797 : i32 to index
      %get3A_799 = tpu.vector_load %arg4[%get3A_798] {strides = array<i32>} : memref<2944xi32, #tpu.memory_space<vmem>>, vector<16xi32>,
      %and3A_800 = arith.constant 65535 : i32
      %and3A_801 = vector.broadcast %and3A_800 : i32 to vector<16xi32>
      %and3A_802 = arith.andi %get3A_799, %and3A_801 : vector<16xi32>
      %shift_right_logical3A_803 = arith.constant 16 : i32
      %shift_right_logical3A_804 = vector.broadcast %shift_right_logical3A_803 : i32 to vector<16xi32>
      %shift_right_logical3A_805 = arith.shrui %get3A_799, %shift_right_logical3A_804 : vector<16xi32>
      %add3A_806 = arith.addi %mul3A_3, %and3A_802 : vector<16xi32>
      tpu.vector_store_idx %arg6[%add3A_806], %broadcast_in_dim3A_7 {add = true} : memref<3584xf32, #tpu.memory_space<vmem>>[vector<16xi32>], vector<16xf32>,
      %add3A_807 = arith.addi %add3A_6, %shift_right_logical3A_805 : vector<16xi32>
      tpu.vector_store_idx %arg6[%add3A_807], %broadcast_in_dim3A_7 {add = true} : memref<3584xf32, #tpu.memory_space<vmem>>[vector<16xi32>], vector<16xf32>,
    }
    %scan3A_621 = arith.constant 46 : i32
    %dma_start3A_622 = arith.constant 29440 : i32
    %dma_start3A_623 = tpu.memref_slice %arg2[%add3A, %dma_start3A_622] : memref<32x50048xi32, #tpu.memory_space<hbm>> -> memref<1x2944xi32, #tpu.memory_space<hbm>>
    %dma_start3A_624 = tpu.memref_squeeze %dma_start3A_623 : memref<1x2944xi32, #tpu.memory_space<hbm>> -> memref<2944xi32, #tpu.memory_space<hbm>>
    %dma_start3A_625 = arith.constant 29440 : i32
    %dma_start3A_626 = tpu.memref_slice %arg2[%add3A, %dma_start3A_625] : memref<32x50048xi32, #tpu.memory_space<hbm>> -> memref<1x2944xi32, #tpu.memory_space<hbm>>
    %dma_start3A_627 = tpu.memref_squeeze %dma_start3A_626 : memref<1x2944xi32, #tpu.memory_space<hbm>> -> memref<2944xi32, #tpu.memory_space<hbm>>
    tpu.enqueue_dma source(%dma_start3A_627 : memref<2944xi32, #tpu.memory_space<hbm>>) target(%arg4 : memref<2944xi32, #tpu.memory_space<vmem>>) target_semaphore(%arg7 : memref<!tpu.dma_semaphore, #tpu.memory_space<semaphore_mem>>)
    %dma_wait3A_628 = arith.constant 26496 : i32
    %dma_wait3A_629 = tpu.memref_slice %arg2[%add3A, %dma_wait3A_628] : memref<32x50048xi32, #tpu.memory_space<hbm>> -> memref<1x2944xi32, #tpu.memory_space<hbm>>
    %dma_wait3A_630 = tpu.memref_squeeze %dma_wait3A_629 : memref<1x2944xi32, #tpu.memory_space<hbm>> -> memref<2944xi32, #tpu.memory_space<hbm>>
    %dma_wait3A_631 = arith.constant 26496 : i32
    %dma_wait3A_632 = tpu.memref_slice %arg2[%add3A, %dma_wait3A_631] : memref<32x50048xi32, #tpu.memory_space<hbm>> -> memref<1x2944xi32, #tpu.memory_space<hbm>>
    %dma_wait3A_633 = tpu.memref_squeeze %dma_wait3A_632 : memref<1x2944xi32, #tpu.memory_space<hbm>> -> memref<2944xi32, #tpu.memory_space<hbm>>
    tpu.wait_dma2 semaphore(%arg8 : memref<!tpu.dma_semaphore, #tpu.memory_space<semaphore_mem>>) src(%dma_wait3A_633 : memref<2944xi32, #tpu.memory_space<hbm>>) dst(%arg5 : memref<2944xi32, #tpu.memory_space<vmem>>)
    %scan3A_634 = arith.constant 0 : i32
    %scan3A_635 = arith.constant 0 : i32
    %scan3A_636 = arith.constant 46 : i32
    %scan3A_637 = arith.addi %scan3A_635, %scan3A_636 : i32
    %scan3A_638 = arith.constant 1 : i32
    scf.for %scan3A_760 = %scan3A_635 to %scan3A_637 step %scan3A_638  : i32 {
      %mul3A_761 = arith.constant 64 : i32
      %mul3A_762 = arith.muli %scan3A_760, %mul3A_761 : i32
      %add3A_763 = arith.constant 0 : i32
      %add3A_764 = arith.addi %mul3A_762, %add3A_763 : i32
      %get3A = arith.index_cast %add3A_764 : i32 to index
      %get3A_765 = tpu.vector_load %arg5[%get3A] {strides = array<i32>} : memref<2944xi32, #tpu.memory_space<vmem>>, vector<16xi32>,
      %and3A = arith.constant 65535 : i32
      %and3A_766 = vector.broadcast %and3A : i32 to vector<16xi32>
      %and3A_767 = arith.andi %get3A_765, %and3A_766 : vector<16xi32>
      %shift_right_logical3A = arith.constant 16 : i32
      %shift_right_logical3A_768 = vector.broadcast %shift_right_logical3A : i32 to vector<16xi32>
      %shift_right_logical3A_769 = arith.shrui %get3A_765, %shift_right_logical3A_768 : vector<16xi32>
      %add3A_770 = arith.addi %mul3A_3, %and3A_767 : vector<16xi32>
      tpu.vector_store_idx %arg6[%add3A_770], %broadcast_in_dim3A_7 {add = true} : memref<3584xf32, #tpu.memory_space<vmem>>[vector<16xi32>], vector<16xf32>,
      %add3A_771 = arith.addi %add3A_6, %shift_right_logical3A_769 : vector<16xi32>
      tpu.vector_store_idx %arg6[%add3A_771], %broadcast_in_dim3A_7 {add = true} : memref<3584xf32, #tpu.memory_space<vmem>>[vector<16xi32>], vector<16xf32>,
      %add3A_772 = arith.constant 16 : i32
      %add3A_773 = arith.addi %mul3A_762, %add3A_772 : i32
      %get3A_774 = arith.index_cast %add3A_773 : i32 to index
      %get3A_775 = tpu.vector_load %arg5[%get3A_774] {strides = array<i32>} : memref<2944xi32, #tpu.memory_space<vmem>>, vector<16xi32>,
      %and3A_776 = arith.constant 65535 : i32
      %and3A_777 = vector.broadcast %and3A_776 : i32 to vector<16xi32>
      %and3A_778 = arith.andi %get3A_775, %and3A_777 : vector<16xi32>
      %shift_right_logical3A_779 = arith.constant 16 : i32
      %shift_right_logical3A_780 = vector.broadcast %shift_right_logical3A_779 : i32 to vector<16xi32>
      %shift_right_logical3A_781 = arith.shrui %get3A_775, %shift_right_logical3A_780 : vector<16xi32>
      %add3A_782 = arith.addi %mul3A_3, %and3A_778 : vector<16xi32>
      tpu.vector_store_idx %arg6[%add3A_782], %broadcast_in_dim3A_7 {add = true} : memref<3584xf32, #tpu.memory_space<vmem>>[vector<16xi32>], vector<16xf32>,
      %add3A_783 = arith.addi %add3A_6, %shift_right_logical3A_781 : vector<16xi32>
      tpu.vector_store_idx %arg6[%add3A_783], %broadcast_in_dim3A_7 {add = true} : memref<3584xf32, #tpu.memory_space<vmem>>[vector<16xi32>], vector<16xf32>,
      %add3A_784 = arith.constant 32 : i32
      %add3A_785 = arith.addi %mul3A_762, %add3A_784 : i32
      %get3A_786 = arith.index_cast %add3A_785 : i32 to index
      %get3A_787 = tpu.vector_load %arg5[%get3A_786] {strides = array<i32>} : memref<2944xi32, #tpu.memory_space<vmem>>, vector<16xi32>,
      %and3A_788 = arith.constant 65535 : i32
      %and3A_789 = vector.broadcast %and3A_788 : i32 to vector<16xi32>
      %and3A_790 = arith.andi %get3A_787, %and3A_789 : vector<16xi32>
      %shift_right_logical3A_791 = arith.constant 16 : i32
      %shift_right_logical3A_792 = vector.broadcast %shift_right_logical3A_791 : i32 to vector<16xi32>
      %shift_right_logical3A_793 = arith.shrui %get3A_787, %shift_right_logical3A_792 : vector<16xi32>
      %add3A_794 = arith.addi %mul3A_3, %and3A_790 : vector<16xi32>
      tpu.vector_store_idx %arg6[%add3A_794], %broadcast_in_dim3A_7 {add = true} : memref<3584xf32, #tpu.memory_space<vmem>>[vector<16xi32>], vector<16xf32>,
      %add3A_795 = arith.addi %add3A_6, %shift_right_logical3A_793 : vector<16xi32>
      tpu.vector_store_idx %arg6[%add3A_795], %broadcast_in_dim3A_7 {add = true} : memref<3584xf32, #tpu.memory_space<vmem>>[vector<16xi32>], vector<16xf32>,
      %add3A_796 = arith.constant 48 : i32
      %add3A_797 = arith.addi %mul3A_762, %add3A_796 : i32
      %get3A_798 = arith.index_cast %add3A_797 : i32 to index
      %get3A_799 = tpu.vector_load %arg5[%get3A_798] {strides = array<i32>} : memref<2944xi32, #tpu.memory_space<vmem>>, vector<16xi32>,
      %and3A_800 = arith.constant 65535 : i32
      %and3A_801 = vector.broadcast %and3A_800 : i32 to vector<16xi32>
      %and3A_802 = arith.andi %get3A_799, %and3A_801 : vector<16xi32>
      %shift_right_logical3A_803 = arith.constant 16 : i32
      %shift_right_logical3A_804 = vector.broadcast %shift_right_logical3A_803 : i32 to vector<16xi32>
      %shift_right_logical3A_805 = arith.shrui %get3A_799, %shift_right_logical3A_804 : vector<16xi32>
      %add3A_806 = arith.addi %mul3A_3, %and3A_802 : vector<16xi32>
      tpu.vector_store_idx %arg6[%add3A_806], %broadcast_in_dim3A_7 {add = true} : memref<3584xf32, #tpu.memory_space<vmem>>[vector<16xi32>], vector<16xf32>,
      %add3A_807 = arith.addi %add3A_6, %shift_right_logical3A_805 : vector<16xi32>
      tpu.vector_store_idx %arg6[%add3A_807], %broadcast_in_dim3A_7 {add = true} : memref<3584xf32, #tpu.memory_space<vmem>>[vector<16xi32>], vector<16xf32>,
    }
    %scan3A_639 = arith.constant 46 : i32
    %dma_start3A_640 = arith.constant 32384 : i32
    %dma_start3A_641 = tpu.memref_slice %arg2[%add3A, %dma_start3A_640] : memref<32x50048xi32, #tpu.memory_space<hbm>> -> memref<1x2944xi32, #tpu.memory_space<hbm>>
    %dma_start3A_642 = tpu.memref_squeeze %dma_start3A_641 : memref<1x2944xi32, #tpu.memory_space<hbm>> -> memref<2944xi32, #tpu.memory_space<hbm>>
    %dma_start3A_643 = arith.constant 32384 : i32
    %dma_start3A_644 = tpu.memref_slice %arg2[%add3A, %dma_start3A_643] : memref<32x50048xi32, #tpu.memory_space<hbm>> -> memref<1x2944xi32, #tpu.memory_space<hbm>>
    %dma_start3A_645 = tpu.memref_squeeze %dma_start3A_644 : memref<1x2944xi32, #tpu.memory_space<hbm>> -> memref<2944xi32, #tpu.memory_space<hbm>>
    tpu.enqueue_dma source(%dma_start3A_645 : memref<2944xi32, #tpu.memory_space<hbm>>) target(%arg5 : memref<2944xi32, #tpu.memory_space<vmem>>) target_semaphore(%arg8 : memref<!tpu.dma_semaphore, #tpu.memory_space<semaphore_mem>>)
    %dma_wait3A_646 = arith.constant 29440 : i32
    %dma_wait3A_647 = tpu.memref_slice %arg2[%add3A, %dma_wait3A_646] : memref<32x50048xi32, #tpu.memory_space<hbm>> -> memref<1x2944xi32, #tpu.memory_space<hbm>>
    %dma_wait3A_648 = tpu.memref_squeeze %dma_wait3A_647 : memref<1x2944xi32, #tpu.memory_space<hbm>> -> memref<2944xi32, #tpu.memory_space<hbm>>
    %dma_wait3A_649 = arith.constant 29440 : i32
    %dma_wait3A_650 = tpu.memref_slice %arg2[%add3A, %dma_wait3A_649] : memref<32x50048xi32, #tpu.memory_space<hbm>> -> memref<1x2944xi32, #tpu.memory_space<hbm>>
    %dma_wait3A_651 = tpu.memref_squeeze %dma_wait3A_650 : memref<1x2944xi32, #tpu.memory_space<hbm>> -> memref<2944xi32, #tpu.memory_space<hbm>>
    tpu.wait_dma2 semaphore(%arg7 : memref<!tpu.dma_semaphore, #tpu.memory_space<semaphore_mem>>) src(%dma_wait3A_651 : memref<2944xi32, #tpu.memory_space<hbm>>) dst(%arg4 : memref<2944xi32, #tpu.memory_space<vmem>>)
    %scan3A_652 = arith.constant 0 : i32
    %scan3A_653 = arith.constant 0 : i32
    %scan3A_654 = arith.constant 46 : i32
    %scan3A_655 = arith.addi %scan3A_653, %scan3A_654 : i32
    %scan3A_656 = arith.constant 1 : i32
    scf.for %scan3A_760 = %scan3A_653 to %scan3A_655 step %scan3A_656  : i32 {
      %mul3A_761 = arith.constant 64 : i32
      %mul3A_762 = arith.muli %scan3A_760, %mul3A_761 : i32
      %add3A_763 = arith.constant 0 : i32
      %add3A_764 = arith.addi %mul3A_762, %add3A_763 : i32
      %get3A = arith.index_cast %add3A_764 : i32 to index
      %get3A_765 = tpu.vector_load %arg4[%get3A] {strides = array<i32>} : memref<2944xi32, #tpu.memory_space<vmem>>, vector<16xi32>,
      %and3A = arith.constant 65535 : i32
      %and3A_766 = vector.broadcast %and3A : i32 to vector<16xi32>
      %and3A_767 = arith.andi %get3A_765, %and3A_766 : vector<16xi32>
      %shift_right_logical3A = arith.constant 16 : i32
      %shift_right_logical3A_768 = vector.broadcast %shift_right_logical3A : i32 to vector<16xi32>
      %shift_right_logical3A_769 = arith.shrui %get3A_765, %shift_right_logical3A_768 : vector<16xi32>
      %add3A_770 = arith.addi %mul3A_3, %and3A_767 : vector<16xi32>
      tpu.vector_store_idx %arg6[%add3A_770], %broadcast_in_dim3A_7 {add = true} : memref<3584xf32, #tpu.memory_space<vmem>>[vector<16xi32>], vector<16xf32>,
      %add3A_771 = arith.addi %add3A_6, %shift_right_logical3A_769 : vector<16xi32>
      tpu.vector_store_idx %arg6[%add3A_771], %broadcast_in_dim3A_7 {add = true} : memref<3584xf32, #tpu.memory_space<vmem>>[vector<16xi32>], vector<16xf32>,
      %add3A_772 = arith.constant 16 : i32
      %add3A_773 = arith.addi %mul3A_762, %add3A_772 : i32
      %get3A_774 = arith.index_cast %add3A_773 : i32 to index
      %get3A_775 = tpu.vector_load %arg4[%get3A_774] {strides = array<i32>} : memref<2944xi32, #tpu.memory_space<vmem>>, vector<16xi32>,
      %and3A_776 = arith.constant 65535 : i32
      %and3A_777 = vector.broadcast %and3A_776 : i32 to vector<16xi32>
      %and3A_778 = arith.andi %get3A_775, %and3A_777 : vector<16xi32>
      %shift_right_logical3A_779 = arith.constant 16 : i32
      %shift_right_logical3A_780 = vector.broadcast %shift_right_logical3A_779 : i32 to vector<16xi32>
      %shift_right_logical3A_781 = arith.shrui %get3A_775, %shift_right_logical3A_780 : vector<16xi32>
      %add3A_782 = arith.addi %mul3A_3, %and3A_778 : vector<16xi32>
      tpu.vector_store_idx %arg6[%add3A_782], %broadcast_in_dim3A_7 {add = true} : memref<3584xf32, #tpu.memory_space<vmem>>[vector<16xi32>], vector<16xf32>,
      %add3A_783 = arith.addi %add3A_6, %shift_right_logical3A_781 : vector<16xi32>
      tpu.vector_store_idx %arg6[%add3A_783], %broadcast_in_dim3A_7 {add = true} : memref<3584xf32, #tpu.memory_space<vmem>>[vector<16xi32>], vector<16xf32>,
      %add3A_784 = arith.constant 32 : i32
      %add3A_785 = arith.addi %mul3A_762, %add3A_784 : i32
      %get3A_786 = arith.index_cast %add3A_785 : i32 to index
      %get3A_787 = tpu.vector_load %arg4[%get3A_786] {strides = array<i32>} : memref<2944xi32, #tpu.memory_space<vmem>>, vector<16xi32>,
      %and3A_788 = arith.constant 65535 : i32
      %and3A_789 = vector.broadcast %and3A_788 : i32 to vector<16xi32>
      %and3A_790 = arith.andi %get3A_787, %and3A_789 : vector<16xi32>
      %shift_right_logical3A_791 = arith.constant 16 : i32
      %shift_right_logical3A_792 = vector.broadcast %shift_right_logical3A_791 : i32 to vector<16xi32>
      %shift_right_logical3A_793 = arith.shrui %get3A_787, %shift_right_logical3A_792 : vector<16xi32>
      %add3A_794 = arith.addi %mul3A_3, %and3A_790 : vector<16xi32>
      tpu.vector_store_idx %arg6[%add3A_794], %broadcast_in_dim3A_7 {add = true} : memref<3584xf32, #tpu.memory_space<vmem>>[vector<16xi32>], vector<16xf32>,
      %add3A_795 = arith.addi %add3A_6, %shift_right_logical3A_793 : vector<16xi32>
      tpu.vector_store_idx %arg6[%add3A_795], %broadcast_in_dim3A_7 {add = true} : memref<3584xf32, #tpu.memory_space<vmem>>[vector<16xi32>], vector<16xf32>,
      %add3A_796 = arith.constant 48 : i32
      %add3A_797 = arith.addi %mul3A_762, %add3A_796 : i32
      %get3A_798 = arith.index_cast %add3A_797 : i32 to index
      %get3A_799 = tpu.vector_load %arg4[%get3A_798] {strides = array<i32>} : memref<2944xi32, #tpu.memory_space<vmem>>, vector<16xi32>,
      %and3A_800 = arith.constant 65535 : i32
      %and3A_801 = vector.broadcast %and3A_800 : i32 to vector<16xi32>
      %and3A_802 = arith.andi %get3A_799, %and3A_801 : vector<16xi32>
      %shift_right_logical3A_803 = arith.constant 16 : i32
      %shift_right_logical3A_804 = vector.broadcast %shift_right_logical3A_803 : i32 to vector<16xi32>
      %shift_right_logical3A_805 = arith.shrui %get3A_799, %shift_right_logical3A_804 : vector<16xi32>
      %add3A_806 = arith.addi %mul3A_3, %and3A_802 : vector<16xi32>
      tpu.vector_store_idx %arg6[%add3A_806], %broadcast_in_dim3A_7 {add = true} : memref<3584xf32, #tpu.memory_space<vmem>>[vector<16xi32>], vector<16xf32>,
      %add3A_807 = arith.addi %add3A_6, %shift_right_logical3A_805 : vector<16xi32>
      tpu.vector_store_idx %arg6[%add3A_807], %broadcast_in_dim3A_7 {add = true} : memref<3584xf32, #tpu.memory_space<vmem>>[vector<16xi32>], vector<16xf32>,
    }
    %scan3A_657 = arith.constant 46 : i32
    %dma_start3A_658 = arith.constant 35328 : i32
    %dma_start3A_659 = tpu.memref_slice %arg2[%add3A, %dma_start3A_658] : memref<32x50048xi32, #tpu.memory_space<hbm>> -> memref<1x2944xi32, #tpu.memory_space<hbm>>
    %dma_start3A_660 = tpu.memref_squeeze %dma_start3A_659 : memref<1x2944xi32, #tpu.memory_space<hbm>> -> memref<2944xi32, #tpu.memory_space<hbm>>
    %dma_start3A_661 = arith.constant 35328 : i32
    %dma_start3A_662 = tpu.memref_slice %arg2[%add3A, %dma_start3A_661] : memref<32x50048xi32, #tpu.memory_space<hbm>> -> memref<1x2944xi32, #tpu.memory_space<hbm>>
    %dma_start3A_663 = tpu.memref_squeeze %dma_start3A_662 : memref<1x2944xi32, #tpu.memory_space<hbm>> -> memref<2944xi32, #tpu.memory_space<hbm>>
    tpu.enqueue_dma source(%dma_start3A_663 : memref<2944xi32, #tpu.memory_space<hbm>>) target(%arg4 : memref<2944xi32, #tpu.memory_space<vmem>>) target_semaphore(%arg7 : memref<!tpu.dma_semaphore, #tpu.memory_space<semaphore_mem>>)
    %dma_wait3A_664 = arith.constant 32384 : i32
    %dma_wait3A_665 = tpu.memref_slice %arg2[%add3A, %dma_wait3A_664] : memref<32x50048xi32, #tpu.memory_space<hbm>> -> memref<1x2944xi32, #tpu.memory_space<hbm>>
    %dma_wait3A_666 = tpu.memref_squeeze %dma_wait3A_665 : memref<1x2944xi32, #tpu.memory_space<hbm>> -> memref<2944xi32, #tpu.memory_space<hbm>>
    %dma_wait3A_667 = arith.constant 32384 : i32
    %dma_wait3A_668 = tpu.memref_slice %arg2[%add3A, %dma_wait3A_667] : memref<32x50048xi32, #tpu.memory_space<hbm>> -> memref<1x2944xi32, #tpu.memory_space<hbm>>
    %dma_wait3A_669 = tpu.memref_squeeze %dma_wait3A_668 : memref<1x2944xi32, #tpu.memory_space<hbm>> -> memref<2944xi32, #tpu.memory_space<hbm>>
    tpu.wait_dma2 semaphore(%arg8 : memref<!tpu.dma_semaphore, #tpu.memory_space<semaphore_mem>>) src(%dma_wait3A_669 : memref<2944xi32, #tpu.memory_space<hbm>>) dst(%arg5 : memref<2944xi32, #tpu.memory_space<vmem>>)
    %scan3A_670 = arith.constant 0 : i32
    %scan3A_671 = arith.constant 0 : i32
    %scan3A_672 = arith.constant 46 : i32
    %scan3A_673 = arith.addi %scan3A_671, %scan3A_672 : i32
    %scan3A_674 = arith.constant 1 : i32
    scf.for %scan3A_760 = %scan3A_671 to %scan3A_673 step %scan3A_674  : i32 {
      %mul3A_761 = arith.constant 64 : i32
      %mul3A_762 = arith.muli %scan3A_760, %mul3A_761 : i32
      %add3A_763 = arith.constant 0 : i32
      %add3A_764 = arith.addi %mul3A_762, %add3A_763 : i32
      %get3A = arith.index_cast %add3A_764 : i32 to index
      %get3A_765 = tpu.vector_load %arg5[%get3A] {strides = array<i32>} : memref<2944xi32, #tpu.memory_space<vmem>>, vector<16xi32>,
      %and3A = arith.constant 65535 : i32
      %and3A_766 = vector.broadcast %and3A : i32 to vector<16xi32>
      %and3A_767 = arith.andi %get3A_765, %and3A_766 : vector<16xi32>
      %shift_right_logical3A = arith.constant 16 : i32
      %shift_right_logical3A_768 = vector.broadcast %shift_right_logical3A : i32 to vector<16xi32>
      %shift_right_logical3A_769 = arith.shrui %get3A_765, %shift_right_logical3A_768 : vector<16xi32>
      %add3A_770 = arith.addi %mul3A_3, %and3A_767 : vector<16xi32>
      tpu.vector_store_idx %arg6[%add3A_770], %broadcast_in_dim3A_7 {add = true} : memref<3584xf32, #tpu.memory_space<vmem>>[vector<16xi32>], vector<16xf32>,
      %add3A_771 = arith.addi %add3A_6, %shift_right_logical3A_769 : vector<16xi32>
      tpu.vector_store_idx %arg6[%add3A_771], %broadcast_in_dim3A_7 {add = true} : memref<3584xf32, #tpu.memory_space<vmem>>[vector<16xi32>], vector<16xf32>,
      %add3A_772 = arith.constant 16 : i32
      %add3A_773 = arith.addi %mul3A_762, %add3A_772 : i32
      %get3A_774 = arith.index_cast %add3A_773 : i32 to index
      %get3A_775 = tpu.vector_load %arg5[%get3A_774] {strides = array<i32>} : memref<2944xi32, #tpu.memory_space<vmem>>, vector<16xi32>,
      %and3A_776 = arith.constant 65535 : i32
      %and3A_777 = vector.broadcast %and3A_776 : i32 to vector<16xi32>
      %and3A_778 = arith.andi %get3A_775, %and3A_777 : vector<16xi32>
      %shift_right_logical3A_779 = arith.constant 16 : i32
      %shift_right_logical3A_780 = vector.broadcast %shift_right_logical3A_779 : i32 to vector<16xi32>
      %shift_right_logical3A_781 = arith.shrui %get3A_775, %shift_right_logical3A_780 : vector<16xi32>
      %add3A_782 = arith.addi %mul3A_3, %and3A_778 : vector<16xi32>
      tpu.vector_store_idx %arg6[%add3A_782], %broadcast_in_dim3A_7 {add = true} : memref<3584xf32, #tpu.memory_space<vmem>>[vector<16xi32>], vector<16xf32>,
      %add3A_783 = arith.addi %add3A_6, %shift_right_logical3A_781 : vector<16xi32>
      tpu.vector_store_idx %arg6[%add3A_783], %broadcast_in_dim3A_7 {add = true} : memref<3584xf32, #tpu.memory_space<vmem>>[vector<16xi32>], vector<16xf32>,
      %add3A_784 = arith.constant 32 : i32
      %add3A_785 = arith.addi %mul3A_762, %add3A_784 : i32
      %get3A_786 = arith.index_cast %add3A_785 : i32 to index
      %get3A_787 = tpu.vector_load %arg5[%get3A_786] {strides = array<i32>} : memref<2944xi32, #tpu.memory_space<vmem>>, vector<16xi32>,
      %and3A_788 = arith.constant 65535 : i32
      %and3A_789 = vector.broadcast %and3A_788 : i32 to vector<16xi32>
      %and3A_790 = arith.andi %get3A_787, %and3A_789 : vector<16xi32>
      %shift_right_logical3A_791 = arith.constant 16 : i32
      %shift_right_logical3A_792 = vector.broadcast %shift_right_logical3A_791 : i32 to vector<16xi32>
      %shift_right_logical3A_793 = arith.shrui %get3A_787, %shift_right_logical3A_792 : vector<16xi32>
      %add3A_794 = arith.addi %mul3A_3, %and3A_790 : vector<16xi32>
      tpu.vector_store_idx %arg6[%add3A_794], %broadcast_in_dim3A_7 {add = true} : memref<3584xf32, #tpu.memory_space<vmem>>[vector<16xi32>], vector<16xf32>,
      %add3A_795 = arith.addi %add3A_6, %shift_right_logical3A_793 : vector<16xi32>
      tpu.vector_store_idx %arg6[%add3A_795], %broadcast_in_dim3A_7 {add = true} : memref<3584xf32, #tpu.memory_space<vmem>>[vector<16xi32>], vector<16xf32>,
      %add3A_796 = arith.constant 48 : i32
      %add3A_797 = arith.addi %mul3A_762, %add3A_796 : i32
      %get3A_798 = arith.index_cast %add3A_797 : i32 to index
      %get3A_799 = tpu.vector_load %arg5[%get3A_798] {strides = array<i32>} : memref<2944xi32, #tpu.memory_space<vmem>>, vector<16xi32>,
      %and3A_800 = arith.constant 65535 : i32
      %and3A_801 = vector.broadcast %and3A_800 : i32 to vector<16xi32>
      %and3A_802 = arith.andi %get3A_799, %and3A_801 : vector<16xi32>
      %shift_right_logical3A_803 = arith.constant 16 : i32
      %shift_right_logical3A_804 = vector.broadcast %shift_right_logical3A_803 : i32 to vector<16xi32>
      %shift_right_logical3A_805 = arith.shrui %get3A_799, %shift_right_logical3A_804 : vector<16xi32>
      %add3A_806 = arith.addi %mul3A_3, %and3A_802 : vector<16xi32>
      tpu.vector_store_idx %arg6[%add3A_806], %broadcast_in_dim3A_7 {add = true} : memref<3584xf32, #tpu.memory_space<vmem>>[vector<16xi32>], vector<16xf32>,
      %add3A_807 = arith.addi %add3A_6, %shift_right_logical3A_805 : vector<16xi32>
      tpu.vector_store_idx %arg6[%add3A_807], %broadcast_in_dim3A_7 {add = true} : memref<3584xf32, #tpu.memory_space<vmem>>[vector<16xi32>], vector<16xf32>,
    }
    %scan3A_675 = arith.constant 46 : i32
    %dma_start3A_676 = arith.constant 38272 : i32
    %dma_start3A_677 = tpu.memref_slice %arg2[%add3A, %dma_start3A_676] : memref<32x50048xi32, #tpu.memory_space<hbm>> -> memref<1x2944xi32, #tpu.memory_space<hbm>>
    %dma_start3A_678 = tpu.memref_squeeze %dma_start3A_677 : memref<1x2944xi32, #tpu.memory_space<hbm>> -> memref<2944xi32, #tpu.memory_space<hbm>>
    %dma_start3A_679 = arith.constant 38272 : i32
    %dma_start3A_680 = tpu.memref_slice %arg2[%add3A, %dma_start3A_679] : memref<32x50048xi32, #tpu.memory_space<hbm>> -> memref<1x2944xi32, #tpu.memory_space<hbm>>
    %dma_start3A_681 = tpu.memref_squeeze %dma_start3A_680 : memref<1x2944xi32, #tpu.memory_space<hbm>> -> memref<2944xi32, #tpu.memory_space<hbm>>
    tpu.enqueue_dma source(%dma_start3A_681 : memref<2944xi32, #tpu.memory_space<hbm>>) target(%arg5 : memref<2944xi32, #tpu.memory_space<vmem>>) target_semaphore(%arg8 : memref<!tpu.dma_semaphore, #tpu.memory_space<semaphore_mem>>)
    %dma_wait3A_682 = arith.constant 35328 : i32
    %dma_wait3A_683 = tpu.memref_slice %arg2[%add3A, %dma_wait3A_682] : memref<32x50048xi32, #tpu.memory_space<hbm>> -> memref<1x2944xi32, #tpu.memory_space<hbm>>
    %dma_wait3A_684 = tpu.memref_squeeze %dma_wait3A_683 : memref<1x2944xi32, #tpu.memory_space<hbm>> -> memref<2944xi32, #tpu.memory_space<hbm>>
    %dma_wait3A_685 = arith.constant 35328 : i32
    %dma_wait3A_686 = tpu.memref_slice %arg2[%add3A, %dma_wait3A_685] : memref<32x50048xi32, #tpu.memory_space<hbm>> -> memref<1x2944xi32, #tpu.memory_space<hbm>>
    %dma_wait3A_687 = tpu.memref_squeeze %dma_wait3A_686 : memref<1x2944xi32, #tpu.memory_space<hbm>> -> memref<2944xi32, #tpu.memory_space<hbm>>
    tpu.wait_dma2 semaphore(%arg7 : memref<!tpu.dma_semaphore, #tpu.memory_space<semaphore_mem>>) src(%dma_wait3A_687 : memref<2944xi32, #tpu.memory_space<hbm>>) dst(%arg4 : memref<2944xi32, #tpu.memory_space<vmem>>)
    %scan3A_688 = arith.constant 0 : i32
    %scan3A_689 = arith.constant 0 : i32
    %scan3A_690 = arith.constant 46 : i32
    %scan3A_691 = arith.addi %scan3A_689, %scan3A_690 : i32
    %scan3A_692 = arith.constant 1 : i32
    scf.for %scan3A_760 = %scan3A_689 to %scan3A_691 step %scan3A_692  : i32 {
      %mul3A_761 = arith.constant 64 : i32
      %mul3A_762 = arith.muli %scan3A_760, %mul3A_761 : i32
      %add3A_763 = arith.constant 0 : i32
      %add3A_764 = arith.addi %mul3A_762, %add3A_763 : i32
      %get3A = arith.index_cast %add3A_764 : i32 to index
      %get3A_765 = tpu.vector_load %arg4[%get3A] {strides = array<i32>} : memref<2944xi32, #tpu.memory_space<vmem>>, vector<16xi32>,
      %and3A = arith.constant 65535 : i32
      %and3A_766 = vector.broadcast %and3A : i32 to vector<16xi32>
      %and3A_767 = arith.andi %get3A_765, %and3A_766 : vector<16xi32>
      %shift_right_logical3A = arith.constant 16 : i32
      %shift_right_logical3A_768 = vector.broadcast %shift_right_logical3A : i32 to vector<16xi32>
      %shift_right_logical3A_769 = arith.shrui %get3A_765, %shift_right_logical3A_768 : vector<16xi32>
      %add3A_770 = arith.addi %mul3A_3, %and3A_767 : vector<16xi32>
      tpu.vector_store_idx %arg6[%add3A_770], %broadcast_in_dim3A_7 {add = true} : memref<3584xf32, #tpu.memory_space<vmem>>[vector<16xi32>], vector<16xf32>,
      %add3A_771 = arith.addi %add3A_6, %shift_right_logical3A_769 : vector<16xi32>
      tpu.vector_store_idx %arg6[%add3A_771], %broadcast_in_dim3A_7 {add = true} : memref<3584xf32, #tpu.memory_space<vmem>>[vector<16xi32>], vector<16xf32>,
      %add3A_772 = arith.constant 16 : i32
      %add3A_773 = arith.addi %mul3A_762, %add3A_772 : i32
      %get3A_774 = arith.index_cast %add3A_773 : i32 to index
      %get3A_775 = tpu.vector_load %arg4[%get3A_774] {strides = array<i32>} : memref<2944xi32, #tpu.memory_space<vmem>>, vector<16xi32>,
      %and3A_776 = arith.constant 65535 : i32
      %and3A_777 = vector.broadcast %and3A_776 : i32 to vector<16xi32>
      %and3A_778 = arith.andi %get3A_775, %and3A_777 : vector<16xi32>
      %shift_right_logical3A_779 = arith.constant 16 : i32
      %shift_right_logical3A_780 = vector.broadcast %shift_right_logical3A_779 : i32 to vector<16xi32>
      %shift_right_logical3A_781 = arith.shrui %get3A_775, %shift_right_logical3A_780 : vector<16xi32>
      %add3A_782 = arith.addi %mul3A_3, %and3A_778 : vector<16xi32>
      tpu.vector_store_idx %arg6[%add3A_782], %broadcast_in_dim3A_7 {add = true} : memref<3584xf32, #tpu.memory_space<vmem>>[vector<16xi32>], vector<16xf32>,
      %add3A_783 = arith.addi %add3A_6, %shift_right_logical3A_781 : vector<16xi32>
      tpu.vector_store_idx %arg6[%add3A_783], %broadcast_in_dim3A_7 {add = true} : memref<3584xf32, #tpu.memory_space<vmem>>[vector<16xi32>], vector<16xf32>,
      %add3A_784 = arith.constant 32 : i32
      %add3A_785 = arith.addi %mul3A_762, %add3A_784 : i32
      %get3A_786 = arith.index_cast %add3A_785 : i32 to index
      %get3A_787 = tpu.vector_load %arg4[%get3A_786] {strides = array<i32>} : memref<2944xi32, #tpu.memory_space<vmem>>, vector<16xi32>,
      %and3A_788 = arith.constant 65535 : i32
      %and3A_789 = vector.broadcast %and3A_788 : i32 to vector<16xi32>
      %and3A_790 = arith.andi %get3A_787, %and3A_789 : vector<16xi32>
      %shift_right_logical3A_791 = arith.constant 16 : i32
      %shift_right_logical3A_792 = vector.broadcast %shift_right_logical3A_791 : i32 to vector<16xi32>
      %shift_right_logical3A_793 = arith.shrui %get3A_787, %shift_right_logical3A_792 : vector<16xi32>
      %add3A_794 = arith.addi %mul3A_3, %and3A_790 : vector<16xi32>
      tpu.vector_store_idx %arg6[%add3A_794], %broadcast_in_dim3A_7 {add = true} : memref<3584xf32, #tpu.memory_space<vmem>>[vector<16xi32>], vector<16xf32>,
      %add3A_795 = arith.addi %add3A_6, %shift_right_logical3A_793 : vector<16xi32>
      tpu.vector_store_idx %arg6[%add3A_795], %broadcast_in_dim3A_7 {add = true} : memref<3584xf32, #tpu.memory_space<vmem>>[vector<16xi32>], vector<16xf32>,
      %add3A_796 = arith.constant 48 : i32
      %add3A_797 = arith.addi %mul3A_762, %add3A_796 : i32
      %get3A_798 = arith.index_cast %add3A_797 : i32 to index
      %get3A_799 = tpu.vector_load %arg4[%get3A_798] {strides = array<i32>} : memref<2944xi32, #tpu.memory_space<vmem>>, vector<16xi32>,
      %and3A_800 = arith.constant 65535 : i32
      %and3A_801 = vector.broadcast %and3A_800 : i32 to vector<16xi32>
      %and3A_802 = arith.andi %get3A_799, %and3A_801 : vector<16xi32>
      %shift_right_logical3A_803 = arith.constant 16 : i32
      %shift_right_logical3A_804 = vector.broadcast %shift_right_logical3A_803 : i32 to vector<16xi32>
      %shift_right_logical3A_805 = arith.shrui %get3A_799, %shift_right_logical3A_804 : vector<16xi32>
      %add3A_806 = arith.addi %mul3A_3, %and3A_802 : vector<16xi32>
      tpu.vector_store_idx %arg6[%add3A_806], %broadcast_in_dim3A_7 {add = true} : memref<3584xf32, #tpu.memory_space<vmem>>[vector<16xi32>], vector<16xf32>,
      %add3A_807 = arith.addi %add3A_6, %shift_right_logical3A_805 : vector<16xi32>
      tpu.vector_store_idx %arg6[%add3A_807], %broadcast_in_dim3A_7 {add = true} : memref<3584xf32, #tpu.memory_space<vmem>>[vector<16xi32>], vector<16xf32>,
    }
    %scan3A_693 = arith.constant 46 : i32
    %dma_start3A_694 = arith.constant 41216 : i32
    %dma_start3A_695 = tpu.memref_slice %arg2[%add3A, %dma_start3A_694] : memref<32x50048xi32, #tpu.memory_space<hbm>> -> memref<1x2944xi32, #tpu.memory_space<hbm>>
    %dma_start3A_696 = tpu.memref_squeeze %dma_start3A_695 : memref<1x2944xi32, #tpu.memory_space<hbm>> -> memref<2944xi32, #tpu.memory_space<hbm>>
    %dma_start3A_697 = arith.constant 41216 : i32
    %dma_start3A_698 = tpu.memref_slice %arg2[%add3A, %dma_start3A_697] : memref<32x50048xi32, #tpu.memory_space<hbm>> -> memref<1x2944xi32, #tpu.memory_space<hbm>>
    %dma_start3A_699 = tpu.memref_squeeze %dma_start3A_698 : memref<1x2944xi32, #tpu.memory_space<hbm>> -> memref<2944xi32, #tpu.memory_space<hbm>>
    tpu.enqueue_dma source(%dma_start3A_699 : memref<2944xi32, #tpu.memory_space<hbm>>) target(%arg4 : memref<2944xi32, #tpu.memory_space<vmem>>) target_semaphore(%arg7 : memref<!tpu.dma_semaphore, #tpu.memory_space<semaphore_mem>>)
    %dma_wait3A_700 = arith.constant 38272 : i32
    %dma_wait3A_701 = tpu.memref_slice %arg2[%add3A, %dma_wait3A_700] : memref<32x50048xi32, #tpu.memory_space<hbm>> -> memref<1x2944xi32, #tpu.memory_space<hbm>>
    %dma_wait3A_702 = tpu.memref_squeeze %dma_wait3A_701 : memref<1x2944xi32, #tpu.memory_space<hbm>> -> memref<2944xi32, #tpu.memory_space<hbm>>
    %dma_wait3A_703 = arith.constant 38272 : i32
    %dma_wait3A_704 = tpu.memref_slice %arg2[%add3A, %dma_wait3A_703] : memref<32x50048xi32, #tpu.memory_space<hbm>> -> memref<1x2944xi32, #tpu.memory_space<hbm>>
    %dma_wait3A_705 = tpu.memref_squeeze %dma_wait3A_704 : memref<1x2944xi32, #tpu.memory_space<hbm>> -> memref<2944xi32, #tpu.memory_space<hbm>>
    tpu.wait_dma2 semaphore(%arg8 : memref<!tpu.dma_semaphore, #tpu.memory_space<semaphore_mem>>) src(%dma_wait3A_705 : memref<2944xi32, #tpu.memory_space<hbm>>) dst(%arg5 : memref<2944xi32, #tpu.memory_space<vmem>>)
    %scan3A_706 = arith.constant 0 : i32
    %scan3A_707 = arith.constant 0 : i32
    %scan3A_708 = arith.constant 46 : i32
    %scan3A_709 = arith.addi %scan3A_707, %scan3A_708 : i32
    %scan3A_710 = arith.constant 1 : i32
    scf.for %scan3A_760 = %scan3A_707 to %scan3A_709 step %scan3A_710  : i32 {
      %mul3A_761 = arith.constant 64 : i32
      %mul3A_762 = arith.muli %scan3A_760, %mul3A_761 : i32
      %add3A_763 = arith.constant 0 : i32
      %add3A_764 = arith.addi %mul3A_762, %add3A_763 : i32
      %get3A = arith.index_cast %add3A_764 : i32 to index
      %get3A_765 = tpu.vector_load %arg5[%get3A] {strides = array<i32>} : memref<2944xi32, #tpu.memory_space<vmem>>, vector<16xi32>,
      %and3A = arith.constant 65535 : i32
      %and3A_766 = vector.broadcast %and3A : i32 to vector<16xi32>
      %and3A_767 = arith.andi %get3A_765, %and3A_766 : vector<16xi32>
      %shift_right_logical3A = arith.constant 16 : i32
      %shift_right_logical3A_768 = vector.broadcast %shift_right_logical3A : i32 to vector<16xi32>
      %shift_right_logical3A_769 = arith.shrui %get3A_765, %shift_right_logical3A_768 : vector<16xi32>
      %add3A_770 = arith.addi %mul3A_3, %and3A_767 : vector<16xi32>
      tpu.vector_store_idx %arg6[%add3A_770], %broadcast_in_dim3A_7 {add = true} : memref<3584xf32, #tpu.memory_space<vmem>>[vector<16xi32>], vector<16xf32>,
      %add3A_771 = arith.addi %add3A_6, %shift_right_logical3A_769 : vector<16xi32>
      tpu.vector_store_idx %arg6[%add3A_771], %broadcast_in_dim3A_7 {add = true} : memref<3584xf32, #tpu.memory_space<vmem>>[vector<16xi32>], vector<16xf32>,
      %add3A_772 = arith.constant 16 : i32
      %add3A_773 = arith.addi %mul3A_762, %add3A_772 : i32
      %get3A_774 = arith.index_cast %add3A_773 : i32 to index
      %get3A_775 = tpu.vector_load %arg5[%get3A_774] {strides = array<i32>} : memref<2944xi32, #tpu.memory_space<vmem>>, vector<16xi32>,
      %and3A_776 = arith.constant 65535 : i32
      %and3A_777 = vector.broadcast %and3A_776 : i32 to vector<16xi32>
      %and3A_778 = arith.andi %get3A_775, %and3A_777 : vector<16xi32>
      %shift_right_logical3A_779 = arith.constant 16 : i32
      %shift_right_logical3A_780 = vector.broadcast %shift_right_logical3A_779 : i32 to vector<16xi32>
      %shift_right_logical3A_781 = arith.shrui %get3A_775, %shift_right_logical3A_780 : vector<16xi32>
      %add3A_782 = arith.addi %mul3A_3, %and3A_778 : vector<16xi32>
      tpu.vector_store_idx %arg6[%add3A_782], %broadcast_in_dim3A_7 {add = true} : memref<3584xf32, #tpu.memory_space<vmem>>[vector<16xi32>], vector<16xf32>,
      %add3A_783 = arith.addi %add3A_6, %shift_right_logical3A_781 : vector<16xi32>
      tpu.vector_store_idx %arg6[%add3A_783], %broadcast_in_dim3A_7 {add = true} : memref<3584xf32, #tpu.memory_space<vmem>>[vector<16xi32>], vector<16xf32>,
      %add3A_784 = arith.constant 32 : i32
      %add3A_785 = arith.addi %mul3A_762, %add3A_784 : i32
      %get3A_786 = arith.index_cast %add3A_785 : i32 to index
      %get3A_787 = tpu.vector_load %arg5[%get3A_786] {strides = array<i32>} : memref<2944xi32, #tpu.memory_space<vmem>>, vector<16xi32>,
      %and3A_788 = arith.constant 65535 : i32
      %and3A_789 = vector.broadcast %and3A_788 : i32 to vector<16xi32>
      %and3A_790 = arith.andi %get3A_787, %and3A_789 : vector<16xi32>
      %shift_right_logical3A_791 = arith.constant 16 : i32
      %shift_right_logical3A_792 = vector.broadcast %shift_right_logical3A_791 : i32 to vector<16xi32>
      %shift_right_logical3A_793 = arith.shrui %get3A_787, %shift_right_logical3A_792 : vector<16xi32>
      %add3A_794 = arith.addi %mul3A_3, %and3A_790 : vector<16xi32>
      tpu.vector_store_idx %arg6[%add3A_794], %broadcast_in_dim3A_7 {add = true} : memref<3584xf32, #tpu.memory_space<vmem>>[vector<16xi32>], vector<16xf32>,
      %add3A_795 = arith.addi %add3A_6, %shift_right_logical3A_793 : vector<16xi32>
      tpu.vector_store_idx %arg6[%add3A_795], %broadcast_in_dim3A_7 {add = true} : memref<3584xf32, #tpu.memory_space<vmem>>[vector<16xi32>], vector<16xf32>,
      %add3A_796 = arith.constant 48 : i32
      %add3A_797 = arith.addi %mul3A_762, %add3A_796 : i32
      %get3A_798 = arith.index_cast %add3A_797 : i32 to index
      %get3A_799 = tpu.vector_load %arg5[%get3A_798] {strides = array<i32>} : memref<2944xi32, #tpu.memory_space<vmem>>, vector<16xi32>,
      %and3A_800 = arith.constant 65535 : i32
      %and3A_801 = vector.broadcast %and3A_800 : i32 to vector<16xi32>
      %and3A_802 = arith.andi %get3A_799, %and3A_801 : vector<16xi32>
      %shift_right_logical3A_803 = arith.constant 16 : i32
      %shift_right_logical3A_804 = vector.broadcast %shift_right_logical3A_803 : i32 to vector<16xi32>
      %shift_right_logical3A_805 = arith.shrui %get3A_799, %shift_right_logical3A_804 : vector<16xi32>
      %add3A_806 = arith.addi %mul3A_3, %and3A_802 : vector<16xi32>
      tpu.vector_store_idx %arg6[%add3A_806], %broadcast_in_dim3A_7 {add = true} : memref<3584xf32, #tpu.memory_space<vmem>>[vector<16xi32>], vector<16xf32>,
      %add3A_807 = arith.addi %add3A_6, %shift_right_logical3A_805 : vector<16xi32>
      tpu.vector_store_idx %arg6[%add3A_807], %broadcast_in_dim3A_7 {add = true} : memref<3584xf32, #tpu.memory_space<vmem>>[vector<16xi32>], vector<16xf32>,
    }
    %scan3A_711 = arith.constant 46 : i32
    %dma_start3A_712 = arith.constant 44160 : i32
    %dma_start3A_713 = tpu.memref_slice %arg2[%add3A, %dma_start3A_712] : memref<32x50048xi32, #tpu.memory_space<hbm>> -> memref<1x2944xi32, #tpu.memory_space<hbm>>
    %dma_start3A_714 = tpu.memref_squeeze %dma_start3A_713 : memref<1x2944xi32, #tpu.memory_space<hbm>> -> memref<2944xi32, #tpu.memory_space<hbm>>
    %dma_start3A_715 = arith.constant 44160 : i32
    %dma_start3A_716 = tpu.memref_slice %arg2[%add3A, %dma_start3A_715] : memref<32x50048xi32, #tpu.memory_space<hbm>> -> memref<1x2944xi32, #tpu.memory_space<hbm>>
    %dma_start3A_717 = tpu.memref_squeeze %dma_start3A_716 : memref<1x2944xi32, #tpu.memory_space<hbm>> -> memref<2944xi32, #tpu.memory_space<hbm>>
    tpu.enqueue_dma source(%dma_start3A_717 : memref<2944xi32, #tpu.memory_space<hbm>>) target(%arg5 : memref<2944xi32, #tpu.memory_space<vmem>>) target_semaphore(%arg8 : memref<!tpu.dma_semaphore, #tpu.memory_space<semaphore_mem>>)
    %dma_wait3A_718 = arith.constant 41216 : i32
    %dma_wait3A_719 = tpu.memref_slice %arg2[%add3A, %dma_wait3A_718] : memref<32x50048xi32, #tpu.memory_space<hbm>> -> memref<1x2944xi32, #tpu.memory_space<hbm>>
    %dma_wait3A_720 = tpu.memref_squeeze %dma_wait3A_719 : memref<1x2944xi32, #tpu.memory_space<hbm>> -> memref<2944xi32, #tpu.memory_space<hbm>>
    %dma_wait3A_721 = arith.constant 41216 : i32
    %dma_wait3A_722 = tpu.memref_slice %arg2[%add3A, %dma_wait3A_721] : memref<32x50048xi32, #tpu.memory_space<hbm>> -> memref<1x2944xi32, #tpu.memory_space<hbm>>
    %dma_wait3A_723 = tpu.memref_squeeze %dma_wait3A_722 : memref<1x2944xi32, #tpu.memory_space<hbm>> -> memref<2944xi32, #tpu.memory_space<hbm>>
    tpu.wait_dma2 semaphore(%arg7 : memref<!tpu.dma_semaphore, #tpu.memory_space<semaphore_mem>>) src(%dma_wait3A_723 : memref<2944xi32, #tpu.memory_space<hbm>>) dst(%arg4 : memref<2944xi32, #tpu.memory_space<vmem>>)
    %scan3A_724 = arith.constant 0 : i32
    %scan3A_725 = arith.constant 0 : i32
    %scan3A_726 = arith.constant 46 : i32
    %scan3A_727 = arith.addi %scan3A_725, %scan3A_726 : i32
    %scan3A_728 = arith.constant 1 : i32
    scf.for %scan3A_760 = %scan3A_725 to %scan3A_727 step %scan3A_728  : i32 {
      %mul3A_761 = arith.constant 64 : i32
      %mul3A_762 = arith.muli %scan3A_760, %mul3A_761 : i32
      %add3A_763 = arith.constant 0 : i32
      %add3A_764 = arith.addi %mul3A_762, %add3A_763 : i32
      %get3A = arith.index_cast %add3A_764 : i32 to index
      %get3A_765 = tpu.vector_load %arg4[%get3A] {strides = array<i32>} : memref<2944xi32, #tpu.memory_space<vmem>>, vector<16xi32>,
      %and3A = arith.constant 65535 : i32
      %and3A_766 = vector.broadcast %and3A : i32 to vector<16xi32>
      %and3A_767 = arith.andi %get3A_765, %and3A_766 : vector<16xi32>
      %shift_right_logical3A = arith.constant 16 : i32
      %shift_right_logical3A_768 = vector.broadcast %shift_right_logical3A : i32 to vector<16xi32>
      %shift_right_logical3A_769 = arith.shrui %get3A_765, %shift_right_logical3A_768 : vector<16xi32>
      %add3A_770 = arith.addi %mul3A_3, %and3A_767 : vector<16xi32>
      tpu.vector_store_idx %arg6[%add3A_770], %broadcast_in_dim3A_7 {add = true} : memref<3584xf32, #tpu.memory_space<vmem>>[vector<16xi32>], vector<16xf32>,
      %add3A_771 = arith.addi %add3A_6, %shift_right_logical3A_769 : vector<16xi32>
      tpu.vector_store_idx %arg6[%add3A_771], %broadcast_in_dim3A_7 {add = true} : memref<3584xf32, #tpu.memory_space<vmem>>[vector<16xi32>], vector<16xf32>,
      %add3A_772 = arith.constant 16 : i32
      %add3A_773 = arith.addi %mul3A_762, %add3A_772 : i32
      %get3A_774 = arith.index_cast %add3A_773 : i32 to index
      %get3A_775 = tpu.vector_load %arg4[%get3A_774] {strides = array<i32>} : memref<2944xi32, #tpu.memory_space<vmem>>, vector<16xi32>,
      %and3A_776 = arith.constant 65535 : i32
      %and3A_777 = vector.broadcast %and3A_776 : i32 to vector<16xi32>
      %and3A_778 = arith.andi %get3A_775, %and3A_777 : vector<16xi32>
      %shift_right_logical3A_779 = arith.constant 16 : i32
      %shift_right_logical3A_780 = vector.broadcast %shift_right_logical3A_779 : i32 to vector<16xi32>
      %shift_right_logical3A_781 = arith.shrui %get3A_775, %shift_right_logical3A_780 : vector<16xi32>
      %add3A_782 = arith.addi %mul3A_3, %and3A_778 : vector<16xi32>
      tpu.vector_store_idx %arg6[%add3A_782], %broadcast_in_dim3A_7 {add = true} : memref<3584xf32, #tpu.memory_space<vmem>>[vector<16xi32>], vector<16xf32>,
      %add3A_783 = arith.addi %add3A_6, %shift_right_logical3A_781 : vector<16xi32>
      tpu.vector_store_idx %arg6[%add3A_783], %broadcast_in_dim3A_7 {add = true} : memref<3584xf32, #tpu.memory_space<vmem>>[vector<16xi32>], vector<16xf32>,
      %add3A_784 = arith.constant 32 : i32
      %add3A_785 = arith.addi %mul3A_762, %add3A_784 : i32
      %get3A_786 = arith.index_cast %add3A_785 : i32 to index
      %get3A_787 = tpu.vector_load %arg4[%get3A_786] {strides = array<i32>} : memref<2944xi32, #tpu.memory_space<vmem>>, vector<16xi32>,
      %and3A_788 = arith.constant 65535 : i32
      %and3A_789 = vector.broadcast %and3A_788 : i32 to vector<16xi32>
      %and3A_790 = arith.andi %get3A_787, %and3A_789 : vector<16xi32>
      %shift_right_logical3A_791 = arith.constant 16 : i32
      %shift_right_logical3A_792 = vector.broadcast %shift_right_logical3A_791 : i32 to vector<16xi32>
      %shift_right_logical3A_793 = arith.shrui %get3A_787, %shift_right_logical3A_792 : vector<16xi32>
      %add3A_794 = arith.addi %mul3A_3, %and3A_790 : vector<16xi32>
      tpu.vector_store_idx %arg6[%add3A_794], %broadcast_in_dim3A_7 {add = true} : memref<3584xf32, #tpu.memory_space<vmem>>[vector<16xi32>], vector<16xf32>,
      %add3A_795 = arith.addi %add3A_6, %shift_right_logical3A_793 : vector<16xi32>
      tpu.vector_store_idx %arg6[%add3A_795], %broadcast_in_dim3A_7 {add = true} : memref<3584xf32, #tpu.memory_space<vmem>>[vector<16xi32>], vector<16xf32>,
      %add3A_796 = arith.constant 48 : i32
      %add3A_797 = arith.addi %mul3A_762, %add3A_796 : i32
      %get3A_798 = arith.index_cast %add3A_797 : i32 to index
      %get3A_799 = tpu.vector_load %arg4[%get3A_798] {strides = array<i32>} : memref<2944xi32, #tpu.memory_space<vmem>>, vector<16xi32>,
      %and3A_800 = arith.constant 65535 : i32
      %and3A_801 = vector.broadcast %and3A_800 : i32 to vector<16xi32>
      %and3A_802 = arith.andi %get3A_799, %and3A_801 : vector<16xi32>
      %shift_right_logical3A_803 = arith.constant 16 : i32
      %shift_right_logical3A_804 = vector.broadcast %shift_right_logical3A_803 : i32 to vector<16xi32>
      %shift_right_logical3A_805 = arith.shrui %get3A_799, %shift_right_logical3A_804 : vector<16xi32>
      %add3A_806 = arith.addi %mul3A_3, %and3A_802 : vector<16xi32>
      tpu.vector_store_idx %arg6[%add3A_806], %broadcast_in_dim3A_7 {add = true} : memref<3584xf32, #tpu.memory_space<vmem>>[vector<16xi32>], vector<16xf32>,
      %add3A_807 = arith.addi %add3A_6, %shift_right_logical3A_805 : vector<16xi32>
      tpu.vector_store_idx %arg6[%add3A_807], %broadcast_in_dim3A_7 {add = true} : memref<3584xf32, #tpu.memory_space<vmem>>[vector<16xi32>], vector<16xf32>,
    }
    %scan3A_729 = arith.constant 46 : i32
    %dma_start3A_730 = arith.constant 47104 : i32
    %dma_start3A_731 = tpu.memref_slice %arg2[%add3A, %dma_start3A_730] : memref<32x50048xi32, #tpu.memory_space<hbm>> -> memref<1x2944xi32, #tpu.memory_space<hbm>>
    %dma_start3A_732 = tpu.memref_squeeze %dma_start3A_731 : memref<1x2944xi32, #tpu.memory_space<hbm>> -> memref<2944xi32, #tpu.memory_space<hbm>>
    %dma_start3A_733 = arith.constant 47104 : i32
    %dma_start3A_734 = tpu.memref_slice %arg2[%add3A, %dma_start3A_733] : memref<32x50048xi32, #tpu.memory_space<hbm>> -> memref<1x2944xi32, #tpu.memory_space<hbm>>
    %dma_start3A_735 = tpu.memref_squeeze %dma_start3A_734 : memref<1x2944xi32, #tpu.memory_space<hbm>> -> memref<2944xi32, #tpu.memory_space<hbm>>
    tpu.enqueue_dma source(%dma_start3A_735 : memref<2944xi32, #tpu.memory_space<hbm>>) target(%arg4 : memref<2944xi32, #tpu.memory_space<vmem>>) target_semaphore(%arg7 : memref<!tpu.dma_semaphore, #tpu.memory_space<semaphore_mem>>)
    %dma_wait3A_736 = arith.constant 44160 : i32
    %dma_wait3A_737 = tpu.memref_slice %arg2[%add3A, %dma_wait3A_736] : memref<32x50048xi32, #tpu.memory_space<hbm>> -> memref<1x2944xi32, #tpu.memory_space<hbm>>
    %dma_wait3A_738 = tpu.memref_squeeze %dma_wait3A_737 : memref<1x2944xi32, #tpu.memory_space<hbm>> -> memref<2944xi32, #tpu.memory_space<hbm>>
    %dma_wait3A_739 = arith.constant 44160 : i32
    %dma_wait3A_740 = tpu.memref_slice %arg2[%add3A, %dma_wait3A_739] : memref<32x50048xi32, #tpu.memory_space<hbm>> -> memref<1x2944xi32, #tpu.memory_space<hbm>>
    %dma_wait3A_741 = tpu.memref_squeeze %dma_wait3A_740 : memref<1x2944xi32, #tpu.memory_space<hbm>> -> memref<2944xi32, #tpu.memory_space<hbm>>
    tpu.wait_dma2 semaphore(%arg8 : memref<!tpu.dma_semaphore, #tpu.memory_space<semaphore_mem>>) src(%dma_wait3A_741 : memref<2944xi32, #tpu.memory_space<hbm>>) dst(%arg5 : memref<2944xi32, #tpu.memory_space<vmem>>)
    %scan3A_742 = arith.constant 0 : i32
    %scan3A_743 = arith.constant 0 : i32
    %scan3A_744 = arith.constant 46 : i32
    %scan3A_745 = arith.addi %scan3A_743, %scan3A_744 : i32
    %scan3A_746 = arith.constant 1 : i32
    scf.for %scan3A_760 = %scan3A_743 to %scan3A_745 step %scan3A_746  : i32 {
      %mul3A_761 = arith.constant 64 : i32
      %mul3A_762 = arith.muli %scan3A_760, %mul3A_761 : i32
      %add3A_763 = arith.constant 0 : i32
      %add3A_764 = arith.addi %mul3A_762, %add3A_763 : i32
      %get3A = arith.index_cast %add3A_764 : i32 to index
      %get3A_765 = tpu.vector_load %arg5[%get3A] {strides = array<i32>} : memref<2944xi32, #tpu.memory_space<vmem>>, vector<16xi32>,
      %and3A = arith.constant 65535 : i32
      %and3A_766 = vector.broadcast %and3A : i32 to vector<16xi32>
      %and3A_767 = arith.andi %get3A_765, %and3A_766 : vector<16xi32>
      %shift_right_logical3A = arith.constant 16 : i32
      %shift_right_logical3A_768 = vector.broadcast %shift_right_logical3A : i32 to vector<16xi32>
      %shift_right_logical3A_769 = arith.shrui %get3A_765, %shift_right_logical3A_768 : vector<16xi32>
      %add3A_770 = arith.addi %mul3A_3, %and3A_767 : vector<16xi32>
      tpu.vector_store_idx %arg6[%add3A_770], %broadcast_in_dim3A_7 {add = true} : memref<3584xf32, #tpu.memory_space<vmem>>[vector<16xi32>], vector<16xf32>,
      %add3A_771 = arith.addi %add3A_6, %shift_right_logical3A_769 : vector<16xi32>
      tpu.vector_store_idx %arg6[%add3A_771], %broadcast_in_dim3A_7 {add = true} : memref<3584xf32, #tpu.memory_space<vmem>>[vector<16xi32>], vector<16xf32>,
      %add3A_772 = arith.constant 16 : i32
      %add3A_773 = arith.addi %mul3A_762, %add3A_772 : i32
      %get3A_774 = arith.index_cast %add3A_773 : i32 to index
      %get3A_775 = tpu.vector_load %arg5[%get3A_774] {strides = array<i32>} : memref<2944xi32, #tpu.memory_space<vmem>>, vector<16xi32>,
      %and3A_776 = arith.constant 65535 : i32
      %and3A_777 = vector.broadcast %and3A_776 : i32 to vector<16xi32>
      %and3A_778 = arith.andi %get3A_775, %and3A_777 : vector<16xi32>
      %shift_right_logical3A_779 = arith.constant 16 : i32
      %shift_right_logical3A_780 = vector.broadcast %shift_right_logical3A_779 : i32 to vector<16xi32>
      %shift_right_logical3A_781 = arith.shrui %get3A_775, %shift_right_logical3A_780 : vector<16xi32>
      %add3A_782 = arith.addi %mul3A_3, %and3A_778 : vector<16xi32>
      tpu.vector_store_idx %arg6[%add3A_782], %broadcast_in_dim3A_7 {add = true} : memref<3584xf32, #tpu.memory_space<vmem>>[vector<16xi32>], vector<16xf32>,
      %add3A_783 = arith.addi %add3A_6, %shift_right_logical3A_781 : vector<16xi32>
      tpu.vector_store_idx %arg6[%add3A_783], %broadcast_in_dim3A_7 {add = true} : memref<3584xf32, #tpu.memory_space<vmem>>[vector<16xi32>], vector<16xf32>,
      %add3A_784 = arith.constant 32 : i32
      %add3A_785 = arith.addi %mul3A_762, %add3A_784 : i32
      %get3A_786 = arith.index_cast %add3A_785 : i32 to index
      %get3A_787 = tpu.vector_load %arg5[%get3A_786] {strides = array<i32>} : memref<2944xi32, #tpu.memory_space<vmem>>, vector<16xi32>,
      %and3A_788 = arith.constant 65535 : i32
      %and3A_789 = vector.broadcast %and3A_788 : i32 to vector<16xi32>
      %and3A_790 = arith.andi %get3A_787, %and3A_789 : vector<16xi32>
      %shift_right_logical3A_791 = arith.constant 16 : i32
      %shift_right_logical3A_792 = vector.broadcast %shift_right_logical3A_791 : i32 to vector<16xi32>
      %shift_right_logical3A_793 = arith.shrui %get3A_787, %shift_right_logical3A_792 : vector<16xi32>
      %add3A_794 = arith.addi %mul3A_3, %and3A_790 : vector<16xi32>
      tpu.vector_store_idx %arg6[%add3A_794], %broadcast_in_dim3A_7 {add = true} : memref<3584xf32, #tpu.memory_space<vmem>>[vector<16xi32>], vector<16xf32>,
      %add3A_795 = arith.addi %add3A_6, %shift_right_logical3A_793 : vector<16xi32>
      tpu.vector_store_idx %arg6[%add3A_795], %broadcast_in_dim3A_7 {add = true} : memref<3584xf32, #tpu.memory_space<vmem>>[vector<16xi32>], vector<16xf32>,
      %add3A_796 = arith.constant 48 : i32
      %add3A_797 = arith.addi %mul3A_762, %add3A_796 : i32
      %get3A_798 = arith.index_cast %add3A_797 : i32 to index
      %get3A_799 = tpu.vector_load %arg5[%get3A_798] {strides = array<i32>} : memref<2944xi32, #tpu.memory_space<vmem>>, vector<16xi32>,
      %and3A_800 = arith.constant 65535 : i32
      %and3A_801 = vector.broadcast %and3A_800 : i32 to vector<16xi32>
      %and3A_802 = arith.andi %get3A_799, %and3A_801 : vector<16xi32>
      %shift_right_logical3A_803 = arith.constant 16 : i32
      %shift_right_logical3A_804 = vector.broadcast %shift_right_logical3A_803 : i32 to vector<16xi32>
      %shift_right_logical3A_805 = arith.shrui %get3A_799, %shift_right_logical3A_804 : vector<16xi32>
      %add3A_806 = arith.addi %mul3A_3, %and3A_802 : vector<16xi32>
      tpu.vector_store_idx %arg6[%add3A_806], %broadcast_in_dim3A_7 {add = true} : memref<3584xf32, #tpu.memory_space<vmem>>[vector<16xi32>], vector<16xf32>,
      %add3A_807 = arith.addi %add3A_6, %shift_right_logical3A_805 : vector<16xi32>
      tpu.vector_store_idx %arg6[%add3A_807], %broadcast_in_dim3A_7 {add = true} : memref<3584xf32, #tpu.memory_space<vmem>>[vector<16xi32>], vector<16xf32>,
    }
    %scan3A_747 = arith.constant 46 : i32
    %dma_wait3A_748 = arith.constant 47104 : i32
    %dma_wait3A_749 = tpu.memref_slice %arg2[%add3A, %dma_wait3A_748] : memref<32x50048xi32, #tpu.memory_space<hbm>> -> memref<1x2944xi32, #tpu.memory_space<hbm>>
    %dma_wait3A_750 = tpu.memref_squeeze %dma_wait3A_749 : memref<1x2944xi32, #tpu.memory_space<hbm>> -> memref<2944xi32, #tpu.memory_space<hbm>>
    %dma_wait3A_751 = arith.constant 47104 : i32
    %dma_wait3A_752 = tpu.memref_slice %arg2[%add3A, %dma_wait3A_751] : memref<32x50048xi32, #tpu.memory_space<hbm>> -> memref<1x2944xi32, #tpu.memory_space<hbm>>
    %dma_wait3A_753 = tpu.memref_squeeze %dma_wait3A_752 : memref<1x2944xi32, #tpu.memory_space<hbm>> -> memref<2944xi32, #tpu.memory_space<hbm>>
    tpu.wait_dma2 semaphore(%arg7 : memref<!tpu.dma_semaphore, #tpu.memory_space<semaphore_mem>>) src(%dma_wait3A_753 : memref<2944xi32, #tpu.memory_space<hbm>>) dst(%arg4 : memref<2944xi32, #tpu.memory_space<vmem>>)
    %scan3A_754 = arith.constant 0 : i32
    %scan3A_755 = arith.constant 0 : i32
    %scan3A_756 = arith.constant 46 : i32
    %scan3A_757 = arith.addi %scan3A_755, %scan3A_756 : i32
    %scan3A_758 = arith.constant 1 : i32
    scf.for %scan3A_760 = %scan3A_755 to %scan3A_757 step %scan3A_758  : i32 {
      %mul3A_761 = arith.constant 64 : i32
      %mul3A_762 = arith.muli %scan3A_760, %mul3A_761 : i32
      %add3A_763 = arith.constant 0 : i32
      %add3A_764 = arith.addi %mul3A_762, %add3A_763 : i32
      %get3A = arith.index_cast %add3A_764 : i32 to index
      %get3A_765 = tpu.vector_load %arg4[%get3A] {strides = array<i32>} : memref<2944xi32, #tpu.memory_space<vmem>>, vector<16xi32>,
      %and3A = arith.constant 65535 : i32
      %and3A_766 = vector.broadcast %and3A : i32 to vector<16xi32>
      %and3A_767 = arith.andi %get3A_765, %and3A_766 : vector<16xi32>
      %shift_right_logical3A = arith.constant 16 : i32
      %shift_right_logical3A_768 = vector.broadcast %shift_right_logical3A : i32 to vector<16xi32>
      %shift_right_logical3A_769 = arith.shrui %get3A_765, %shift_right_logical3A_768 : vector<16xi32>
      %add3A_770 = arith.addi %mul3A_3, %and3A_767 : vector<16xi32>
      tpu.vector_store_idx %arg6[%add3A_770], %broadcast_in_dim3A_7 {add = true} : memref<3584xf32, #tpu.memory_space<vmem>>[vector<16xi32>], vector<16xf32>,
      %add3A_771 = arith.addi %add3A_6, %shift_right_logical3A_769 : vector<16xi32>
      tpu.vector_store_idx %arg6[%add3A_771], %broadcast_in_dim3A_7 {add = true} : memref<3584xf32, #tpu.memory_space<vmem>>[vector<16xi32>], vector<16xf32>,
      %add3A_772 = arith.constant 16 : i32
      %add3A_773 = arith.addi %mul3A_762, %add3A_772 : i32
      %get3A_774 = arith.index_cast %add3A_773 : i32 to index
      %get3A_775 = tpu.vector_load %arg4[%get3A_774] {strides = array<i32>} : memref<2944xi32, #tpu.memory_space<vmem>>, vector<16xi32>,
      %and3A_776 = arith.constant 65535 : i32
      %and3A_777 = vector.broadcast %and3A_776 : i32 to vector<16xi32>
      %and3A_778 = arith.andi %get3A_775, %and3A_777 : vector<16xi32>
      %shift_right_logical3A_779 = arith.constant 16 : i32
      %shift_right_logical3A_780 = vector.broadcast %shift_right_logical3A_779 : i32 to vector<16xi32>
      %shift_right_logical3A_781 = arith.shrui %get3A_775, %shift_right_logical3A_780 : vector<16xi32>
      %add3A_782 = arith.addi %mul3A_3, %and3A_778 : vector<16xi32>
      tpu.vector_store_idx %arg6[%add3A_782], %broadcast_in_dim3A_7 {add = true} : memref<3584xf32, #tpu.memory_space<vmem>>[vector<16xi32>], vector<16xf32>,
      %add3A_783 = arith.addi %add3A_6, %shift_right_logical3A_781 : vector<16xi32>
      tpu.vector_store_idx %arg6[%add3A_783], %broadcast_in_dim3A_7 {add = true} : memref<3584xf32, #tpu.memory_space<vmem>>[vector<16xi32>], vector<16xf32>,
      %add3A_784 = arith.constant 32 : i32
      %add3A_785 = arith.addi %mul3A_762, %add3A_784 : i32
      %get3A_786 = arith.index_cast %add3A_785 : i32 to index
      %get3A_787 = tpu.vector_load %arg4[%get3A_786] {strides = array<i32>} : memref<2944xi32, #tpu.memory_space<vmem>>, vector<16xi32>,
      %and3A_788 = arith.constant 65535 : i32
      %and3A_789 = vector.broadcast %and3A_788 : i32 to vector<16xi32>
      %and3A_790 = arith.andi %get3A_787, %and3A_789 : vector<16xi32>
      %shift_right_logical3A_791 = arith.constant 16 : i32
      %shift_right_logical3A_792 = vector.broadcast %shift_right_logical3A_791 : i32 to vector<16xi32>
      %shift_right_logical3A_793 = arith.shrui %get3A_787, %shift_right_logical3A_792 : vector<16xi32>
      %add3A_794 = arith.addi %mul3A_3, %and3A_790 : vector<16xi32>
      tpu.vector_store_idx %arg6[%add3A_794], %broadcast_in_dim3A_7 {add = true} : memref<3584xf32, #tpu.memory_space<vmem>>[vector<16xi32>], vector<16xf32>,
      %add3A_795 = arith.addi %add3A_6, %shift_right_logical3A_793 : vector<16xi32>
      tpu.vector_store_idx %arg6[%add3A_795], %broadcast_in_dim3A_7 {add = true} : memref<3584xf32, #tpu.memory_space<vmem>>[vector<16xi32>], vector<16xf32>,
      %add3A_796 = arith.constant 48 : i32
      %add3A_797 = arith.addi %mul3A_762, %add3A_796 : i32
      %get3A_798 = arith.index_cast %add3A_797 : i32 to index
      %get3A_799 = tpu.vector_load %arg4[%get3A_798] {strides = array<i32>} : memref<2944xi32, #tpu.memory_space<vmem>>, vector<16xi32>,
      %and3A_800 = arith.constant 65535 : i32
      %and3A_801 = vector.broadcast %and3A_800 : i32 to vector<16xi32>
      %and3A_802 = arith.andi %get3A_799, %and3A_801 : vector<16xi32>
      %shift_right_logical3A_803 = arith.constant 16 : i32
      %shift_right_logical3A_804 = vector.broadcast %shift_right_logical3A_803 : i32 to vector<16xi32>
      %shift_right_logical3A_805 = arith.shrui %get3A_799, %shift_right_logical3A_804 : vector<16xi32>
      %add3A_806 = arith.addi %mul3A_3, %and3A_802 : vector<16xi32>
      tpu.vector_store_idx %arg6[%add3A_806], %broadcast_in_dim3A_7 {add = true} : memref<3584xf32, #tpu.memory_space<vmem>>[vector<16xi32>], vector<16xf32>,
      %add3A_807 = arith.addi %add3A_6, %shift_right_logical3A_805 : vector<16xi32>
      tpu.vector_store_idx %arg6[%add3A_807], %broadcast_in_dim3A_7 {add = true} : memref<3584xf32, #tpu.memory_space<vmem>>[vector<16xi32>], vector<16xf32>,
    }
    %scan3A_759 = arith.constant 46 : i32
    "tpu.region"() ({
      %run_scoped3A = tpu.sem_alloc : memref<!tpu.dma_semaphore, #tpu.memory_space<semaphore_mem>>
      %dma_start3A_760 = arith.constant 0 : i32
      %dma_start3A_761 = tpu.memref_slice %arg3[%add3A, %dma_start3A_760] : memref<32x3584xf32, #tpu.memory_space<hbm>> -> memref<1x3584xf32, #tpu.memory_space<hbm>>
      %dma_start3A_762 = tpu.memref_squeeze %dma_start3A_761 : memref<1x3584xf32, #tpu.memory_space<hbm>> -> memref<3584xf32, #tpu.memory_space<hbm>>
      %dma_start3A_763 = arith.constant 0 : i32
      %dma_start3A_764 = tpu.memref_slice %arg3[%add3A, %dma_start3A_763] : memref<32x3584xf32, #tpu.memory_space<hbm>> -> memref<1x3584xf32, #tpu.memory_space<hbm>>
      %dma_start3A_765 = tpu.memref_squeeze %dma_start3A_764 : memref<1x3584xf32, #tpu.memory_space<hbm>> -> memref<3584xf32, #tpu.memory_space<hbm>>
      tpu.enqueue_dma source(%arg6 : memref<3584xf32, #tpu.memory_space<vmem>>) target(%dma_start3A_765 : memref<3584xf32, #tpu.memory_space<hbm>>) target_semaphore(%run_scoped3A : memref<!tpu.dma_semaphore, #tpu.memory_space<semaphore_mem>>)
      %dma_wait3A_766 = arith.constant 0 : i32
      %dma_wait3A_767 = tpu.memref_slice %arg3[%add3A, %dma_wait3A_766] : memref<32x3584xf32, #tpu.memory_space<hbm>> -> memref<1x3584xf32, #tpu.memory_space<hbm>>
      %dma_wait3A_768 = tpu.memref_squeeze %dma_wait3A_767 : memref<1x3584xf32, #tpu.memory_space<hbm>> -> memref<3584xf32, #tpu.memory_space<hbm>>
      %dma_wait3A_769 = arith.constant 0 : i32
      %dma_wait3A_770 = tpu.memref_slice %arg3[%add3A, %dma_wait3A_769] : memref<32x3584xf32, #tpu.memory_space<hbm>> -> memref<1x3584xf32, #tpu.memory_space<hbm>>
      %dma_wait3A_771 = tpu.memref_squeeze %dma_wait3A_770 : memref<1x3584xf32, #tpu.memory_space<hbm>> -> memref<3584xf32, #tpu.memory_space<hbm>>
      tpu.wait_dma2 semaphore(%run_scoped3A : memref<!tpu.dma_semaphore, #tpu.memory_space<semaphore_mem>>) src(%arg6 : memref<3584xf32, #tpu.memory_space<vmem>>) dst(%dma_wait3A_771 : memref<3584xf32, #tpu.memory_space<hbm>>)
      tpu.yield
    }) : () -> ()
    return
  }
}

#map = affine_map<(d0, d1) -> (0, 0)>
module attributes {stable_mosaic.version = 14 : i64} {
  func.func @_sc_hist_body(%arg0: i32, %arg1: i32, %arg2: memref<32x50048xi32, #tpu.memory_space<hbm>>, %arg3: memref<32x3584xf32, #tpu.memory_space<hbm>>, %arg4: memref<2944xi32, #tpu.memory_space<vmem>>, %arg5: memref<2944xi32, #tpu.memory_space<vmem>>, %arg6: memref<3584xf32, #tpu.memory_space<vmem>>, %arg7: memref<!tpu.dma_semaphore, #tpu.memory_space<semaphore_mem>>, %arg8: memref<!tpu.dma_semaphore, #tpu.memory_space<semaphore_mem>>) attributes {dimension_semantics = [#tpu.dimension_semantics<core_parallel>, #tpu.dimension_semantics<subcore_parallel>], iteration_bounds = array<i64: 2, 16>, scalar_prefetch = 0 : i64, scratch_operands = 5 : i64, tpu.core_type = #tpu.core_type<sc_vector_subcore>, window_params = [{transform_indices = #map}, {transform_indices = #map}]} {
    %mul3A = arith.constant 2 : i32
    %mul3A_0 = arith.muli %arg1, %mul3A : i32
    %add3A = arith.addi %mul3A_0, %arg0 : i32
    %iota3A = tpu.iota {dimensions = array<i32: 0>} : vector<16xi32>
    %mul3A_1 = arith.constant 112 : i32
    %mul3A_2 = vector.broadcast %mul3A_1 : i32 to vector<16xi32>
    %mul3A_3 = arith.muli %iota3A, %mul3A_2 : vector<16xi32>
    %add3A_4 = arith.constant 1792 : i32
    %add3A_5 = vector.broadcast %add3A_4 : i32 to vector<16xi32>
    %add3A_6 = arith.addi %mul3A_3, %add3A_5 : vector<16xi32>
    %broadcast_in_dim3A = arith.constant 1.000000e+00 : f32
    %broadcast_in_dim3A_7 = vector.broadcast %broadcast_in_dim3A : f32 to vector<16xf32>
    %broadcast_in_dim3A_8 = arith.constant 0.000000e+00 : f32
    %broadcast_in_dim3A_9 = vector.broadcast %broadcast_in_dim3A_8 : f32 to vector<16xf32>
    %swap3A = arith.constant 0 : index
    %swap3A_10 = tpu.vector_load %arg6[%swap3A] {strides = array<i32>} : memref<3584xf32, #tpu.memory_space<vmem>>, vector<16xf32>,
    tpu.vector_store %arg6[%swap3A], %broadcast_in_dim3A_9 {strides = array<i32>} : memref<3584xf32, #tpu.memory_space<vmem>>, vector<16xf32>,
    %swap3A_11 = arith.constant 16 : index
    %swap3A_12 = tpu.vector_load %arg6[%swap3A_11] {strides = array<i32>} : memref<3584xf32, #tpu.memory_space<vmem>>, vector<16xf32>,
    tpu.vector_store %arg6[%swap3A_11], %broadcast_in_dim3A_9 {strides = array<i32>} : memref<3584xf32, #tpu.memory_space<vmem>>, vector<16xf32>,
    %swap3A_13 = arith.constant 32 : index
    %swap3A_14 = tpu.vector_load %arg6[%swap3A_13] {strides = array<i32>} : memref<3584xf32, #tpu.memory_space<vmem>>, vector<16xf32>,
    tpu.vector_store %arg6[%swap3A_13], %broadcast_in_dim3A_9 {strides = array<i32>} : memref<3584xf32, #tpu.memory_space<vmem>>, vector<16xf32>,
    %swap3A_15 = arith.constant 48 : index
    %swap3A_16 = tpu.vector_load %arg6[%swap3A_15] {strides = array<i32>} : memref<3584xf32, #tpu.memory_space<vmem>>, vector<16xf32>,
    tpu.vector_store %arg6[%swap3A_15], %broadcast_in_dim3A_9 {strides = array<i32>} : memref<3584xf32, #tpu.memory_space<vmem>>, vector<16xf32>,
    %swap3A_17 = arith.constant 64 : index
    %swap3A_18 = tpu.vector_load %arg6[%swap3A_17] {strides = array<i32>} : memref<3584xf32, #tpu.memory_space<vmem>>, vector<16xf32>,
    tpu.vector_store %arg6[%swap3A_17], %broadcast_in_dim3A_9 {strides = array<i32>} : memref<3584xf32, #tpu.memory_space<vmem>>, vector<16xf32>,
    %swap3A_19 = arith.constant 80 : index
    %swap3A_20 = tpu.vector_load %arg6[%swap3A_19] {strides = array<i32>} : memref<3584xf32, #tpu.memory_space<vmem>>, vector<16xf32>,
    tpu.vector_store %arg6[%swap3A_19], %broadcast_in_dim3A_9 {strides = array<i32>} : memref<3584xf32, #tpu.memory_space<vmem>>, vector<16xf32>,
    %swap3A_21 = arith.constant 96 : index
    %swap3A_22 = tpu.vector_load %arg6[%swap3A_21] {strides = array<i32>} : memref<3584xf32, #tpu.memory_space<vmem>>, vector<16xf32>,
    tpu.vector_store %arg6[%swap3A_21], %broadcast_in_dim3A_9 {strides = array<i32>} : memref<3584xf32, #tpu.memory_space<vmem>>, vector<16xf32>,
    %swap3A_23 = arith.constant 112 : index
    %swap3A_24 = tpu.vector_load %arg6[%swap3A_23] {strides = array<i32>} : memref<3584xf32, #tpu.memory_space<vmem>>, vector<16xf32>,
    tpu.vector_store %arg6[%swap3A_23], %broadcast_in_dim3A_9 {strides = array<i32>} : memref<3584xf32, #tpu.memory_space<vmem>>, vector<16xf32>,
    %swap3A_25 = arith.constant 128 : index
    %swap3A_26 = tpu.vector_load %arg6[%swap3A_25] {strides = array<i32>} : memref<3584xf32, #tpu.memory_space<vmem>>, vector<16xf32>,
    tpu.vector_store %arg6[%swap3A_25], %broadcast_in_dim3A_9 {strides = array<i32>} : memref<3584xf32, #tpu.memory_space<vmem>>, vector<16xf32>,
    %swap3A_27 = arith.constant 144 : index
    %swap3A_28 = tpu.vector_load %arg6[%swap3A_27] {strides = array<i32>} : memref<3584xf32, #tpu.memory_space<vmem>>, vector<16xf32>,
    tpu.vector_store %arg6[%swap3A_27], %broadcast_in_dim3A_9 {strides = array<i32>} : memref<3584xf32, #tpu.memory_space<vmem>>, vector<16xf32>,
    %swap3A_29 = arith.constant 160 : index
    %swap3A_30 = tpu.vector_load %arg6[%swap3A_29] {strides = array<i32>} : memref<3584xf32, #tpu.memory_space<vmem>>, vector<16xf32>,
    tpu.vector_store %arg6[%swap3A_29], %broadcast_in_dim3A_9 {strides = array<i32>} : memref<3584xf32, #tpu.memory_space<vmem>>, vector<16xf32>,
    %swap3A_31 = arith.constant 176 : index
    %swap3A_32 = tpu.vector_load %arg6[%swap3A_31] {strides = array<i32>} : memref<3584xf32, #tpu.memory_space<vmem>>, vector<16xf32>,
    tpu.vector_store %arg6[%swap3A_31], %broadcast_in_dim3A_9 {strides = array<i32>} : memref<3584xf32, #tpu.memory_space<vmem>>, vector<16xf32>,
    %swap3A_33 = arith.constant 192 : index
    %swap3A_34 = tpu.vector_load %arg6[%swap3A_33] {strides = array<i32>} : memref<3584xf32, #tpu.memory_space<vmem>>, vector<16xf32>,
    tpu.vector_store %arg6[%swap3A_33], %broadcast_in_dim3A_9 {strides = array<i32>} : memref<3584xf32, #tpu.memory_space<vmem>>, vector<16xf32>,
    %swap3A_35 = arith.constant 208 : index
    %swap3A_36 = tpu.vector_load %arg6[%swap3A_35] {strides = array<i32>} : memref<3584xf32, #tpu.memory_space<vmem>>, vector<16xf32>,
    tpu.vector_store %arg6[%swap3A_35], %broadcast_in_dim3A_9 {strides = array<i32>} : memref<3584xf32, #tpu.memory_space<vmem>>, vector<16xf32>,
    %swap3A_37 = arith.constant 224 : index
    %swap3A_38 = tpu.vector_load %arg6[%swap3A_37] {strides = array<i32>} : memref<3584xf32, #tpu.memory_space<vmem>>, vector<16xf32>,
    tpu.vector_store %arg6[%swap3A_37], %broadcast_in_dim3A_9 {strides = array<i32>} : memref<3584xf32, #tpu.memory_space<vmem>>, vector<16xf32>,
    %swap3A_39 = arith.constant 240 : index
    %swap3A_40 = tpu.vector_load %arg6[%swap3A_39] {strides = array<i32>} : memref<3584xf32, #tpu.memory_space<vmem>>, vector<16xf32>,
    tpu.vector_store %arg6[%swap3A_39], %broadcast_in_dim3A_9 {strides = array<i32>} : memref<3584xf32, #tpu.memory_space<vmem>>, vector<16xf32>,
    %swap3A_41 = arith.constant 256 : index
    %swap3A_42 = tpu.vector_load %arg6[%swap3A_41] {strides = array<i32>} : memref<3584xf32, #tpu.memory_space<vmem>>, vector<16xf32>,
    tpu.vector_store %arg6[%swap3A_41], %broadcast_in_dim3A_9 {strides = array<i32>} : memref<3584xf32, #tpu.memory_space<vmem>>, vector<16xf32>,
    %swap3A_43 = arith.constant 272 : index
    %swap3A_44 = tpu.vector_load %arg6[%swap3A_43] {strides = array<i32>} : memref<3584xf32, #tpu.memory_space<vmem>>, vector<16xf32>,
    tpu.vector_store %arg6[%swap3A_43], %broadcast_in_dim3A_9 {strides = array<i32>} : memref<3584xf32, #tpu.memory_space<vmem>>, vector<16xf32>,
    %swap3A_45 = arith.constant 288 : index
    %swap3A_46 = tpu.vector_load %arg6[%swap3A_45] {strides = array<i32>} : memref<3584xf32, #tpu.memory_space<vmem>>, vector<16xf32>,
    tpu.vector_store %arg6[%swap3A_45], %broadcast_in_dim3A_9 {strides = array<i32>} : memref<3584xf32, #tpu.memory_space<vmem>>, vector<16xf32>,
    %swap3A_47 = arith.constant 304 : index
    %swap3A_48 = tpu.vector_load %arg6[%swap3A_47] {strides = array<i32>} : memref<3584xf32, #tpu.memory_space<vmem>>, vector<16xf32>,
    tpu.vector_store %arg6[%swap3A_47], %broadcast_in_dim3A_9 {strides = array<i32>} : memref<3584xf32, #tpu.memory_space<vmem>>, vector<16xf32>,
    %swap3A_49 = arith.constant 320 : index
    %swap3A_50 = tpu.vector_load %arg6[%swap3A_49] {strides = array<i32>} : memref<3584xf32, #tpu.memory_space<vmem>>, vector<16xf32>,
    tpu.vector_store %arg6[%swap3A_49], %broadcast_in_dim3A_9 {strides = array<i32>} : memref<3584xf32, #tpu.memory_space<vmem>>, vector<16xf32>,
    %swap3A_51 = arith.constant 336 : index
    %swap3A_52 = tpu.vector_load %arg6[%swap3A_51] {strides = array<i32>} : memref<3584xf32, #tpu.memory_space<vmem>>, vector<16xf32>,
    tpu.vector_store %arg6[%swap3A_51], %broadcast_in_dim3A_9 {strides = array<i32>} : memref<3584xf32, #tpu.memory_space<vmem>>, vector<16xf32>,
    %swap3A_53 = arith.constant 352 : index
    %swap3A_54 = tpu.vector_load %arg6[%swap3A_53] {strides = array<i32>} : memref<3584xf32, #tpu.memory_space<vmem>>, vector<16xf32>,
    tpu.vector_store %arg6[%swap3A_53], %broadcast_in_dim3A_9 {strides = array<i32>} : memref<3584xf32, #tpu.memory_space<vmem>>, vector<16xf32>,
    %swap3A_55 = arith.constant 368 : index
    %swap3A_56 = tpu.vector_load %arg6[%swap3A_55] {strides = array<i32>} : memref<3584xf32, #tpu.memory_space<vmem>>, vector<16xf32>,
    tpu.vector_store %arg6[%swap3A_55], %broadcast_in_dim3A_9 {strides = array<i32>} : memref<3584xf32, #tpu.memory_space<vmem>>, vector<16xf32>,
    %swap3A_57 = arith.constant 384 : index
    %swap3A_58 = tpu.vector_load %arg6[%swap3A_57] {strides = array<i32>} : memref<3584xf32, #tpu.memory_space<vmem>>, vector<16xf32>,
    tpu.vector_store %arg6[%swap3A_57], %broadcast_in_dim3A_9 {strides = array<i32>} : memref<3584xf32, #tpu.memory_space<vmem>>, vector<16xf32>,
    %swap3A_59 = arith.constant 400 : index
    %swap3A_60 = tpu.vector_load %arg6[%swap3A_59] {strides = array<i32>} : memref<3584xf32, #tpu.memory_space<vmem>>, vector<16xf32>,
    tpu.vector_store %arg6[%swap3A_59], %broadcast_in_dim3A_9 {strides = array<i32>} : memref<3584xf32, #tpu.memory_space<vmem>>, vector<16xf32>,
    %swap3A_61 = arith.constant 416 : index
    %swap3A_62 = tpu.vector_load %arg6[%swap3A_61] {strides = array<i32>} : memref<3584xf32, #tpu.memory_space<vmem>>, vector<16xf32>,
    tpu.vector_store %arg6[%swap3A_61], %broadcast_in_dim3A_9 {strides = array<i32>} : memref<3584xf32, #tpu.memory_space<vmem>>, vector<16xf32>,
    %swap3A_63 = arith.constant 432 : index
    %swap3A_64 = tpu.vector_load %arg6[%swap3A_63] {strides = array<i32>} : memref<3584xf32, #tpu.memory_space<vmem>>, vector<16xf32>,
    tpu.vector_store %arg6[%swap3A_63], %broadcast_in_dim3A_9 {strides = array<i32>} : memref<3584xf32, #tpu.memory_space<vmem>>, vector<16xf32>,
    %swap3A_65 = arith.constant 448 : index
    %swap3A_66 = tpu.vector_load %arg6[%swap3A_65] {strides = array<i32>} : memref<3584xf32, #tpu.memory_space<vmem>>, vector<16xf32>,
    tpu.vector_store %arg6[%swap3A_65], %broadcast_in_dim3A_9 {strides = array<i32>} : memref<3584xf32, #tpu.memory_space<vmem>>, vector<16xf32>,
    %swap3A_67 = arith.constant 464 : index
    %swap3A_68 = tpu.vector_load %arg6[%swap3A_67] {strides = array<i32>} : memref<3584xf32, #tpu.memory_space<vmem>>, vector<16xf32>,
    tpu.vector_store %arg6[%swap3A_67], %broadcast_in_dim3A_9 {strides = array<i32>} : memref<3584xf32, #tpu.memory_space<vmem>>, vector<16xf32>,
    %swap3A_69 = arith.constant 480 : index
    %swap3A_70 = tpu.vector_load %arg6[%swap3A_69] {strides = array<i32>} : memref<3584xf32, #tpu.memory_space<vmem>>, vector<16xf32>,
    tpu.vector_store %arg6[%swap3A_69], %broadcast_in_dim3A_9 {strides = array<i32>} : memref<3584xf32, #tpu.memory_space<vmem>>, vector<16xf32>,
    %swap3A_71 = arith.constant 496 : index
    %swap3A_72 = tpu.vector_load %arg6[%swap3A_71] {strides = array<i32>} : memref<3584xf32, #tpu.memory_space<vmem>>, vector<16xf32>,
    tpu.vector_store %arg6[%swap3A_71], %broadcast_in_dim3A_9 {strides = array<i32>} : memref<3584xf32, #tpu.memory_space<vmem>>, vector<16xf32>,
    %swap3A_73 = arith.constant 512 : index
    %swap3A_74 = tpu.vector_load %arg6[%swap3A_73] {strides = array<i32>} : memref<3584xf32, #tpu.memory_space<vmem>>, vector<16xf32>,
    tpu.vector_store %arg6[%swap3A_73], %broadcast_in_dim3A_9 {strides = array<i32>} : memref<3584xf32, #tpu.memory_space<vmem>>, vector<16xf32>,
    %swap3A_75 = arith.constant 528 : index
    %swap3A_76 = tpu.vector_load %arg6[%swap3A_75] {strides = array<i32>} : memref<3584xf32, #tpu.memory_space<vmem>>, vector<16xf32>,
    tpu.vector_store %arg6[%swap3A_75], %broadcast_in_dim3A_9 {strides = array<i32>} : memref<3584xf32, #tpu.memory_space<vmem>>, vector<16xf32>,
    %swap3A_77 = arith.constant 544 : index
    %swap3A_78 = tpu.vector_load %arg6[%swap3A_77] {strides = array<i32>} : memref<3584xf32, #tpu.memory_space<vmem>>, vector<16xf32>,
    tpu.vector_store %arg6[%swap3A_77], %broadcast_in_dim3A_9 {strides = array<i32>} : memref<3584xf32, #tpu.memory_space<vmem>>, vector<16xf32>,
    %swap3A_79 = arith.constant 560 : index
    %swap3A_80 = tpu.vector_load %arg6[%swap3A_79] {strides = array<i32>} : memref<3584xf32, #tpu.memory_space<vmem>>, vector<16xf32>,
    tpu.vector_store %arg6[%swap3A_79], %broadcast_in_dim3A_9 {strides = array<i32>} : memref<3584xf32, #tpu.memory_space<vmem>>, vector<16xf32>,
    %swap3A_81 = arith.constant 576 : index
    %swap3A_82 = tpu.vector_load %arg6[%swap3A_81] {strides = array<i32>} : memref<3584xf32, #tpu.memory_space<vmem>>, vector<16xf32>,
    tpu.vector_store %arg6[%swap3A_81], %broadcast_in_dim3A_9 {strides = array<i32>} : memref<3584xf32, #tpu.memory_space<vmem>>, vector<16xf32>,
    %swap3A_83 = arith.constant 592 : index
    %swap3A_84 = tpu.vector_load %arg6[%swap3A_83] {strides = array<i32>} : memref<3584xf32, #tpu.memory_space<vmem>>, vector<16xf32>,
    tpu.vector_store %arg6[%swap3A_83], %broadcast_in_dim3A_9 {strides = array<i32>} : memref<3584xf32, #tpu.memory_space<vmem>>, vector<16xf32>,
    %swap3A_85 = arith.constant 608 : index
    %swap3A_86 = tpu.vector_load %arg6[%swap3A_85] {strides = array<i32>} : memref<3584xf32, #tpu.memory_space<vmem>>, vector<16xf32>,
    tpu.vector_store %arg6[%swap3A_85], %broadcast_in_dim3A_9 {strides = array<i32>} : memref<3584xf32, #tpu.memory_space<vmem>>, vector<16xf32>,
    %swap3A_87 = arith.constant 624 : index
    %swap3A_88 = tpu.vector_load %arg6[%swap3A_87] {strides = array<i32>} : memref<3584xf32, #tpu.memory_space<vmem>>, vector<16xf32>,
    tpu.vector_store %arg6[%swap3A_87], %broadcast_in_dim3A_9 {strides = array<i32>} : memref<3584xf32, #tpu.memory_space<vmem>>, vector<16xf32>,
    %swap3A_89 = arith.constant 640 : index
    %swap3A_90 = tpu.vector_load %arg6[%swap3A_89] {strides = array<i32>} : memref<3584xf32, #tpu.memory_space<vmem>>, vector<16xf32>,
    tpu.vector_store %arg6[%swap3A_89], %broadcast_in_dim3A_9 {strides = array<i32>} : memref<3584xf32, #tpu.memory_space<vmem>>, vector<16xf32>,
    %swap3A_91 = arith.constant 656 : index
    %swap3A_92 = tpu.vector_load %arg6[%swap3A_91] {strides = array<i32>} : memref<3584xf32, #tpu.memory_space<vmem>>, vector<16xf32>,
    tpu.vector_store %arg6[%swap3A_91], %broadcast_in_dim3A_9 {strides = array<i32>} : memref<3584xf32, #tpu.memory_space<vmem>>, vector<16xf32>,
    %swap3A_93 = arith.constant 672 : index
    %swap3A_94 = tpu.vector_load %arg6[%swap3A_93] {strides = array<i32>} : memref<3584xf32, #tpu.memory_space<vmem>>, vector<16xf32>,
    tpu.vector_store %arg6[%swap3A_93], %broadcast_in_dim3A_9 {strides = array<i32>} : memref<3584xf32, #tpu.memory_space<vmem>>, vector<16xf32>,
    %swap3A_95 = arith.constant 688 : index
    %swap3A_96 = tpu.vector_load %arg6[%swap3A_95] {strides = array<i32>} : memref<3584xf32, #tpu.memory_space<vmem>>, vector<16xf32>,
    tpu.vector_store %arg6[%swap3A_95], %broadcast_in_dim3A_9 {strides = array<i32>} : memref<3584xf32, #tpu.memory_space<vmem>>, vector<16xf32>,
    %swap3A_97 = arith.constant 704 : index
    %swap3A_98 = tpu.vector_load %arg6[%swap3A_97] {strides = array<i32>} : memref<3584xf32, #tpu.memory_space<vmem>>, vector<16xf32>,
    tpu.vector_store %arg6[%swap3A_97], %broadcast_in_dim3A_9 {strides = array<i32>} : memref<3584xf32, #tpu.memory_space<vmem>>, vector<16xf32>,
    %swap3A_99 = arith.constant 720 : index
    %swap3A_100 = tpu.vector_load %arg6[%swap3A_99] {strides = array<i32>} : memref<3584xf32, #tpu.memory_space<vmem>>, vector<16xf32>,
    tpu.vector_store %arg6[%swap3A_99], %broadcast_in_dim3A_9 {strides = array<i32>} : memref<3584xf32, #tpu.memory_space<vmem>>, vector<16xf32>,
    %swap3A_101 = arith.constant 736 : index
    %swap3A_102 = tpu.vector_load %arg6[%swap3A_101] {strides = array<i32>} : memref<3584xf32, #tpu.memory_space<vmem>>, vector<16xf32>,
    tpu.vector_store %arg6[%swap3A_101], %broadcast_in_dim3A_9 {strides = array<i32>} : memref<3584xf32, #tpu.memory_space<vmem>>, vector<16xf32>,
    %swap3A_103 = arith.constant 752 : index
    %swap3A_104 = tpu.vector_load %arg6[%swap3A_103] {strides = array<i32>} : memref<3584xf32, #tpu.memory_space<vmem>>, vector<16xf32>,
    tpu.vector_store %arg6[%swap3A_103], %broadcast_in_dim3A_9 {strides = array<i32>} : memref<3584xf32, #tpu.memory_space<vmem>>, vector<16xf32>,
    %swap3A_105 = arith.constant 768 : index
    %swap3A_106 = tpu.vector_load %arg6[%swap3A_105] {strides = array<i32>} : memref<3584xf32, #tpu.memory_space<vmem>>, vector<16xf32>,
    tpu.vector_store %arg6[%swap3A_105], %broadcast_in_dim3A_9 {strides = array<i32>} : memref<3584xf32, #tpu.memory_space<vmem>>, vector<16xf32>,
    %swap3A_107 = arith.constant 784 : index
    %swap3A_108 = tpu.vector_load %arg6[%swap3A_107] {strides = array<i32>} : memref<3584xf32, #tpu.memory_space<vmem>>, vector<16xf32>,
    tpu.vector_store %arg6[%swap3A_107], %broadcast_in_dim3A_9 {strides = array<i32>} : memref<3584xf32, #tpu.memory_space<vmem>>, vector<16xf32>,
    %swap3A_109 = arith.constant 800 : index
    %swap3A_110 = tpu.vector_load %arg6[%swap3A_109] {strides = array<i32>} : memref<3584xf32, #tpu.memory_space<vmem>>, vector<16xf32>,
    tpu.vector_store %arg6[%swap3A_109], %broadcast_in_dim3A_9 {strides = array<i32>} : memref<3584xf32, #tpu.memory_space<vmem>>, vector<16xf32>,
    %swap3A_111 = arith.constant 816 : index
    %swap3A_112 = tpu.vector_load %arg6[%swap3A_111] {strides = array<i32>} : memref<3584xf32, #tpu.memory_space<vmem>>, vector<16xf32>,
    tpu.vector_store %arg6[%swap3A_111], %broadcast_in_dim3A_9 {strides = array<i32>} : memref<3584xf32, #tpu.memory_space<vmem>>, vector<16xf32>,
    %swap3A_113 = arith.constant 832 : index
    %swap3A_114 = tpu.vector_load %arg6[%swap3A_113] {strides = array<i32>} : memref<3584xf32, #tpu.memory_space<vmem>>, vector<16xf32>,
    tpu.vector_store %arg6[%swap3A_113], %broadcast_in_dim3A_9 {strides = array<i32>} : memref<3584xf32, #tpu.memory_space<vmem>>, vector<16xf32>,
    %swap3A_115 = arith.constant 848 : index
    %swap3A_116 = tpu.vector_load %arg6[%swap3A_115] {strides = array<i32>} : memref<3584xf32, #tpu.memory_space<vmem>>, vector<16xf32>,
    tpu.vector_store %arg6[%swap3A_115], %broadcast_in_dim3A_9 {strides = array<i32>} : memref<3584xf32, #tpu.memory_space<vmem>>, vector<16xf32>,
    %swap3A_117 = arith.constant 864 : index
    %swap3A_118 = tpu.vector_load %arg6[%swap3A_117] {strides = array<i32>} : memref<3584xf32, #tpu.memory_space<vmem>>, vector<16xf32>,
    tpu.vector_store %arg6[%swap3A_117], %broadcast_in_dim3A_9 {strides = array<i32>} : memref<3584xf32, #tpu.memory_space<vmem>>, vector<16xf32>,
    %swap3A_119 = arith.constant 880 : index
    %swap3A_120 = tpu.vector_load %arg6[%swap3A_119] {strides = array<i32>} : memref<3584xf32, #tpu.memory_space<vmem>>, vector<16xf32>,
    tpu.vector_store %arg6[%swap3A_119], %broadcast_in_dim3A_9 {strides = array<i32>} : memref<3584xf32, #tpu.memory_space<vmem>>, vector<16xf32>,
    %swap3A_121 = arith.constant 896 : index
    %swap3A_122 = tpu.vector_load %arg6[%swap3A_121] {strides = array<i32>} : memref<3584xf32, #tpu.memory_space<vmem>>, vector<16xf32>,
    tpu.vector_store %arg6[%swap3A_121], %broadcast_in_dim3A_9 {strides = array<i32>} : memref<3584xf32, #tpu.memory_space<vmem>>, vector<16xf32>,
    %swap3A_123 = arith.constant 912 : index
    %swap3A_124 = tpu.vector_load %arg6[%swap3A_123] {strides = array<i32>} : memref<3584xf32, #tpu.memory_space<vmem>>, vector<16xf32>,
    tpu.vector_store %arg6[%swap3A_123], %broadcast_in_dim3A_9 {strides = array<i32>} : memref<3584xf32, #tpu.memory_space<vmem>>, vector<16xf32>,
    %swap3A_125 = arith.constant 928 : index
    %swap3A_126 = tpu.vector_load %arg6[%swap3A_125] {strides = array<i32>} : memref<3584xf32, #tpu.memory_space<vmem>>, vector<16xf32>,
    tpu.vector_store %arg6[%swap3A_125], %broadcast_in_dim3A_9 {strides = array<i32>} : memref<3584xf32, #tpu.memory_space<vmem>>, vector<16xf32>,
    %swap3A_127 = arith.constant 944 : index
    %swap3A_128 = tpu.vector_load %arg6[%swap3A_127] {strides = array<i32>} : memref<3584xf32, #tpu.memory_space<vmem>>, vector<16xf32>,
    tpu.vector_store %arg6[%swap3A_127], %broadcast_in_dim3A_9 {strides = array<i32>} : memref<3584xf32, #tpu.memory_space<vmem>>, vector<16xf32>,
    %swap3A_129 = arith.constant 960 : index
    %swap3A_130 = tpu.vector_load %arg6[%swap3A_129] {strides = array<i32>} : memref<3584xf32, #tpu.memory_space<vmem>>, vector<16xf32>,
    tpu.vector_store %arg6[%swap3A_129], %broadcast_in_dim3A_9 {strides = array<i32>} : memref<3584xf32, #tpu.memory_space<vmem>>, vector<16xf32>,
    %swap3A_131 = arith.constant 976 : index
    %swap3A_132 = tpu.vector_load %arg6[%swap3A_131] {strides = array<i32>} : memref<3584xf32, #tpu.memory_space<vmem>>, vector<16xf32>,
    tpu.vector_store %arg6[%swap3A_131], %broadcast_in_dim3A_9 {strides = array<i32>} : memref<3584xf32, #tpu.memory_space<vmem>>, vector<16xf32>,
    %swap3A_133 = arith.constant 992 : index
    %swap3A_134 = tpu.vector_load %arg6[%swap3A_133] {strides = array<i32>} : memref<3584xf32, #tpu.memory_space<vmem>>, vector<16xf32>,
    tpu.vector_store %arg6[%swap3A_133], %broadcast_in_dim3A_9 {strides = array<i32>} : memref<3584xf32, #tpu.memory_space<vmem>>, vector<16xf32>,
    %swap3A_135 = arith.constant 1008 : index
    %swap3A_136 = tpu.vector_load %arg6[%swap3A_135] {strides = array<i32>} : memref<3584xf32, #tpu.memory_space<vmem>>, vector<16xf32>,
    tpu.vector_store %arg6[%swap3A_135], %broadcast_in_dim3A_9 {strides = array<i32>} : memref<3584xf32, #tpu.memory_space<vmem>>, vector<16xf32>,
    %swap3A_137 = arith.constant 1024 : index
    %swap3A_138 = tpu.vector_load %arg6[%swap3A_137] {strides = array<i32>} : memref<3584xf32, #tpu.memory_space<vmem>>, vector<16xf32>,
    tpu.vector_store %arg6[%swap3A_137], %broadcast_in_dim3A_9 {strides = array<i32>} : memref<3584xf32, #tpu.memory_space<vmem>>, vector<16xf32>,
    %swap3A_139 = arith.constant 1040 : index
    %swap3A_140 = tpu.vector_load %arg6[%swap3A_139] {strides = array<i32>} : memref<3584xf32, #tpu.memory_space<vmem>>, vector<16xf32>,
    tpu.vector_store %arg6[%swap3A_139], %broadcast_in_dim3A_9 {strides = array<i32>} : memref<3584xf32, #tpu.memory_space<vmem>>, vector<16xf32>,
    %swap3A_141 = arith.constant 1056 : index
    %swap3A_142 = tpu.vector_load %arg6[%swap3A_141] {strides = array<i32>} : memref<3584xf32, #tpu.memory_space<vmem>>, vector<16xf32>,
    tpu.vector_store %arg6[%swap3A_141], %broadcast_in_dim3A_9 {strides = array<i32>} : memref<3584xf32, #tpu.memory_space<vmem>>, vector<16xf32>,
    %swap3A_143 = arith.constant 1072 : index
    %swap3A_144 = tpu.vector_load %arg6[%swap3A_143] {strides = array<i32>} : memref<3584xf32, #tpu.memory_space<vmem>>, vector<16xf32>,
    tpu.vector_store %arg6[%swap3A_143], %broadcast_in_dim3A_9 {strides = array<i32>} : memref<3584xf32, #tpu.memory_space<vmem>>, vector<16xf32>,
    %swap3A_145 = arith.constant 1088 : index
    %swap3A_146 = tpu.vector_load %arg6[%swap3A_145] {strides = array<i32>} : memref<3584xf32, #tpu.memory_space<vmem>>, vector<16xf32>,
    tpu.vector_store %arg6[%swap3A_145], %broadcast_in_dim3A_9 {strides = array<i32>} : memref<3584xf32, #tpu.memory_space<vmem>>, vector<16xf32>,
    %swap3A_147 = arith.constant 1104 : index
    %swap3A_148 = tpu.vector_load %arg6[%swap3A_147] {strides = array<i32>} : memref<3584xf32, #tpu.memory_space<vmem>>, vector<16xf32>,
    tpu.vector_store %arg6[%swap3A_147], %broadcast_in_dim3A_9 {strides = array<i32>} : memref<3584xf32, #tpu.memory_space<vmem>>, vector<16xf32>,
    %swap3A_149 = arith.constant 1120 : index
    %swap3A_150 = tpu.vector_load %arg6[%swap3A_149] {strides = array<i32>} : memref<3584xf32, #tpu.memory_space<vmem>>, vector<16xf32>,
    tpu.vector_store %arg6[%swap3A_149], %broadcast_in_dim3A_9 {strides = array<i32>} : memref<3584xf32, #tpu.memory_space<vmem>>, vector<16xf32>,
    %swap3A_151 = arith.constant 1136 : index
    %swap3A_152 = tpu.vector_load %arg6[%swap3A_151] {strides = array<i32>} : memref<3584xf32, #tpu.memory_space<vmem>>, vector<16xf32>,
    tpu.vector_store %arg6[%swap3A_151], %broadcast_in_dim3A_9 {strides = array<i32>} : memref<3584xf32, #tpu.memory_space<vmem>>, vector<16xf32>,
    %swap3A_153 = arith.constant 1152 : index
    %swap3A_154 = tpu.vector_load %arg6[%swap3A_153] {strides = array<i32>} : memref<3584xf32, #tpu.memory_space<vmem>>, vector<16xf32>,
    tpu.vector_store %arg6[%swap3A_153], %broadcast_in_dim3A_9 {strides = array<i32>} : memref<3584xf32, #tpu.memory_space<vmem>>, vector<16xf32>,
    %swap3A_155 = arith.constant 1168 : index
    %swap3A_156 = tpu.vector_load %arg6[%swap3A_155] {strides = array<i32>} : memref<3584xf32, #tpu.memory_space<vmem>>, vector<16xf32>,
    tpu.vector_store %arg6[%swap3A_155], %broadcast_in_dim3A_9 {strides = array<i32>} : memref<3584xf32, #tpu.memory_space<vmem>>, vector<16xf32>,
    %swap3A_157 = arith.constant 1184 : index
    %swap3A_158 = tpu.vector_load %arg6[%swap3A_157] {strides = array<i32>} : memref<3584xf32, #tpu.memory_space<vmem>>, vector<16xf32>,
    tpu.vector_store %arg6[%swap3A_157], %broadcast_in_dim3A_9 {strides = array<i32>} : memref<3584xf32, #tpu.memory_space<vmem>>, vector<16xf32>,
    %swap3A_159 = arith.constant 1200 : index
    %swap3A_160 = tpu.vector_load %arg6[%swap3A_159] {strides = array<i32>} : memref<3584xf32, #tpu.memory_space<vmem>>, vector<16xf32>,
    tpu.vector_store %arg6[%swap3A_159], %broadcast_in_dim3A_9 {strides = array<i32>} : memref<3584xf32, #tpu.memory_space<vmem>>, vector<16xf32>,
    %swap3A_161 = arith.constant 1216 : index
    %swap3A_162 = tpu.vector_load %arg6[%swap3A_161] {strides = array<i32>} : memref<3584xf32, #tpu.memory_space<vmem>>, vector<16xf32>,
    tpu.vector_store %arg6[%swap3A_161], %broadcast_in_dim3A_9 {strides = array<i32>} : memref<3584xf32, #tpu.memory_space<vmem>>, vector<16xf32>,
    %swap3A_163 = arith.constant 1232 : index
    %swap3A_164 = tpu.vector_load %arg6[%swap3A_163] {strides = array<i32>} : memref<3584xf32, #tpu.memory_space<vmem>>, vector<16xf32>,
    tpu.vector_store %arg6[%swap3A_163], %broadcast_in_dim3A_9 {strides = array<i32>} : memref<3584xf32, #tpu.memory_space<vmem>>, vector<16xf32>,
    %swap3A_165 = arith.constant 1248 : index
    %swap3A_166 = tpu.vector_load %arg6[%swap3A_165] {strides = array<i32>} : memref<3584xf32, #tpu.memory_space<vmem>>, vector<16xf32>,
    tpu.vector_store %arg6[%swap3A_165], %broadcast_in_dim3A_9 {strides = array<i32>} : memref<3584xf32, #tpu.memory_space<vmem>>, vector<16xf32>,
    %swap3A_167 = arith.constant 1264 : index
    %swap3A_168 = tpu.vector_load %arg6[%swap3A_167] {strides = array<i32>} : memref<3584xf32, #tpu.memory_space<vmem>>, vector<16xf32>,
    tpu.vector_store %arg6[%swap3A_167], %broadcast_in_dim3A_9 {strides = array<i32>} : memref<3584xf32, #tpu.memory_space<vmem>>, vector<16xf32>,
    %swap3A_169 = arith.constant 1280 : index
    %swap3A_170 = tpu.vector_load %arg6[%swap3A_169] {strides = array<i32>} : memref<3584xf32, #tpu.memory_space<vmem>>, vector<16xf32>,
    tpu.vector_store %arg6[%swap3A_169], %broadcast_in_dim3A_9 {strides = array<i32>} : memref<3584xf32, #tpu.memory_space<vmem>>, vector<16xf32>,
    %swap3A_171 = arith.constant 1296 : index
    %swap3A_172 = tpu.vector_load %arg6[%swap3A_171] {strides = array<i32>} : memref<3584xf32, #tpu.memory_space<vmem>>, vector<16xf32>,
    tpu.vector_store %arg6[%swap3A_171], %broadcast_in_dim3A_9 {strides = array<i32>} : memref<3584xf32, #tpu.memory_space<vmem>>, vector<16xf32>,
    %swap3A_173 = arith.constant 1312 : index
    %swap3A_174 = tpu.vector_load %arg6[%swap3A_173] {strides = array<i32>} : memref<3584xf32, #tpu.memory_space<vmem>>, vector<16xf32>,
    tpu.vector_store %arg6[%swap3A_173], %broadcast_in_dim3A_9 {strides = array<i32>} : memref<3584xf32, #tpu.memory_space<vmem>>, vector<16xf32>,
    %swap3A_175 = arith.constant 1328 : index
    %swap3A_176 = tpu.vector_load %arg6[%swap3A_175] {strides = array<i32>} : memref<3584xf32, #tpu.memory_space<vmem>>, vector<16xf32>,
    tpu.vector_store %arg6[%swap3A_175], %broadcast_in_dim3A_9 {strides = array<i32>} : memref<3584xf32, #tpu.memory_space<vmem>>, vector<16xf32>,
    %swap3A_177 = arith.constant 1344 : index
    %swap3A_178 = tpu.vector_load %arg6[%swap3A_177] {strides = array<i32>} : memref<3584xf32, #tpu.memory_space<vmem>>, vector<16xf32>,
    tpu.vector_store %arg6[%swap3A_177], %broadcast_in_dim3A_9 {strides = array<i32>} : memref<3584xf32, #tpu.memory_space<vmem>>, vector<16xf32>,
    %swap3A_179 = arith.constant 1360 : index
    %swap3A_180 = tpu.vector_load %arg6[%swap3A_179] {strides = array<i32>} : memref<3584xf32, #tpu.memory_space<vmem>>, vector<16xf32>,
    tpu.vector_store %arg6[%swap3A_179], %broadcast_in_dim3A_9 {strides = array<i32>} : memref<3584xf32, #tpu.memory_space<vmem>>, vector<16xf32>,
    %swap3A_181 = arith.constant 1376 : index
    %swap3A_182 = tpu.vector_load %arg6[%swap3A_181] {strides = array<i32>} : memref<3584xf32, #tpu.memory_space<vmem>>, vector<16xf32>,
    tpu.vector_store %arg6[%swap3A_181], %broadcast_in_dim3A_9 {strides = array<i32>} : memref<3584xf32, #tpu.memory_space<vmem>>, vector<16xf32>,
    %swap3A_183 = arith.constant 1392 : index
    %swap3A_184 = tpu.vector_load %arg6[%swap3A_183] {strides = array<i32>} : memref<3584xf32, #tpu.memory_space<vmem>>, vector<16xf32>,
    tpu.vector_store %arg6[%swap3A_183], %broadcast_in_dim3A_9 {strides = array<i32>} : memref<3584xf32, #tpu.memory_space<vmem>>, vector<16xf32>,
    %swap3A_185 = arith.constant 1408 : index
    %swap3A_186 = tpu.vector_load %arg6[%swap3A_185] {strides = array<i32>} : memref<3584xf32, #tpu.memory_space<vmem>>, vector<16xf32>,
    tpu.vector_store %arg6[%swap3A_185], %broadcast_in_dim3A_9 {strides = array<i32>} : memref<3584xf32, #tpu.memory_space<vmem>>, vector<16xf32>,
    %swap3A_187 = arith.constant 1424 : index
    %swap3A_188 = tpu.vector_load %arg6[%swap3A_187] {strides = array<i32>} : memref<3584xf32, #tpu.memory_space<vmem>>, vector<16xf32>,
    tpu.vector_store %arg6[%swap3A_187], %broadcast_in_dim3A_9 {strides = array<i32>} : memref<3584xf32, #tpu.memory_space<vmem>>, vector<16xf32>,
    %swap3A_189 = arith.constant 1440 : index
    %swap3A_190 = tpu.vector_load %arg6[%swap3A_189] {strides = array<i32>} : memref<3584xf32, #tpu.memory_space<vmem>>, vector<16xf32>,
    tpu.vector_store %arg6[%swap3A_189], %broadcast_in_dim3A_9 {strides = array<i32>} : memref<3584xf32, #tpu.memory_space<vmem>>, vector<16xf32>,
    %swap3A_191 = arith.constant 1456 : index
    %swap3A_192 = tpu.vector_load %arg6[%swap3A_191] {strides = array<i32>} : memref<3584xf32, #tpu.memory_space<vmem>>, vector<16xf32>,
    tpu.vector_store %arg6[%swap3A_191], %broadcast_in_dim3A_9 {strides = array<i32>} : memref<3584xf32, #tpu.memory_space<vmem>>, vector<16xf32>,
    %swap3A_193 = arith.constant 1472 : index
    %swap3A_194 = tpu.vector_load %arg6[%swap3A_193] {strides = array<i32>} : memref<3584xf32, #tpu.memory_space<vmem>>, vector<16xf32>,
    tpu.vector_store %arg6[%swap3A_193], %broadcast_in_dim3A_9 {strides = array<i32>} : memref<3584xf32, #tpu.memory_space<vmem>>, vector<16xf32>,
    %swap3A_195 = arith.constant 1488 : index
    %swap3A_196 = tpu.vector_load %arg6[%swap3A_195] {strides = array<i32>} : memref<3584xf32, #tpu.memory_space<vmem>>, vector<16xf32>,
    tpu.vector_store %arg6[%swap3A_195], %broadcast_in_dim3A_9 {strides = array<i32>} : memref<3584xf32, #tpu.memory_space<vmem>>, vector<16xf32>,
    %swap3A_197 = arith.constant 1504 : index
    %swap3A_198 = tpu.vector_load %arg6[%swap3A_197] {strides = array<i32>} : memref<3584xf32, #tpu.memory_space<vmem>>, vector<16xf32>,
    tpu.vector_store %arg6[%swap3A_197], %broadcast_in_dim3A_9 {strides = array<i32>} : memref<3584xf32, #tpu.memory_space<vmem>>, vector<16xf32>,
    %swap3A_199 = arith.constant 1520 : index
    %swap3A_200 = tpu.vector_load %arg6[%swap3A_199] {strides = array<i32>} : memref<3584xf32, #tpu.memory_space<vmem>>, vector<16xf32>,
    tpu.vector_store %arg6[%swap3A_199], %broadcast_in_dim3A_9 {strides = array<i32>} : memref<3584xf32, #tpu.memory_space<vmem>>, vector<16xf32>,
    %swap3A_201 = arith.constant 1536 : index
    %swap3A_202 = tpu.vector_load %arg6[%swap3A_201] {strides = array<i32>} : memref<3584xf32, #tpu.memory_space<vmem>>, vector<16xf32>,
    tpu.vector_store %arg6[%swap3A_201], %broadcast_in_dim3A_9 {strides = array<i32>} : memref<3584xf32, #tpu.memory_space<vmem>>, vector<16xf32>,
    %swap3A_203 = arith.constant 1552 : index
    %swap3A_204 = tpu.vector_load %arg6[%swap3A_203] {strides = array<i32>} : memref<3584xf32, #tpu.memory_space<vmem>>, vector<16xf32>,
    tpu.vector_store %arg6[%swap3A_203], %broadcast_in_dim3A_9 {strides = array<i32>} : memref<3584xf32, #tpu.memory_space<vmem>>, vector<16xf32>,
    %swap3A_205 = arith.constant 1568 : index
    %swap3A_206 = tpu.vector_load %arg6[%swap3A_205] {strides = array<i32>} : memref<3584xf32, #tpu.memory_space<vmem>>, vector<16xf32>,
    tpu.vector_store %arg6[%swap3A_205], %broadcast_in_dim3A_9 {strides = array<i32>} : memref<3584xf32, #tpu.memory_space<vmem>>, vector<16xf32>,
    %swap3A_207 = arith.constant 1584 : index
    %swap3A_208 = tpu.vector_load %arg6[%swap3A_207] {strides = array<i32>} : memref<3584xf32, #tpu.memory_space<vmem>>, vector<16xf32>,
    tpu.vector_store %arg6[%swap3A_207], %broadcast_in_dim3A_9 {strides = array<i32>} : memref<3584xf32, #tpu.memory_space<vmem>>, vector<16xf32>,
    %swap3A_209 = arith.constant 1600 : index
    %swap3A_210 = tpu.vector_load %arg6[%swap3A_209] {strides = array<i32>} : memref<3584xf32, #tpu.memory_space<vmem>>, vector<16xf32>,
    tpu.vector_store %arg6[%swap3A_209], %broadcast_in_dim3A_9 {strides = array<i32>} : memref<3584xf32, #tpu.memory_space<vmem>>, vector<16xf32>,
    %swap3A_211 = arith.constant 1616 : index
    %swap3A_212 = tpu.vector_load %arg6[%swap3A_211] {strides = array<i32>} : memref<3584xf32, #tpu.memory_space<vmem>>, vector<16xf32>,
    tpu.vector_store %arg6[%swap3A_211], %broadcast_in_dim3A_9 {strides = array<i32>} : memref<3584xf32, #tpu.memory_space<vmem>>, vector<16xf32>,
    %swap3A_213 = arith.constant 1632 : index
    %swap3A_214 = tpu.vector_load %arg6[%swap3A_213] {strides = array<i32>} : memref<3584xf32, #tpu.memory_space<vmem>>, vector<16xf32>,
    tpu.vector_store %arg6[%swap3A_213], %broadcast_in_dim3A_9 {strides = array<i32>} : memref<3584xf32, #tpu.memory_space<vmem>>, vector<16xf32>,
    %swap3A_215 = arith.constant 1648 : index
    %swap3A_216 = tpu.vector_load %arg6[%swap3A_215] {strides = array<i32>} : memref<3584xf32, #tpu.memory_space<vmem>>, vector<16xf32>,
    tpu.vector_store %arg6[%swap3A_215], %broadcast_in_dim3A_9 {strides = array<i32>} : memref<3584xf32, #tpu.memory_space<vmem>>, vector<16xf32>,
    %swap3A_217 = arith.constant 1664 : index
    %swap3A_218 = tpu.vector_load %arg6[%swap3A_217] {strides = array<i32>} : memref<3584xf32, #tpu.memory_space<vmem>>, vector<16xf32>,
    tpu.vector_store %arg6[%swap3A_217], %broadcast_in_dim3A_9 {strides = array<i32>} : memref<3584xf32, #tpu.memory_space<vmem>>, vector<16xf32>,
    %swap3A_219 = arith.constant 1680 : index
    %swap3A_220 = tpu.vector_load %arg6[%swap3A_219] {strides = array<i32>} : memref<3584xf32, #tpu.memory_space<vmem>>, vector<16xf32>,
    tpu.vector_store %arg6[%swap3A_219], %broadcast_in_dim3A_9 {strides = array<i32>} : memref<3584xf32, #tpu.memory_space<vmem>>, vector<16xf32>,
    %swap3A_221 = arith.constant 1696 : index
    %swap3A_222 = tpu.vector_load %arg6[%swap3A_221] {strides = array<i32>} : memref<3584xf32, #tpu.memory_space<vmem>>, vector<16xf32>,
    tpu.vector_store %arg6[%swap3A_221], %broadcast_in_dim3A_9 {strides = array<i32>} : memref<3584xf32, #tpu.memory_space<vmem>>, vector<16xf32>,
    %swap3A_223 = arith.constant 1712 : index
    %swap3A_224 = tpu.vector_load %arg6[%swap3A_223] {strides = array<i32>} : memref<3584xf32, #tpu.memory_space<vmem>>, vector<16xf32>,
    tpu.vector_store %arg6[%swap3A_223], %broadcast_in_dim3A_9 {strides = array<i32>} : memref<3584xf32, #tpu.memory_space<vmem>>, vector<16xf32>,
    %swap3A_225 = arith.constant 1728 : index
    %swap3A_226 = tpu.vector_load %arg6[%swap3A_225] {strides = array<i32>} : memref<3584xf32, #tpu.memory_space<vmem>>, vector<16xf32>,
    tpu.vector_store %arg6[%swap3A_225], %broadcast_in_dim3A_9 {strides = array<i32>} : memref<3584xf32, #tpu.memory_space<vmem>>, vector<16xf32>,
    %swap3A_227 = arith.constant 1744 : index
    %swap3A_228 = tpu.vector_load %arg6[%swap3A_227] {strides = array<i32>} : memref<3584xf32, #tpu.memory_space<vmem>>, vector<16xf32>,
    tpu.vector_store %arg6[%swap3A_227], %broadcast_in_dim3A_9 {strides = array<i32>} : memref<3584xf32, #tpu.memory_space<vmem>>, vector<16xf32>,
    %swap3A_229 = arith.constant 1760 : index
    %swap3A_230 = tpu.vector_load %arg6[%swap3A_229] {strides = array<i32>} : memref<3584xf32, #tpu.memory_space<vmem>>, vector<16xf32>,
    tpu.vector_store %arg6[%swap3A_229], %broadcast_in_dim3A_9 {strides = array<i32>} : memref<3584xf32, #tpu.memory_space<vmem>>, vector<16xf32>,
    %swap3A_231 = arith.constant 1776 : index
    %swap3A_232 = tpu.vector_load %arg6[%swap3A_231] {strides = array<i32>} : memref<3584xf32, #tpu.memory_space<vmem>>, vector<16xf32>,
    tpu.vector_store %arg6[%swap3A_231], %broadcast_in_dim3A_9 {strides = array<i32>} : memref<3584xf32, #tpu.memory_space<vmem>>, vector<16xf32>,
    %swap3A_233 = arith.constant 1792 : index
    %swap3A_234 = tpu.vector_load %arg6[%swap3A_233] {strides = array<i32>} : memref<3584xf32, #tpu.memory_space<vmem>>, vector<16xf32>,
    tpu.vector_store %arg6[%swap3A_233], %broadcast_in_dim3A_9 {strides = array<i32>} : memref<3584xf32, #tpu.memory_space<vmem>>, vector<16xf32>,
    %swap3A_235 = arith.constant 1808 : index
    %swap3A_236 = tpu.vector_load %arg6[%swap3A_235] {strides = array<i32>} : memref<3584xf32, #tpu.memory_space<vmem>>, vector<16xf32>,
    tpu.vector_store %arg6[%swap3A_235], %broadcast_in_dim3A_9 {strides = array<i32>} : memref<3584xf32, #tpu.memory_space<vmem>>, vector<16xf32>,
    %swap3A_237 = arith.constant 1824 : index
    %swap3A_238 = tpu.vector_load %arg6[%swap3A_237] {strides = array<i32>} : memref<3584xf32, #tpu.memory_space<vmem>>, vector<16xf32>,
    tpu.vector_store %arg6[%swap3A_237], %broadcast_in_dim3A_9 {strides = array<i32>} : memref<3584xf32, #tpu.memory_space<vmem>>, vector<16xf32>,
    %swap3A_239 = arith.constant 1840 : index
    %swap3A_240 = tpu.vector_load %arg6[%swap3A_239] {strides = array<i32>} : memref<3584xf32, #tpu.memory_space<vmem>>, vector<16xf32>,
    tpu.vector_store %arg6[%swap3A_239], %broadcast_in_dim3A_9 {strides = array<i32>} : memref<3584xf32, #tpu.memory_space<vmem>>, vector<16xf32>,
    %swap3A_241 = arith.constant 1856 : index
    %swap3A_242 = tpu.vector_load %arg6[%swap3A_241] {strides = array<i32>} : memref<3584xf32, #tpu.memory_space<vmem>>, vector<16xf32>,
    tpu.vector_store %arg6[%swap3A_241], %broadcast_in_dim3A_9 {strides = array<i32>} : memref<3584xf32, #tpu.memory_space<vmem>>, vector<16xf32>,
    %swap3A_243 = arith.constant 1872 : index
    %swap3A_244 = tpu.vector_load %arg6[%swap3A_243] {strides = array<i32>} : memref<3584xf32, #tpu.memory_space<vmem>>, vector<16xf32>,
    tpu.vector_store %arg6[%swap3A_243], %broadcast_in_dim3A_9 {strides = array<i32>} : memref<3584xf32, #tpu.memory_space<vmem>>, vector<16xf32>,
    %swap3A_245 = arith.constant 1888 : index
    %swap3A_246 = tpu.vector_load %arg6[%swap3A_245] {strides = array<i32>} : memref<3584xf32, #tpu.memory_space<vmem>>, vector<16xf32>,
    tpu.vector_store %arg6[%swap3A_245], %broadcast_in_dim3A_9 {strides = array<i32>} : memref<3584xf32, #tpu.memory_space<vmem>>, vector<16xf32>,
    %swap3A_247 = arith.constant 1904 : index
    %swap3A_248 = tpu.vector_load %arg6[%swap3A_247] {strides = array<i32>} : memref<3584xf32, #tpu.memory_space<vmem>>, vector<16xf32>,
    tpu.vector_store %arg6[%swap3A_247], %broadcast_in_dim3A_9 {strides = array<i32>} : memref<3584xf32, #tpu.memory_space<vmem>>, vector<16xf32>,
    %swap3A_249 = arith.constant 1920 : index
    %swap3A_250 = tpu.vector_load %arg6[%swap3A_249] {strides = array<i32>} : memref<3584xf32, #tpu.memory_space<vmem>>, vector<16xf32>,
    tpu.vector_store %arg6[%swap3A_249], %broadcast_in_dim3A_9 {strides = array<i32>} : memref<3584xf32, #tpu.memory_space<vmem>>, vector<16xf32>,
    %swap3A_251 = arith.constant 1936 : index
    %swap3A_252 = tpu.vector_load %arg6[%swap3A_251] {strides = array<i32>} : memref<3584xf32, #tpu.memory_space<vmem>>, vector<16xf32>,
    tpu.vector_store %arg6[%swap3A_251], %broadcast_in_dim3A_9 {strides = array<i32>} : memref<3584xf32, #tpu.memory_space<vmem>>, vector<16xf32>,
    %swap3A_253 = arith.constant 1952 : index
    %swap3A_254 = tpu.vector_load %arg6[%swap3A_253] {strides = array<i32>} : memref<3584xf32, #tpu.memory_space<vmem>>, vector<16xf32>,
    tpu.vector_store %arg6[%swap3A_253], %broadcast_in_dim3A_9 {strides = array<i32>} : memref<3584xf32, #tpu.memory_space<vmem>>, vector<16xf32>,
    %swap3A_255 = arith.constant 1968 : index
    %swap3A_256 = tpu.vector_load %arg6[%swap3A_255] {strides = array<i32>} : memref<3584xf32, #tpu.memory_space<vmem>>, vector<16xf32>,
    tpu.vector_store %arg6[%swap3A_255], %broadcast_in_dim3A_9 {strides = array<i32>} : memref<3584xf32, #tpu.memory_space<vmem>>, vector<16xf32>,
    %swap3A_257 = arith.constant 1984 : index
    %swap3A_258 = tpu.vector_load %arg6[%swap3A_257] {strides = array<i32>} : memref<3584xf32, #tpu.memory_space<vmem>>, vector<16xf32>,
    tpu.vector_store %arg6[%swap3A_257], %broadcast_in_dim3A_9 {strides = array<i32>} : memref<3584xf32, #tpu.memory_space<vmem>>, vector<16xf32>,
    %swap3A_259 = arith.constant 2000 : index
    %swap3A_260 = tpu.vector_load %arg6[%swap3A_259] {strides = array<i32>} : memref<3584xf32, #tpu.memory_space<vmem>>, vector<16xf32>,
    tpu.vector_store %arg6[%swap3A_259], %broadcast_in_dim3A_9 {strides = array<i32>} : memref<3584xf32, #tpu.memory_space<vmem>>, vector<16xf32>,
    %swap3A_261 = arith.constant 2016 : index
    %swap3A_262 = tpu.vector_load %arg6[%swap3A_261] {strides = array<i32>} : memref<3584xf32, #tpu.memory_space<vmem>>, vector<16xf32>,
    tpu.vector_store %arg6[%swap3A_261], %broadcast_in_dim3A_9 {strides = array<i32>} : memref<3584xf32, #tpu.memory_space<vmem>>, vector<16xf32>,
    %swap3A_263 = arith.constant 2032 : index
    %swap3A_264 = tpu.vector_load %arg6[%swap3A_263] {strides = array<i32>} : memref<3584xf32, #tpu.memory_space<vmem>>, vector<16xf32>,
    tpu.vector_store %arg6[%swap3A_263], %broadcast_in_dim3A_9 {strides = array<i32>} : memref<3584xf32, #tpu.memory_space<vmem>>, vector<16xf32>,
    %swap3A_265 = arith.constant 2048 : index
    %swap3A_266 = tpu.vector_load %arg6[%swap3A_265] {strides = array<i32>} : memref<3584xf32, #tpu.memory_space<vmem>>, vector<16xf32>,
    tpu.vector_store %arg6[%swap3A_265], %broadcast_in_dim3A_9 {strides = array<i32>} : memref<3584xf32, #tpu.memory_space<vmem>>, vector<16xf32>,
    %swap3A_267 = arith.constant 2064 : index
    %swap3A_268 = tpu.vector_load %arg6[%swap3A_267] {strides = array<i32>} : memref<3584xf32, #tpu.memory_space<vmem>>, vector<16xf32>,
    tpu.vector_store %arg6[%swap3A_267], %broadcast_in_dim3A_9 {strides = array<i32>} : memref<3584xf32, #tpu.memory_space<vmem>>, vector<16xf32>,
    %swap3A_269 = arith.constant 2080 : index
    %swap3A_270 = tpu.vector_load %arg6[%swap3A_269] {strides = array<i32>} : memref<3584xf32, #tpu.memory_space<vmem>>, vector<16xf32>,
    tpu.vector_store %arg6[%swap3A_269], %broadcast_in_dim3A_9 {strides = array<i32>} : memref<3584xf32, #tpu.memory_space<vmem>>, vector<16xf32>,
    %swap3A_271 = arith.constant 2096 : index
    %swap3A_272 = tpu.vector_load %arg6[%swap3A_271] {strides = array<i32>} : memref<3584xf32, #tpu.memory_space<vmem>>, vector<16xf32>,
    tpu.vector_store %arg6[%swap3A_271], %broadcast_in_dim3A_9 {strides = array<i32>} : memref<3584xf32, #tpu.memory_space<vmem>>, vector<16xf32>,
    %swap3A_273 = arith.constant 2112 : index
    %swap3A_274 = tpu.vector_load %arg6[%swap3A_273] {strides = array<i32>} : memref<3584xf32, #tpu.memory_space<vmem>>, vector<16xf32>,
    tpu.vector_store %arg6[%swap3A_273], %broadcast_in_dim3A_9 {strides = array<i32>} : memref<3584xf32, #tpu.memory_space<vmem>>, vector<16xf32>,
    %swap3A_275 = arith.constant 2128 : index
    %swap3A_276 = tpu.vector_load %arg6[%swap3A_275] {strides = array<i32>} : memref<3584xf32, #tpu.memory_space<vmem>>, vector<16xf32>,
    tpu.vector_store %arg6[%swap3A_275], %broadcast_in_dim3A_9 {strides = array<i32>} : memref<3584xf32, #tpu.memory_space<vmem>>, vector<16xf32>,
    %swap3A_277 = arith.constant 2144 : index
    %swap3A_278 = tpu.vector_load %arg6[%swap3A_277] {strides = array<i32>} : memref<3584xf32, #tpu.memory_space<vmem>>, vector<16xf32>,
    tpu.vector_store %arg6[%swap3A_277], %broadcast_in_dim3A_9 {strides = array<i32>} : memref<3584xf32, #tpu.memory_space<vmem>>, vector<16xf32>,
    %swap3A_279 = arith.constant 2160 : index
    %swap3A_280 = tpu.vector_load %arg6[%swap3A_279] {strides = array<i32>} : memref<3584xf32, #tpu.memory_space<vmem>>, vector<16xf32>,
    tpu.vector_store %arg6[%swap3A_279], %broadcast_in_dim3A_9 {strides = array<i32>} : memref<3584xf32, #tpu.memory_space<vmem>>, vector<16xf32>,
    %swap3A_281 = arith.constant 2176 : index
    %swap3A_282 = tpu.vector_load %arg6[%swap3A_281] {strides = array<i32>} : memref<3584xf32, #tpu.memory_space<vmem>>, vector<16xf32>,
    tpu.vector_store %arg6[%swap3A_281], %broadcast_in_dim3A_9 {strides = array<i32>} : memref<3584xf32, #tpu.memory_space<vmem>>, vector<16xf32>,
    %swap3A_283 = arith.constant 2192 : index
    %swap3A_284 = tpu.vector_load %arg6[%swap3A_283] {strides = array<i32>} : memref<3584xf32, #tpu.memory_space<vmem>>, vector<16xf32>,
    tpu.vector_store %arg6[%swap3A_283], %broadcast_in_dim3A_9 {strides = array<i32>} : memref<3584xf32, #tpu.memory_space<vmem>>, vector<16xf32>,
    %swap3A_285 = arith.constant 2208 : index
    %swap3A_286 = tpu.vector_load %arg6[%swap3A_285] {strides = array<i32>} : memref<3584xf32, #tpu.memory_space<vmem>>, vector<16xf32>,
    tpu.vector_store %arg6[%swap3A_285], %broadcast_in_dim3A_9 {strides = array<i32>} : memref<3584xf32, #tpu.memory_space<vmem>>, vector<16xf32>,
    %swap3A_287 = arith.constant 2224 : index
    %swap3A_288 = tpu.vector_load %arg6[%swap3A_287] {strides = array<i32>} : memref<3584xf32, #tpu.memory_space<vmem>>, vector<16xf32>,
    tpu.vector_store %arg6[%swap3A_287], %broadcast_in_dim3A_9 {strides = array<i32>} : memref<3584xf32, #tpu.memory_space<vmem>>, vector<16xf32>,
    %swap3A_289 = arith.constant 2240 : index
    %swap3A_290 = tpu.vector_load %arg6[%swap3A_289] {strides = array<i32>} : memref<3584xf32, #tpu.memory_space<vmem>>, vector<16xf32>,
    tpu.vector_store %arg6[%swap3A_289], %broadcast_in_dim3A_9 {strides = array<i32>} : memref<3584xf32, #tpu.memory_space<vmem>>, vector<16xf32>,
    %swap3A_291 = arith.constant 2256 : index
    %swap3A_292 = tpu.vector_load %arg6[%swap3A_291] {strides = array<i32>} : memref<3584xf32, #tpu.memory_space<vmem>>, vector<16xf32>,
    tpu.vector_store %arg6[%swap3A_291], %broadcast_in_dim3A_9 {strides = array<i32>} : memref<3584xf32, #tpu.memory_space<vmem>>, vector<16xf32>,
    %swap3A_293 = arith.constant 2272 : index
    %swap3A_294 = tpu.vector_load %arg6[%swap3A_293] {strides = array<i32>} : memref<3584xf32, #tpu.memory_space<vmem>>, vector<16xf32>,
    tpu.vector_store %arg6[%swap3A_293], %broadcast_in_dim3A_9 {strides = array<i32>} : memref<3584xf32, #tpu.memory_space<vmem>>, vector<16xf32>,
    %swap3A_295 = arith.constant 2288 : index
    %swap3A_296 = tpu.vector_load %arg6[%swap3A_295] {strides = array<i32>} : memref<3584xf32, #tpu.memory_space<vmem>>, vector<16xf32>,
    tpu.vector_store %arg6[%swap3A_295], %broadcast_in_dim3A_9 {strides = array<i32>} : memref<3584xf32, #tpu.memory_space<vmem>>, vector<16xf32>,
    %swap3A_297 = arith.constant 2304 : index
    %swap3A_298 = tpu.vector_load %arg6[%swap3A_297] {strides = array<i32>} : memref<3584xf32, #tpu.memory_space<vmem>>, vector<16xf32>,
    tpu.vector_store %arg6[%swap3A_297], %broadcast_in_dim3A_9 {strides = array<i32>} : memref<3584xf32, #tpu.memory_space<vmem>>, vector<16xf32>,
    %swap3A_299 = arith.constant 2320 : index
    %swap3A_300 = tpu.vector_load %arg6[%swap3A_299] {strides = array<i32>} : memref<3584xf32, #tpu.memory_space<vmem>>, vector<16xf32>,
    tpu.vector_store %arg6[%swap3A_299], %broadcast_in_dim3A_9 {strides = array<i32>} : memref<3584xf32, #tpu.memory_space<vmem>>, vector<16xf32>,
    %swap3A_301 = arith.constant 2336 : index
    %swap3A_302 = tpu.vector_load %arg6[%swap3A_301] {strides = array<i32>} : memref<3584xf32, #tpu.memory_space<vmem>>, vector<16xf32>,
    tpu.vector_store %arg6[%swap3A_301], %broadcast_in_dim3A_9 {strides = array<i32>} : memref<3584xf32, #tpu.memory_space<vmem>>, vector<16xf32>,
    %swap3A_303 = arith.constant 2352 : index
    %swap3A_304 = tpu.vector_load %arg6[%swap3A_303] {strides = array<i32>} : memref<3584xf32, #tpu.memory_space<vmem>>, vector<16xf32>,
    tpu.vector_store %arg6[%swap3A_303], %broadcast_in_dim3A_9 {strides = array<i32>} : memref<3584xf32, #tpu.memory_space<vmem>>, vector<16xf32>,
    %swap3A_305 = arith.constant 2368 : index
    %swap3A_306 = tpu.vector_load %arg6[%swap3A_305] {strides = array<i32>} : memref<3584xf32, #tpu.memory_space<vmem>>, vector<16xf32>,
    tpu.vector_store %arg6[%swap3A_305], %broadcast_in_dim3A_9 {strides = array<i32>} : memref<3584xf32, #tpu.memory_space<vmem>>, vector<16xf32>,
    %swap3A_307 = arith.constant 2384 : index
    %swap3A_308 = tpu.vector_load %arg6[%swap3A_307] {strides = array<i32>} : memref<3584xf32, #tpu.memory_space<vmem>>, vector<16xf32>,
    tpu.vector_store %arg6[%swap3A_307], %broadcast_in_dim3A_9 {strides = array<i32>} : memref<3584xf32, #tpu.memory_space<vmem>>, vector<16xf32>,
    %swap3A_309 = arith.constant 2400 : index
    %swap3A_310 = tpu.vector_load %arg6[%swap3A_309] {strides = array<i32>} : memref<3584xf32, #tpu.memory_space<vmem>>, vector<16xf32>,
    tpu.vector_store %arg6[%swap3A_309], %broadcast_in_dim3A_9 {strides = array<i32>} : memref<3584xf32, #tpu.memory_space<vmem>>, vector<16xf32>,
    %swap3A_311 = arith.constant 2416 : index
    %swap3A_312 = tpu.vector_load %arg6[%swap3A_311] {strides = array<i32>} : memref<3584xf32, #tpu.memory_space<vmem>>, vector<16xf32>,
    tpu.vector_store %arg6[%swap3A_311], %broadcast_in_dim3A_9 {strides = array<i32>} : memref<3584xf32, #tpu.memory_space<vmem>>, vector<16xf32>,
    %swap3A_313 = arith.constant 2432 : index
    %swap3A_314 = tpu.vector_load %arg6[%swap3A_313] {strides = array<i32>} : memref<3584xf32, #tpu.memory_space<vmem>>, vector<16xf32>,
    tpu.vector_store %arg6[%swap3A_313], %broadcast_in_dim3A_9 {strides = array<i32>} : memref<3584xf32, #tpu.memory_space<vmem>>, vector<16xf32>,
    %swap3A_315 = arith.constant 2448 : index
    %swap3A_316 = tpu.vector_load %arg6[%swap3A_315] {strides = array<i32>} : memref<3584xf32, #tpu.memory_space<vmem>>, vector<16xf32>,
    tpu.vector_store %arg6[%swap3A_315], %broadcast_in_dim3A_9 {strides = array<i32>} : memref<3584xf32, #tpu.memory_space<vmem>>, vector<16xf32>,
    %swap3A_317 = arith.constant 2464 : index
    %swap3A_318 = tpu.vector_load %arg6[%swap3A_317] {strides = array<i32>} : memref<3584xf32, #tpu.memory_space<vmem>>, vector<16xf32>,
    tpu.vector_store %arg6[%swap3A_317], %broadcast_in_dim3A_9 {strides = array<i32>} : memref<3584xf32, #tpu.memory_space<vmem>>, vector<16xf32>,
    %swap3A_319 = arith.constant 2480 : index
    %swap3A_320 = tpu.vector_load %arg6[%swap3A_319] {strides = array<i32>} : memref<3584xf32, #tpu.memory_space<vmem>>, vector<16xf32>,
    tpu.vector_store %arg6[%swap3A_319], %broadcast_in_dim3A_9 {strides = array<i32>} : memref<3584xf32, #tpu.memory_space<vmem>>, vector<16xf32>,
    %swap3A_321 = arith.constant 2496 : index
    %swap3A_322 = tpu.vector_load %arg6[%swap3A_321] {strides = array<i32>} : memref<3584xf32, #tpu.memory_space<vmem>>, vector<16xf32>,
    tpu.vector_store %arg6[%swap3A_321], %broadcast_in_dim3A_9 {strides = array<i32>} : memref<3584xf32, #tpu.memory_space<vmem>>, vector<16xf32>,
    %swap3A_323 = arith.constant 2512 : index
    %swap3A_324 = tpu.vector_load %arg6[%swap3A_323] {strides = array<i32>} : memref<3584xf32, #tpu.memory_space<vmem>>, vector<16xf32>,
    tpu.vector_store %arg6[%swap3A_323], %broadcast_in_dim3A_9 {strides = array<i32>} : memref<3584xf32, #tpu.memory_space<vmem>>, vector<16xf32>,
    %swap3A_325 = arith.constant 2528 : index
    %swap3A_326 = tpu.vector_load %arg6[%swap3A_325] {strides = array<i32>} : memref<3584xf32, #tpu.memory_space<vmem>>, vector<16xf32>,
    tpu.vector_store %arg6[%swap3A_325], %broadcast_in_dim3A_9 {strides = array<i32>} : memref<3584xf32, #tpu.memory_space<vmem>>, vector<16xf32>,
    %swap3A_327 = arith.constant 2544 : index
    %swap3A_328 = tpu.vector_load %arg6[%swap3A_327] {strides = array<i32>} : memref<3584xf32, #tpu.memory_space<vmem>>, vector<16xf32>,
    tpu.vector_store %arg6[%swap3A_327], %broadcast_in_dim3A_9 {strides = array<i32>} : memref<3584xf32, #tpu.memory_space<vmem>>, vector<16xf32>,
    %swap3A_329 = arith.constant 2560 : index
    %swap3A_330 = tpu.vector_load %arg6[%swap3A_329] {strides = array<i32>} : memref<3584xf32, #tpu.memory_space<vmem>>, vector<16xf32>,
    tpu.vector_store %arg6[%swap3A_329], %broadcast_in_dim3A_9 {strides = array<i32>} : memref<3584xf32, #tpu.memory_space<vmem>>, vector<16xf32>,
    %swap3A_331 = arith.constant 2576 : index
    %swap3A_332 = tpu.vector_load %arg6[%swap3A_331] {strides = array<i32>} : memref<3584xf32, #tpu.memory_space<vmem>>, vector<16xf32>,
    tpu.vector_store %arg6[%swap3A_331], %broadcast_in_dim3A_9 {strides = array<i32>} : memref<3584xf32, #tpu.memory_space<vmem>>, vector<16xf32>,
    %swap3A_333 = arith.constant 2592 : index
    %swap3A_334 = tpu.vector_load %arg6[%swap3A_333] {strides = array<i32>} : memref<3584xf32, #tpu.memory_space<vmem>>, vector<16xf32>,
    tpu.vector_store %arg6[%swap3A_333], %broadcast_in_dim3A_9 {strides = array<i32>} : memref<3584xf32, #tpu.memory_space<vmem>>, vector<16xf32>,
    %swap3A_335 = arith.constant 2608 : index
    %swap3A_336 = tpu.vector_load %arg6[%swap3A_335] {strides = array<i32>} : memref<3584xf32, #tpu.memory_space<vmem>>, vector<16xf32>,
    tpu.vector_store %arg6[%swap3A_335], %broadcast_in_dim3A_9 {strides = array<i32>} : memref<3584xf32, #tpu.memory_space<vmem>>, vector<16xf32>,
    %swap3A_337 = arith.constant 2624 : index
    %swap3A_338 = tpu.vector_load %arg6[%swap3A_337] {strides = array<i32>} : memref<3584xf32, #tpu.memory_space<vmem>>, vector<16xf32>,
    tpu.vector_store %arg6[%swap3A_337], %broadcast_in_dim3A_9 {strides = array<i32>} : memref<3584xf32, #tpu.memory_space<vmem>>, vector<16xf32>,
    %swap3A_339 = arith.constant 2640 : index
    %swap3A_340 = tpu.vector_load %arg6[%swap3A_339] {strides = array<i32>} : memref<3584xf32, #tpu.memory_space<vmem>>, vector<16xf32>,
    tpu.vector_store %arg6[%swap3A_339], %broadcast_in_dim3A_9 {strides = array<i32>} : memref<3584xf32, #tpu.memory_space<vmem>>, vector<16xf32>,
    %swap3A_341 = arith.constant 2656 : index
    %swap3A_342 = tpu.vector_load %arg6[%swap3A_341] {strides = array<i32>} : memref<3584xf32, #tpu.memory_space<vmem>>, vector<16xf32>,
    tpu.vector_store %arg6[%swap3A_341], %broadcast_in_dim3A_9 {strides = array<i32>} : memref<3584xf32, #tpu.memory_space<vmem>>, vector<16xf32>,
    %swap3A_343 = arith.constant 2672 : index
    %swap3A_344 = tpu.vector_load %arg6[%swap3A_343] {strides = array<i32>} : memref<3584xf32, #tpu.memory_space<vmem>>, vector<16xf32>,
    tpu.vector_store %arg6[%swap3A_343], %broadcast_in_dim3A_9 {strides = array<i32>} : memref<3584xf32, #tpu.memory_space<vmem>>, vector<16xf32>,
    %swap3A_345 = arith.constant 2688 : index
    %swap3A_346 = tpu.vector_load %arg6[%swap3A_345] {strides = array<i32>} : memref<3584xf32, #tpu.memory_space<vmem>>, vector<16xf32>,
    tpu.vector_store %arg6[%swap3A_345], %broadcast_in_dim3A_9 {strides = array<i32>} : memref<3584xf32, #tpu.memory_space<vmem>>, vector<16xf32>,
    %swap3A_347 = arith.constant 2704 : index
    %swap3A_348 = tpu.vector_load %arg6[%swap3A_347] {strides = array<i32>} : memref<3584xf32, #tpu.memory_space<vmem>>, vector<16xf32>,
    tpu.vector_store %arg6[%swap3A_347], %broadcast_in_dim3A_9 {strides = array<i32>} : memref<3584xf32, #tpu.memory_space<vmem>>, vector<16xf32>,
    %swap3A_349 = arith.constant 2720 : index
    %swap3A_350 = tpu.vector_load %arg6[%swap3A_349] {strides = array<i32>} : memref<3584xf32, #tpu.memory_space<vmem>>, vector<16xf32>,
    tpu.vector_store %arg6[%swap3A_349], %broadcast_in_dim3A_9 {strides = array<i32>} : memref<3584xf32, #tpu.memory_space<vmem>>, vector<16xf32>,
    %swap3A_351 = arith.constant 2736 : index
    %swap3A_352 = tpu.vector_load %arg6[%swap3A_351] {strides = array<i32>} : memref<3584xf32, #tpu.memory_space<vmem>>, vector<16xf32>,
    tpu.vector_store %arg6[%swap3A_351], %broadcast_in_dim3A_9 {strides = array<i32>} : memref<3584xf32, #tpu.memory_space<vmem>>, vector<16xf32>,
    %swap3A_353 = arith.constant 2752 : index
    %swap3A_354 = tpu.vector_load %arg6[%swap3A_353] {strides = array<i32>} : memref<3584xf32, #tpu.memory_space<vmem>>, vector<16xf32>,
    tpu.vector_store %arg6[%swap3A_353], %broadcast_in_dim3A_9 {strides = array<i32>} : memref<3584xf32, #tpu.memory_space<vmem>>, vector<16xf32>,
    %swap3A_355 = arith.constant 2768 : index
    %swap3A_356 = tpu.vector_load %arg6[%swap3A_355] {strides = array<i32>} : memref<3584xf32, #tpu.memory_space<vmem>>, vector<16xf32>,
    tpu.vector_store %arg6[%swap3A_355], %broadcast_in_dim3A_9 {strides = array<i32>} : memref<3584xf32, #tpu.memory_space<vmem>>, vector<16xf32>,
    %swap3A_357 = arith.constant 2784 : index
    %swap3A_358 = tpu.vector_load %arg6[%swap3A_357] {strides = array<i32>} : memref<3584xf32, #tpu.memory_space<vmem>>, vector<16xf32>,
    tpu.vector_store %arg6[%swap3A_357], %broadcast_in_dim3A_9 {strides = array<i32>} : memref<3584xf32, #tpu.memory_space<vmem>>, vector<16xf32>,
    %swap3A_359 = arith.constant 2800 : index
    %swap3A_360 = tpu.vector_load %arg6[%swap3A_359] {strides = array<i32>} : memref<3584xf32, #tpu.memory_space<vmem>>, vector<16xf32>,
    tpu.vector_store %arg6[%swap3A_359], %broadcast_in_dim3A_9 {strides = array<i32>} : memref<3584xf32, #tpu.memory_space<vmem>>, vector<16xf32>,
    %swap3A_361 = arith.constant 2816 : index
    %swap3A_362 = tpu.vector_load %arg6[%swap3A_361] {strides = array<i32>} : memref<3584xf32, #tpu.memory_space<vmem>>, vector<16xf32>,
    tpu.vector_store %arg6[%swap3A_361], %broadcast_in_dim3A_9 {strides = array<i32>} : memref<3584xf32, #tpu.memory_space<vmem>>, vector<16xf32>,
    %swap3A_363 = arith.constant 2832 : index
    %swap3A_364 = tpu.vector_load %arg6[%swap3A_363] {strides = array<i32>} : memref<3584xf32, #tpu.memory_space<vmem>>, vector<16xf32>,
    tpu.vector_store %arg6[%swap3A_363], %broadcast_in_dim3A_9 {strides = array<i32>} : memref<3584xf32, #tpu.memory_space<vmem>>, vector<16xf32>,
    %swap3A_365 = arith.constant 2848 : index
    %swap3A_366 = tpu.vector_load %arg6[%swap3A_365] {strides = array<i32>} : memref<3584xf32, #tpu.memory_space<vmem>>, vector<16xf32>,
    tpu.vector_store %arg6[%swap3A_365], %broadcast_in_dim3A_9 {strides = array<i32>} : memref<3584xf32, #tpu.memory_space<vmem>>, vector<16xf32>,
    %swap3A_367 = arith.constant 2864 : index
    %swap3A_368 = tpu.vector_load %arg6[%swap3A_367] {strides = array<i32>} : memref<3584xf32, #tpu.memory_space<vmem>>, vector<16xf32>,
    tpu.vector_store %arg6[%swap3A_367], %broadcast_in_dim3A_9 {strides = array<i32>} : memref<3584xf32, #tpu.memory_space<vmem>>, vector<16xf32>,
    %swap3A_369 = arith.constant 2880 : index
    %swap3A_370 = tpu.vector_load %arg6[%swap3A_369] {strides = array<i32>} : memref<3584xf32, #tpu.memory_space<vmem>>, vector<16xf32>,
    tpu.vector_store %arg6[%swap3A_369], %broadcast_in_dim3A_9 {strides = array<i32>} : memref<3584xf32, #tpu.memory_space<vmem>>, vector<16xf32>,
    %swap3A_371 = arith.constant 2896 : index
    %swap3A_372 = tpu.vector_load %arg6[%swap3A_371] {strides = array<i32>} : memref<3584xf32, #tpu.memory_space<vmem>>, vector<16xf32>,
    tpu.vector_store %arg6[%swap3A_371], %broadcast_in_dim3A_9 {strides = array<i32>} : memref<3584xf32, #tpu.memory_space<vmem>>, vector<16xf32>,
    %swap3A_373 = arith.constant 2912 : index
    %swap3A_374 = tpu.vector_load %arg6[%swap3A_373] {strides = array<i32>} : memref<3584xf32, #tpu.memory_space<vmem>>, vector<16xf32>,
    tpu.vector_store %arg6[%swap3A_373], %broadcast_in_dim3A_9 {strides = array<i32>} : memref<3584xf32, #tpu.memory_space<vmem>>, vector<16xf32>,
    %swap3A_375 = arith.constant 2928 : index
    %swap3A_376 = tpu.vector_load %arg6[%swap3A_375] {strides = array<i32>} : memref<3584xf32, #tpu.memory_space<vmem>>, vector<16xf32>,
    tpu.vector_store %arg6[%swap3A_375], %broadcast_in_dim3A_9 {strides = array<i32>} : memref<3584xf32, #tpu.memory_space<vmem>>, vector<16xf32>,
    %swap3A_377 = arith.constant 2944 : index
    %swap3A_378 = tpu.vector_load %arg6[%swap3A_377] {strides = array<i32>} : memref<3584xf32, #tpu.memory_space<vmem>>, vector<16xf32>,
    tpu.vector_store %arg6[%swap3A_377], %broadcast_in_dim3A_9 {strides = array<i32>} : memref<3584xf32, #tpu.memory_space<vmem>>, vector<16xf32>,
    %swap3A_379 = arith.constant 2960 : index
    %swap3A_380 = tpu.vector_load %arg6[%swap3A_379] {strides = array<i32>} : memref<3584xf32, #tpu.memory_space<vmem>>, vector<16xf32>,
    tpu.vector_store %arg6[%swap3A_379], %broadcast_in_dim3A_9 {strides = array<i32>} : memref<3584xf32, #tpu.memory_space<vmem>>, vector<16xf32>,
    %swap3A_381 = arith.constant 2976 : index
    %swap3A_382 = tpu.vector_load %arg6[%swap3A_381] {strides = array<i32>} : memref<3584xf32, #tpu.memory_space<vmem>>, vector<16xf32>,
    tpu.vector_store %arg6[%swap3A_381], %broadcast_in_dim3A_9 {strides = array<i32>} : memref<3584xf32, #tpu.memory_space<vmem>>, vector<16xf32>,
    %swap3A_383 = arith.constant 2992 : index
    %swap3A_384 = tpu.vector_load %arg6[%swap3A_383] {strides = array<i32>} : memref<3584xf32, #tpu.memory_space<vmem>>, vector<16xf32>,
    tpu.vector_store %arg6[%swap3A_383], %broadcast_in_dim3A_9 {strides = array<i32>} : memref<3584xf32, #tpu.memory_space<vmem>>, vector<16xf32>,
    %swap3A_385 = arith.constant 3008 : index
    %swap3A_386 = tpu.vector_load %arg6[%swap3A_385] {strides = array<i32>} : memref<3584xf32, #tpu.memory_space<vmem>>, vector<16xf32>,
    tpu.vector_store %arg6[%swap3A_385], %broadcast_in_dim3A_9 {strides = array<i32>} : memref<3584xf32, #tpu.memory_space<vmem>>, vector<16xf32>,
    %swap3A_387 = arith.constant 3024 : index
    %swap3A_388 = tpu.vector_load %arg6[%swap3A_387] {strides = array<i32>} : memref<3584xf32, #tpu.memory_space<vmem>>, vector<16xf32>,
    tpu.vector_store %arg6[%swap3A_387], %broadcast_in_dim3A_9 {strides = array<i32>} : memref<3584xf32, #tpu.memory_space<vmem>>, vector<16xf32>,
    %swap3A_389 = arith.constant 3040 : index
    %swap3A_390 = tpu.vector_load %arg6[%swap3A_389] {strides = array<i32>} : memref<3584xf32, #tpu.memory_space<vmem>>, vector<16xf32>,
    tpu.vector_store %arg6[%swap3A_389], %broadcast_in_dim3A_9 {strides = array<i32>} : memref<3584xf32, #tpu.memory_space<vmem>>, vector<16xf32>,
    %swap3A_391 = arith.constant 3056 : index
    %swap3A_392 = tpu.vector_load %arg6[%swap3A_391] {strides = array<i32>} : memref<3584xf32, #tpu.memory_space<vmem>>, vector<16xf32>,
    tpu.vector_store %arg6[%swap3A_391], %broadcast_in_dim3A_9 {strides = array<i32>} : memref<3584xf32, #tpu.memory_space<vmem>>, vector<16xf32>,
    %swap3A_393 = arith.constant 3072 : index
    %swap3A_394 = tpu.vector_load %arg6[%swap3A_393] {strides = array<i32>} : memref<3584xf32, #tpu.memory_space<vmem>>, vector<16xf32>,
    tpu.vector_store %arg6[%swap3A_393], %broadcast_in_dim3A_9 {strides = array<i32>} : memref<3584xf32, #tpu.memory_space<vmem>>, vector<16xf32>,
    %swap3A_395 = arith.constant 3088 : index
    %swap3A_396 = tpu.vector_load %arg6[%swap3A_395] {strides = array<i32>} : memref<3584xf32, #tpu.memory_space<vmem>>, vector<16xf32>,
    tpu.vector_store %arg6[%swap3A_395], %broadcast_in_dim3A_9 {strides = array<i32>} : memref<3584xf32, #tpu.memory_space<vmem>>, vector<16xf32>,
    %swap3A_397 = arith.constant 3104 : index
    %swap3A_398 = tpu.vector_load %arg6[%swap3A_397] {strides = array<i32>} : memref<3584xf32, #tpu.memory_space<vmem>>, vector<16xf32>,
    tpu.vector_store %arg6[%swap3A_397], %broadcast_in_dim3A_9 {strides = array<i32>} : memref<3584xf32, #tpu.memory_space<vmem>>, vector<16xf32>,
    %swap3A_399 = arith.constant 3120 : index
    %swap3A_400 = tpu.vector_load %arg6[%swap3A_399] {strides = array<i32>} : memref<3584xf32, #tpu.memory_space<vmem>>, vector<16xf32>,
    tpu.vector_store %arg6[%swap3A_399], %broadcast_in_dim3A_9 {strides = array<i32>} : memref<3584xf32, #tpu.memory_space<vmem>>, vector<16xf32>,
    %swap3A_401 = arith.constant 3136 : index
    %swap3A_402 = tpu.vector_load %arg6[%swap3A_401] {strides = array<i32>} : memref<3584xf32, #tpu.memory_space<vmem>>, vector<16xf32>,
    tpu.vector_store %arg6[%swap3A_401], %broadcast_in_dim3A_9 {strides = array<i32>} : memref<3584xf32, #tpu.memory_space<vmem>>, vector<16xf32>,
    %swap3A_403 = arith.constant 3152 : index
    %swap3A_404 = tpu.vector_load %arg6[%swap3A_403] {strides = array<i32>} : memref<3584xf32, #tpu.memory_space<vmem>>, vector<16xf32>,
    tpu.vector_store %arg6[%swap3A_403], %broadcast_in_dim3A_9 {strides = array<i32>} : memref<3584xf32, #tpu.memory_space<vmem>>, vector<16xf32>,
    %swap3A_405 = arith.constant 3168 : index
    %swap3A_406 = tpu.vector_load %arg6[%swap3A_405] {strides = array<i32>} : memref<3584xf32, #tpu.memory_space<vmem>>, vector<16xf32>,
    tpu.vector_store %arg6[%swap3A_405], %broadcast_in_dim3A_9 {strides = array<i32>} : memref<3584xf32, #tpu.memory_space<vmem>>, vector<16xf32>,
    %swap3A_407 = arith.constant 3184 : index
    %swap3A_408 = tpu.vector_load %arg6[%swap3A_407] {strides = array<i32>} : memref<3584xf32, #tpu.memory_space<vmem>>, vector<16xf32>,
    tpu.vector_store %arg6[%swap3A_407], %broadcast_in_dim3A_9 {strides = array<i32>} : memref<3584xf32, #tpu.memory_space<vmem>>, vector<16xf32>,
    %swap3A_409 = arith.constant 3200 : index
    %swap3A_410 = tpu.vector_load %arg6[%swap3A_409] {strides = array<i32>} : memref<3584xf32, #tpu.memory_space<vmem>>, vector<16xf32>,
    tpu.vector_store %arg6[%swap3A_409], %broadcast_in_dim3A_9 {strides = array<i32>} : memref<3584xf32, #tpu.memory_space<vmem>>, vector<16xf32>,
    %swap3A_411 = arith.constant 3216 : index
    %swap3A_412 = tpu.vector_load %arg6[%swap3A_411] {strides = array<i32>} : memref<3584xf32, #tpu.memory_space<vmem>>, vector<16xf32>,
    tpu.vector_store %arg6[%swap3A_411], %broadcast_in_dim3A_9 {strides = array<i32>} : memref<3584xf32, #tpu.memory_space<vmem>>, vector<16xf32>,
    %swap3A_413 = arith.constant 3232 : index
    %swap3A_414 = tpu.vector_load %arg6[%swap3A_413] {strides = array<i32>} : memref<3584xf32, #tpu.memory_space<vmem>>, vector<16xf32>,
    tpu.vector_store %arg6[%swap3A_413], %broadcast_in_dim3A_9 {strides = array<i32>} : memref<3584xf32, #tpu.memory_space<vmem>>, vector<16xf32>,
    %swap3A_415 = arith.constant 3248 : index
    %swap3A_416 = tpu.vector_load %arg6[%swap3A_415] {strides = array<i32>} : memref<3584xf32, #tpu.memory_space<vmem>>, vector<16xf32>,
    tpu.vector_store %arg6[%swap3A_415], %broadcast_in_dim3A_9 {strides = array<i32>} : memref<3584xf32, #tpu.memory_space<vmem>>, vector<16xf32>,
    %swap3A_417 = arith.constant 3264 : index
    %swap3A_418 = tpu.vector_load %arg6[%swap3A_417] {strides = array<i32>} : memref<3584xf32, #tpu.memory_space<vmem>>, vector<16xf32>,
    tpu.vector_store %arg6[%swap3A_417], %broadcast_in_dim3A_9 {strides = array<i32>} : memref<3584xf32, #tpu.memory_space<vmem>>, vector<16xf32>,
    %swap3A_419 = arith.constant 3280 : index
    %swap3A_420 = tpu.vector_load %arg6[%swap3A_419] {strides = array<i32>} : memref<3584xf32, #tpu.memory_space<vmem>>, vector<16xf32>,
    tpu.vector_store %arg6[%swap3A_419], %broadcast_in_dim3A_9 {strides = array<i32>} : memref<3584xf32, #tpu.memory_space<vmem>>, vector<16xf32>,
    %swap3A_421 = arith.constant 3296 : index
    %swap3A_422 = tpu.vector_load %arg6[%swap3A_421] {strides = array<i32>} : memref<3584xf32, #tpu.memory_space<vmem>>, vector<16xf32>,
    tpu.vector_store %arg6[%swap3A_421], %broadcast_in_dim3A_9 {strides = array<i32>} : memref<3584xf32, #tpu.memory_space<vmem>>, vector<16xf32>,
    %swap3A_423 = arith.constant 3312 : index
    %swap3A_424 = tpu.vector_load %arg6[%swap3A_423] {strides = array<i32>} : memref<3584xf32, #tpu.memory_space<vmem>>, vector<16xf32>,
    tpu.vector_store %arg6[%swap3A_423], %broadcast_in_dim3A_9 {strides = array<i32>} : memref<3584xf32, #tpu.memory_space<vmem>>, vector<16xf32>,
    %swap3A_425 = arith.constant 3328 : index
    %swap3A_426 = tpu.vector_load %arg6[%swap3A_425] {strides = array<i32>} : memref<3584xf32, #tpu.memory_space<vmem>>, vector<16xf32>,
    tpu.vector_store %arg6[%swap3A_425], %broadcast_in_dim3A_9 {strides = array<i32>} : memref<3584xf32, #tpu.memory_space<vmem>>, vector<16xf32>,
    %swap3A_427 = arith.constant 3344 : index
    %swap3A_428 = tpu.vector_load %arg6[%swap3A_427] {strides = array<i32>} : memref<3584xf32, #tpu.memory_space<vmem>>, vector<16xf32>,
    tpu.vector_store %arg6[%swap3A_427], %broadcast_in_dim3A_9 {strides = array<i32>} : memref<3584xf32, #tpu.memory_space<vmem>>, vector<16xf32>,
    %swap3A_429 = arith.constant 3360 : index
    %swap3A_430 = tpu.vector_load %arg6[%swap3A_429] {strides = array<i32>} : memref<3584xf32, #tpu.memory_space<vmem>>, vector<16xf32>,
    tpu.vector_store %arg6[%swap3A_429], %broadcast_in_dim3A_9 {strides = array<i32>} : memref<3584xf32, #tpu.memory_space<vmem>>, vector<16xf32>,
    %swap3A_431 = arith.constant 3376 : index
    %swap3A_432 = tpu.vector_load %arg6[%swap3A_431] {strides = array<i32>} : memref<3584xf32, #tpu.memory_space<vmem>>, vector<16xf32>,
    tpu.vector_store %arg6[%swap3A_431], %broadcast_in_dim3A_9 {strides = array<i32>} : memref<3584xf32, #tpu.memory_space<vmem>>, vector<16xf32>,
    %swap3A_433 = arith.constant 3392 : index
    %swap3A_434 = tpu.vector_load %arg6[%swap3A_433] {strides = array<i32>} : memref<3584xf32, #tpu.memory_space<vmem>>, vector<16xf32>,
    tpu.vector_store %arg6[%swap3A_433], %broadcast_in_dim3A_9 {strides = array<i32>} : memref<3584xf32, #tpu.memory_space<vmem>>, vector<16xf32>,
    %swap3A_435 = arith.constant 3408 : index
    %swap3A_436 = tpu.vector_load %arg6[%swap3A_435] {strides = array<i32>} : memref<3584xf32, #tpu.memory_space<vmem>>, vector<16xf32>,
    tpu.vector_store %arg6[%swap3A_435], %broadcast_in_dim3A_9 {strides = array<i32>} : memref<3584xf32, #tpu.memory_space<vmem>>, vector<16xf32>,
    %swap3A_437 = arith.constant 3424 : index
    %swap3A_438 = tpu.vector_load %arg6[%swap3A_437] {strides = array<i32>} : memref<3584xf32, #tpu.memory_space<vmem>>, vector<16xf32>,
    tpu.vector_store %arg6[%swap3A_437], %broadcast_in_dim3A_9 {strides = array<i32>} : memref<3584xf32, #tpu.memory_space<vmem>>, vector<16xf32>,
    %swap3A_439 = arith.constant 3440 : index
    %swap3A_440 = tpu.vector_load %arg6[%swap3A_439] {strides = array<i32>} : memref<3584xf32, #tpu.memory_space<vmem>>, vector<16xf32>,
    tpu.vector_store %arg6[%swap3A_439], %broadcast_in_dim3A_9 {strides = array<i32>} : memref<3584xf32, #tpu.memory_space<vmem>>, vector<16xf32>,
    %swap3A_441 = arith.constant 3456 : index
    %swap3A_442 = tpu.vector_load %arg6[%swap3A_441] {strides = array<i32>} : memref<3584xf32, #tpu.memory_space<vmem>>, vector<16xf32>,
    tpu.vector_store %arg6[%swap3A_441], %broadcast_in_dim3A_9 {strides = array<i32>} : memref<3584xf32, #tpu.memory_space<vmem>>, vector<16xf32>,
    %swap3A_443 = arith.constant 3472 : index
    %swap3A_444 = tpu.vector_load %arg6[%swap3A_443] {strides = array<i32>} : memref<3584xf32, #tpu.memory_space<vmem>>, vector<16xf32>,
    tpu.vector_store %arg6[%swap3A_443], %broadcast_in_dim3A_9 {strides = array<i32>} : memref<3584xf32, #tpu.memory_space<vmem>>, vector<16xf32>,
    %swap3A_445 = arith.constant 3488 : index
    %swap3A_446 = tpu.vector_load %arg6[%swap3A_445] {strides = array<i32>} : memref<3584xf32, #tpu.memory_space<vmem>>, vector<16xf32>,
    tpu.vector_store %arg6[%swap3A_445], %broadcast_in_dim3A_9 {strides = array<i32>} : memref<3584xf32, #tpu.memory_space<vmem>>, vector<16xf32>,
    %swap3A_447 = arith.constant 3504 : index
    %swap3A_448 = tpu.vector_load %arg6[%swap3A_447] {strides = array<i32>} : memref<3584xf32, #tpu.memory_space<vmem>>, vector<16xf32>,
    tpu.vector_store %arg6[%swap3A_447], %broadcast_in_dim3A_9 {strides = array<i32>} : memref<3584xf32, #tpu.memory_space<vmem>>, vector<16xf32>,
    %swap3A_449 = arith.constant 3520 : index
    %swap3A_450 = tpu.vector_load %arg6[%swap3A_449] {strides = array<i32>} : memref<3584xf32, #tpu.memory_space<vmem>>, vector<16xf32>,
    tpu.vector_store %arg6[%swap3A_449], %broadcast_in_dim3A_9 {strides = array<i32>} : memref<3584xf32, #tpu.memory_space<vmem>>, vector<16xf32>,
    %swap3A_451 = arith.constant 3536 : index
    %swap3A_452 = tpu.vector_load %arg6[%swap3A_451] {strides = array<i32>} : memref<3584xf32, #tpu.memory_space<vmem>>, vector<16xf32>,
    tpu.vector_store %arg6[%swap3A_451], %broadcast_in_dim3A_9 {strides = array<i32>} : memref<3584xf32, #tpu.memory_space<vmem>>, vector<16xf32>,
    %swap3A_453 = arith.constant 3552 : index
    %swap3A_454 = tpu.vector_load %arg6[%swap3A_453] {strides = array<i32>} : memref<3584xf32, #tpu.memory_space<vmem>>, vector<16xf32>,
    tpu.vector_store %arg6[%swap3A_453], %broadcast_in_dim3A_9 {strides = array<i32>} : memref<3584xf32, #tpu.memory_space<vmem>>, vector<16xf32>,
    %swap3A_455 = arith.constant 3568 : index
    %swap3A_456 = tpu.vector_load %arg6[%swap3A_455] {strides = array<i32>} : memref<3584xf32, #tpu.memory_space<vmem>>, vector<16xf32>,
    tpu.vector_store %arg6[%swap3A_455], %broadcast_in_dim3A_9 {strides = array<i32>} : memref<3584xf32, #tpu.memory_space<vmem>>, vector<16xf32>,
    %dma_start3A = arith.constant 0 : i32
    %dma_start3A_457 = tpu.memref_slice %arg2[%add3A, %dma_start3A] : memref<32x50048xi32, #tpu.memory_space<hbm>> -> memref<1x2944xi32, #tpu.memory_space<hbm>>
    %dma_start3A_458 = tpu.memref_squeeze %dma_start3A_457 : memref<1x2944xi32, #tpu.memory_space<hbm>> -> memref<2944xi32, #tpu.memory_space<hbm>>
    %dma_start3A_459 = arith.constant 0 : i32
    %dma_start3A_460 = tpu.memref_slice %arg2[%add3A, %dma_start3A_459] : memref<32x50048xi32, #tpu.memory_space<hbm>> -> memref<1x2944xi32, #tpu.memory_space<hbm>>
    %dma_start3A_461 = tpu.memref_squeeze %dma_start3A_460 : memref<1x2944xi32, #tpu.memory_space<hbm>> -> memref<2944xi32, #tpu.memory_space<hbm>>
    tpu.enqueue_dma source(%dma_start3A_461 : memref<2944xi32, #tpu.memory_space<hbm>>) target(%arg4 : memref<2944xi32, #tpu.memory_space<vmem>>) target_semaphore(%arg7 : memref<!tpu.dma_semaphore, #tpu.memory_space<semaphore_mem>>)
    %dma_start3A_462 = arith.constant 2944 : i32
    %dma_start3A_463 = tpu.memref_slice %arg2[%add3A, %dma_start3A_462] : memref<32x50048xi32, #tpu.memory_space<hbm>> -> memref<1x2944xi32, #tpu.memory_space<hbm>>
    %dma_start3A_464 = tpu.memref_squeeze %dma_start3A_463 : memref<1x2944xi32, #tpu.memory_space<hbm>> -> memref<2944xi32, #tpu.memory_space<hbm>>
    %dma_start3A_465 = arith.constant 2944 : i32
    %dma_start3A_466 = tpu.memref_slice %arg2[%add3A, %dma_start3A_465] : memref<32x50048xi32, #tpu.memory_space<hbm>> -> memref<1x2944xi32, #tpu.memory_space<hbm>>
    %dma_start3A_467 = tpu.memref_squeeze %dma_start3A_466 : memref<1x2944xi32, #tpu.memory_space<hbm>> -> memref<2944xi32, #tpu.memory_space<hbm>>
    tpu.enqueue_dma source(%dma_start3A_467 : memref<2944xi32, #tpu.memory_space<hbm>>) target(%arg5 : memref<2944xi32, #tpu.memory_space<vmem>>) target_semaphore(%arg8 : memref<!tpu.dma_semaphore, #tpu.memory_space<semaphore_mem>>)
    %dma_wait3A = arith.constant 0 : i32
    %dma_wait3A_468 = tpu.memref_slice %arg2[%add3A, %dma_wait3A] : memref<32x50048xi32, #tpu.memory_space<hbm>> -> memref<1x2944xi32, #tpu.memory_space<hbm>>
    %dma_wait3A_469 = tpu.memref_squeeze %dma_wait3A_468 : memref<1x2944xi32, #tpu.memory_space<hbm>> -> memref<2944xi32, #tpu.memory_space<hbm>>
    %dma_wait3A_470 = arith.constant 0 : i32
    %dma_wait3A_471 = tpu.memref_slice %arg2[%add3A, %dma_wait3A_470] : memref<32x50048xi32, #tpu.memory_space<hbm>> -> memref<1x2944xi32, #tpu.memory_space<hbm>>
    %dma_wait3A_472 = tpu.memref_squeeze %dma_wait3A_471 : memref<1x2944xi32, #tpu.memory_space<hbm>> -> memref<2944xi32, #tpu.memory_space<hbm>>
    tpu.wait_dma2 semaphore(%arg7 : memref<!tpu.dma_semaphore, #tpu.memory_space<semaphore_mem>>) src(%dma_wait3A_472 : memref<2944xi32, #tpu.memory_space<hbm>>) dst(%arg4 : memref<2944xi32, #tpu.memory_space<vmem>>)
    %scan3A = arith.constant 0 : i32
    %scan3A_473 = arith.constant 0 : i32
    %scan3A_474 = arith.constant 46 : i32
    %scan3A_475 = arith.addi %scan3A_473, %scan3A_474 : i32
    %scan3A_476 = arith.constant 1 : i32
    scf.for %scan3A_760 = %scan3A_473 to %scan3A_475 step %scan3A_476  : i32 {
      %mul3A_761 = arith.constant 64 : i32
      %mul3A_762 = arith.muli %scan3A_760, %mul3A_761 : i32
      %add3A_763 = arith.constant 0 : i32
      %add3A_764 = arith.addi %mul3A_762, %add3A_763 : i32
      %get3A = arith.index_cast %add3A_764 : i32 to index
      %get3A_765 = tpu.vector_load %arg4[%get3A] {strides = array<i32>} : memref<2944xi32, #tpu.memory_space<vmem>>, vector<16xi32>,
      %and3A = arith.constant 65535 : i32
      %and3A_766 = vector.broadcast %and3A : i32 to vector<16xi32>
      %and3A_767 = arith.andi %get3A_765, %and3A_766 : vector<16xi32>
      %shift_right_logical3A = arith.constant 16 : i32
      %shift_right_logical3A_768 = vector.broadcast %shift_right_logical3A : i32 to vector<16xi32>
      %shift_right_logical3A_769 = arith.shrui %get3A_765, %shift_right_logical3A_768 : vector<16xi32>
      %add3A_770 = arith.addi %mul3A_3, %and3A_767 : vector<16xi32>
      tpu.vector_store_idx %arg6[%add3A_770], %broadcast_in_dim3A_7 {add = true} : memref<3584xf32, #tpu.memory_space<vmem>>[vector<16xi32>], vector<16xf32>,
      %add3A_771 = arith.addi %add3A_6, %shift_right_logical3A_769 : vector<16xi32>
      tpu.vector_store_idx %arg6[%add3A_771], %broadcast_in_dim3A_7 {add = true} : memref<3584xf32, #tpu.memory_space<vmem>>[vector<16xi32>], vector<16xf32>,
      %add3A_772 = arith.constant 16 : i32
      %add3A_773 = arith.addi %mul3A_762, %add3A_772 : i32
      %get3A_774 = arith.index_cast %add3A_773 : i32 to index
      %get3A_775 = tpu.vector_load %arg4[%get3A_774] {strides = array<i32>} : memref<2944xi32, #tpu.memory_space<vmem>>, vector<16xi32>,
      %and3A_776 = arith.constant 65535 : i32
      %and3A_777 = vector.broadcast %and3A_776 : i32 to vector<16xi32>
      %and3A_778 = arith.andi %get3A_775, %and3A_777 : vector<16xi32>
      %shift_right_logical3A_779 = arith.constant 16 : i32
      %shift_right_logical3A_780 = vector.broadcast %shift_right_logical3A_779 : i32 to vector<16xi32>
      %shift_right_logical3A_781 = arith.shrui %get3A_775, %shift_right_logical3A_780 : vector<16xi32>
      %add3A_782 = arith.addi %mul3A_3, %and3A_778 : vector<16xi32>
      tpu.vector_store_idx %arg6[%add3A_782], %broadcast_in_dim3A_7 {add = true} : memref<3584xf32, #tpu.memory_space<vmem>>[vector<16xi32>], vector<16xf32>,
      %add3A_783 = arith.addi %add3A_6, %shift_right_logical3A_781 : vector<16xi32>
      tpu.vector_store_idx %arg6[%add3A_783], %broadcast_in_dim3A_7 {add = true} : memref<3584xf32, #tpu.memory_space<vmem>>[vector<16xi32>], vector<16xf32>,
      %add3A_784 = arith.constant 32 : i32
      %add3A_785 = arith.addi %mul3A_762, %add3A_784 : i32
      %get3A_786 = arith.index_cast %add3A_785 : i32 to index
      %get3A_787 = tpu.vector_load %arg4[%get3A_786] {strides = array<i32>} : memref<2944xi32, #tpu.memory_space<vmem>>, vector<16xi32>,
      %and3A_788 = arith.constant 65535 : i32
      %and3A_789 = vector.broadcast %and3A_788 : i32 to vector<16xi32>
      %and3A_790 = arith.andi %get3A_787, %and3A_789 : vector<16xi32>
      %shift_right_logical3A_791 = arith.constant 16 : i32
      %shift_right_logical3A_792 = vector.broadcast %shift_right_logical3A_791 : i32 to vector<16xi32>
      %shift_right_logical3A_793 = arith.shrui %get3A_787, %shift_right_logical3A_792 : vector<16xi32>
      %add3A_794 = arith.addi %mul3A_3, %and3A_790 : vector<16xi32>
      tpu.vector_store_idx %arg6[%add3A_794], %broadcast_in_dim3A_7 {add = true} : memref<3584xf32, #tpu.memory_space<vmem>>[vector<16xi32>], vector<16xf32>,
      %add3A_795 = arith.addi %add3A_6, %shift_right_logical3A_793 : vector<16xi32>
      tpu.vector_store_idx %arg6[%add3A_795], %broadcast_in_dim3A_7 {add = true} : memref<3584xf32, #tpu.memory_space<vmem>>[vector<16xi32>], vector<16xf32>,
      %add3A_796 = arith.constant 48 : i32
      %add3A_797 = arith.addi %mul3A_762, %add3A_796 : i32
      %get3A_798 = arith.index_cast %add3A_797 : i32 to index
      %get3A_799 = tpu.vector_load %arg4[%get3A_798] {strides = array<i32>} : memref<2944xi32, #tpu.memory_space<vmem>>, vector<16xi32>,
      %and3A_800 = arith.constant 65535 : i32
      %and3A_801 = vector.broadcast %and3A_800 : i32 to vector<16xi32>
      %and3A_802 = arith.andi %get3A_799, %and3A_801 : vector<16xi32>
      %shift_right_logical3A_803 = arith.constant 16 : i32
      %shift_right_logical3A_804 = vector.broadcast %shift_right_logical3A_803 : i32 to vector<16xi32>
      %shift_right_logical3A_805 = arith.shrui %get3A_799, %shift_right_logical3A_804 : vector<16xi32>
      %add3A_806 = arith.addi %mul3A_3, %and3A_802 : vector<16xi32>
      tpu.vector_store_idx %arg6[%add3A_806], %broadcast_in_dim3A_7 {add = true} : memref<3584xf32, #tpu.memory_space<vmem>>[vector<16xi32>], vector<16xf32>,
      %add3A_807 = arith.addi %add3A_6, %shift_right_logical3A_805 : vector<16xi32>
      tpu.vector_store_idx %arg6[%add3A_807], %broadcast_in_dim3A_7 {add = true} : memref<3584xf32, #tpu.memory_space<vmem>>[vector<16xi32>], vector<16xf32>,
    }
    %scan3A_477 = arith.constant 46 : i32
    %dma_start3A_478 = arith.constant 5888 : i32
    %dma_start3A_479 = tpu.memref_slice %arg2[%add3A, %dma_start3A_478] : memref<32x50048xi32, #tpu.memory_space<hbm>> -> memref<1x2944xi32, #tpu.memory_space<hbm>>
    %dma_start3A_480 = tpu.memref_squeeze %dma_start3A_479 : memref<1x2944xi32, #tpu.memory_space<hbm>> -> memref<2944xi32, #tpu.memory_space<hbm>>
    %dma_start3A_481 = arith.constant 5888 : i32
    %dma_start3A_482 = tpu.memref_slice %arg2[%add3A, %dma_start3A_481] : memref<32x50048xi32, #tpu.memory_space<hbm>> -> memref<1x2944xi32, #tpu.memory_space<hbm>>
    %dma_start3A_483 = tpu.memref_squeeze %dma_start3A_482 : memref<1x2944xi32, #tpu.memory_space<hbm>> -> memref<2944xi32, #tpu.memory_space<hbm>>
    tpu.enqueue_dma source(%dma_start3A_483 : memref<2944xi32, #tpu.memory_space<hbm>>) target(%arg4 : memref<2944xi32, #tpu.memory_space<vmem>>) target_semaphore(%arg7 : memref<!tpu.dma_semaphore, #tpu.memory_space<semaphore_mem>>)
    %dma_wait3A_484 = arith.constant 2944 : i32
    %dma_wait3A_485 = tpu.memref_slice %arg2[%add3A, %dma_wait3A_484] : memref<32x50048xi32, #tpu.memory_space<hbm>> -> memref<1x2944xi32, #tpu.memory_space<hbm>>
    %dma_wait3A_486 = tpu.memref_squeeze %dma_wait3A_485 : memref<1x2944xi32, #tpu.memory_space<hbm>> -> memref<2944xi32, #tpu.memory_space<hbm>>
    %dma_wait3A_487 = arith.constant 2944 : i32
    %dma_wait3A_488 = tpu.memref_slice %arg2[%add3A, %dma_wait3A_487] : memref<32x50048xi32, #tpu.memory_space<hbm>> -> memref<1x2944xi32, #tpu.memory_space<hbm>>
    %dma_wait3A_489 = tpu.memref_squeeze %dma_wait3A_488 : memref<1x2944xi32, #tpu.memory_space<hbm>> -> memref<2944xi32, #tpu.memory_space<hbm>>
    tpu.wait_dma2 semaphore(%arg8 : memref<!tpu.dma_semaphore, #tpu.memory_space<semaphore_mem>>) src(%dma_wait3A_489 : memref<2944xi32, #tpu.memory_space<hbm>>) dst(%arg5 : memref<2944xi32, #tpu.memory_space<vmem>>)
    %scan3A_490 = arith.constant 0 : i32
    %scan3A_491 = arith.constant 0 : i32
    %scan3A_492 = arith.constant 46 : i32
    %scan3A_493 = arith.addi %scan3A_491, %scan3A_492 : i32
    %scan3A_494 = arith.constant 1 : i32
    scf.for %scan3A_760 = %scan3A_491 to %scan3A_493 step %scan3A_494  : i32 {
      %mul3A_761 = arith.constant 64 : i32
      %mul3A_762 = arith.muli %scan3A_760, %mul3A_761 : i32
      %add3A_763 = arith.constant 0 : i32
      %add3A_764 = arith.addi %mul3A_762, %add3A_763 : i32
      %get3A = arith.index_cast %add3A_764 : i32 to index
      %get3A_765 = tpu.vector_load %arg5[%get3A] {strides = array<i32>} : memref<2944xi32, #tpu.memory_space<vmem>>, vector<16xi32>,
      %and3A = arith.constant 65535 : i32
      %and3A_766 = vector.broadcast %and3A : i32 to vector<16xi32>
      %and3A_767 = arith.andi %get3A_765, %and3A_766 : vector<16xi32>
      %shift_right_logical3A = arith.constant 16 : i32
      %shift_right_logical3A_768 = vector.broadcast %shift_right_logical3A : i32 to vector<16xi32>
      %shift_right_logical3A_769 = arith.shrui %get3A_765, %shift_right_logical3A_768 : vector<16xi32>
      %add3A_770 = arith.addi %mul3A_3, %and3A_767 : vector<16xi32>
      tpu.vector_store_idx %arg6[%add3A_770], %broadcast_in_dim3A_7 {add = true} : memref<3584xf32, #tpu.memory_space<vmem>>[vector<16xi32>], vector<16xf32>,
      %add3A_771 = arith.addi %add3A_6, %shift_right_logical3A_769 : vector<16xi32>
      tpu.vector_store_idx %arg6[%add3A_771], %broadcast_in_dim3A_7 {add = true} : memref<3584xf32, #tpu.memory_space<vmem>>[vector<16xi32>], vector<16xf32>,
      %add3A_772 = arith.constant 16 : i32
      %add3A_773 = arith.addi %mul3A_762, %add3A_772 : i32
      %get3A_774 = arith.index_cast %add3A_773 : i32 to index
      %get3A_775 = tpu.vector_load %arg5[%get3A_774] {strides = array<i32>} : memref<2944xi32, #tpu.memory_space<vmem>>, vector<16xi32>,
      %and3A_776 = arith.constant 65535 : i32
      %and3A_777 = vector.broadcast %and3A_776 : i32 to vector<16xi32>
      %and3A_778 = arith.andi %get3A_775, %and3A_777 : vector<16xi32>
      %shift_right_logical3A_779 = arith.constant 16 : i32
      %shift_right_logical3A_780 = vector.broadcast %shift_right_logical3A_779 : i32 to vector<16xi32>
      %shift_right_logical3A_781 = arith.shrui %get3A_775, %shift_right_logical3A_780 : vector<16xi32>
      %add3A_782 = arith.addi %mul3A_3, %and3A_778 : vector<16xi32>
      tpu.vector_store_idx %arg6[%add3A_782], %broadcast_in_dim3A_7 {add = true} : memref<3584xf32, #tpu.memory_space<vmem>>[vector<16xi32>], vector<16xf32>,
      %add3A_783 = arith.addi %add3A_6, %shift_right_logical3A_781 : vector<16xi32>
      tpu.vector_store_idx %arg6[%add3A_783], %broadcast_in_dim3A_7 {add = true} : memref<3584xf32, #tpu.memory_space<vmem>>[vector<16xi32>], vector<16xf32>,
      %add3A_784 = arith.constant 32 : i32
      %add3A_785 = arith.addi %mul3A_762, %add3A_784 : i32
      %get3A_786 = arith.index_cast %add3A_785 : i32 to index
      %get3A_787 = tpu.vector_load %arg5[%get3A_786] {strides = array<i32>} : memref<2944xi32, #tpu.memory_space<vmem>>, vector<16xi32>,
      %and3A_788 = arith.constant 65535 : i32
      %and3A_789 = vector.broadcast %and3A_788 : i32 to vector<16xi32>
      %and3A_790 = arith.andi %get3A_787, %and3A_789 : vector<16xi32>
      %shift_right_logical3A_791 = arith.constant 16 : i32
      %shift_right_logical3A_792 = vector.broadcast %shift_right_logical3A_791 : i32 to vector<16xi32>
      %shift_right_logical3A_793 = arith.shrui %get3A_787, %shift_right_logical3A_792 : vector<16xi32>
      %add3A_794 = arith.addi %mul3A_3, %and3A_790 : vector<16xi32>
      tpu.vector_store_idx %arg6[%add3A_794], %broadcast_in_dim3A_7 {add = true} : memref<3584xf32, #tpu.memory_space<vmem>>[vector<16xi32>], vector<16xf32>,
      %add3A_795 = arith.addi %add3A_6, %shift_right_logical3A_793 : vector<16xi32>
      tpu.vector_store_idx %arg6[%add3A_795], %broadcast_in_dim3A_7 {add = true} : memref<3584xf32, #tpu.memory_space<vmem>>[vector<16xi32>], vector<16xf32>,
      %add3A_796 = arith.constant 48 : i32
      %add3A_797 = arith.addi %mul3A_762, %add3A_796 : i32
      %get3A_798 = arith.index_cast %add3A_797 : i32 to index
      %get3A_799 = tpu.vector_load %arg5[%get3A_798] {strides = array<i32>} : memref<2944xi32, #tpu.memory_space<vmem>>, vector<16xi32>,
      %and3A_800 = arith.constant 65535 : i32
      %and3A_801 = vector.broadcast %and3A_800 : i32 to vector<16xi32>
      %and3A_802 = arith.andi %get3A_799, %and3A_801 : vector<16xi32>
      %shift_right_logical3A_803 = arith.constant 16 : i32
      %shift_right_logical3A_804 = vector.broadcast %shift_right_logical3A_803 : i32 to vector<16xi32>
      %shift_right_logical3A_805 = arith.shrui %get3A_799, %shift_right_logical3A_804 : vector<16xi32>
      %add3A_806 = arith.addi %mul3A_3, %and3A_802 : vector<16xi32>
      tpu.vector_store_idx %arg6[%add3A_806], %broadcast_in_dim3A_7 {add = true} : memref<3584xf32, #tpu.memory_space<vmem>>[vector<16xi32>], vector<16xf32>,
      %add3A_807 = arith.addi %add3A_6, %shift_right_logical3A_805 : vector<16xi32>
      tpu.vector_store_idx %arg6[%add3A_807], %broadcast_in_dim3A_7 {add = true} : memref<3584xf32, #tpu.memory_space<vmem>>[vector<16xi32>], vector<16xf32>,
    }
    %scan3A_495 = arith.constant 46 : i32
    %dma_start3A_496 = arith.constant 8832 : i32
    %dma_start3A_497 = tpu.memref_slice %arg2[%add3A, %dma_start3A_496] : memref<32x50048xi32, #tpu.memory_space<hbm>> -> memref<1x2944xi32, #tpu.memory_space<hbm>>
    %dma_start3A_498 = tpu.memref_squeeze %dma_start3A_497 : memref<1x2944xi32, #tpu.memory_space<hbm>> -> memref<2944xi32, #tpu.memory_space<hbm>>
    %dma_start3A_499 = arith.constant 8832 : i32
    %dma_start3A_500 = tpu.memref_slice %arg2[%add3A, %dma_start3A_499] : memref<32x50048xi32, #tpu.memory_space<hbm>> -> memref<1x2944xi32, #tpu.memory_space<hbm>>
    %dma_start3A_501 = tpu.memref_squeeze %dma_start3A_500 : memref<1x2944xi32, #tpu.memory_space<hbm>> -> memref<2944xi32, #tpu.memory_space<hbm>>
    tpu.enqueue_dma source(%dma_start3A_501 : memref<2944xi32, #tpu.memory_space<hbm>>) target(%arg5 : memref<2944xi32, #tpu.memory_space<vmem>>) target_semaphore(%arg8 : memref<!tpu.dma_semaphore, #tpu.memory_space<semaphore_mem>>)
    %dma_wait3A_502 = arith.constant 5888 : i32
    %dma_wait3A_503 = tpu.memref_slice %arg2[%add3A, %dma_wait3A_502] : memref<32x50048xi32, #tpu.memory_space<hbm>> -> memref<1x2944xi32, #tpu.memory_space<hbm>>
    %dma_wait3A_504 = tpu.memref_squeeze %dma_wait3A_503 : memref<1x2944xi32, #tpu.memory_space<hbm>> -> memref<2944xi32, #tpu.memory_space<hbm>>
    %dma_wait3A_505 = arith.constant 5888 : i32
    %dma_wait3A_506 = tpu.memref_slice %arg2[%add3A, %dma_wait3A_505] : memref<32x50048xi32, #tpu.memory_space<hbm>> -> memref<1x2944xi32, #tpu.memory_space<hbm>>
    %dma_wait3A_507 = tpu.memref_squeeze %dma_wait3A_506 : memref<1x2944xi32, #tpu.memory_space<hbm>> -> memref<2944xi32, #tpu.memory_space<hbm>>
    tpu.wait_dma2 semaphore(%arg7 : memref<!tpu.dma_semaphore, #tpu.memory_space<semaphore_mem>>) src(%dma_wait3A_507 : memref<2944xi32, #tpu.memory_space<hbm>>) dst(%arg4 : memref<2944xi32, #tpu.memory_space<vmem>>)
    %scan3A_508 = arith.constant 0 : i32
    %scan3A_509 = arith.constant 0 : i32
    %scan3A_510 = arith.constant 46 : i32
    %scan3A_511 = arith.addi %scan3A_509, %scan3A_510 : i32
    %scan3A_512 = arith.constant 1 : i32
    scf.for %scan3A_760 = %scan3A_509 to %scan3A_511 step %scan3A_512  : i32 {
      %mul3A_761 = arith.constant 64 : i32
      %mul3A_762 = arith.muli %scan3A_760, %mul3A_761 : i32
      %add3A_763 = arith.constant 0 : i32
      %add3A_764 = arith.addi %mul3A_762, %add3A_763 : i32
      %get3A = arith.index_cast %add3A_764 : i32 to index
      %get3A_765 = tpu.vector_load %arg4[%get3A] {strides = array<i32>} : memref<2944xi32, #tpu.memory_space<vmem>>, vector<16xi32>,
      %and3A = arith.constant 65535 : i32
      %and3A_766 = vector.broadcast %and3A : i32 to vector<16xi32>
      %and3A_767 = arith.andi %get3A_765, %and3A_766 : vector<16xi32>
      %shift_right_logical3A = arith.constant 16 : i32
      %shift_right_logical3A_768 = vector.broadcast %shift_right_logical3A : i32 to vector<16xi32>
      %shift_right_logical3A_769 = arith.shrui %get3A_765, %shift_right_logical3A_768 : vector<16xi32>
      %add3A_770 = arith.addi %mul3A_3, %and3A_767 : vector<16xi32>
      tpu.vector_store_idx %arg6[%add3A_770], %broadcast_in_dim3A_7 {add = true} : memref<3584xf32, #tpu.memory_space<vmem>>[vector<16xi32>], vector<16xf32>,
      %add3A_771 = arith.addi %add3A_6, %shift_right_logical3A_769 : vector<16xi32>
      tpu.vector_store_idx %arg6[%add3A_771], %broadcast_in_dim3A_7 {add = true} : memref<3584xf32, #tpu.memory_space<vmem>>[vector<16xi32>], vector<16xf32>,
      %add3A_772 = arith.constant 16 : i32
      %add3A_773 = arith.addi %mul3A_762, %add3A_772 : i32
      %get3A_774 = arith.index_cast %add3A_773 : i32 to index
      %get3A_775 = tpu.vector_load %arg4[%get3A_774] {strides = array<i32>} : memref<2944xi32, #tpu.memory_space<vmem>>, vector<16xi32>,
      %and3A_776 = arith.constant 65535 : i32
      %and3A_777 = vector.broadcast %and3A_776 : i32 to vector<16xi32>
      %and3A_778 = arith.andi %get3A_775, %and3A_777 : vector<16xi32>
      %shift_right_logical3A_779 = arith.constant 16 : i32
      %shift_right_logical3A_780 = vector.broadcast %shift_right_logical3A_779 : i32 to vector<16xi32>
      %shift_right_logical3A_781 = arith.shrui %get3A_775, %shift_right_logical3A_780 : vector<16xi32>
      %add3A_782 = arith.addi %mul3A_3, %and3A_778 : vector<16xi32>
      tpu.vector_store_idx %arg6[%add3A_782], %broadcast_in_dim3A_7 {add = true} : memref<3584xf32, #tpu.memory_space<vmem>>[vector<16xi32>], vector<16xf32>,
      %add3A_783 = arith.addi %add3A_6, %shift_right_logical3A_781 : vector<16xi32>
      tpu.vector_store_idx %arg6[%add3A_783], %broadcast_in_dim3A_7 {add = true} : memref<3584xf32, #tpu.memory_space<vmem>>[vector<16xi32>], vector<16xf32>,
      %add3A_784 = arith.constant 32 : i32
      %add3A_785 = arith.addi %mul3A_762, %add3A_784 : i32
      %get3A_786 = arith.index_cast %add3A_785 : i32 to index
      %get3A_787 = tpu.vector_load %arg4[%get3A_786] {strides = array<i32>} : memref<2944xi32, #tpu.memory_space<vmem>>, vector<16xi32>,
      %and3A_788 = arith.constant 65535 : i32
      %and3A_789 = vector.broadcast %and3A_788 : i32 to vector<16xi32>
      %and3A_790 = arith.andi %get3A_787, %and3A_789 : vector<16xi32>
      %shift_right_logical3A_791 = arith.constant 16 : i32
      %shift_right_logical3A_792 = vector.broadcast %shift_right_logical3A_791 : i32 to vector<16xi32>
      %shift_right_logical3A_793 = arith.shrui %get3A_787, %shift_right_logical3A_792 : vector<16xi32>
      %add3A_794 = arith.addi %mul3A_3, %and3A_790 : vector<16xi32>
      tpu.vector_store_idx %arg6[%add3A_794], %broadcast_in_dim3A_7 {add = true} : memref<3584xf32, #tpu.memory_space<vmem>>[vector<16xi32>], vector<16xf32>,
      %add3A_795 = arith.addi %add3A_6, %shift_right_logical3A_793 : vector<16xi32>
      tpu.vector_store_idx %arg6[%add3A_795], %broadcast_in_dim3A_7 {add = true} : memref<3584xf32, #tpu.memory_space<vmem>>[vector<16xi32>], vector<16xf32>,
      %add3A_796 = arith.constant 48 : i32
      %add3A_797 = arith.addi %mul3A_762, %add3A_796 : i32
      %get3A_798 = arith.index_cast %add3A_797 : i32 to index
      %get3A_799 = tpu.vector_load %arg4[%get3A_798] {strides = array<i32>} : memref<2944xi32, #tpu.memory_space<vmem>>, vector<16xi32>,
      %and3A_800 = arith.constant 65535 : i32
      %and3A_801 = vector.broadcast %and3A_800 : i32 to vector<16xi32>
      %and3A_802 = arith.andi %get3A_799, %and3A_801 : vector<16xi32>
      %shift_right_logical3A_803 = arith.constant 16 : i32
      %shift_right_logical3A_804 = vector.broadcast %shift_right_logical3A_803 : i32 to vector<16xi32>
      %shift_right_logical3A_805 = arith.shrui %get3A_799, %shift_right_logical3A_804 : vector<16xi32>
      %add3A_806 = arith.addi %mul3A_3, %and3A_802 : vector<16xi32>
      tpu.vector_store_idx %arg6[%add3A_806], %broadcast_in_dim3A_7 {add = true} : memref<3584xf32, #tpu.memory_space<vmem>>[vector<16xi32>], vector<16xf32>,
      %add3A_807 = arith.addi %add3A_6, %shift_right_logical3A_805 : vector<16xi32>
      tpu.vector_store_idx %arg6[%add3A_807], %broadcast_in_dim3A_7 {add = true} : memref<3584xf32, #tpu.memory_space<vmem>>[vector<16xi32>], vector<16xf32>,
    }
    %scan3A_513 = arith.constant 46 : i32
    %dma_start3A_514 = arith.constant 11776 : i32
    %dma_start3A_515 = tpu.memref_slice %arg2[%add3A, %dma_start3A_514] : memref<32x50048xi32, #tpu.memory_space<hbm>> -> memref<1x2944xi32, #tpu.memory_space<hbm>>
    %dma_start3A_516 = tpu.memref_squeeze %dma_start3A_515 : memref<1x2944xi32, #tpu.memory_space<hbm>> -> memref<2944xi32, #tpu.memory_space<hbm>>
    %dma_start3A_517 = arith.constant 11776 : i32
    %dma_start3A_518 = tpu.memref_slice %arg2[%add3A, %dma_start3A_517] : memref<32x50048xi32, #tpu.memory_space<hbm>> -> memref<1x2944xi32, #tpu.memory_space<hbm>>
    %dma_start3A_519 = tpu.memref_squeeze %dma_start3A_518 : memref<1x2944xi32, #tpu.memory_space<hbm>> -> memref<2944xi32, #tpu.memory_space<hbm>>
    tpu.enqueue_dma source(%dma_start3A_519 : memref<2944xi32, #tpu.memory_space<hbm>>) target(%arg4 : memref<2944xi32, #tpu.memory_space<vmem>>) target_semaphore(%arg7 : memref<!tpu.dma_semaphore, #tpu.memory_space<semaphore_mem>>)
    %dma_wait3A_520 = arith.constant 8832 : i32
    %dma_wait3A_521 = tpu.memref_slice %arg2[%add3A, %dma_wait3A_520] : memref<32x50048xi32, #tpu.memory_space<hbm>> -> memref<1x2944xi32, #tpu.memory_space<hbm>>
    %dma_wait3A_522 = tpu.memref_squeeze %dma_wait3A_521 : memref<1x2944xi32, #tpu.memory_space<hbm>> -> memref<2944xi32, #tpu.memory_space<hbm>>
    %dma_wait3A_523 = arith.constant 8832 : i32
    %dma_wait3A_524 = tpu.memref_slice %arg2[%add3A, %dma_wait3A_523] : memref<32x50048xi32, #tpu.memory_space<hbm>> -> memref<1x2944xi32, #tpu.memory_space<hbm>>
    %dma_wait3A_525 = tpu.memref_squeeze %dma_wait3A_524 : memref<1x2944xi32, #tpu.memory_space<hbm>> -> memref<2944xi32, #tpu.memory_space<hbm>>
    tpu.wait_dma2 semaphore(%arg8 : memref<!tpu.dma_semaphore, #tpu.memory_space<semaphore_mem>>) src(%dma_wait3A_525 : memref<2944xi32, #tpu.memory_space<hbm>>) dst(%arg5 : memref<2944xi32, #tpu.memory_space<vmem>>)
    %scan3A_526 = arith.constant 0 : i32
    %scan3A_527 = arith.constant 0 : i32
    %scan3A_528 = arith.constant 46 : i32
    %scan3A_529 = arith.addi %scan3A_527, %scan3A_528 : i32
    %scan3A_530 = arith.constant 1 : i32
    scf.for %scan3A_760 = %scan3A_527 to %scan3A_529 step %scan3A_530  : i32 {
      %mul3A_761 = arith.constant 64 : i32
      %mul3A_762 = arith.muli %scan3A_760, %mul3A_761 : i32
      %add3A_763 = arith.constant 0 : i32
      %add3A_764 = arith.addi %mul3A_762, %add3A_763 : i32
      %get3A = arith.index_cast %add3A_764 : i32 to index
      %get3A_765 = tpu.vector_load %arg5[%get3A] {strides = array<i32>} : memref<2944xi32, #tpu.memory_space<vmem>>, vector<16xi32>,
      %and3A = arith.constant 65535 : i32
      %and3A_766 = vector.broadcast %and3A : i32 to vector<16xi32>
      %and3A_767 = arith.andi %get3A_765, %and3A_766 : vector<16xi32>
      %shift_right_logical3A = arith.constant 16 : i32
      %shift_right_logical3A_768 = vector.broadcast %shift_right_logical3A : i32 to vector<16xi32>
      %shift_right_logical3A_769 = arith.shrui %get3A_765, %shift_right_logical3A_768 : vector<16xi32>
      %add3A_770 = arith.addi %mul3A_3, %and3A_767 : vector<16xi32>
      tpu.vector_store_idx %arg6[%add3A_770], %broadcast_in_dim3A_7 {add = true} : memref<3584xf32, #tpu.memory_space<vmem>>[vector<16xi32>], vector<16xf32>,
      %add3A_771 = arith.addi %add3A_6, %shift_right_logical3A_769 : vector<16xi32>
      tpu.vector_store_idx %arg6[%add3A_771], %broadcast_in_dim3A_7 {add = true} : memref<3584xf32, #tpu.memory_space<vmem>>[vector<16xi32>], vector<16xf32>,
      %add3A_772 = arith.constant 16 : i32
      %add3A_773 = arith.addi %mul3A_762, %add3A_772 : i32
      %get3A_774 = arith.index_cast %add3A_773 : i32 to index
      %get3A_775 = tpu.vector_load %arg5[%get3A_774] {strides = array<i32>} : memref<2944xi32, #tpu.memory_space<vmem>>, vector<16xi32>,
      %and3A_776 = arith.constant 65535 : i32
      %and3A_777 = vector.broadcast %and3A_776 : i32 to vector<16xi32>
      %and3A_778 = arith.andi %get3A_775, %and3A_777 : vector<16xi32>
      %shift_right_logical3A_779 = arith.constant 16 : i32
      %shift_right_logical3A_780 = vector.broadcast %shift_right_logical3A_779 : i32 to vector<16xi32>
      %shift_right_logical3A_781 = arith.shrui %get3A_775, %shift_right_logical3A_780 : vector<16xi32>
      %add3A_782 = arith.addi %mul3A_3, %and3A_778 : vector<16xi32>
      tpu.vector_store_idx %arg6[%add3A_782], %broadcast_in_dim3A_7 {add = true} : memref<3584xf32, #tpu.memory_space<vmem>>[vector<16xi32>], vector<16xf32>,
      %add3A_783 = arith.addi %add3A_6, %shift_right_logical3A_781 : vector<16xi32>
      tpu.vector_store_idx %arg6[%add3A_783], %broadcast_in_dim3A_7 {add = true} : memref<3584xf32, #tpu.memory_space<vmem>>[vector<16xi32>], vector<16xf32>,
      %add3A_784 = arith.constant 32 : i32
      %add3A_785 = arith.addi %mul3A_762, %add3A_784 : i32
      %get3A_786 = arith.index_cast %add3A_785 : i32 to index
      %get3A_787 = tpu.vector_load %arg5[%get3A_786] {strides = array<i32>} : memref<2944xi32, #tpu.memory_space<vmem>>, vector<16xi32>,
      %and3A_788 = arith.constant 65535 : i32
      %and3A_789 = vector.broadcast %and3A_788 : i32 to vector<16xi32>
      %and3A_790 = arith.andi %get3A_787, %and3A_789 : vector<16xi32>
      %shift_right_logical3A_791 = arith.constant 16 : i32
      %shift_right_logical3A_792 = vector.broadcast %shift_right_logical3A_791 : i32 to vector<16xi32>
      %shift_right_logical3A_793 = arith.shrui %get3A_787, %shift_right_logical3A_792 : vector<16xi32>
      %add3A_794 = arith.addi %mul3A_3, %and3A_790 : vector<16xi32>
      tpu.vector_store_idx %arg6[%add3A_794], %broadcast_in_dim3A_7 {add = true} : memref<3584xf32, #tpu.memory_space<vmem>>[vector<16xi32>], vector<16xf32>,
      %add3A_795 = arith.addi %add3A_6, %shift_right_logical3A_793 : vector<16xi32>
      tpu.vector_store_idx %arg6[%add3A_795], %broadcast_in_dim3A_7 {add = true} : memref<3584xf32, #tpu.memory_space<vmem>>[vector<16xi32>], vector<16xf32>,
      %add3A_796 = arith.constant 48 : i32
      %add3A_797 = arith.addi %mul3A_762, %add3A_796 : i32
      %get3A_798 = arith.index_cast %add3A_797 : i32 to index
      %get3A_799 = tpu.vector_load %arg5[%get3A_798] {strides = array<i32>} : memref<2944xi32, #tpu.memory_space<vmem>>, vector<16xi32>,
      %and3A_800 = arith.constant 65535 : i32
      %and3A_801 = vector.broadcast %and3A_800 : i32 to vector<16xi32>
      %and3A_802 = arith.andi %get3A_799, %and3A_801 : vector<16xi32>
      %shift_right_logical3A_803 = arith.constant 16 : i32
      %shift_right_logical3A_804 = vector.broadcast %shift_right_logical3A_803 : i32 to vector<16xi32>
      %shift_right_logical3A_805 = arith.shrui %get3A_799, %shift_right_logical3A_804 : vector<16xi32>
      %add3A_806 = arith.addi %mul3A_3, %and3A_802 : vector<16xi32>
      tpu.vector_store_idx %arg6[%add3A_806], %broadcast_in_dim3A_7 {add = true} : memref<3584xf32, #tpu.memory_space<vmem>>[vector<16xi32>], vector<16xf32>,
      %add3A_807 = arith.addi %add3A_6, %shift_right_logical3A_805 : vector<16xi32>
      tpu.vector_store_idx %arg6[%add3A_807], %broadcast_in_dim3A_7 {add = true} : memref<3584xf32, #tpu.memory_space<vmem>>[vector<16xi32>], vector<16xf32>,
    }
    %scan3A_531 = arith.constant 46 : i32
    %dma_start3A_532 = arith.constant 14720 : i32
    %dma_start3A_533 = tpu.memref_slice %arg2[%add3A, %dma_start3A_532] : memref<32x50048xi32, #tpu.memory_space<hbm>> -> memref<1x2944xi32, #tpu.memory_space<hbm>>
    %dma_start3A_534 = tpu.memref_squeeze %dma_start3A_533 : memref<1x2944xi32, #tpu.memory_space<hbm>> -> memref<2944xi32, #tpu.memory_space<hbm>>
    %dma_start3A_535 = arith.constant 14720 : i32
    %dma_start3A_536 = tpu.memref_slice %arg2[%add3A, %dma_start3A_535] : memref<32x50048xi32, #tpu.memory_space<hbm>> -> memref<1x2944xi32, #tpu.memory_space<hbm>>
    %dma_start3A_537 = tpu.memref_squeeze %dma_start3A_536 : memref<1x2944xi32, #tpu.memory_space<hbm>> -> memref<2944xi32, #tpu.memory_space<hbm>>
    tpu.enqueue_dma source(%dma_start3A_537 : memref<2944xi32, #tpu.memory_space<hbm>>) target(%arg5 : memref<2944xi32, #tpu.memory_space<vmem>>) target_semaphore(%arg8 : memref<!tpu.dma_semaphore, #tpu.memory_space<semaphore_mem>>)
    %dma_wait3A_538 = arith.constant 11776 : i32
    %dma_wait3A_539 = tpu.memref_slice %arg2[%add3A, %dma_wait3A_538] : memref<32x50048xi32, #tpu.memory_space<hbm>> -> memref<1x2944xi32, #tpu.memory_space<hbm>>
    %dma_wait3A_540 = tpu.memref_squeeze %dma_wait3A_539 : memref<1x2944xi32, #tpu.memory_space<hbm>> -> memref<2944xi32, #tpu.memory_space<hbm>>
    %dma_wait3A_541 = arith.constant 11776 : i32
    %dma_wait3A_542 = tpu.memref_slice %arg2[%add3A, %dma_wait3A_541] : memref<32x50048xi32, #tpu.memory_space<hbm>> -> memref<1x2944xi32, #tpu.memory_space<hbm>>
    %dma_wait3A_543 = tpu.memref_squeeze %dma_wait3A_542 : memref<1x2944xi32, #tpu.memory_space<hbm>> -> memref<2944xi32, #tpu.memory_space<hbm>>
    tpu.wait_dma2 semaphore(%arg7 : memref<!tpu.dma_semaphore, #tpu.memory_space<semaphore_mem>>) src(%dma_wait3A_543 : memref<2944xi32, #tpu.memory_space<hbm>>) dst(%arg4 : memref<2944xi32, #tpu.memory_space<vmem>>)
    %scan3A_544 = arith.constant 0 : i32
    %scan3A_545 = arith.constant 0 : i32
    %scan3A_546 = arith.constant 46 : i32
    %scan3A_547 = arith.addi %scan3A_545, %scan3A_546 : i32
    %scan3A_548 = arith.constant 1 : i32
    scf.for %scan3A_760 = %scan3A_545 to %scan3A_547 step %scan3A_548  : i32 {
      %mul3A_761 = arith.constant 64 : i32
      %mul3A_762 = arith.muli %scan3A_760, %mul3A_761 : i32
      %add3A_763 = arith.constant 0 : i32
      %add3A_764 = arith.addi %mul3A_762, %add3A_763 : i32
      %get3A = arith.index_cast %add3A_764 : i32 to index
      %get3A_765 = tpu.vector_load %arg4[%get3A] {strides = array<i32>} : memref<2944xi32, #tpu.memory_space<vmem>>, vector<16xi32>,
      %and3A = arith.constant 65535 : i32
      %and3A_766 = vector.broadcast %and3A : i32 to vector<16xi32>
      %and3A_767 = arith.andi %get3A_765, %and3A_766 : vector<16xi32>
      %shift_right_logical3A = arith.constant 16 : i32
      %shift_right_logical3A_768 = vector.broadcast %shift_right_logical3A : i32 to vector<16xi32>
      %shift_right_logical3A_769 = arith.shrui %get3A_765, %shift_right_logical3A_768 : vector<16xi32>
      %add3A_770 = arith.addi %mul3A_3, %and3A_767 : vector<16xi32>
      tpu.vector_store_idx %arg6[%add3A_770], %broadcast_in_dim3A_7 {add = true} : memref<3584xf32, #tpu.memory_space<vmem>>[vector<16xi32>], vector<16xf32>,
      %add3A_771 = arith.addi %add3A_6, %shift_right_logical3A_769 : vector<16xi32>
      tpu.vector_store_idx %arg6[%add3A_771], %broadcast_in_dim3A_7 {add = true} : memref<3584xf32, #tpu.memory_space<vmem>>[vector<16xi32>], vector<16xf32>,
      %add3A_772 = arith.constant 16 : i32
      %add3A_773 = arith.addi %mul3A_762, %add3A_772 : i32
      %get3A_774 = arith.index_cast %add3A_773 : i32 to index
      %get3A_775 = tpu.vector_load %arg4[%get3A_774] {strides = array<i32>} : memref<2944xi32, #tpu.memory_space<vmem>>, vector<16xi32>,
      %and3A_776 = arith.constant 65535 : i32
      %and3A_777 = vector.broadcast %and3A_776 : i32 to vector<16xi32>
      %and3A_778 = arith.andi %get3A_775, %and3A_777 : vector<16xi32>
      %shift_right_logical3A_779 = arith.constant 16 : i32
      %shift_right_logical3A_780 = vector.broadcast %shift_right_logical3A_779 : i32 to vector<16xi32>
      %shift_right_logical3A_781 = arith.shrui %get3A_775, %shift_right_logical3A_780 : vector<16xi32>
      %add3A_782 = arith.addi %mul3A_3, %and3A_778 : vector<16xi32>
      tpu.vector_store_idx %arg6[%add3A_782], %broadcast_in_dim3A_7 {add = true} : memref<3584xf32, #tpu.memory_space<vmem>>[vector<16xi32>], vector<16xf32>,
      %add3A_783 = arith.addi %add3A_6, %shift_right_logical3A_781 : vector<16xi32>
      tpu.vector_store_idx %arg6[%add3A_783], %broadcast_in_dim3A_7 {add = true} : memref<3584xf32, #tpu.memory_space<vmem>>[vector<16xi32>], vector<16xf32>,
      %add3A_784 = arith.constant 32 : i32
      %add3A_785 = arith.addi %mul3A_762, %add3A_784 : i32
      %get3A_786 = arith.index_cast %add3A_785 : i32 to index
      %get3A_787 = tpu.vector_load %arg4[%get3A_786] {strides = array<i32>} : memref<2944xi32, #tpu.memory_space<vmem>>, vector<16xi32>,
      %and3A_788 = arith.constant 65535 : i32
      %and3A_789 = vector.broadcast %and3A_788 : i32 to vector<16xi32>
      %and3A_790 = arith.andi %get3A_787, %and3A_789 : vector<16xi32>
      %shift_right_logical3A_791 = arith.constant 16 : i32
      %shift_right_logical3A_792 = vector.broadcast %shift_right_logical3A_791 : i32 to vector<16xi32>
      %shift_right_logical3A_793 = arith.shrui %get3A_787, %shift_right_logical3A_792 : vector<16xi32>
      %add3A_794 = arith.addi %mul3A_3, %and3A_790 : vector<16xi32>
      tpu.vector_store_idx %arg6[%add3A_794], %broadcast_in_dim3A_7 {add = true} : memref<3584xf32, #tpu.memory_space<vmem>>[vector<16xi32>], vector<16xf32>,
      %add3A_795 = arith.addi %add3A_6, %shift_right_logical3A_793 : vector<16xi32>
      tpu.vector_store_idx %arg6[%add3A_795], %broadcast_in_dim3A_7 {add = true} : memref<3584xf32, #tpu.memory_space<vmem>>[vector<16xi32>], vector<16xf32>,
      %add3A_796 = arith.constant 48 : i32
      %add3A_797 = arith.addi %mul3A_762, %add3A_796 : i32
      %get3A_798 = arith.index_cast %add3A_797 : i32 to index
      %get3A_799 = tpu.vector_load %arg4[%get3A_798] {strides = array<i32>} : memref<2944xi32, #tpu.memory_space<vmem>>, vector<16xi32>,
      %and3A_800 = arith.constant 65535 : i32
      %and3A_801 = vector.broadcast %and3A_800 : i32 to vector<16xi32>
      %and3A_802 = arith.andi %get3A_799, %and3A_801 : vector<16xi32>
      %shift_right_logical3A_803 = arith.constant 16 : i32
      %shift_right_logical3A_804 = vector.broadcast %shift_right_logical3A_803 : i32 to vector<16xi32>
      %shift_right_logical3A_805 = arith.shrui %get3A_799, %shift_right_logical3A_804 : vector<16xi32>
      %add3A_806 = arith.addi %mul3A_3, %and3A_802 : vector<16xi32>
      tpu.vector_store_idx %arg6[%add3A_806], %broadcast_in_dim3A_7 {add = true} : memref<3584xf32, #tpu.memory_space<vmem>>[vector<16xi32>], vector<16xf32>,
      %add3A_807 = arith.addi %add3A_6, %shift_right_logical3A_805 : vector<16xi32>
      tpu.vector_store_idx %arg6[%add3A_807], %broadcast_in_dim3A_7 {add = true} : memref<3584xf32, #tpu.memory_space<vmem>>[vector<16xi32>], vector<16xf32>,
    }
    %scan3A_549 = arith.constant 46 : i32
    %dma_start3A_550 = arith.constant 17664 : i32
    %dma_start3A_551 = tpu.memref_slice %arg2[%add3A, %dma_start3A_550] : memref<32x50048xi32, #tpu.memory_space<hbm>> -> memref<1x2944xi32, #tpu.memory_space<hbm>>
    %dma_start3A_552 = tpu.memref_squeeze %dma_start3A_551 : memref<1x2944xi32, #tpu.memory_space<hbm>> -> memref<2944xi32, #tpu.memory_space<hbm>>
    %dma_start3A_553 = arith.constant 17664 : i32
    %dma_start3A_554 = tpu.memref_slice %arg2[%add3A, %dma_start3A_553] : memref<32x50048xi32, #tpu.memory_space<hbm>> -> memref<1x2944xi32, #tpu.memory_space<hbm>>
    %dma_start3A_555 = tpu.memref_squeeze %dma_start3A_554 : memref<1x2944xi32, #tpu.memory_space<hbm>> -> memref<2944xi32, #tpu.memory_space<hbm>>
    tpu.enqueue_dma source(%dma_start3A_555 : memref<2944xi32, #tpu.memory_space<hbm>>) target(%arg4 : memref<2944xi32, #tpu.memory_space<vmem>>) target_semaphore(%arg7 : memref<!tpu.dma_semaphore, #tpu.memory_space<semaphore_mem>>)
    %dma_wait3A_556 = arith.constant 14720 : i32
    %dma_wait3A_557 = tpu.memref_slice %arg2[%add3A, %dma_wait3A_556] : memref<32x50048xi32, #tpu.memory_space<hbm>> -> memref<1x2944xi32, #tpu.memory_space<hbm>>
    %dma_wait3A_558 = tpu.memref_squeeze %dma_wait3A_557 : memref<1x2944xi32, #tpu.memory_space<hbm>> -> memref<2944xi32, #tpu.memory_space<hbm>>
    %dma_wait3A_559 = arith.constant 14720 : i32
    %dma_wait3A_560 = tpu.memref_slice %arg2[%add3A, %dma_wait3A_559] : memref<32x50048xi32, #tpu.memory_space<hbm>> -> memref<1x2944xi32, #tpu.memory_space<hbm>>
    %dma_wait3A_561 = tpu.memref_squeeze %dma_wait3A_560 : memref<1x2944xi32, #tpu.memory_space<hbm>> -> memref<2944xi32, #tpu.memory_space<hbm>>
    tpu.wait_dma2 semaphore(%arg8 : memref<!tpu.dma_semaphore, #tpu.memory_space<semaphore_mem>>) src(%dma_wait3A_561 : memref<2944xi32, #tpu.memory_space<hbm>>) dst(%arg5 : memref<2944xi32, #tpu.memory_space<vmem>>)
    %scan3A_562 = arith.constant 0 : i32
    %scan3A_563 = arith.constant 0 : i32
    %scan3A_564 = arith.constant 46 : i32
    %scan3A_565 = arith.addi %scan3A_563, %scan3A_564 : i32
    %scan3A_566 = arith.constant 1 : i32
    scf.for %scan3A_760 = %scan3A_563 to %scan3A_565 step %scan3A_566  : i32 {
      %mul3A_761 = arith.constant 64 : i32
      %mul3A_762 = arith.muli %scan3A_760, %mul3A_761 : i32
      %add3A_763 = arith.constant 0 : i32
      %add3A_764 = arith.addi %mul3A_762, %add3A_763 : i32
      %get3A = arith.index_cast %add3A_764 : i32 to index
      %get3A_765 = tpu.vector_load %arg5[%get3A] {strides = array<i32>} : memref<2944xi32, #tpu.memory_space<vmem>>, vector<16xi32>,
      %and3A = arith.constant 65535 : i32
      %and3A_766 = vector.broadcast %and3A : i32 to vector<16xi32>
      %and3A_767 = arith.andi %get3A_765, %and3A_766 : vector<16xi32>
      %shift_right_logical3A = arith.constant 16 : i32
      %shift_right_logical3A_768 = vector.broadcast %shift_right_logical3A : i32 to vector<16xi32>
      %shift_right_logical3A_769 = arith.shrui %get3A_765, %shift_right_logical3A_768 : vector<16xi32>
      %add3A_770 = arith.addi %mul3A_3, %and3A_767 : vector<16xi32>
      tpu.vector_store_idx %arg6[%add3A_770], %broadcast_in_dim3A_7 {add = true} : memref<3584xf32, #tpu.memory_space<vmem>>[vector<16xi32>], vector<16xf32>,
      %add3A_771 = arith.addi %add3A_6, %shift_right_logical3A_769 : vector<16xi32>
      tpu.vector_store_idx %arg6[%add3A_771], %broadcast_in_dim3A_7 {add = true} : memref<3584xf32, #tpu.memory_space<vmem>>[vector<16xi32>], vector<16xf32>,
      %add3A_772 = arith.constant 16 : i32
      %add3A_773 = arith.addi %mul3A_762, %add3A_772 : i32
      %get3A_774 = arith.index_cast %add3A_773 : i32 to index
      %get3A_775 = tpu.vector_load %arg5[%get3A_774] {strides = array<i32>} : memref<2944xi32, #tpu.memory_space<vmem>>, vector<16xi32>,
      %and3A_776 = arith.constant 65535 : i32
      %and3A_777 = vector.broadcast %and3A_776 : i32 to vector<16xi32>
      %and3A_778 = arith.andi %get3A_775, %and3A_777 : vector<16xi32>
      %shift_right_logical3A_779 = arith.constant 16 : i32
      %shift_right_logical3A_780 = vector.broadcast %shift_right_logical3A_779 : i32 to vector<16xi32>
      %shift_right_logical3A_781 = arith.shrui %get3A_775, %shift_right_logical3A_780 : vector<16xi32>
      %add3A_782 = arith.addi %mul3A_3, %and3A_778 : vector<16xi32>
      tpu.vector_store_idx %arg6[%add3A_782], %broadcast_in_dim3A_7 {add = true} : memref<3584xf32, #tpu.memory_space<vmem>>[vector<16xi32>], vector<16xf32>,
      %add3A_783 = arith.addi %add3A_6, %shift_right_logical3A_781 : vector<16xi32>
      tpu.vector_store_idx %arg6[%add3A_783], %broadcast_in_dim3A_7 {add = true} : memref<3584xf32, #tpu.memory_space<vmem>>[vector<16xi32>], vector<16xf32>,
      %add3A_784 = arith.constant 32 : i32
      %add3A_785 = arith.addi %mul3A_762, %add3A_784 : i32
      %get3A_786 = arith.index_cast %add3A_785 : i32 to index
      %get3A_787 = tpu.vector_load %arg5[%get3A_786] {strides = array<i32>} : memref<2944xi32, #tpu.memory_space<vmem>>, vector<16xi32>,
      %and3A_788 = arith.constant 65535 : i32
      %and3A_789 = vector.broadcast %and3A_788 : i32 to vector<16xi32>
      %and3A_790 = arith.andi %get3A_787, %and3A_789 : vector<16xi32>
      %shift_right_logical3A_791 = arith.constant 16 : i32
      %shift_right_logical3A_792 = vector.broadcast %shift_right_logical3A_791 : i32 to vector<16xi32>
      %shift_right_logical3A_793 = arith.shrui %get3A_787, %shift_right_logical3A_792 : vector<16xi32>
      %add3A_794 = arith.addi %mul3A_3, %and3A_790 : vector<16xi32>
      tpu.vector_store_idx %arg6[%add3A_794], %broadcast_in_dim3A_7 {add = true} : memref<3584xf32, #tpu.memory_space<vmem>>[vector<16xi32>], vector<16xf32>,
      %add3A_795 = arith.addi %add3A_6, %shift_right_logical3A_793 : vector<16xi32>
      tpu.vector_store_idx %arg6[%add3A_795], %broadcast_in_dim3A_7 {add = true} : memref<3584xf32, #tpu.memory_space<vmem>>[vector<16xi32>], vector<16xf32>,
      %add3A_796 = arith.constant 48 : i32
      %add3A_797 = arith.addi %mul3A_762, %add3A_796 : i32
      %get3A_798 = arith.index_cast %add3A_797 : i32 to index
      %get3A_799 = tpu.vector_load %arg5[%get3A_798] {strides = array<i32>} : memref<2944xi32, #tpu.memory_space<vmem>>, vector<16xi32>,
      %and3A_800 = arith.constant 65535 : i32
      %and3A_801 = vector.broadcast %and3A_800 : i32 to vector<16xi32>
      %and3A_802 = arith.andi %get3A_799, %and3A_801 : vector<16xi32>
      %shift_right_logical3A_803 = arith.constant 16 : i32
      %shift_right_logical3A_804 = vector.broadcast %shift_right_logical3A_803 : i32 to vector<16xi32>
      %shift_right_logical3A_805 = arith.shrui %get3A_799, %shift_right_logical3A_804 : vector<16xi32>
      %add3A_806 = arith.addi %mul3A_3, %and3A_802 : vector<16xi32>
      tpu.vector_store_idx %arg6[%add3A_806], %broadcast_in_dim3A_7 {add = true} : memref<3584xf32, #tpu.memory_space<vmem>>[vector<16xi32>], vector<16xf32>,
      %add3A_807 = arith.addi %add3A_6, %shift_right_logical3A_805 : vector<16xi32>
      tpu.vector_store_idx %arg6[%add3A_807], %broadcast_in_dim3A_7 {add = true} : memref<3584xf32, #tpu.memory_space<vmem>>[vector<16xi32>], vector<16xf32>,
    }
    %scan3A_567 = arith.constant 46 : i32
    %dma_start3A_568 = arith.constant 20608 : i32
    %dma_start3A_569 = tpu.memref_slice %arg2[%add3A, %dma_start3A_568] : memref<32x50048xi32, #tpu.memory_space<hbm>> -> memref<1x2944xi32, #tpu.memory_space<hbm>>
    %dma_start3A_570 = tpu.memref_squeeze %dma_start3A_569 : memref<1x2944xi32, #tpu.memory_space<hbm>> -> memref<2944xi32, #tpu.memory_space<hbm>>
    %dma_start3A_571 = arith.constant 20608 : i32
    %dma_start3A_572 = tpu.memref_slice %arg2[%add3A, %dma_start3A_571] : memref<32x50048xi32, #tpu.memory_space<hbm>> -> memref<1x2944xi32, #tpu.memory_space<hbm>>
    %dma_start3A_573 = tpu.memref_squeeze %dma_start3A_572 : memref<1x2944xi32, #tpu.memory_space<hbm>> -> memref<2944xi32, #tpu.memory_space<hbm>>
    tpu.enqueue_dma source(%dma_start3A_573 : memref<2944xi32, #tpu.memory_space<hbm>>) target(%arg5 : memref<2944xi32, #tpu.memory_space<vmem>>) target_semaphore(%arg8 : memref<!tpu.dma_semaphore, #tpu.memory_space<semaphore_mem>>)
    %dma_wait3A_574 = arith.constant 17664 : i32
    %dma_wait3A_575 = tpu.memref_slice %arg2[%add3A, %dma_wait3A_574] : memref<32x50048xi32, #tpu.memory_space<hbm>> -> memref<1x2944xi32, #tpu.memory_space<hbm>>
    %dma_wait3A_576 = tpu.memref_squeeze %dma_wait3A_575 : memref<1x2944xi32, #tpu.memory_space<hbm>> -> memref<2944xi32, #tpu.memory_space<hbm>>
    %dma_wait3A_577 = arith.constant 17664 : i32
    %dma_wait3A_578 = tpu.memref_slice %arg2[%add3A, %dma_wait3A_577] : memref<32x50048xi32, #tpu.memory_space<hbm>> -> memref<1x2944xi32, #tpu.memory_space<hbm>>
    %dma_wait3A_579 = tpu.memref_squeeze %dma_wait3A_578 : memref<1x2944xi32, #tpu.memory_space<hbm>> -> memref<2944xi32, #tpu.memory_space<hbm>>
    tpu.wait_dma2 semaphore(%arg7 : memref<!tpu.dma_semaphore, #tpu.memory_space<semaphore_mem>>) src(%dma_wait3A_579 : memref<2944xi32, #tpu.memory_space<hbm>>) dst(%arg4 : memref<2944xi32, #tpu.memory_space<vmem>>)
    %scan3A_580 = arith.constant 0 : i32
    %scan3A_581 = arith.constant 0 : i32
    %scan3A_582 = arith.constant 46 : i32
    %scan3A_583 = arith.addi %scan3A_581, %scan3A_582 : i32
    %scan3A_584 = arith.constant 1 : i32
    scf.for %scan3A_760 = %scan3A_581 to %scan3A_583 step %scan3A_584  : i32 {
      %mul3A_761 = arith.constant 64 : i32
      %mul3A_762 = arith.muli %scan3A_760, %mul3A_761 : i32
      %add3A_763 = arith.constant 0 : i32
      %add3A_764 = arith.addi %mul3A_762, %add3A_763 : i32
      %get3A = arith.index_cast %add3A_764 : i32 to index
      %get3A_765 = tpu.vector_load %arg4[%get3A] {strides = array<i32>} : memref<2944xi32, #tpu.memory_space<vmem>>, vector<16xi32>,
      %and3A = arith.constant 65535 : i32
      %and3A_766 = vector.broadcast %and3A : i32 to vector<16xi32>
      %and3A_767 = arith.andi %get3A_765, %and3A_766 : vector<16xi32>
      %shift_right_logical3A = arith.constant 16 : i32
      %shift_right_logical3A_768 = vector.broadcast %shift_right_logical3A : i32 to vector<16xi32>
      %shift_right_logical3A_769 = arith.shrui %get3A_765, %shift_right_logical3A_768 : vector<16xi32>
      %add3A_770 = arith.addi %mul3A_3, %and3A_767 : vector<16xi32>
      tpu.vector_store_idx %arg6[%add3A_770], %broadcast_in_dim3A_7 {add = true} : memref<3584xf32, #tpu.memory_space<vmem>>[vector<16xi32>], vector<16xf32>,
      %add3A_771 = arith.addi %add3A_6, %shift_right_logical3A_769 : vector<16xi32>
      tpu.vector_store_idx %arg6[%add3A_771], %broadcast_in_dim3A_7 {add = true} : memref<3584xf32, #tpu.memory_space<vmem>>[vector<16xi32>], vector<16xf32>,
      %add3A_772 = arith.constant 16 : i32
      %add3A_773 = arith.addi %mul3A_762, %add3A_772 : i32
      %get3A_774 = arith.index_cast %add3A_773 : i32 to index
      %get3A_775 = tpu.vector_load %arg4[%get3A_774] {strides = array<i32>} : memref<2944xi32, #tpu.memory_space<vmem>>, vector<16xi32>,
      %and3A_776 = arith.constant 65535 : i32
      %and3A_777 = vector.broadcast %and3A_776 : i32 to vector<16xi32>
      %and3A_778 = arith.andi %get3A_775, %and3A_777 : vector<16xi32>
      %shift_right_logical3A_779 = arith.constant 16 : i32
      %shift_right_logical3A_780 = vector.broadcast %shift_right_logical3A_779 : i32 to vector<16xi32>
      %shift_right_logical3A_781 = arith.shrui %get3A_775, %shift_right_logical3A_780 : vector<16xi32>
      %add3A_782 = arith.addi %mul3A_3, %and3A_778 : vector<16xi32>
      tpu.vector_store_idx %arg6[%add3A_782], %broadcast_in_dim3A_7 {add = true} : memref<3584xf32, #tpu.memory_space<vmem>>[vector<16xi32>], vector<16xf32>,
      %add3A_783 = arith.addi %add3A_6, %shift_right_logical3A_781 : vector<16xi32>
      tpu.vector_store_idx %arg6[%add3A_783], %broadcast_in_dim3A_7 {add = true} : memref<3584xf32, #tpu.memory_space<vmem>>[vector<16xi32>], vector<16xf32>,
      %add3A_784 = arith.constant 32 : i32
      %add3A_785 = arith.addi %mul3A_762, %add3A_784 : i32
      %get3A_786 = arith.index_cast %add3A_785 : i32 to index
      %get3A_787 = tpu.vector_load %arg4[%get3A_786] {strides = array<i32>} : memref<2944xi32, #tpu.memory_space<vmem>>, vector<16xi32>,
      %and3A_788 = arith.constant 65535 : i32
      %and3A_789 = vector.broadcast %and3A_788 : i32 to vector<16xi32>
      %and3A_790 = arith.andi %get3A_787, %and3A_789 : vector<16xi32>
      %shift_right_logical3A_791 = arith.constant 16 : i32
      %shift_right_logical3A_792 = vector.broadcast %shift_right_logical3A_791 : i32 to vector<16xi32>
      %shift_right_logical3A_793 = arith.shrui %get3A_787, %shift_right_logical3A_792 : vector<16xi32>
      %add3A_794 = arith.addi %mul3A_3, %and3A_790 : vector<16xi32>
      tpu.vector_store_idx %arg6[%add3A_794], %broadcast_in_dim3A_7 {add = true} : memref<3584xf32, #tpu.memory_space<vmem>>[vector<16xi32>], vector<16xf32>,
      %add3A_795 = arith.addi %add3A_6, %shift_right_logical3A_793 : vector<16xi32>
      tpu.vector_store_idx %arg6[%add3A_795], %broadcast_in_dim3A_7 {add = true} : memref<3584xf32, #tpu.memory_space<vmem>>[vector<16xi32>], vector<16xf32>,
      %add3A_796 = arith.constant 48 : i32
      %add3A_797 = arith.addi %mul3A_762, %add3A_796 : i32
      %get3A_798 = arith.index_cast %add3A_797 : i32 to index
      %get3A_799 = tpu.vector_load %arg4[%get3A_798] {strides = array<i32>} : memref<2944xi32, #tpu.memory_space<vmem>>, vector<16xi32>,
      %and3A_800 = arith.constant 65535 : i32
      %and3A_801 = vector.broadcast %and3A_800 : i32 to vector<16xi32>
      %and3A_802 = arith.andi %get3A_799, %and3A_801 : vector<16xi32>
      %shift_right_logical3A_803 = arith.constant 16 : i32
      %shift_right_logical3A_804 = vector.broadcast %shift_right_logical3A_803 : i32 to vector<16xi32>
      %shift_right_logical3A_805 = arith.shrui %get3A_799, %shift_right_logical3A_804 : vector<16xi32>
      %add3A_806 = arith.addi %mul3A_3, %and3A_802 : vector<16xi32>
      tpu.vector_store_idx %arg6[%add3A_806], %broadcast_in_dim3A_7 {add = true} : memref<3584xf32, #tpu.memory_space<vmem>>[vector<16xi32>], vector<16xf32>,
      %add3A_807 = arith.addi %add3A_6, %shift_right_logical3A_805 : vector<16xi32>
      tpu.vector_store_idx %arg6[%add3A_807], %broadcast_in_dim3A_7 {add = true} : memref<3584xf32, #tpu.memory_space<vmem>>[vector<16xi32>], vector<16xf32>,
    }
    %scan3A_585 = arith.constant 46 : i32
    %dma_start3A_586 = arith.constant 23552 : i32
    %dma_start3A_587 = tpu.memref_slice %arg2[%add3A, %dma_start3A_586] : memref<32x50048xi32, #tpu.memory_space<hbm>> -> memref<1x2944xi32, #tpu.memory_space<hbm>>
    %dma_start3A_588 = tpu.memref_squeeze %dma_start3A_587 : memref<1x2944xi32, #tpu.memory_space<hbm>> -> memref<2944xi32, #tpu.memory_space<hbm>>
    %dma_start3A_589 = arith.constant 23552 : i32
    %dma_start3A_590 = tpu.memref_slice %arg2[%add3A, %dma_start3A_589] : memref<32x50048xi32, #tpu.memory_space<hbm>> -> memref<1x2944xi32, #tpu.memory_space<hbm>>
    %dma_start3A_591 = tpu.memref_squeeze %dma_start3A_590 : memref<1x2944xi32, #tpu.memory_space<hbm>> -> memref<2944xi32, #tpu.memory_space<hbm>>
    tpu.enqueue_dma source(%dma_start3A_591 : memref<2944xi32, #tpu.memory_space<hbm>>) target(%arg4 : memref<2944xi32, #tpu.memory_space<vmem>>) target_semaphore(%arg7 : memref<!tpu.dma_semaphore, #tpu.memory_space<semaphore_mem>>)
    %dma_wait3A_592 = arith.constant 20608 : i32
    %dma_wait3A_593 = tpu.memref_slice %arg2[%add3A, %dma_wait3A_592] : memref<32x50048xi32, #tpu.memory_space<hbm>> -> memref<1x2944xi32, #tpu.memory_space<hbm>>
    %dma_wait3A_594 = tpu.memref_squeeze %dma_wait3A_593 : memref<1x2944xi32, #tpu.memory_space<hbm>> -> memref<2944xi32, #tpu.memory_space<hbm>>
    %dma_wait3A_595 = arith.constant 20608 : i32
    %dma_wait3A_596 = tpu.memref_slice %arg2[%add3A, %dma_wait3A_595] : memref<32x50048xi32, #tpu.memory_space<hbm>> -> memref<1x2944xi32, #tpu.memory_space<hbm>>
    %dma_wait3A_597 = tpu.memref_squeeze %dma_wait3A_596 : memref<1x2944xi32, #tpu.memory_space<hbm>> -> memref<2944xi32, #tpu.memory_space<hbm>>
    tpu.wait_dma2 semaphore(%arg8 : memref<!tpu.dma_semaphore, #tpu.memory_space<semaphore_mem>>) src(%dma_wait3A_597 : memref<2944xi32, #tpu.memory_space<hbm>>) dst(%arg5 : memref<2944xi32, #tpu.memory_space<vmem>>)
    %scan3A_598 = arith.constant 0 : i32
    %scan3A_599 = arith.constant 0 : i32
    %scan3A_600 = arith.constant 46 : i32
    %scan3A_601 = arith.addi %scan3A_599, %scan3A_600 : i32
    %scan3A_602 = arith.constant 1 : i32
    scf.for %scan3A_760 = %scan3A_599 to %scan3A_601 step %scan3A_602  : i32 {
      %mul3A_761 = arith.constant 64 : i32
      %mul3A_762 = arith.muli %scan3A_760, %mul3A_761 : i32
      %add3A_763 = arith.constant 0 : i32
      %add3A_764 = arith.addi %mul3A_762, %add3A_763 : i32
      %get3A = arith.index_cast %add3A_764 : i32 to index
      %get3A_765 = tpu.vector_load %arg5[%get3A] {strides = array<i32>} : memref<2944xi32, #tpu.memory_space<vmem>>, vector<16xi32>,
      %and3A = arith.constant 65535 : i32
      %and3A_766 = vector.broadcast %and3A : i32 to vector<16xi32>
      %and3A_767 = arith.andi %get3A_765, %and3A_766 : vector<16xi32>
      %shift_right_logical3A = arith.constant 16 : i32
      %shift_right_logical3A_768 = vector.broadcast %shift_right_logical3A : i32 to vector<16xi32>
      %shift_right_logical3A_769 = arith.shrui %get3A_765, %shift_right_logical3A_768 : vector<16xi32>
      %add3A_770 = arith.addi %mul3A_3, %and3A_767 : vector<16xi32>
      tpu.vector_store_idx %arg6[%add3A_770], %broadcast_in_dim3A_7 {add = true} : memref<3584xf32, #tpu.memory_space<vmem>>[vector<16xi32>], vector<16xf32>,
      %add3A_771 = arith.addi %add3A_6, %shift_right_logical3A_769 : vector<16xi32>
      tpu.vector_store_idx %arg6[%add3A_771], %broadcast_in_dim3A_7 {add = true} : memref<3584xf32, #tpu.memory_space<vmem>>[vector<16xi32>], vector<16xf32>,
      %add3A_772 = arith.constant 16 : i32
      %add3A_773 = arith.addi %mul3A_762, %add3A_772 : i32
      %get3A_774 = arith.index_cast %add3A_773 : i32 to index
      %get3A_775 = tpu.vector_load %arg5[%get3A_774] {strides = array<i32>} : memref<2944xi32, #tpu.memory_space<vmem>>, vector<16xi32>,
      %and3A_776 = arith.constant 65535 : i32
      %and3A_777 = vector.broadcast %and3A_776 : i32 to vector<16xi32>
      %and3A_778 = arith.andi %get3A_775, %and3A_777 : vector<16xi32>
      %shift_right_logical3A_779 = arith.constant 16 : i32
      %shift_right_logical3A_780 = vector.broadcast %shift_right_logical3A_779 : i32 to vector<16xi32>
      %shift_right_logical3A_781 = arith.shrui %get3A_775, %shift_right_logical3A_780 : vector<16xi32>
      %add3A_782 = arith.addi %mul3A_3, %and3A_778 : vector<16xi32>
      tpu.vector_store_idx %arg6[%add3A_782], %broadcast_in_dim3A_7 {add = true} : memref<3584xf32, #tpu.memory_space<vmem>>[vector<16xi32>], vector<16xf32>,
      %add3A_783 = arith.addi %add3A_6, %shift_right_logical3A_781 : vector<16xi32>
      tpu.vector_store_idx %arg6[%add3A_783], %broadcast_in_dim3A_7 {add = true} : memref<3584xf32, #tpu.memory_space<vmem>>[vector<16xi32>], vector<16xf32>,
      %add3A_784 = arith.constant 32 : i32
      %add3A_785 = arith.addi %mul3A_762, %add3A_784 : i32
      %get3A_786 = arith.index_cast %add3A_785 : i32 to index
      %get3A_787 = tpu.vector_load %arg5[%get3A_786] {strides = array<i32>} : memref<2944xi32, #tpu.memory_space<vmem>>, vector<16xi32>,
      %and3A_788 = arith.constant 65535 : i32
      %and3A_789 = vector.broadcast %and3A_788 : i32 to vector<16xi32>
      %and3A_790 = arith.andi %get3A_787, %and3A_789 : vector<16xi32>
      %shift_right_logical3A_791 = arith.constant 16 : i32
      %shift_right_logical3A_792 = vector.broadcast %shift_right_logical3A_791 : i32 to vector<16xi32>
      %shift_right_logical3A_793 = arith.shrui %get3A_787, %shift_right_logical3A_792 : vector<16xi32>
      %add3A_794 = arith.addi %mul3A_3, %and3A_790 : vector<16xi32>
      tpu.vector_store_idx %arg6[%add3A_794], %broadcast_in_dim3A_7 {add = true} : memref<3584xf32, #tpu.memory_space<vmem>>[vector<16xi32>], vector<16xf32>,
      %add3A_795 = arith.addi %add3A_6, %shift_right_logical3A_793 : vector<16xi32>
      tpu.vector_store_idx %arg6[%add3A_795], %broadcast_in_dim3A_7 {add = true} : memref<3584xf32, #tpu.memory_space<vmem>>[vector<16xi32>], vector<16xf32>,
      %add3A_796 = arith.constant 48 : i32
      %add3A_797 = arith.addi %mul3A_762, %add3A_796 : i32
      %get3A_798 = arith.index_cast %add3A_797 : i32 to index
      %get3A_799 = tpu.vector_load %arg5[%get3A_798] {strides = array<i32>} : memref<2944xi32, #tpu.memory_space<vmem>>, vector<16xi32>,
      %and3A_800 = arith.constant 65535 : i32
      %and3A_801 = vector.broadcast %and3A_800 : i32 to vector<16xi32>
      %and3A_802 = arith.andi %get3A_799, %and3A_801 : vector<16xi32>
      %shift_right_logical3A_803 = arith.constant 16 : i32
      %shift_right_logical3A_804 = vector.broadcast %shift_right_logical3A_803 : i32 to vector<16xi32>
      %shift_right_logical3A_805 = arith.shrui %get3A_799, %shift_right_logical3A_804 : vector<16xi32>
      %add3A_806 = arith.addi %mul3A_3, %and3A_802 : vector<16xi32>
      tpu.vector_store_idx %arg6[%add3A_806], %broadcast_in_dim3A_7 {add = true} : memref<3584xf32, #tpu.memory_space<vmem>>[vector<16xi32>], vector<16xf32>,
      %add3A_807 = arith.addi %add3A_6, %shift_right_logical3A_805 : vector<16xi32>
      tpu.vector_store_idx %arg6[%add3A_807], %broadcast_in_dim3A_7 {add = true} : memref<3584xf32, #tpu.memory_space<vmem>>[vector<16xi32>], vector<16xf32>,
    }
    %scan3A_603 = arith.constant 46 : i32
    %dma_start3A_604 = arith.constant 26496 : i32
    %dma_start3A_605 = tpu.memref_slice %arg2[%add3A, %dma_start3A_604] : memref<32x50048xi32, #tpu.memory_space<hbm>> -> memref<1x2944xi32, #tpu.memory_space<hbm>>
    %dma_start3A_606 = tpu.memref_squeeze %dma_start3A_605 : memref<1x2944xi32, #tpu.memory_space<hbm>> -> memref<2944xi32, #tpu.memory_space<hbm>>
    %dma_start3A_607 = arith.constant 26496 : i32
    %dma_start3A_608 = tpu.memref_slice %arg2[%add3A, %dma_start3A_607] : memref<32x50048xi32, #tpu.memory_space<hbm>> -> memref<1x2944xi32, #tpu.memory_space<hbm>>
    %dma_start3A_609 = tpu.memref_squeeze %dma_start3A_608 : memref<1x2944xi32, #tpu.memory_space<hbm>> -> memref<2944xi32, #tpu.memory_space<hbm>>
    tpu.enqueue_dma source(%dma_start3A_609 : memref<2944xi32, #tpu.memory_space<hbm>>) target(%arg5 : memref<2944xi32, #tpu.memory_space<vmem>>) target_semaphore(%arg8 : memref<!tpu.dma_semaphore, #tpu.memory_space<semaphore_mem>>)
    %dma_wait3A_610 = arith.constant 23552 : i32
    %dma_wait3A_611 = tpu.memref_slice %arg2[%add3A, %dma_wait3A_610] : memref<32x50048xi32, #tpu.memory_space<hbm>> -> memref<1x2944xi32, #tpu.memory_space<hbm>>
    %dma_wait3A_612 = tpu.memref_squeeze %dma_wait3A_611 : memref<1x2944xi32, #tpu.memory_space<hbm>> -> memref<2944xi32, #tpu.memory_space<hbm>>
    %dma_wait3A_613 = arith.constant 23552 : i32
    %dma_wait3A_614 = tpu.memref_slice %arg2[%add3A, %dma_wait3A_613] : memref<32x50048xi32, #tpu.memory_space<hbm>> -> memref<1x2944xi32, #tpu.memory_space<hbm>>
    %dma_wait3A_615 = tpu.memref_squeeze %dma_wait3A_614 : memref<1x2944xi32, #tpu.memory_space<hbm>> -> memref<2944xi32, #tpu.memory_space<hbm>>
    tpu.wait_dma2 semaphore(%arg7 : memref<!tpu.dma_semaphore, #tpu.memory_space<semaphore_mem>>) src(%dma_wait3A_615 : memref<2944xi32, #tpu.memory_space<hbm>>) dst(%arg4 : memref<2944xi32, #tpu.memory_space<vmem>>)
    %scan3A_616 = arith.constant 0 : i32
    %scan3A_617 = arith.constant 0 : i32
    %scan3A_618 = arith.constant 46 : i32
    %scan3A_619 = arith.addi %scan3A_617, %scan3A_618 : i32
    %scan3A_620 = arith.constant 1 : i32
    scf.for %scan3A_760 = %scan3A_617 to %scan3A_619 step %scan3A_620  : i32 {
      %mul3A_761 = arith.constant 64 : i32
      %mul3A_762 = arith.muli %scan3A_760, %mul3A_761 : i32
      %add3A_763 = arith.constant 0 : i32
      %add3A_764 = arith.addi %mul3A_762, %add3A_763 : i32
      %get3A = arith.index_cast %add3A_764 : i32 to index
      %get3A_765 = tpu.vector_load %arg4[%get3A] {strides = array<i32>} : memref<2944xi32, #tpu.memory_space<vmem>>, vector<16xi32>,
      %and3A = arith.constant 65535 : i32
      %and3A_766 = vector.broadcast %and3A : i32 to vector<16xi32>
      %and3A_767 = arith.andi %get3A_765, %and3A_766 : vector<16xi32>
      %shift_right_logical3A = arith.constant 16 : i32
      %shift_right_logical3A_768 = vector.broadcast %shift_right_logical3A : i32 to vector<16xi32>
      %shift_right_logical3A_769 = arith.shrui %get3A_765, %shift_right_logical3A_768 : vector<16xi32>
      %add3A_770 = arith.addi %mul3A_3, %and3A_767 : vector<16xi32>
      tpu.vector_store_idx %arg6[%add3A_770], %broadcast_in_dim3A_7 {add = true} : memref<3584xf32, #tpu.memory_space<vmem>>[vector<16xi32>], vector<16xf32>,
      %add3A_771 = arith.addi %add3A_6, %shift_right_logical3A_769 : vector<16xi32>
      tpu.vector_store_idx %arg6[%add3A_771], %broadcast_in_dim3A_7 {add = true} : memref<3584xf32, #tpu.memory_space<vmem>>[vector<16xi32>], vector<16xf32>,
      %add3A_772 = arith.constant 16 : i32
      %add3A_773 = arith.addi %mul3A_762, %add3A_772 : i32
      %get3A_774 = arith.index_cast %add3A_773 : i32 to index
      %get3A_775 = tpu.vector_load %arg4[%get3A_774] {strides = array<i32>} : memref<2944xi32, #tpu.memory_space<vmem>>, vector<16xi32>,
      %and3A_776 = arith.constant 65535 : i32
      %and3A_777 = vector.broadcast %and3A_776 : i32 to vector<16xi32>
      %and3A_778 = arith.andi %get3A_775, %and3A_777 : vector<16xi32>
      %shift_right_logical3A_779 = arith.constant 16 : i32
      %shift_right_logical3A_780 = vector.broadcast %shift_right_logical3A_779 : i32 to vector<16xi32>
      %shift_right_logical3A_781 = arith.shrui %get3A_775, %shift_right_logical3A_780 : vector<16xi32>
      %add3A_782 = arith.addi %mul3A_3, %and3A_778 : vector<16xi32>
      tpu.vector_store_idx %arg6[%add3A_782], %broadcast_in_dim3A_7 {add = true} : memref<3584xf32, #tpu.memory_space<vmem>>[vector<16xi32>], vector<16xf32>,
      %add3A_783 = arith.addi %add3A_6, %shift_right_logical3A_781 : vector<16xi32>
      tpu.vector_store_idx %arg6[%add3A_783], %broadcast_in_dim3A_7 {add = true} : memref<3584xf32, #tpu.memory_space<vmem>>[vector<16xi32>], vector<16xf32>,
      %add3A_784 = arith.constant 32 : i32
      %add3A_785 = arith.addi %mul3A_762, %add3A_784 : i32
      %get3A_786 = arith.index_cast %add3A_785 : i32 to index
      %get3A_787 = tpu.vector_load %arg4[%get3A_786] {strides = array<i32>} : memref<2944xi32, #tpu.memory_space<vmem>>, vector<16xi32>,
      %and3A_788 = arith.constant 65535 : i32
      %and3A_789 = vector.broadcast %and3A_788 : i32 to vector<16xi32>
      %and3A_790 = arith.andi %get3A_787, %and3A_789 : vector<16xi32>
      %shift_right_logical3A_791 = arith.constant 16 : i32
      %shift_right_logical3A_792 = vector.broadcast %shift_right_logical3A_791 : i32 to vector<16xi32>
      %shift_right_logical3A_793 = arith.shrui %get3A_787, %shift_right_logical3A_792 : vector<16xi32>
      %add3A_794 = arith.addi %mul3A_3, %and3A_790 : vector<16xi32>
      tpu.vector_store_idx %arg6[%add3A_794], %broadcast_in_dim3A_7 {add = true} : memref<3584xf32, #tpu.memory_space<vmem>>[vector<16xi32>], vector<16xf32>,
      %add3A_795 = arith.addi %add3A_6, %shift_right_logical3A_793 : vector<16xi32>
      tpu.vector_store_idx %arg6[%add3A_795], %broadcast_in_dim3A_7 {add = true} : memref<3584xf32, #tpu.memory_space<vmem>>[vector<16xi32>], vector<16xf32>,
      %add3A_796 = arith.constant 48 : i32
      %add3A_797 = arith.addi %mul3A_762, %add3A_796 : i32
      %get3A_798 = arith.index_cast %add3A_797 : i32 to index
      %get3A_799 = tpu.vector_load %arg4[%get3A_798] {strides = array<i32>} : memref<2944xi32, #tpu.memory_space<vmem>>, vector<16xi32>,
      %and3A_800 = arith.constant 65535 : i32
      %and3A_801 = vector.broadcast %and3A_800 : i32 to vector<16xi32>
      %and3A_802 = arith.andi %get3A_799, %and3A_801 : vector<16xi32>
      %shift_right_logical3A_803 = arith.constant 16 : i32
      %shift_right_logical3A_804 = vector.broadcast %shift_right_logical3A_803 : i32 to vector<16xi32>
      %shift_right_logical3A_805 = arith.shrui %get3A_799, %shift_right_logical3A_804 : vector<16xi32>
      %add3A_806 = arith.addi %mul3A_3, %and3A_802 : vector<16xi32>
      tpu.vector_store_idx %arg6[%add3A_806], %broadcast_in_dim3A_7 {add = true} : memref<3584xf32, #tpu.memory_space<vmem>>[vector<16xi32>], vector<16xf32>,
      %add3A_807 = arith.addi %add3A_6, %shift_right_logical3A_805 : vector<16xi32>
      tpu.vector_store_idx %arg6[%add3A_807], %broadcast_in_dim3A_7 {add = true} : memref<3584xf32, #tpu.memory_space<vmem>>[vector<16xi32>], vector<16xf32>,
    }
    %scan3A_621 = arith.constant 46 : i32
    %dma_start3A_622 = arith.constant 29440 : i32
    %dma_start3A_623 = tpu.memref_slice %arg2[%add3A, %dma_start3A_622] : memref<32x50048xi32, #tpu.memory_space<hbm>> -> memref<1x2944xi32, #tpu.memory_space<hbm>>
    %dma_start3A_624 = tpu.memref_squeeze %dma_start3A_623 : memref<1x2944xi32, #tpu.memory_space<hbm>> -> memref<2944xi32, #tpu.memory_space<hbm>>
    %dma_start3A_625 = arith.constant 29440 : i32
    %dma_start3A_626 = tpu.memref_slice %arg2[%add3A, %dma_start3A_625] : memref<32x50048xi32, #tpu.memory_space<hbm>> -> memref<1x2944xi32, #tpu.memory_space<hbm>>
    %dma_start3A_627 = tpu.memref_squeeze %dma_start3A_626 : memref<1x2944xi32, #tpu.memory_space<hbm>> -> memref<2944xi32, #tpu.memory_space<hbm>>
    tpu.enqueue_dma source(%dma_start3A_627 : memref<2944xi32, #tpu.memory_space<hbm>>) target(%arg4 : memref<2944xi32, #tpu.memory_space<vmem>>) target_semaphore(%arg7 : memref<!tpu.dma_semaphore, #tpu.memory_space<semaphore_mem>>)
    %dma_wait3A_628 = arith.constant 26496 : i32
    %dma_wait3A_629 = tpu.memref_slice %arg2[%add3A, %dma_wait3A_628] : memref<32x50048xi32, #tpu.memory_space<hbm>> -> memref<1x2944xi32, #tpu.memory_space<hbm>>
    %dma_wait3A_630 = tpu.memref_squeeze %dma_wait3A_629 : memref<1x2944xi32, #tpu.memory_space<hbm>> -> memref<2944xi32, #tpu.memory_space<hbm>>
    %dma_wait3A_631 = arith.constant 26496 : i32
    %dma_wait3A_632 = tpu.memref_slice %arg2[%add3A, %dma_wait3A_631] : memref<32x50048xi32, #tpu.memory_space<hbm>> -> memref<1x2944xi32, #tpu.memory_space<hbm>>
    %dma_wait3A_633 = tpu.memref_squeeze %dma_wait3A_632 : memref<1x2944xi32, #tpu.memory_space<hbm>> -> memref<2944xi32, #tpu.memory_space<hbm>>
    tpu.wait_dma2 semaphore(%arg8 : memref<!tpu.dma_semaphore, #tpu.memory_space<semaphore_mem>>) src(%dma_wait3A_633 : memref<2944xi32, #tpu.memory_space<hbm>>) dst(%arg5 : memref<2944xi32, #tpu.memory_space<vmem>>)
    %scan3A_634 = arith.constant 0 : i32
    %scan3A_635 = arith.constant 0 : i32
    %scan3A_636 = arith.constant 46 : i32
    %scan3A_637 = arith.addi %scan3A_635, %scan3A_636 : i32
    %scan3A_638 = arith.constant 1 : i32
    scf.for %scan3A_760 = %scan3A_635 to %scan3A_637 step %scan3A_638  : i32 {
      %mul3A_761 = arith.constant 64 : i32
      %mul3A_762 = arith.muli %scan3A_760, %mul3A_761 : i32
      %add3A_763 = arith.constant 0 : i32
      %add3A_764 = arith.addi %mul3A_762, %add3A_763 : i32
      %get3A = arith.index_cast %add3A_764 : i32 to index
      %get3A_765 = tpu.vector_load %arg5[%get3A] {strides = array<i32>} : memref<2944xi32, #tpu.memory_space<vmem>>, vector<16xi32>,
      %and3A = arith.constant 65535 : i32
      %and3A_766 = vector.broadcast %and3A : i32 to vector<16xi32>
      %and3A_767 = arith.andi %get3A_765, %and3A_766 : vector<16xi32>
      %shift_right_logical3A = arith.constant 16 : i32
      %shift_right_logical3A_768 = vector.broadcast %shift_right_logical3A : i32 to vector<16xi32>
      %shift_right_logical3A_769 = arith.shrui %get3A_765, %shift_right_logical3A_768 : vector<16xi32>
      %add3A_770 = arith.addi %mul3A_3, %and3A_767 : vector<16xi32>
      tpu.vector_store_idx %arg6[%add3A_770], %broadcast_in_dim3A_7 {add = true} : memref<3584xf32, #tpu.memory_space<vmem>>[vector<16xi32>], vector<16xf32>,
      %add3A_771 = arith.addi %add3A_6, %shift_right_logical3A_769 : vector<16xi32>
      tpu.vector_store_idx %arg6[%add3A_771], %broadcast_in_dim3A_7 {add = true} : memref<3584xf32, #tpu.memory_space<vmem>>[vector<16xi32>], vector<16xf32>,
      %add3A_772 = arith.constant 16 : i32
      %add3A_773 = arith.addi %mul3A_762, %add3A_772 : i32
      %get3A_774 = arith.index_cast %add3A_773 : i32 to index
      %get3A_775 = tpu.vector_load %arg5[%get3A_774] {strides = array<i32>} : memref<2944xi32, #tpu.memory_space<vmem>>, vector<16xi32>,
      %and3A_776 = arith.constant 65535 : i32
      %and3A_777 = vector.broadcast %and3A_776 : i32 to vector<16xi32>
      %and3A_778 = arith.andi %get3A_775, %and3A_777 : vector<16xi32>
      %shift_right_logical3A_779 = arith.constant 16 : i32
      %shift_right_logical3A_780 = vector.broadcast %shift_right_logical3A_779 : i32 to vector<16xi32>
      %shift_right_logical3A_781 = arith.shrui %get3A_775, %shift_right_logical3A_780 : vector<16xi32>
      %add3A_782 = arith.addi %mul3A_3, %and3A_778 : vector<16xi32>
      tpu.vector_store_idx %arg6[%add3A_782], %broadcast_in_dim3A_7 {add = true} : memref<3584xf32, #tpu.memory_space<vmem>>[vector<16xi32>], vector<16xf32>,
      %add3A_783 = arith.addi %add3A_6, %shift_right_logical3A_781 : vector<16xi32>
      tpu.vector_store_idx %arg6[%add3A_783], %broadcast_in_dim3A_7 {add = true} : memref<3584xf32, #tpu.memory_space<vmem>>[vector<16xi32>], vector<16xf32>,
      %add3A_784 = arith.constant 32 : i32
      %add3A_785 = arith.addi %mul3A_762, %add3A_784 : i32
      %get3A_786 = arith.index_cast %add3A_785 : i32 to index
      %get3A_787 = tpu.vector_load %arg5[%get3A_786] {strides = array<i32>} : memref<2944xi32, #tpu.memory_space<vmem>>, vector<16xi32>,
      %and3A_788 = arith.constant 65535 : i32
      %and3A_789 = vector.broadcast %and3A_788 : i32 to vector<16xi32>
      %and3A_790 = arith.andi %get3A_787, %and3A_789 : vector<16xi32>
      %shift_right_logical3A_791 = arith.constant 16 : i32
      %shift_right_logical3A_792 = vector.broadcast %shift_right_logical3A_791 : i32 to vector<16xi32>
      %shift_right_logical3A_793 = arith.shrui %get3A_787, %shift_right_logical3A_792 : vector<16xi32>
      %add3A_794 = arith.addi %mul3A_3, %and3A_790 : vector<16xi32>
      tpu.vector_store_idx %arg6[%add3A_794], %broadcast_in_dim3A_7 {add = true} : memref<3584xf32, #tpu.memory_space<vmem>>[vector<16xi32>], vector<16xf32>,
      %add3A_795 = arith.addi %add3A_6, %shift_right_logical3A_793 : vector<16xi32>
      tpu.vector_store_idx %arg6[%add3A_795], %broadcast_in_dim3A_7 {add = true} : memref<3584xf32, #tpu.memory_space<vmem>>[vector<16xi32>], vector<16xf32>,
      %add3A_796 = arith.constant 48 : i32
      %add3A_797 = arith.addi %mul3A_762, %add3A_796 : i32
      %get3A_798 = arith.index_cast %add3A_797 : i32 to index
      %get3A_799 = tpu.vector_load %arg5[%get3A_798] {strides = array<i32>} : memref<2944xi32, #tpu.memory_space<vmem>>, vector<16xi32>,
      %and3A_800 = arith.constant 65535 : i32
      %and3A_801 = vector.broadcast %and3A_800 : i32 to vector<16xi32>
      %and3A_802 = arith.andi %get3A_799, %and3A_801 : vector<16xi32>
      %shift_right_logical3A_803 = arith.constant 16 : i32
      %shift_right_logical3A_804 = vector.broadcast %shift_right_logical3A_803 : i32 to vector<16xi32>
      %shift_right_logical3A_805 = arith.shrui %get3A_799, %shift_right_logical3A_804 : vector<16xi32>
      %add3A_806 = arith.addi %mul3A_3, %and3A_802 : vector<16xi32>
      tpu.vector_store_idx %arg6[%add3A_806], %broadcast_in_dim3A_7 {add = true} : memref<3584xf32, #tpu.memory_space<vmem>>[vector<16xi32>], vector<16xf32>,
      %add3A_807 = arith.addi %add3A_6, %shift_right_logical3A_805 : vector<16xi32>
      tpu.vector_store_idx %arg6[%add3A_807], %broadcast_in_dim3A_7 {add = true} : memref<3584xf32, #tpu.memory_space<vmem>>[vector<16xi32>], vector<16xf32>,
    }
    %scan3A_639 = arith.constant 46 : i32
    %dma_start3A_640 = arith.constant 32384 : i32
    %dma_start3A_641 = tpu.memref_slice %arg2[%add3A, %dma_start3A_640] : memref<32x50048xi32, #tpu.memory_space<hbm>> -> memref<1x2944xi32, #tpu.memory_space<hbm>>
    %dma_start3A_642 = tpu.memref_squeeze %dma_start3A_641 : memref<1x2944xi32, #tpu.memory_space<hbm>> -> memref<2944xi32, #tpu.memory_space<hbm>>
    %dma_start3A_643 = arith.constant 32384 : i32
    %dma_start3A_644 = tpu.memref_slice %arg2[%add3A, %dma_start3A_643] : memref<32x50048xi32, #tpu.memory_space<hbm>> -> memref<1x2944xi32, #tpu.memory_space<hbm>>
    %dma_start3A_645 = tpu.memref_squeeze %dma_start3A_644 : memref<1x2944xi32, #tpu.memory_space<hbm>> -> memref<2944xi32, #tpu.memory_space<hbm>>
    tpu.enqueue_dma source(%dma_start3A_645 : memref<2944xi32, #tpu.memory_space<hbm>>) target(%arg5 : memref<2944xi32, #tpu.memory_space<vmem>>) target_semaphore(%arg8 : memref<!tpu.dma_semaphore, #tpu.memory_space<semaphore_mem>>)
    %dma_wait3A_646 = arith.constant 29440 : i32
    %dma_wait3A_647 = tpu.memref_slice %arg2[%add3A, %dma_wait3A_646] : memref<32x50048xi32, #tpu.memory_space<hbm>> -> memref<1x2944xi32, #tpu.memory_space<hbm>>
    %dma_wait3A_648 = tpu.memref_squeeze %dma_wait3A_647 : memref<1x2944xi32, #tpu.memory_space<hbm>> -> memref<2944xi32, #tpu.memory_space<hbm>>
    %dma_wait3A_649 = arith.constant 29440 : i32
    %dma_wait3A_650 = tpu.memref_slice %arg2[%add3A, %dma_wait3A_649] : memref<32x50048xi32, #tpu.memory_space<hbm>> -> memref<1x2944xi32, #tpu.memory_space<hbm>>
    %dma_wait3A_651 = tpu.memref_squeeze %dma_wait3A_650 : memref<1x2944xi32, #tpu.memory_space<hbm>> -> memref<2944xi32, #tpu.memory_space<hbm>>
    tpu.wait_dma2 semaphore(%arg7 : memref<!tpu.dma_semaphore, #tpu.memory_space<semaphore_mem>>) src(%dma_wait3A_651 : memref<2944xi32, #tpu.memory_space<hbm>>) dst(%arg4 : memref<2944xi32, #tpu.memory_space<vmem>>)
    %scan3A_652 = arith.constant 0 : i32
    %scan3A_653 = arith.constant 0 : i32
    %scan3A_654 = arith.constant 46 : i32
    %scan3A_655 = arith.addi %scan3A_653, %scan3A_654 : i32
    %scan3A_656 = arith.constant 1 : i32
    scf.for %scan3A_760 = %scan3A_653 to %scan3A_655 step %scan3A_656  : i32 {
      %mul3A_761 = arith.constant 64 : i32
      %mul3A_762 = arith.muli %scan3A_760, %mul3A_761 : i32
      %add3A_763 = arith.constant 0 : i32
      %add3A_764 = arith.addi %mul3A_762, %add3A_763 : i32
      %get3A = arith.index_cast %add3A_764 : i32 to index
      %get3A_765 = tpu.vector_load %arg4[%get3A] {strides = array<i32>} : memref<2944xi32, #tpu.memory_space<vmem>>, vector<16xi32>,
      %and3A = arith.constant 65535 : i32
      %and3A_766 = vector.broadcast %and3A : i32 to vector<16xi32>
      %and3A_767 = arith.andi %get3A_765, %and3A_766 : vector<16xi32>
      %shift_right_logical3A = arith.constant 16 : i32
      %shift_right_logical3A_768 = vector.broadcast %shift_right_logical3A : i32 to vector<16xi32>
      %shift_right_logical3A_769 = arith.shrui %get3A_765, %shift_right_logical3A_768 : vector<16xi32>
      %add3A_770 = arith.addi %mul3A_3, %and3A_767 : vector<16xi32>
      tpu.vector_store_idx %arg6[%add3A_770], %broadcast_in_dim3A_7 {add = true} : memref<3584xf32, #tpu.memory_space<vmem>>[vector<16xi32>], vector<16xf32>,
      %add3A_771 = arith.addi %add3A_6, %shift_right_logical3A_769 : vector<16xi32>
      tpu.vector_store_idx %arg6[%add3A_771], %broadcast_in_dim3A_7 {add = true} : memref<3584xf32, #tpu.memory_space<vmem>>[vector<16xi32>], vector<16xf32>,
      %add3A_772 = arith.constant 16 : i32
      %add3A_773 = arith.addi %mul3A_762, %add3A_772 : i32
      %get3A_774 = arith.index_cast %add3A_773 : i32 to index
      %get3A_775 = tpu.vector_load %arg4[%get3A_774] {strides = array<i32>} : memref<2944xi32, #tpu.memory_space<vmem>>, vector<16xi32>,
      %and3A_776 = arith.constant 65535 : i32
      %and3A_777 = vector.broadcast %and3A_776 : i32 to vector<16xi32>
      %and3A_778 = arith.andi %get3A_775, %and3A_777 : vector<16xi32>
      %shift_right_logical3A_779 = arith.constant 16 : i32
      %shift_right_logical3A_780 = vector.broadcast %shift_right_logical3A_779 : i32 to vector<16xi32>
      %shift_right_logical3A_781 = arith.shrui %get3A_775, %shift_right_logical3A_780 : vector<16xi32>
      %add3A_782 = arith.addi %mul3A_3, %and3A_778 : vector<16xi32>
      tpu.vector_store_idx %arg6[%add3A_782], %broadcast_in_dim3A_7 {add = true} : memref<3584xf32, #tpu.memory_space<vmem>>[vector<16xi32>], vector<16xf32>,
      %add3A_783 = arith.addi %add3A_6, %shift_right_logical3A_781 : vector<16xi32>
      tpu.vector_store_idx %arg6[%add3A_783], %broadcast_in_dim3A_7 {add = true} : memref<3584xf32, #tpu.memory_space<vmem>>[vector<16xi32>], vector<16xf32>,
      %add3A_784 = arith.constant 32 : i32
      %add3A_785 = arith.addi %mul3A_762, %add3A_784 : i32
      %get3A_786 = arith.index_cast %add3A_785 : i32 to index
      %get3A_787 = tpu.vector_load %arg4[%get3A_786] {strides = array<i32>} : memref<2944xi32, #tpu.memory_space<vmem>>, vector<16xi32>,
      %and3A_788 = arith.constant 65535 : i32
      %and3A_789 = vector.broadcast %and3A_788 : i32 to vector<16xi32>
      %and3A_790 = arith.andi %get3A_787, %and3A_789 : vector<16xi32>
      %shift_right_logical3A_791 = arith.constant 16 : i32
      %shift_right_logical3A_792 = vector.broadcast %shift_right_logical3A_791 : i32 to vector<16xi32>
      %shift_right_logical3A_793 = arith.shrui %get3A_787, %shift_right_logical3A_792 : vector<16xi32>
      %add3A_794 = arith.addi %mul3A_3, %and3A_790 : vector<16xi32>
      tpu.vector_store_idx %arg6[%add3A_794], %broadcast_in_dim3A_7 {add = true} : memref<3584xf32, #tpu.memory_space<vmem>>[vector<16xi32>], vector<16xf32>,
      %add3A_795 = arith.addi %add3A_6, %shift_right_logical3A_793 : vector<16xi32>
      tpu.vector_store_idx %arg6[%add3A_795], %broadcast_in_dim3A_7 {add = true} : memref<3584xf32, #tpu.memory_space<vmem>>[vector<16xi32>], vector<16xf32>,
      %add3A_796 = arith.constant 48 : i32
      %add3A_797 = arith.addi %mul3A_762, %add3A_796 : i32
      %get3A_798 = arith.index_cast %add3A_797 : i32 to index
      %get3A_799 = tpu.vector_load %arg4[%get3A_798] {strides = array<i32>} : memref<2944xi32, #tpu.memory_space<vmem>>, vector<16xi32>,
      %and3A_800 = arith.constant 65535 : i32
      %and3A_801 = vector.broadcast %and3A_800 : i32 to vector<16xi32>
      %and3A_802 = arith.andi %get3A_799, %and3A_801 : vector<16xi32>
      %shift_right_logical3A_803 = arith.constant 16 : i32
      %shift_right_logical3A_804 = vector.broadcast %shift_right_logical3A_803 : i32 to vector<16xi32>
      %shift_right_logical3A_805 = arith.shrui %get3A_799, %shift_right_logical3A_804 : vector<16xi32>
      %add3A_806 = arith.addi %mul3A_3, %and3A_802 : vector<16xi32>
      tpu.vector_store_idx %arg6[%add3A_806], %broadcast_in_dim3A_7 {add = true} : memref<3584xf32, #tpu.memory_space<vmem>>[vector<16xi32>], vector<16xf32>,
      %add3A_807 = arith.addi %add3A_6, %shift_right_logical3A_805 : vector<16xi32>
      tpu.vector_store_idx %arg6[%add3A_807], %broadcast_in_dim3A_7 {add = true} : memref<3584xf32, #tpu.memory_space<vmem>>[vector<16xi32>], vector<16xf32>,
    }
    %scan3A_657 = arith.constant 46 : i32
    %dma_start3A_658 = arith.constant 35328 : i32
    %dma_start3A_659 = tpu.memref_slice %arg2[%add3A, %dma_start3A_658] : memref<32x50048xi32, #tpu.memory_space<hbm>> -> memref<1x2944xi32, #tpu.memory_space<hbm>>
    %dma_start3A_660 = tpu.memref_squeeze %dma_start3A_659 : memref<1x2944xi32, #tpu.memory_space<hbm>> -> memref<2944xi32, #tpu.memory_space<hbm>>
    %dma_start3A_661 = arith.constant 35328 : i32
    %dma_start3A_662 = tpu.memref_slice %arg2[%add3A, %dma_start3A_661] : memref<32x50048xi32, #tpu.memory_space<hbm>> -> memref<1x2944xi32, #tpu.memory_space<hbm>>
    %dma_start3A_663 = tpu.memref_squeeze %dma_start3A_662 : memref<1x2944xi32, #tpu.memory_space<hbm>> -> memref<2944xi32, #tpu.memory_space<hbm>>
    tpu.enqueue_dma source(%dma_start3A_663 : memref<2944xi32, #tpu.memory_space<hbm>>) target(%arg4 : memref<2944xi32, #tpu.memory_space<vmem>>) target_semaphore(%arg7 : memref<!tpu.dma_semaphore, #tpu.memory_space<semaphore_mem>>)
    %dma_wait3A_664 = arith.constant 32384 : i32
    %dma_wait3A_665 = tpu.memref_slice %arg2[%add3A, %dma_wait3A_664] : memref<32x50048xi32, #tpu.memory_space<hbm>> -> memref<1x2944xi32, #tpu.memory_space<hbm>>
    %dma_wait3A_666 = tpu.memref_squeeze %dma_wait3A_665 : memref<1x2944xi32, #tpu.memory_space<hbm>> -> memref<2944xi32, #tpu.memory_space<hbm>>
    %dma_wait3A_667 = arith.constant 32384 : i32
    %dma_wait3A_668 = tpu.memref_slice %arg2[%add3A, %dma_wait3A_667] : memref<32x50048xi32, #tpu.memory_space<hbm>> -> memref<1x2944xi32, #tpu.memory_space<hbm>>
    %dma_wait3A_669 = tpu.memref_squeeze %dma_wait3A_668 : memref<1x2944xi32, #tpu.memory_space<hbm>> -> memref<2944xi32, #tpu.memory_space<hbm>>
    tpu.wait_dma2 semaphore(%arg8 : memref<!tpu.dma_semaphore, #tpu.memory_space<semaphore_mem>>) src(%dma_wait3A_669 : memref<2944xi32, #tpu.memory_space<hbm>>) dst(%arg5 : memref<2944xi32, #tpu.memory_space<vmem>>)
    %scan3A_670 = arith.constant 0 : i32
    %scan3A_671 = arith.constant 0 : i32
    %scan3A_672 = arith.constant 46 : i32
    %scan3A_673 = arith.addi %scan3A_671, %scan3A_672 : i32
    %scan3A_674 = arith.constant 1 : i32
    scf.for %scan3A_760 = %scan3A_671 to %scan3A_673 step %scan3A_674  : i32 {
      %mul3A_761 = arith.constant 64 : i32
      %mul3A_762 = arith.muli %scan3A_760, %mul3A_761 : i32
      %add3A_763 = arith.constant 0 : i32
      %add3A_764 = arith.addi %mul3A_762, %add3A_763 : i32
      %get3A = arith.index_cast %add3A_764 : i32 to index
      %get3A_765 = tpu.vector_load %arg5[%get3A] {strides = array<i32>} : memref<2944xi32, #tpu.memory_space<vmem>>, vector<16xi32>,
      %and3A = arith.constant 65535 : i32
      %and3A_766 = vector.broadcast %and3A : i32 to vector<16xi32>
      %and3A_767 = arith.andi %get3A_765, %and3A_766 : vector<16xi32>
      %shift_right_logical3A = arith.constant 16 : i32
      %shift_right_logical3A_768 = vector.broadcast %shift_right_logical3A : i32 to vector<16xi32>
      %shift_right_logical3A_769 = arith.shrui %get3A_765, %shift_right_logical3A_768 : vector<16xi32>
      %add3A_770 = arith.addi %mul3A_3, %and3A_767 : vector<16xi32>
      tpu.vector_store_idx %arg6[%add3A_770], %broadcast_in_dim3A_7 {add = true} : memref<3584xf32, #tpu.memory_space<vmem>>[vector<16xi32>], vector<16xf32>,
      %add3A_771 = arith.addi %add3A_6, %shift_right_logical3A_769 : vector<16xi32>
      tpu.vector_store_idx %arg6[%add3A_771], %broadcast_in_dim3A_7 {add = true} : memref<3584xf32, #tpu.memory_space<vmem>>[vector<16xi32>], vector<16xf32>,
      %add3A_772 = arith.constant 16 : i32
      %add3A_773 = arith.addi %mul3A_762, %add3A_772 : i32
      %get3A_774 = arith.index_cast %add3A_773 : i32 to index
      %get3A_775 = tpu.vector_load %arg5[%get3A_774] {strides = array<i32>} : memref<2944xi32, #tpu.memory_space<vmem>>, vector<16xi32>,
      %and3A_776 = arith.constant 65535 : i32
      %and3A_777 = vector.broadcast %and3A_776 : i32 to vector<16xi32>
      %and3A_778 = arith.andi %get3A_775, %and3A_777 : vector<16xi32>
      %shift_right_logical3A_779 = arith.constant 16 : i32
      %shift_right_logical3A_780 = vector.broadcast %shift_right_logical3A_779 : i32 to vector<16xi32>
      %shift_right_logical3A_781 = arith.shrui %get3A_775, %shift_right_logical3A_780 : vector<16xi32>
      %add3A_782 = arith.addi %mul3A_3, %and3A_778 : vector<16xi32>
      tpu.vector_store_idx %arg6[%add3A_782], %broadcast_in_dim3A_7 {add = true} : memref<3584xf32, #tpu.memory_space<vmem>>[vector<16xi32>], vector<16xf32>,
      %add3A_783 = arith.addi %add3A_6, %shift_right_logical3A_781 : vector<16xi32>
      tpu.vector_store_idx %arg6[%add3A_783], %broadcast_in_dim3A_7 {add = true} : memref<3584xf32, #tpu.memory_space<vmem>>[vector<16xi32>], vector<16xf32>,
      %add3A_784 = arith.constant 32 : i32
      %add3A_785 = arith.addi %mul3A_762, %add3A_784 : i32
      %get3A_786 = arith.index_cast %add3A_785 : i32 to index
      %get3A_787 = tpu.vector_load %arg5[%get3A_786] {strides = array<i32>} : memref<2944xi32, #tpu.memory_space<vmem>>, vector<16xi32>,
      %and3A_788 = arith.constant 65535 : i32
      %and3A_789 = vector.broadcast %and3A_788 : i32 to vector<16xi32>
      %and3A_790 = arith.andi %get3A_787, %and3A_789 : vector<16xi32>
      %shift_right_logical3A_791 = arith.constant 16 : i32
      %shift_right_logical3A_792 = vector.broadcast %shift_right_logical3A_791 : i32 to vector<16xi32>
      %shift_right_logical3A_793 = arith.shrui %get3A_787, %shift_right_logical3A_792 : vector<16xi32>
      %add3A_794 = arith.addi %mul3A_3, %and3A_790 : vector<16xi32>
      tpu.vector_store_idx %arg6[%add3A_794], %broadcast_in_dim3A_7 {add = true} : memref<3584xf32, #tpu.memory_space<vmem>>[vector<16xi32>], vector<16xf32>,
      %add3A_795 = arith.addi %add3A_6, %shift_right_logical3A_793 : vector<16xi32>
      tpu.vector_store_idx %arg6[%add3A_795], %broadcast_in_dim3A_7 {add = true} : memref<3584xf32, #tpu.memory_space<vmem>>[vector<16xi32>], vector<16xf32>,
      %add3A_796 = arith.constant 48 : i32
      %add3A_797 = arith.addi %mul3A_762, %add3A_796 : i32
      %get3A_798 = arith.index_cast %add3A_797 : i32 to index
      %get3A_799 = tpu.vector_load %arg5[%get3A_798] {strides = array<i32>} : memref<2944xi32, #tpu.memory_space<vmem>>, vector<16xi32>,
      %and3A_800 = arith.constant 65535 : i32
      %and3A_801 = vector.broadcast %and3A_800 : i32 to vector<16xi32>
      %and3A_802 = arith.andi %get3A_799, %and3A_801 : vector<16xi32>
      %shift_right_logical3A_803 = arith.constant 16 : i32
      %shift_right_logical3A_804 = vector.broadcast %shift_right_logical3A_803 : i32 to vector<16xi32>
      %shift_right_logical3A_805 = arith.shrui %get3A_799, %shift_right_logical3A_804 : vector<16xi32>
      %add3A_806 = arith.addi %mul3A_3, %and3A_802 : vector<16xi32>
      tpu.vector_store_idx %arg6[%add3A_806], %broadcast_in_dim3A_7 {add = true} : memref<3584xf32, #tpu.memory_space<vmem>>[vector<16xi32>], vector<16xf32>,
      %add3A_807 = arith.addi %add3A_6, %shift_right_logical3A_805 : vector<16xi32>
      tpu.vector_store_idx %arg6[%add3A_807], %broadcast_in_dim3A_7 {add = true} : memref<3584xf32, #tpu.memory_space<vmem>>[vector<16xi32>], vector<16xf32>,
    }
    %scan3A_675 = arith.constant 46 : i32
    %dma_start3A_676 = arith.constant 38272 : i32
    %dma_start3A_677 = tpu.memref_slice %arg2[%add3A, %dma_start3A_676] : memref<32x50048xi32, #tpu.memory_space<hbm>> -> memref<1x2944xi32, #tpu.memory_space<hbm>>
    %dma_start3A_678 = tpu.memref_squeeze %dma_start3A_677 : memref<1x2944xi32, #tpu.memory_space<hbm>> -> memref<2944xi32, #tpu.memory_space<hbm>>
    %dma_start3A_679 = arith.constant 38272 : i32
    %dma_start3A_680 = tpu.memref_slice %arg2[%add3A, %dma_start3A_679] : memref<32x50048xi32, #tpu.memory_space<hbm>> -> memref<1x2944xi32, #tpu.memory_space<hbm>>
    %dma_start3A_681 = tpu.memref_squeeze %dma_start3A_680 : memref<1x2944xi32, #tpu.memory_space<hbm>> -> memref<2944xi32, #tpu.memory_space<hbm>>
    tpu.enqueue_dma source(%dma_start3A_681 : memref<2944xi32, #tpu.memory_space<hbm>>) target(%arg5 : memref<2944xi32, #tpu.memory_space<vmem>>) target_semaphore(%arg8 : memref<!tpu.dma_semaphore, #tpu.memory_space<semaphore_mem>>)
    %dma_wait3A_682 = arith.constant 35328 : i32
    %dma_wait3A_683 = tpu.memref_slice %arg2[%add3A, %dma_wait3A_682] : memref<32x50048xi32, #tpu.memory_space<hbm>> -> memref<1x2944xi32, #tpu.memory_space<hbm>>
    %dma_wait3A_684 = tpu.memref_squeeze %dma_wait3A_683 : memref<1x2944xi32, #tpu.memory_space<hbm>> -> memref<2944xi32, #tpu.memory_space<hbm>>
    %dma_wait3A_685 = arith.constant 35328 : i32
    %dma_wait3A_686 = tpu.memref_slice %arg2[%add3A, %dma_wait3A_685] : memref<32x50048xi32, #tpu.memory_space<hbm>> -> memref<1x2944xi32, #tpu.memory_space<hbm>>
    %dma_wait3A_687 = tpu.memref_squeeze %dma_wait3A_686 : memref<1x2944xi32, #tpu.memory_space<hbm>> -> memref<2944xi32, #tpu.memory_space<hbm>>
    tpu.wait_dma2 semaphore(%arg7 : memref<!tpu.dma_semaphore, #tpu.memory_space<semaphore_mem>>) src(%dma_wait3A_687 : memref<2944xi32, #tpu.memory_space<hbm>>) dst(%arg4 : memref<2944xi32, #tpu.memory_space<vmem>>)
    %scan3A_688 = arith.constant 0 : i32
    %scan3A_689 = arith.constant 0 : i32
    %scan3A_690 = arith.constant 46 : i32
    %scan3A_691 = arith.addi %scan3A_689, %scan3A_690 : i32
    %scan3A_692 = arith.constant 1 : i32
    scf.for %scan3A_760 = %scan3A_689 to %scan3A_691 step %scan3A_692  : i32 {
      %mul3A_761 = arith.constant 64 : i32
      %mul3A_762 = arith.muli %scan3A_760, %mul3A_761 : i32
      %add3A_763 = arith.constant 0 : i32
      %add3A_764 = arith.addi %mul3A_762, %add3A_763 : i32
      %get3A = arith.index_cast %add3A_764 : i32 to index
      %get3A_765 = tpu.vector_load %arg4[%get3A] {strides = array<i32>} : memref<2944xi32, #tpu.memory_space<vmem>>, vector<16xi32>,
      %and3A = arith.constant 65535 : i32
      %and3A_766 = vector.broadcast %and3A : i32 to vector<16xi32>
      %and3A_767 = arith.andi %get3A_765, %and3A_766 : vector<16xi32>
      %shift_right_logical3A = arith.constant 16 : i32
      %shift_right_logical3A_768 = vector.broadcast %shift_right_logical3A : i32 to vector<16xi32>
      %shift_right_logical3A_769 = arith.shrui %get3A_765, %shift_right_logical3A_768 : vector<16xi32>
      %add3A_770 = arith.addi %mul3A_3, %and3A_767 : vector<16xi32>
      tpu.vector_store_idx %arg6[%add3A_770], %broadcast_in_dim3A_7 {add = true} : memref<3584xf32, #tpu.memory_space<vmem>>[vector<16xi32>], vector<16xf32>,
      %add3A_771 = arith.addi %add3A_6, %shift_right_logical3A_769 : vector<16xi32>
      tpu.vector_store_idx %arg6[%add3A_771], %broadcast_in_dim3A_7 {add = true} : memref<3584xf32, #tpu.memory_space<vmem>>[vector<16xi32>], vector<16xf32>,
      %add3A_772 = arith.constant 16 : i32
      %add3A_773 = arith.addi %mul3A_762, %add3A_772 : i32
      %get3A_774 = arith.index_cast %add3A_773 : i32 to index
      %get3A_775 = tpu.vector_load %arg4[%get3A_774] {strides = array<i32>} : memref<2944xi32, #tpu.memory_space<vmem>>, vector<16xi32>,
      %and3A_776 = arith.constant 65535 : i32
      %and3A_777 = vector.broadcast %and3A_776 : i32 to vector<16xi32>
      %and3A_778 = arith.andi %get3A_775, %and3A_777 : vector<16xi32>
      %shift_right_logical3A_779 = arith.constant 16 : i32
      %shift_right_logical3A_780 = vector.broadcast %shift_right_logical3A_779 : i32 to vector<16xi32>
      %shift_right_logical3A_781 = arith.shrui %get3A_775, %shift_right_logical3A_780 : vector<16xi32>
      %add3A_782 = arith.addi %mul3A_3, %and3A_778 : vector<16xi32>
      tpu.vector_store_idx %arg6[%add3A_782], %broadcast_in_dim3A_7 {add = true} : memref<3584xf32, #tpu.memory_space<vmem>>[vector<16xi32>], vector<16xf32>,
      %add3A_783 = arith.addi %add3A_6, %shift_right_logical3A_781 : vector<16xi32>
      tpu.vector_store_idx %arg6[%add3A_783], %broadcast_in_dim3A_7 {add = true} : memref<3584xf32, #tpu.memory_space<vmem>>[vector<16xi32>], vector<16xf32>,
      %add3A_784 = arith.constant 32 : i32
      %add3A_785 = arith.addi %mul3A_762, %add3A_784 : i32
      %get3A_786 = arith.index_cast %add3A_785 : i32 to index
      %get3A_787 = tpu.vector_load %arg4[%get3A_786] {strides = array<i32>} : memref<2944xi32, #tpu.memory_space<vmem>>, vector<16xi32>,
      %and3A_788 = arith.constant 65535 : i32
      %and3A_789 = vector.broadcast %and3A_788 : i32 to vector<16xi32>
      %and3A_790 = arith.andi %get3A_787, %and3A_789 : vector<16xi32>
      %shift_right_logical3A_791 = arith.constant 16 : i32
      %shift_right_logical3A_792 = vector.broadcast %shift_right_logical3A_791 : i32 to vector<16xi32>
      %shift_right_logical3A_793 = arith.shrui %get3A_787, %shift_right_logical3A_792 : vector<16xi32>
      %add3A_794 = arith.addi %mul3A_3, %and3A_790 : vector<16xi32>
      tpu.vector_store_idx %arg6[%add3A_794], %broadcast_in_dim3A_7 {add = true} : memref<3584xf32, #tpu.memory_space<vmem>>[vector<16xi32>], vector<16xf32>,
      %add3A_795 = arith.addi %add3A_6, %shift_right_logical3A_793 : vector<16xi32>
      tpu.vector_store_idx %arg6[%add3A_795], %broadcast_in_dim3A_7 {add = true} : memref<3584xf32, #tpu.memory_space<vmem>>[vector<16xi32>], vector<16xf32>,
      %add3A_796 = arith.constant 48 : i32
      %add3A_797 = arith.addi %mul3A_762, %add3A_796 : i32
      %get3A_798 = arith.index_cast %add3A_797 : i32 to index
      %get3A_799 = tpu.vector_load %arg4[%get3A_798] {strides = array<i32>} : memref<2944xi32, #tpu.memory_space<vmem>>, vector<16xi32>,
      %and3A_800 = arith.constant 65535 : i32
      %and3A_801 = vector.broadcast %and3A_800 : i32 to vector<16xi32>
      %and3A_802 = arith.andi %get3A_799, %and3A_801 : vector<16xi32>
      %shift_right_logical3A_803 = arith.constant 16 : i32
      %shift_right_logical3A_804 = vector.broadcast %shift_right_logical3A_803 : i32 to vector<16xi32>
      %shift_right_logical3A_805 = arith.shrui %get3A_799, %shift_right_logical3A_804 : vector<16xi32>
      %add3A_806 = arith.addi %mul3A_3, %and3A_802 : vector<16xi32>
      tpu.vector_store_idx %arg6[%add3A_806], %broadcast_in_dim3A_7 {add = true} : memref<3584xf32, #tpu.memory_space<vmem>>[vector<16xi32>], vector<16xf32>,
      %add3A_807 = arith.addi %add3A_6, %shift_right_logical3A_805 : vector<16xi32>
      tpu.vector_store_idx %arg6[%add3A_807], %broadcast_in_dim3A_7 {add = true} : memref<3584xf32, #tpu.memory_space<vmem>>[vector<16xi32>], vector<16xf32>,
    }
    %scan3A_693 = arith.constant 46 : i32
    %dma_start3A_694 = arith.constant 41216 : i32
    %dma_start3A_695 = tpu.memref_slice %arg2[%add3A, %dma_start3A_694] : memref<32x50048xi32, #tpu.memory_space<hbm>> -> memref<1x2944xi32, #tpu.memory_space<hbm>>
    %dma_start3A_696 = tpu.memref_squeeze %dma_start3A_695 : memref<1x2944xi32, #tpu.memory_space<hbm>> -> memref<2944xi32, #tpu.memory_space<hbm>>
    %dma_start3A_697 = arith.constant 41216 : i32
    %dma_start3A_698 = tpu.memref_slice %arg2[%add3A, %dma_start3A_697] : memref<32x50048xi32, #tpu.memory_space<hbm>> -> memref<1x2944xi32, #tpu.memory_space<hbm>>
    %dma_start3A_699 = tpu.memref_squeeze %dma_start3A_698 : memref<1x2944xi32, #tpu.memory_space<hbm>> -> memref<2944xi32, #tpu.memory_space<hbm>>
    tpu.enqueue_dma source(%dma_start3A_699 : memref<2944xi32, #tpu.memory_space<hbm>>) target(%arg4 : memref<2944xi32, #tpu.memory_space<vmem>>) target_semaphore(%arg7 : memref<!tpu.dma_semaphore, #tpu.memory_space<semaphore_mem>>)
    %dma_wait3A_700 = arith.constant 38272 : i32
    %dma_wait3A_701 = tpu.memref_slice %arg2[%add3A, %dma_wait3A_700] : memref<32x50048xi32, #tpu.memory_space<hbm>> -> memref<1x2944xi32, #tpu.memory_space<hbm>>
    %dma_wait3A_702 = tpu.memref_squeeze %dma_wait3A_701 : memref<1x2944xi32, #tpu.memory_space<hbm>> -> memref<2944xi32, #tpu.memory_space<hbm>>
    %dma_wait3A_703 = arith.constant 38272 : i32
    %dma_wait3A_704 = tpu.memref_slice %arg2[%add3A, %dma_wait3A_703] : memref<32x50048xi32, #tpu.memory_space<hbm>> -> memref<1x2944xi32, #tpu.memory_space<hbm>>
    %dma_wait3A_705 = tpu.memref_squeeze %dma_wait3A_704 : memref<1x2944xi32, #tpu.memory_space<hbm>> -> memref<2944xi32, #tpu.memory_space<hbm>>
    tpu.wait_dma2 semaphore(%arg8 : memref<!tpu.dma_semaphore, #tpu.memory_space<semaphore_mem>>) src(%dma_wait3A_705 : memref<2944xi32, #tpu.memory_space<hbm>>) dst(%arg5 : memref<2944xi32, #tpu.memory_space<vmem>>)
    %scan3A_706 = arith.constant 0 : i32
    %scan3A_707 = arith.constant 0 : i32
    %scan3A_708 = arith.constant 46 : i32
    %scan3A_709 = arith.addi %scan3A_707, %scan3A_708 : i32
    %scan3A_710 = arith.constant 1 : i32
    scf.for %scan3A_760 = %scan3A_707 to %scan3A_709 step %scan3A_710  : i32 {
      %mul3A_761 = arith.constant 64 : i32
      %mul3A_762 = arith.muli %scan3A_760, %mul3A_761 : i32
      %add3A_763 = arith.constant 0 : i32
      %add3A_764 = arith.addi %mul3A_762, %add3A_763 : i32
      %get3A = arith.index_cast %add3A_764 : i32 to index
      %get3A_765 = tpu.vector_load %arg5[%get3A] {strides = array<i32>} : memref<2944xi32, #tpu.memory_space<vmem>>, vector<16xi32>,
      %and3A = arith.constant 65535 : i32
      %and3A_766 = vector.broadcast %and3A : i32 to vector<16xi32>
      %and3A_767 = arith.andi %get3A_765, %and3A_766 : vector<16xi32>
      %shift_right_logical3A = arith.constant 16 : i32
      %shift_right_logical3A_768 = vector.broadcast %shift_right_logical3A : i32 to vector<16xi32>
      %shift_right_logical3A_769 = arith.shrui %get3A_765, %shift_right_logical3A_768 : vector<16xi32>
      %add3A_770 = arith.addi %mul3A_3, %and3A_767 : vector<16xi32>
      tpu.vector_store_idx %arg6[%add3A_770], %broadcast_in_dim3A_7 {add = true} : memref<3584xf32, #tpu.memory_space<vmem>>[vector<16xi32>], vector<16xf32>,
      %add3A_771 = arith.addi %add3A_6, %shift_right_logical3A_769 : vector<16xi32>
      tpu.vector_store_idx %arg6[%add3A_771], %broadcast_in_dim3A_7 {add = true} : memref<3584xf32, #tpu.memory_space<vmem>>[vector<16xi32>], vector<16xf32>,
      %add3A_772 = arith.constant 16 : i32
      %add3A_773 = arith.addi %mul3A_762, %add3A_772 : i32
      %get3A_774 = arith.index_cast %add3A_773 : i32 to index
      %get3A_775 = tpu.vector_load %arg5[%get3A_774] {strides = array<i32>} : memref<2944xi32, #tpu.memory_space<vmem>>, vector<16xi32>,
      %and3A_776 = arith.constant 65535 : i32
      %and3A_777 = vector.broadcast %and3A_776 : i32 to vector<16xi32>
      %and3A_778 = arith.andi %get3A_775, %and3A_777 : vector<16xi32>
      %shift_right_logical3A_779 = arith.constant 16 : i32
      %shift_right_logical3A_780 = vector.broadcast %shift_right_logical3A_779 : i32 to vector<16xi32>
      %shift_right_logical3A_781 = arith.shrui %get3A_775, %shift_right_logical3A_780 : vector<16xi32>
      %add3A_782 = arith.addi %mul3A_3, %and3A_778 : vector<16xi32>
      tpu.vector_store_idx %arg6[%add3A_782], %broadcast_in_dim3A_7 {add = true} : memref<3584xf32, #tpu.memory_space<vmem>>[vector<16xi32>], vector<16xf32>,
      %add3A_783 = arith.addi %add3A_6, %shift_right_logical3A_781 : vector<16xi32>
      tpu.vector_store_idx %arg6[%add3A_783], %broadcast_in_dim3A_7 {add = true} : memref<3584xf32, #tpu.memory_space<vmem>>[vector<16xi32>], vector<16xf32>,
      %add3A_784 = arith.constant 32 : i32
      %add3A_785 = arith.addi %mul3A_762, %add3A_784 : i32
      %get3A_786 = arith.index_cast %add3A_785 : i32 to index
      %get3A_787 = tpu.vector_load %arg5[%get3A_786] {strides = array<i32>} : memref<2944xi32, #tpu.memory_space<vmem>>, vector<16xi32>,
      %and3A_788 = arith.constant 65535 : i32
      %and3A_789 = vector.broadcast %and3A_788 : i32 to vector<16xi32>
      %and3A_790 = arith.andi %get3A_787, %and3A_789 : vector<16xi32>
      %shift_right_logical3A_791 = arith.constant 16 : i32
      %shift_right_logical3A_792 = vector.broadcast %shift_right_logical3A_791 : i32 to vector<16xi32>
      %shift_right_logical3A_793 = arith.shrui %get3A_787, %shift_right_logical3A_792 : vector<16xi32>
      %add3A_794 = arith.addi %mul3A_3, %and3A_790 : vector<16xi32>
      tpu.vector_store_idx %arg6[%add3A_794], %broadcast_in_dim3A_7 {add = true} : memref<3584xf32, #tpu.memory_space<vmem>>[vector<16xi32>], vector<16xf32>,
      %add3A_795 = arith.addi %add3A_6, %shift_right_logical3A_793 : vector<16xi32>
      tpu.vector_store_idx %arg6[%add3A_795], %broadcast_in_dim3A_7 {add = true} : memref<3584xf32, #tpu.memory_space<vmem>>[vector<16xi32>], vector<16xf32>,
      %add3A_796 = arith.constant 48 : i32
      %add3A_797 = arith.addi %mul3A_762, %add3A_796 : i32
      %get3A_798 = arith.index_cast %add3A_797 : i32 to index
      %get3A_799 = tpu.vector_load %arg5[%get3A_798] {strides = array<i32>} : memref<2944xi32, #tpu.memory_space<vmem>>, vector<16xi32>,
      %and3A_800 = arith.constant 65535 : i32
      %and3A_801 = vector.broadcast %and3A_800 : i32 to vector<16xi32>
      %and3A_802 = arith.andi %get3A_799, %and3A_801 : vector<16xi32>
      %shift_right_logical3A_803 = arith.constant 16 : i32
      %shift_right_logical3A_804 = vector.broadcast %shift_right_logical3A_803 : i32 to vector<16xi32>
      %shift_right_logical3A_805 = arith.shrui %get3A_799, %shift_right_logical3A_804 : vector<16xi32>
      %add3A_806 = arith.addi %mul3A_3, %and3A_802 : vector<16xi32>
      tpu.vector_store_idx %arg6[%add3A_806], %broadcast_in_dim3A_7 {add = true} : memref<3584xf32, #tpu.memory_space<vmem>>[vector<16xi32>], vector<16xf32>,
      %add3A_807 = arith.addi %add3A_6, %shift_right_logical3A_805 : vector<16xi32>
      tpu.vector_store_idx %arg6[%add3A_807], %broadcast_in_dim3A_7 {add = true} : memref<3584xf32, #tpu.memory_space<vmem>>[vector<16xi32>], vector<16xf32>,
    }
    %scan3A_711 = arith.constant 46 : i32
    %dma_start3A_712 = arith.constant 44160 : i32
    %dma_start3A_713 = tpu.memref_slice %arg2[%add3A, %dma_start3A_712] : memref<32x50048xi32, #tpu.memory_space<hbm>> -> memref<1x2944xi32, #tpu.memory_space<hbm>>
    %dma_start3A_714 = tpu.memref_squeeze %dma_start3A_713 : memref<1x2944xi32, #tpu.memory_space<hbm>> -> memref<2944xi32, #tpu.memory_space<hbm>>
    %dma_start3A_715 = arith.constant 44160 : i32
    %dma_start3A_716 = tpu.memref_slice %arg2[%add3A, %dma_start3A_715] : memref<32x50048xi32, #tpu.memory_space<hbm>> -> memref<1x2944xi32, #tpu.memory_space<hbm>>
    %dma_start3A_717 = tpu.memref_squeeze %dma_start3A_716 : memref<1x2944xi32, #tpu.memory_space<hbm>> -> memref<2944xi32, #tpu.memory_space<hbm>>
    tpu.enqueue_dma source(%dma_start3A_717 : memref<2944xi32, #tpu.memory_space<hbm>>) target(%arg5 : memref<2944xi32, #tpu.memory_space<vmem>>) target_semaphore(%arg8 : memref<!tpu.dma_semaphore, #tpu.memory_space<semaphore_mem>>)
    %dma_wait3A_718 = arith.constant 41216 : i32
    %dma_wait3A_719 = tpu.memref_slice %arg2[%add3A, %dma_wait3A_718] : memref<32x50048xi32, #tpu.memory_space<hbm>> -> memref<1x2944xi32, #tpu.memory_space<hbm>>
    %dma_wait3A_720 = tpu.memref_squeeze %dma_wait3A_719 : memref<1x2944xi32, #tpu.memory_space<hbm>> -> memref<2944xi32, #tpu.memory_space<hbm>>
    %dma_wait3A_721 = arith.constant 41216 : i32
    %dma_wait3A_722 = tpu.memref_slice %arg2[%add3A, %dma_wait3A_721] : memref<32x50048xi32, #tpu.memory_space<hbm>> -> memref<1x2944xi32, #tpu.memory_space<hbm>>
    %dma_wait3A_723 = tpu.memref_squeeze %dma_wait3A_722 : memref<1x2944xi32, #tpu.memory_space<hbm>> -> memref<2944xi32, #tpu.memory_space<hbm>>
    tpu.wait_dma2 semaphore(%arg7 : memref<!tpu.dma_semaphore, #tpu.memory_space<semaphore_mem>>) src(%dma_wait3A_723 : memref<2944xi32, #tpu.memory_space<hbm>>) dst(%arg4 : memref<2944xi32, #tpu.memory_space<vmem>>)
    %scan3A_724 = arith.constant 0 : i32
    %scan3A_725 = arith.constant 0 : i32
    %scan3A_726 = arith.constant 46 : i32
    %scan3A_727 = arith.addi %scan3A_725, %scan3A_726 : i32
    %scan3A_728 = arith.constant 1 : i32
    scf.for %scan3A_760 = %scan3A_725 to %scan3A_727 step %scan3A_728  : i32 {
      %mul3A_761 = arith.constant 64 : i32
      %mul3A_762 = arith.muli %scan3A_760, %mul3A_761 : i32
      %add3A_763 = arith.constant 0 : i32
      %add3A_764 = arith.addi %mul3A_762, %add3A_763 : i32
      %get3A = arith.index_cast %add3A_764 : i32 to index
      %get3A_765 = tpu.vector_load %arg4[%get3A] {strides = array<i32>} : memref<2944xi32, #tpu.memory_space<vmem>>, vector<16xi32>,
      %and3A = arith.constant 65535 : i32
      %and3A_766 = vector.broadcast %and3A : i32 to vector<16xi32>
      %and3A_767 = arith.andi %get3A_765, %and3A_766 : vector<16xi32>
      %shift_right_logical3A = arith.constant 16 : i32
      %shift_right_logical3A_768 = vector.broadcast %shift_right_logical3A : i32 to vector<16xi32>
      %shift_right_logical3A_769 = arith.shrui %get3A_765, %shift_right_logical3A_768 : vector<16xi32>
      %add3A_770 = arith.addi %mul3A_3, %and3A_767 : vector<16xi32>
      tpu.vector_store_idx %arg6[%add3A_770], %broadcast_in_dim3A_7 {add = true} : memref<3584xf32, #tpu.memory_space<vmem>>[vector<16xi32>], vector<16xf32>,
      %add3A_771 = arith.addi %add3A_6, %shift_right_logical3A_769 : vector<16xi32>
      tpu.vector_store_idx %arg6[%add3A_771], %broadcast_in_dim3A_7 {add = true} : memref<3584xf32, #tpu.memory_space<vmem>>[vector<16xi32>], vector<16xf32>,
      %add3A_772 = arith.constant 16 : i32
      %add3A_773 = arith.addi %mul3A_762, %add3A_772 : i32
      %get3A_774 = arith.index_cast %add3A_773 : i32 to index
      %get3A_775 = tpu.vector_load %arg4[%get3A_774] {strides = array<i32>} : memref<2944xi32, #tpu.memory_space<vmem>>, vector<16xi32>,
      %and3A_776 = arith.constant 65535 : i32
      %and3A_777 = vector.broadcast %and3A_776 : i32 to vector<16xi32>
      %and3A_778 = arith.andi %get3A_775, %and3A_777 : vector<16xi32>
      %shift_right_logical3A_779 = arith.constant 16 : i32
      %shift_right_logical3A_780 = vector.broadcast %shift_right_logical3A_779 : i32 to vector<16xi32>
      %shift_right_logical3A_781 = arith.shrui %get3A_775, %shift_right_logical3A_780 : vector<16xi32>
      %add3A_782 = arith.addi %mul3A_3, %and3A_778 : vector<16xi32>
      tpu.vector_store_idx %arg6[%add3A_782], %broadcast_in_dim3A_7 {add = true} : memref<3584xf32, #tpu.memory_space<vmem>>[vector<16xi32>], vector<16xf32>,
      %add3A_783 = arith.addi %add3A_6, %shift_right_logical3A_781 : vector<16xi32>
      tpu.vector_store_idx %arg6[%add3A_783], %broadcast_in_dim3A_7 {add = true} : memref<3584xf32, #tpu.memory_space<vmem>>[vector<16xi32>], vector<16xf32>,
      %add3A_784 = arith.constant 32 : i32
      %add3A_785 = arith.addi %mul3A_762, %add3A_784 : i32
      %get3A_786 = arith.index_cast %add3A_785 : i32 to index
      %get3A_787 = tpu.vector_load %arg4[%get3A_786] {strides = array<i32>} : memref<2944xi32, #tpu.memory_space<vmem>>, vector<16xi32>,
      %and3A_788 = arith.constant 65535 : i32
      %and3A_789 = vector.broadcast %and3A_788 : i32 to vector<16xi32>
      %and3A_790 = arith.andi %get3A_787, %and3A_789 : vector<16xi32>
      %shift_right_logical3A_791 = arith.constant 16 : i32
      %shift_right_logical3A_792 = vector.broadcast %shift_right_logical3A_791 : i32 to vector<16xi32>
      %shift_right_logical3A_793 = arith.shrui %get3A_787, %shift_right_logical3A_792 : vector<16xi32>
      %add3A_794 = arith.addi %mul3A_3, %and3A_790 : vector<16xi32>
      tpu.vector_store_idx %arg6[%add3A_794], %broadcast_in_dim3A_7 {add = true} : memref<3584xf32, #tpu.memory_space<vmem>>[vector<16xi32>], vector<16xf32>,
      %add3A_795 = arith.addi %add3A_6, %shift_right_logical3A_793 : vector<16xi32>
      tpu.vector_store_idx %arg6[%add3A_795], %broadcast_in_dim3A_7 {add = true} : memref<3584xf32, #tpu.memory_space<vmem>>[vector<16xi32>], vector<16xf32>,
      %add3A_796 = arith.constant 48 : i32
      %add3A_797 = arith.addi %mul3A_762, %add3A_796 : i32
      %get3A_798 = arith.index_cast %add3A_797 : i32 to index
      %get3A_799 = tpu.vector_load %arg4[%get3A_798] {strides = array<i32>} : memref<2944xi32, #tpu.memory_space<vmem>>, vector<16xi32>,
      %and3A_800 = arith.constant 65535 : i32
      %and3A_801 = vector.broadcast %and3A_800 : i32 to vector<16xi32>
      %and3A_802 = arith.andi %get3A_799, %and3A_801 : vector<16xi32>
      %shift_right_logical3A_803 = arith.constant 16 : i32
      %shift_right_logical3A_804 = vector.broadcast %shift_right_logical3A_803 : i32 to vector<16xi32>
      %shift_right_logical3A_805 = arith.shrui %get3A_799, %shift_right_logical3A_804 : vector<16xi32>
      %add3A_806 = arith.addi %mul3A_3, %and3A_802 : vector<16xi32>
      tpu.vector_store_idx %arg6[%add3A_806], %broadcast_in_dim3A_7 {add = true} : memref<3584xf32, #tpu.memory_space<vmem>>[vector<16xi32>], vector<16xf32>,
      %add3A_807 = arith.addi %add3A_6, %shift_right_logical3A_805 : vector<16xi32>
      tpu.vector_store_idx %arg6[%add3A_807], %broadcast_in_dim3A_7 {add = true} : memref<3584xf32, #tpu.memory_space<vmem>>[vector<16xi32>], vector<16xf32>,
    }
    %scan3A_729 = arith.constant 46 : i32
    %dma_start3A_730 = arith.constant 47104 : i32
    %dma_start3A_731 = tpu.memref_slice %arg2[%add3A, %dma_start3A_730] : memref<32x50048xi32, #tpu.memory_space<hbm>> -> memref<1x2944xi32, #tpu.memory_space<hbm>>
    %dma_start3A_732 = tpu.memref_squeeze %dma_start3A_731 : memref<1x2944xi32, #tpu.memory_space<hbm>> -> memref<2944xi32, #tpu.memory_space<hbm>>
    %dma_start3A_733 = arith.constant 47104 : i32
    %dma_start3A_734 = tpu.memref_slice %arg2[%add3A, %dma_start3A_733] : memref<32x50048xi32, #tpu.memory_space<hbm>> -> memref<1x2944xi32, #tpu.memory_space<hbm>>
    %dma_start3A_735 = tpu.memref_squeeze %dma_start3A_734 : memref<1x2944xi32, #tpu.memory_space<hbm>> -> memref<2944xi32, #tpu.memory_space<hbm>>
    tpu.enqueue_dma source(%dma_start3A_735 : memref<2944xi32, #tpu.memory_space<hbm>>) target(%arg4 : memref<2944xi32, #tpu.memory_space<vmem>>) target_semaphore(%arg7 : memref<!tpu.dma_semaphore, #tpu.memory_space<semaphore_mem>>)
    %dma_wait3A_736 = arith.constant 44160 : i32
    %dma_wait3A_737 = tpu.memref_slice %arg2[%add3A, %dma_wait3A_736] : memref<32x50048xi32, #tpu.memory_space<hbm>> -> memref<1x2944xi32, #tpu.memory_space<hbm>>
    %dma_wait3A_738 = tpu.memref_squeeze %dma_wait3A_737 : memref<1x2944xi32, #tpu.memory_space<hbm>> -> memref<2944xi32, #tpu.memory_space<hbm>>
    %dma_wait3A_739 = arith.constant 44160 : i32
    %dma_wait3A_740 = tpu.memref_slice %arg2[%add3A, %dma_wait3A_739] : memref<32x50048xi32, #tpu.memory_space<hbm>> -> memref<1x2944xi32, #tpu.memory_space<hbm>>
    %dma_wait3A_741 = tpu.memref_squeeze %dma_wait3A_740 : memref<1x2944xi32, #tpu.memory_space<hbm>> -> memref<2944xi32, #tpu.memory_space<hbm>>
    tpu.wait_dma2 semaphore(%arg8 : memref<!tpu.dma_semaphore, #tpu.memory_space<semaphore_mem>>) src(%dma_wait3A_741 : memref<2944xi32, #tpu.memory_space<hbm>>) dst(%arg5 : memref<2944xi32, #tpu.memory_space<vmem>>)
    %scan3A_742 = arith.constant 0 : i32
    %scan3A_743 = arith.constant 0 : i32
    %scan3A_744 = arith.constant 46 : i32
    %scan3A_745 = arith.addi %scan3A_743, %scan3A_744 : i32
    %scan3A_746 = arith.constant 1 : i32
    scf.for %scan3A_760 = %scan3A_743 to %scan3A_745 step %scan3A_746  : i32 {
      %mul3A_761 = arith.constant 64 : i32
      %mul3A_762 = arith.muli %scan3A_760, %mul3A_761 : i32
      %add3A_763 = arith.constant 0 : i32
      %add3A_764 = arith.addi %mul3A_762, %add3A_763 : i32
      %get3A = arith.index_cast %add3A_764 : i32 to index
      %get3A_765 = tpu.vector_load %arg5[%get3A] {strides = array<i32>} : memref<2944xi32, #tpu.memory_space<vmem>>, vector<16xi32>,
      %and3A = arith.constant 65535 : i32
      %and3A_766 = vector.broadcast %and3A : i32 to vector<16xi32>
      %and3A_767 = arith.andi %get3A_765, %and3A_766 : vector<16xi32>
      %shift_right_logical3A = arith.constant 16 : i32
      %shift_right_logical3A_768 = vector.broadcast %shift_right_logical3A : i32 to vector<16xi32>
      %shift_right_logical3A_769 = arith.shrui %get3A_765, %shift_right_logical3A_768 : vector<16xi32>
      %add3A_770 = arith.addi %mul3A_3, %and3A_767 : vector<16xi32>
      tpu.vector_store_idx %arg6[%add3A_770], %broadcast_in_dim3A_7 {add = true} : memref<3584xf32, #tpu.memory_space<vmem>>[vector<16xi32>], vector<16xf32>,
      %add3A_771 = arith.addi %add3A_6, %shift_right_logical3A_769 : vector<16xi32>
      tpu.vector_store_idx %arg6[%add3A_771], %broadcast_in_dim3A_7 {add = true} : memref<3584xf32, #tpu.memory_space<vmem>>[vector<16xi32>], vector<16xf32>,
      %add3A_772 = arith.constant 16 : i32
      %add3A_773 = arith.addi %mul3A_762, %add3A_772 : i32
      %get3A_774 = arith.index_cast %add3A_773 : i32 to index
      %get3A_775 = tpu.vector_load %arg5[%get3A_774] {strides = array<i32>} : memref<2944xi32, #tpu.memory_space<vmem>>, vector<16xi32>,
      %and3A_776 = arith.constant 65535 : i32
      %and3A_777 = vector.broadcast %and3A_776 : i32 to vector<16xi32>
      %and3A_778 = arith.andi %get3A_775, %and3A_777 : vector<16xi32>
      %shift_right_logical3A_779 = arith.constant 16 : i32
      %shift_right_logical3A_780 = vector.broadcast %shift_right_logical3A_779 : i32 to vector<16xi32>
      %shift_right_logical3A_781 = arith.shrui %get3A_775, %shift_right_logical3A_780 : vector<16xi32>
      %add3A_782 = arith.addi %mul3A_3, %and3A_778 : vector<16xi32>
      tpu.vector_store_idx %arg6[%add3A_782], %broadcast_in_dim3A_7 {add = true} : memref<3584xf32, #tpu.memory_space<vmem>>[vector<16xi32>], vector<16xf32>,
      %add3A_783 = arith.addi %add3A_6, %shift_right_logical3A_781 : vector<16xi32>
      tpu.vector_store_idx %arg6[%add3A_783], %broadcast_in_dim3A_7 {add = true} : memref<3584xf32, #tpu.memory_space<vmem>>[vector<16xi32>], vector<16xf32>,
      %add3A_784 = arith.constant 32 : i32
      %add3A_785 = arith.addi %mul3A_762, %add3A_784 : i32
      %get3A_786 = arith.index_cast %add3A_785 : i32 to index
      %get3A_787 = tpu.vector_load %arg5[%get3A_786] {strides = array<i32>} : memref<2944xi32, #tpu.memory_space<vmem>>, vector<16xi32>,
      %and3A_788 = arith.constant 65535 : i32
      %and3A_789 = vector.broadcast %and3A_788 : i32 to vector<16xi32>
      %and3A_790 = arith.andi %get3A_787, %and3A_789 : vector<16xi32>
      %shift_right_logical3A_791 = arith.constant 16 : i32
      %shift_right_logical3A_792 = vector.broadcast %shift_right_logical3A_791 : i32 to vector<16xi32>
      %shift_right_logical3A_793 = arith.shrui %get3A_787, %shift_right_logical3A_792 : vector<16xi32>
      %add3A_794 = arith.addi %mul3A_3, %and3A_790 : vector<16xi32>
      tpu.vector_store_idx %arg6[%add3A_794], %broadcast_in_dim3A_7 {add = true} : memref<3584xf32, #tpu.memory_space<vmem>>[vector<16xi32>], vector<16xf32>,
      %add3A_795 = arith.addi %add3A_6, %shift_right_logical3A_793 : vector<16xi32>
      tpu.vector_store_idx %arg6[%add3A_795], %broadcast_in_dim3A_7 {add = true} : memref<3584xf32, #tpu.memory_space<vmem>>[vector<16xi32>], vector<16xf32>,
      %add3A_796 = arith.constant 48 : i32
      %add3A_797 = arith.addi %mul3A_762, %add3A_796 : i32
      %get3A_798 = arith.index_cast %add3A_797 : i32 to index
      %get3A_799 = tpu.vector_load %arg5[%get3A_798] {strides = array<i32>} : memref<2944xi32, #tpu.memory_space<vmem>>, vector<16xi32>,
      %and3A_800 = arith.constant 65535 : i32
      %and3A_801 = vector.broadcast %and3A_800 : i32 to vector<16xi32>
      %and3A_802 = arith.andi %get3A_799, %and3A_801 : vector<16xi32>
      %shift_right_logical3A_803 = arith.constant 16 : i32
      %shift_right_logical3A_804 = vector.broadcast %shift_right_logical3A_803 : i32 to vector<16xi32>
      %shift_right_logical3A_805 = arith.shrui %get3A_799, %shift_right_logical3A_804 : vector<16xi32>
      %add3A_806 = arith.addi %mul3A_3, %and3A_802 : vector<16xi32>
      tpu.vector_store_idx %arg6[%add3A_806], %broadcast_in_dim3A_7 {add = true} : memref<3584xf32, #tpu.memory_space<vmem>>[vector<16xi32>], vector<16xf32>,
      %add3A_807 = arith.addi %add3A_6, %shift_right_logical3A_805 : vector<16xi32>
      tpu.vector_store_idx %arg6[%add3A_807], %broadcast_in_dim3A_7 {add = true} : memref<3584xf32, #tpu.memory_space<vmem>>[vector<16xi32>], vector<16xf32>,
    }
    %scan3A_747 = arith.constant 46 : i32
    %dma_wait3A_748 = arith.constant 47104 : i32
    %dma_wait3A_749 = tpu.memref_slice %arg2[%add3A, %dma_wait3A_748] : memref<32x50048xi32, #tpu.memory_space<hbm>> -> memref<1x2944xi32, #tpu.memory_space<hbm>>
    %dma_wait3A_750 = tpu.memref_squeeze %dma_wait3A_749 : memref<1x2944xi32, #tpu.memory_space<hbm>> -> memref<2944xi32, #tpu.memory_space<hbm>>
    %dma_wait3A_751 = arith.constant 47104 : i32
    %dma_wait3A_752 = tpu.memref_slice %arg2[%add3A, %dma_wait3A_751] : memref<32x50048xi32, #tpu.memory_space<hbm>> -> memref<1x2944xi32, #tpu.memory_space<hbm>>
    %dma_wait3A_753 = tpu.memref_squeeze %dma_wait3A_752 : memref<1x2944xi32, #tpu.memory_space<hbm>> -> memref<2944xi32, #tpu.memory_space<hbm>>
    tpu.wait_dma2 semaphore(%arg7 : memref<!tpu.dma_semaphore, #tpu.memory_space<semaphore_mem>>) src(%dma_wait3A_753 : memref<2944xi32, #tpu.memory_space<hbm>>) dst(%arg4 : memref<2944xi32, #tpu.memory_space<vmem>>)
    %scan3A_754 = arith.constant 0 : i32
    %scan3A_755 = arith.constant 0 : i32
    %scan3A_756 = arith.constant 46 : i32
    %scan3A_757 = arith.addi %scan3A_755, %scan3A_756 : i32
    %scan3A_758 = arith.constant 1 : i32
    scf.for %scan3A_760 = %scan3A_755 to %scan3A_757 step %scan3A_758  : i32 {
      %mul3A_761 = arith.constant 64 : i32
      %mul3A_762 = arith.muli %scan3A_760, %mul3A_761 : i32
      %add3A_763 = arith.constant 0 : i32
      %add3A_764 = arith.addi %mul3A_762, %add3A_763 : i32
      %get3A = arith.index_cast %add3A_764 : i32 to index
      %get3A_765 = tpu.vector_load %arg4[%get3A] {strides = array<i32>} : memref<2944xi32, #tpu.memory_space<vmem>>, vector<16xi32>,
      %and3A = arith.constant 65535 : i32
      %and3A_766 = vector.broadcast %and3A : i32 to vector<16xi32>
      %and3A_767 = arith.andi %get3A_765, %and3A_766 : vector<16xi32>
      %shift_right_logical3A = arith.constant 16 : i32
      %shift_right_logical3A_768 = vector.broadcast %shift_right_logical3A : i32 to vector<16xi32>
      %shift_right_logical3A_769 = arith.shrui %get3A_765, %shift_right_logical3A_768 : vector<16xi32>
      %add3A_770 = arith.addi %mul3A_3, %and3A_767 : vector<16xi32>
      tpu.vector_store_idx %arg6[%add3A_770], %broadcast_in_dim3A_7 {add = true} : memref<3584xf32, #tpu.memory_space<vmem>>[vector<16xi32>], vector<16xf32>,
      %add3A_771 = arith.addi %add3A_6, %shift_right_logical3A_769 : vector<16xi32>
      tpu.vector_store_idx %arg6[%add3A_771], %broadcast_in_dim3A_7 {add = true} : memref<3584xf32, #tpu.memory_space<vmem>>[vector<16xi32>], vector<16xf32>,
      %add3A_772 = arith.constant 16 : i32
      %add3A_773 = arith.addi %mul3A_762, %add3A_772 : i32
      %get3A_774 = arith.index_cast %add3A_773 : i32 to index
      %get3A_775 = tpu.vector_load %arg4[%get3A_774] {strides = array<i32>} : memref<2944xi32, #tpu.memory_space<vmem>>, vector<16xi32>,
      %and3A_776 = arith.constant 65535 : i32
      %and3A_777 = vector.broadcast %and3A_776 : i32 to vector<16xi32>
      %and3A_778 = arith.andi %get3A_775, %and3A_777 : vector<16xi32>
      %shift_right_logical3A_779 = arith.constant 16 : i32
      %shift_right_logical3A_780 = vector.broadcast %shift_right_logical3A_779 : i32 to vector<16xi32>
      %shift_right_logical3A_781 = arith.shrui %get3A_775, %shift_right_logical3A_780 : vector<16xi32>
      %add3A_782 = arith.addi %mul3A_3, %and3A_778 : vector<16xi32>
      tpu.vector_store_idx %arg6[%add3A_782], %broadcast_in_dim3A_7 {add = true} : memref<3584xf32, #tpu.memory_space<vmem>>[vector<16xi32>], vector<16xf32>,
      %add3A_783 = arith.addi %add3A_6, %shift_right_logical3A_781 : vector<16xi32>
      tpu.vector_store_idx %arg6[%add3A_783], %broadcast_in_dim3A_7 {add = true} : memref<3584xf32, #tpu.memory_space<vmem>>[vector<16xi32>], vector<16xf32>,
      %add3A_784 = arith.constant 32 : i32
      %add3A_785 = arith.addi %mul3A_762, %add3A_784 : i32
      %get3A_786 = arith.index_cast %add3A_785 : i32 to index
      %get3A_787 = tpu.vector_load %arg4[%get3A_786] {strides = array<i32>} : memref<2944xi32, #tpu.memory_space<vmem>>, vector<16xi32>,
      %and3A_788 = arith.constant 65535 : i32
      %and3A_789 = vector.broadcast %and3A_788 : i32 to vector<16xi32>
      %and3A_790 = arith.andi %get3A_787, %and3A_789 : vector<16xi32>
      %shift_right_logical3A_791 = arith.constant 16 : i32
      %shift_right_logical3A_792 = vector.broadcast %shift_right_logical3A_791 : i32 to vector<16xi32>
      %shift_right_logical3A_793 = arith.shrui %get3A_787, %shift_right_logical3A_792 : vector<16xi32>
      %add3A_794 = arith.addi %mul3A_3, %and3A_790 : vector<16xi32>
      tpu.vector_store_idx %arg6[%add3A_794], %broadcast_in_dim3A_7 {add = true} : memref<3584xf32, #tpu.memory_space<vmem>>[vector<16xi32>], vector<16xf32>,
      %add3A_795 = arith.addi %add3A_6, %shift_right_logical3A_793 : vector<16xi32>
      tpu.vector_store_idx %arg6[%add3A_795], %broadcast_in_dim3A_7 {add = true} : memref<3584xf32, #tpu.memory_space<vmem>>[vector<16xi32>], vector<16xf32>,
      %add3A_796 = arith.constant 48 : i32
      %add3A_797 = arith.addi %mul3A_762, %add3A_796 : i32
      %get3A_798 = arith.index_cast %add3A_797 : i32 to index
      %get3A_799 = tpu.vector_load %arg4[%get3A_798] {strides = array<i32>} : memref<2944xi32, #tpu.memory_space<vmem>>, vector<16xi32>,
      %and3A_800 = arith.constant 65535 : i32
      %and3A_801 = vector.broadcast %and3A_800 : i32 to vector<16xi32>
      %and3A_802 = arith.andi %get3A_799, %and3A_801 : vector<16xi32>
      %shift_right_logical3A_803 = arith.constant 16 : i32
      %shift_right_logical3A_804 = vector.broadcast %shift_right_logical3A_803 : i32 to vector<16xi32>
      %shift_right_logical3A_805 = arith.shrui %get3A_799, %shift_right_logical3A_804 : vector<16xi32>
      %add3A_806 = arith.addi %mul3A_3, %and3A_802 : vector<16xi32>
      tpu.vector_store_idx %arg6[%add3A_806], %broadcast_in_dim3A_7 {add = true} : memref<3584xf32, #tpu.memory_space<vmem>>[vector<16xi32>], vector<16xf32>,
      %add3A_807 = arith.addi %add3A_6, %shift_right_logical3A_805 : vector<16xi32>
      tpu.vector_store_idx %arg6[%add3A_807], %broadcast_in_dim3A_7 {add = true} : memref<3584xf32, #tpu.memory_space<vmem>>[vector<16xi32>], vector<16xf32>,
    }
    %scan3A_759 = arith.constant 46 : i32
    "tpu.region"() ({
      %run_scoped3A = tpu.sem_alloc : memref<!tpu.dma_semaphore, #tpu.memory_space<semaphore_mem>>
      %dma_start3A_760 = arith.constant 0 : i32
      %dma_start3A_761 = tpu.memref_slice %arg3[%add3A, %dma_start3A_760] : memref<32x3584xf32, #tpu.memory_space<hbm>> -> memref<1x3584xf32, #tpu.memory_space<hbm>>
      %dma_start3A_762 = tpu.memref_squeeze %dma_start3A_761 : memref<1x3584xf32, #tpu.memory_space<hbm>> -> memref<3584xf32, #tpu.memory_space<hbm>>
      %dma_start3A_763 = arith.constant 0 : i32
      %dma_start3A_764 = tpu.memref_slice %arg3[%add3A, %dma_start3A_763] : memref<32x3584xf32, #tpu.memory_space<hbm>> -> memref<1x3584xf32, #tpu.memory_space<hbm>>
      %dma_start3A_765 = tpu.memref_squeeze %dma_start3A_764 : memref<1x3584xf32, #tpu.memory_space<hbm>> -> memref<3584xf32, #tpu.memory_space<hbm>>
      tpu.enqueue_dma source(%arg6 : memref<3584xf32, #tpu.memory_space<vmem>>) target(%dma_start3A_765 : memref<3584xf32, #tpu.memory_space<hbm>>) target_semaphore(%run_scoped3A : memref<!tpu.dma_semaphore, #tpu.memory_space<semaphore_mem>>)
      %dma_wait3A_766 = arith.constant 0 : i32
      %dma_wait3A_767 = tpu.memref_slice %arg3[%add3A, %dma_wait3A_766] : memref<32x3584xf32, #tpu.memory_space<hbm>> -> memref<1x3584xf32, #tpu.memory_space<hbm>>
      %dma_wait3A_768 = tpu.memref_squeeze %dma_wait3A_767 : memref<1x3584xf32, #tpu.memory_space<hbm>> -> memref<3584xf32, #tpu.memory_space<hbm>>
      %dma_wait3A_769 = arith.constant 0 : i32
      %dma_wait3A_770 = tpu.memref_slice %arg3[%add3A, %dma_wait3A_769] : memref<32x3584xf32, #tpu.memory_space<hbm>> -> memref<1x3584xf32, #tpu.memory_space<hbm>>
      %dma_wait3A_771 = tpu.memref_squeeze %dma_wait3A_770 : memref<1x3584xf32, #tpu.memory_space<hbm>> -> memref<3584xf32, #tpu.memory_space<hbm>>
      tpu.wait_dma2 semaphore(%run_scoped3A : memref<!tpu.dma_semaphore, #tpu.memory_space<semaphore_mem>>) src(%arg6 : memref<3584xf32, #tpu.memory_space<vmem>>) dst(%dma_wait3A_771 : memref<3584xf32, #tpu.memory_space<hbm>>)
      tpu.yield
    }) : () -> ()
    return
  }
}

module attributes {stable_mosaic.version = 14 : i64} {
  func.func @_tc_bins_body(%arg0: i32, %arg1: memref<32x4x5888xf32, #tpu.memory_space<vmem>>, %arg2: memref<32x2944xi32, #tpu.memory_space<vmem>>) attributes {dimension_semantics = [#tpu.dimension_semantics<arbitrary>], iteration_bounds = array<i64: 17>, scalar_prefetch = 0 : i64, scratch_operands = 0 : i64, tpu.core_type = #tpu.core_type<tc>, window_params = [{transform_indices = @transform_0, window_bounds = array<i64: 32, 4, 5888>}, {transform_indices = @transform_1, window_bounds = array<i64: 32, 2944>}]} {
    %get3A = arith.constant 0 : index
    %get3A_0 = arith.constant 0 : index
    %get3A_1 = arith.constant 0 : index
    %get3A_2 = vector.load %arg1[%get3A, %get3A_0, %get3A_1] : memref<32x4x5888xf32, #tpu.memory_space<vmem>>, vector<32x4x5888xf32>
    %mul3A = arith.mulf %get3A_2, %get3A_2 : vector<32x4x5888xf32>
    %slice3A = vector.extract_strided_slice %mul3A {offsets = [0, 0, 0], sizes = [32, 1, 5888], strides = [1, 1, 1]} : vector<32x4x5888xf32> to vector<32x1x5888xf32>
    %squeeze3A = vector.shape_cast %slice3A : vector<32x1x5888xf32> to vector<32x5888xf32>
    %slice3A_3 = vector.extract_strided_slice %mul3A {offsets = [0, 1, 0], sizes = [32, 1, 5888], strides = [1, 1, 1]} : vector<32x4x5888xf32> to vector<32x1x5888xf32>
    %squeeze3A_4 = vector.shape_cast %slice3A_3 : vector<32x1x5888xf32> to vector<32x5888xf32>
    %add3A = arith.addf %squeeze3A, %squeeze3A_4 : vector<32x5888xf32>
    %slice3A_5 = vector.extract_strided_slice %mul3A {offsets = [0, 2, 0], sizes = [32, 1, 5888], strides = [1, 1, 1]} : vector<32x4x5888xf32> to vector<32x1x5888xf32>
    %squeeze3A_6 = vector.shape_cast %slice3A_5 : vector<32x1x5888xf32> to vector<32x5888xf32>
    %add3A_7 = arith.addf %add3A, %squeeze3A_6 : vector<32x5888xf32>
    %sqrt3A = math.sqrt %add3A_7 : vector<32x5888xf32>
    %div3A = arith.constant 1.000000e+01 : f32
    %div3A_8 = vector.broadcast %div3A : f32 to vector<32x5888xf32>
    %div3A_9 = arith.divf %sqrt3A, %div3A_8 : vector<32x5888xf32>
    %mul3A_10 = arith.constant 1.020000e+02 : f32
    %mul3A_11 = vector.broadcast %mul3A_10 : f32 to vector<32x5888xf32>
    %mul3A_12 = arith.mulf %div3A_9, %mul3A_11 : vector<32x5888xf32>
    %min3A = arith.constant 1.015000e+02 : f32
    %min3A_13 = vector.broadcast %min3A : f32 to vector<32x5888xf32>
    %min3A_14 = arith.minimumf %mul3A_12, %min3A_13 : vector<32x5888xf32>
    %convert_element_type3A = arith.fptosi %min3A_14 : vector<32x5888xf32> to vector<32x5888xi32>
    %mul3A_15 = arith.constant 5888 : i32
    %mul3A_16 = arith.muli %arg0, %mul3A_15 : i32
    %iota3A = tpu.iota {dimensions = array<i32: 1>} : vector<32x5888xi32>
    %add3A_17 = vector.broadcast %mul3A_16 : i32 to vector<32x5888xi32>
    %add3A_18 = arith.addi %add3A_17, %iota3A : vector<32x5888xi32>
    %lt3A = arith.constant 100000 : i32
    %lt3A_19 = vector.broadcast %lt3A : i32 to vector<32x5888xi32>
    %lt3A_20 = arith.cmpi slt, %add3A_18, %lt3A_19 : vector<32x5888xi32>
    %jit3A = arith.constant 101 : i32
    %broadcast_in_dim3A = vector.broadcast %jit3A : i32 to vector<32x5888xi32>
    %select_n3A = arith.select %lt3A_20, %convert_element_type3A, %broadcast_in_dim3A : vector<32x5888xi1>, vector<32x5888xi32>
    %slice3A_21 = vector.extract_strided_slice %select_n3A {offsets = [0, 0], sizes = [32, 2944], strides = [1, 1]} : vector<32x5888xi32> to vector<32x2944xi32>
    %slice3A_22 = vector.extract_strided_slice %select_n3A {offsets = [0, 2944], sizes = [32, 2944], strides = [1, 1]} : vector<32x5888xi32> to vector<32x2944xi32>
    %shift_left3A = arith.constant 16 : i32
    %shift_left3A_23 = vector.broadcast %shift_left3A : i32 to vector<32x2944xi32>
    %shift_left3A_24 = arith.shli %slice3A_22, %shift_left3A_23 : vector<32x2944xi32>
    %or3A = arith.ori %slice3A_21, %shift_left3A_24 : vector<32x2944xi32>
    %swap3A = arith.constant 0 : index
    %swap3A_25 = arith.constant 0 : index
    %swap3A_26 = vector.load %arg2[%swap3A, %swap3A_25] : memref<32x2944xi32, #tpu.memory_space<vmem>>, vector<32x2944xi32>
    tpu.vector_store %arg2[%swap3A, %swap3A_25], %or3A {strides = array<i32>} : memref<32x2944xi32, #tpu.memory_space<vmem>>, vector<32x2944xi32>,
    return
  }
  func.func @transform_0(%arg0: i32) -> (i32, i32, i32) {
    %c0_i32 = arith.constant 0 : i32
    %c0_i32_0 = arith.constant 0 : i32
    %c0_i32_1 = arith.constant 0 : i32
    return %c0_i32, %c0_i32_0, %arg0 : i32, i32, i32
  }
  func.func @transform_1(%arg0: i32) -> (i32, i32) {
    %c0_i32 = arith.constant 0 : i32
    %c0_i32_0 = arith.constant 0 : i32
    return %c0_i32, %arg0 : i32, i32
  }
}

module attributes {stable_mosaic.version = 14 : i64} {
  func.func @_tc_bins_body(%arg0: i32, %arg1: memref<32x4x5888xf32, #tpu.memory_space<vmem>>, %arg2: memref<32x2944xi32, #tpu.memory_space<vmem>>) attributes {dimension_semantics = [#tpu.dimension_semantics<arbitrary>], iteration_bounds = array<i64: 17>, scalar_prefetch = 0 : i64, scratch_operands = 0 : i64, tpu.core_type = #tpu.core_type<tc>, window_params = [{transform_indices = @transform_0, window_bounds = array<i64: 32, 4, 5888>}, {transform_indices = @transform_1, window_bounds = array<i64: 32, 2944>}]} {
    %get3A = arith.constant 0 : index
    %get3A_0 = arith.constant 0 : index
    %get3A_1 = arith.constant 0 : index
    %get3A_2 = vector.load %arg1[%get3A, %get3A_0, %get3A_1] : memref<32x4x5888xf32, #tpu.memory_space<vmem>>, vector<32x4x5888xf32>
    %mul3A = arith.mulf %get3A_2, %get3A_2 : vector<32x4x5888xf32>
    %slice3A = vector.extract_strided_slice %mul3A {offsets = [0, 0, 0], sizes = [32, 1, 5888], strides = [1, 1, 1]} : vector<32x4x5888xf32> to vector<32x1x5888xf32>
    %squeeze3A = vector.shape_cast %slice3A : vector<32x1x5888xf32> to vector<32x5888xf32>
    %slice3A_3 = vector.extract_strided_slice %mul3A {offsets = [0, 1, 0], sizes = [32, 1, 5888], strides = [1, 1, 1]} : vector<32x4x5888xf32> to vector<32x1x5888xf32>
    %squeeze3A_4 = vector.shape_cast %slice3A_3 : vector<32x1x5888xf32> to vector<32x5888xf32>
    %add3A = arith.addf %squeeze3A, %squeeze3A_4 : vector<32x5888xf32>
    %slice3A_5 = vector.extract_strided_slice %mul3A {offsets = [0, 2, 0], sizes = [32, 1, 5888], strides = [1, 1, 1]} : vector<32x4x5888xf32> to vector<32x1x5888xf32>
    %squeeze3A_6 = vector.shape_cast %slice3A_5 : vector<32x1x5888xf32> to vector<32x5888xf32>
    %add3A_7 = arith.addf %add3A, %squeeze3A_6 : vector<32x5888xf32>
    %sqrt3A = math.sqrt %add3A_7 : vector<32x5888xf32>
    %div3A = arith.constant 1.000000e+01 : f32
    %div3A_8 = vector.broadcast %div3A : f32 to vector<32x5888xf32>
    %div3A_9 = arith.divf %sqrt3A, %div3A_8 : vector<32x5888xf32>
    %mul3A_10 = arith.constant 1.020000e+02 : f32
    %mul3A_11 = vector.broadcast %mul3A_10 : f32 to vector<32x5888xf32>
    %mul3A_12 = arith.mulf %div3A_9, %mul3A_11 : vector<32x5888xf32>
    %min3A = arith.constant 1.015000e+02 : f32
    %min3A_13 = vector.broadcast %min3A : f32 to vector<32x5888xf32>
    %min3A_14 = arith.minimumf %mul3A_12, %min3A_13 : vector<32x5888xf32>
    %convert_element_type3A = arith.fptosi %min3A_14 : vector<32x5888xf32> to vector<32x5888xi32>
    %mul3A_15 = arith.constant 5888 : i32
    %mul3A_16 = arith.muli %arg0, %mul3A_15 : i32
    %iota3A = tpu.iota {dimensions = array<i32: 1>} : vector<32x5888xi32>
    %add3A_17 = vector.broadcast %mul3A_16 : i32 to vector<32x5888xi32>
    %add3A_18 = arith.addi %add3A_17, %iota3A : vector<32x5888xi32>
    %lt3A = arith.constant 100000 : i32
    %lt3A_19 = vector.broadcast %lt3A : i32 to vector<32x5888xi32>
    %lt3A_20 = arith.cmpi slt, %add3A_18, %lt3A_19 : vector<32x5888xi32>
    %jit3A = arith.constant 101 : i32
    %broadcast_in_dim3A = vector.broadcast %jit3A : i32 to vector<32x5888xi32>
    %select_n3A = arith.select %lt3A_20, %convert_element_type3A, %broadcast_in_dim3A : vector<32x5888xi1>, vector<32x5888xi32>
    %slice3A_21 = vector.extract_strided_slice %select_n3A {offsets = [0, 0], sizes = [32, 2944], strides = [1, 1]} : vector<32x5888xi32> to vector<32x2944xi32>
    %slice3A_22 = vector.extract_strided_slice %select_n3A {offsets = [0, 2944], sizes = [32, 2944], strides = [1, 1]} : vector<32x5888xi32> to vector<32x2944xi32>
    %shift_left3A = arith.constant 16 : i32
    %shift_left3A_23 = vector.broadcast %shift_left3A : i32 to vector<32x2944xi32>
    %shift_left3A_24 = arith.shli %slice3A_22, %shift_left3A_23 : vector<32x2944xi32>
    %or3A = arith.ori %slice3A_21, %shift_left3A_24 : vector<32x2944xi32>
    %swap3A = arith.constant 0 : index
    %swap3A_25 = arith.constant 0 : index
    %swap3A_26 = vector.load %arg2[%swap3A, %swap3A_25] : memref<32x2944xi32, #tpu.memory_space<vmem>>, vector<32x2944xi32>
    tpu.vector_store %arg2[%swap3A, %swap3A_25], %or3A {strides = array<i32>} : memref<32x2944xi32, #tpu.memory_space<vmem>>, vector<32x2944xi32>,
    return
  }
  func.func @transform_0(%arg0: i32) -> (i32, i32, i32) {
    %c1_i32 = arith.constant 1 : i32
    %c0_i32 = arith.constant 0 : i32
    %c0_i32_0 = arith.constant 0 : i32
    return %c1_i32, %c0_i32, %arg0 : i32, i32, i32
  }
  func.func @transform_1(%arg0: i32) -> (i32, i32) {
    %c0_i32 = arith.constant 0 : i32
    %c0_i32_0 = arith.constant 0 : i32
    return %c0_i32, %arg0 : i32, i32
  }
}

</mosaic_0001>

<sc_bundles>
// kernel: kernel.6.cloned.1.call-start
scs
__scs_entry_jumppad:
0x0: {  	(pc) =	sbr.rel $0x88, $3  }
0x1: {  	(tag) =	ssettag $0x0;
	lr =	simm.s32 $0x1  }
0x2: {  	[smem:$0x3FA0] =	sst lr;
	_ =	strace $0xD0000000  }
0x3: {  	_ = 	snop  }
0x4: {  	_ = 	snop  }
0x5: {  	_ = 	snop  }
0x6: {  	_ = 	snop  }
0x7: {  	_ = 	snop  }
__scs_overlays_trampoline_lowered:
0x8: {  	[smem:$0x3FAF] =	sst s0  }
0x9: {  	[smem:$0x3FB0] =	sst s1  }
0xa: {  	[smem:$0x3FB1] =	sst s2  }
0xb: {  	[smem:$0x3FB2] =	sst s3  }
0xc: {  	[smem:$0x3FB3] =	sst s4  }
0xd: {  	[smem:$0x3FB4] =	sst s5  }
0xe: {  	[smem:$0x3FB5] =	sst s6  }
0xf: {  	[smem:$0x3FB6] =	sst s7  }
0x10: {  	[smem:$0x3FB7] =	sst s8  }
0x11: {  	[smem:$0x3FB8] =	sst s9;
	s0 =	simm.s32 @!p0 $0x0  }
0x12: {  	s1 =	sld [smem:$0x3F9E];
	s0 =	simm.s32 @p0 $0x1  }
0x13: {  	[smem:$0x3FB9] =	sst s0;
	s0 =	simm.s32 @!p1 $0x0  }
0x14: {  	s2 =	sld [smem:$0x3F9D];
	s0 =	simm.s32 @p1 $0x1  }
0x15: {  	[smem:$0x3FBA] =	sst s0;
	s0 =	simm.s32 @!p2 $0x0  }
0x16: {  	s3 =	sld [smem:$0x3FDB];
	s0 =	simm.s32 @p2 $0x1  }
0x17: {  	s4 =	simm.s32 $0x1BF5;
	[smem:$0x3FBC] =	sst s0  }
0x18: {  	s0 =	sld [smem:$0x3F9F];
	_ =	swait.ge [sflag:s4], $0x0  }
0x19: {  	s7 =	sld [smem:$0x3FA0]  }
0x1a: {  	s8 =	sadd.s32 $0xFFFFE003, lr  }
0x1b: {  	s9 =	sadd.s32 $0xFFFFFEF7, lr;
	s5 =	simm.s32 $0xFFFFFFFF;
	p2 =	slt.u32 s8, $0xFFFFF086  }
0x1c: {  	p1 =	slt.u32 s9, $0xF7A;
	s5 =	simm.s32 @!p2 $0x0  }
0x1d: {  	s5 =	simm.s32 @p1 $0x1;
	p0 =	seq.s32 s7, s2  }
0x1e: {  	s7 =	smul.u32 @!p0 $0xF7A, s2;
	p2 =	seq.s32 @!p0 s5, $0x0  }
0x1f: {  	s9 =	smul.u32 $0xF7A, s1;
	s8 =	simm.s32 @!p0 $0x1BF5;
	p2 =	por !p2, p0  }
0x20: {  	[sflag:s8] =	ssyncset.s32 @!p0 $0xFFFFF086;
	s6 =	sadd.s32 @!p0 s3, s7;
	s7 =	simm.s32 @!p0 $0x108  }
0x21: {  	s3 =	sadd.s32 s3, s9;
	s6 =	sadd.s32 @!p0 $0x88, s6;
	s7 =	simm.s32 @p2 $0x1082  }
0x22: {  	[simem:s7], [sflag:s8] =	dma.local @!p0 [hbm:s6], $0xF7A  }
0x23: {  	s9 =	sor.u32 $0xD0000000, s2;
	s6 =	simm.s32 $0x108;
	_ =	swait.ge @!p0 [sflag:s8], $0x0  }
0x24: {  	s3 =	sadd.s32 $0x88, s3;
	s6 =	simm.s32 @!p1 $0x1082;
	[sflag:s4] =	ssyncset.s32 $0xFFFFF086  }
0x25: {  	[simem:s6], [sflag:s4] =	dma.local [hbm:s3], $0xF7A  }
0x26: {  	[smem:$0x3FA0] =	sst s1;
	(tag) =	ssettag s2;
	_ =	strace s9  }
0x27: {  	s1 =	sld [smem:$0x3FB0]  }
0x28: {  	s2 =	sld [smem:$0x3FB1]  }
0x29: {  	s4 =	sld [smem:$0x3FB3]  }
0x2a: {  	p0 =	seq.s32 s5, $0x0;
	s5 =	sld [smem:$0x3FB4]  }
0x2b: {  	s6 =	sld [smem:$0x3FB5]  }
0x2c: {  	s7 =	sld [smem:$0x3FB6]  }
0x2d: {  	s3 =	simm.s32 $0x108;
	s8 =	sld [smem:$0x3FB7]  }
0x2e: {  	s3 =	simm.s32 @!p0 $0x1082;
	s9 =	sld [smem:$0x3FB8]  }
0x2f: {  	lr =	sadd.s32 s0, s3;
	s0 =	sld [smem:$0x3FAF]  }
0x30: {  	s3 =	sld [smem:$0x3FB2]  }
0x31: {  	[smem:$0x3FBB] =	sst s10  }
0x32: {  	s10 =	sld [smem:$0x3FB9];
	_ =	sdelay $0x3  }
0x33: {  	p0 =	seq.s32 s10, $0x1;
	s10 =	sld [smem:$0x3FBB];
	_ =	sdelay $0x3  }
0x34: {  	[smem:$0x3FBB] =	sst s10  }
0x35: {  	s10 =	sld [smem:$0x3FBA];
	_ =	sdelay $0x3  }
0x36: {  	p1 =	seq.s32 s10, $0x1;
	s10 =	sld [smem:$0x3FBB];
	_ =	sdelay $0x3  }
0x37: {  	[smem:$0x3FBB] =	sst s10  }
0x38: {  	s10 =	sld [smem:$0x3FBC]  }
0x39: {  	_ = 	snop;
	(pc) =	sbr.ind lr, $3  }
0x3a: {  	_ = 	snop  }
0x3b: {  	_ = 	snop  }
0x3c: {  	p2 =	seq.s32 s10, $0x1;
	s10 =	sld [smem:$0x3FBB]  }
0x3d: {  	_ =	shalt  }
0x3e: {  	_ =	shalt  }
0x3f: {  	_ =	shalt  }
0x40: {  	_ =	shalt  }
0x41: {  	_ =	shalt  }
0x42: {  	_ =	shalt  }
0x43: {  	_ =	shalt  }
0x44: {  	_ =	shalt  }
0x45: {  	_ =	shalt  }
0x46: {  	_ =	shalt  }
0x47: {  	_ =	shalt  }
0x48: {  	_ =	shalt  }
0x49: {  	_ =	shalt  }
0x4a: {  	_ =	shalt  }
0x4b: {  	_ =	shalt  }
0x4c: {  	_ =	shalt  }
0x4d: {  	_ =	shalt  }
0x4e: {  	_ =	shalt  }
0x4f: {  	_ =	shalt  }
0x50: {  	_ =	shalt  }
0x51: {  	_ =	shalt  }
0x52: {  	_ =	shalt  }
0x53: {  	_ =	shalt  }
0x54: {  	_ =	shalt  }
0x55: {  	_ =	shalt  }
0x56: {  	_ =	shalt  }
0x57: {  	_ =	shalt  }
0x58: {  	_ =	shalt  }
0x59: {  	_ =	shalt  }
0x5a: {  	_ =	shalt  }
0x5b: {  	_ =	shalt  }
0x5c: {  	_ =	shalt  }
0x5d: {  	_ =	shalt  }
0x5e: {  	_ =	shalt  }
0x5f: {  	_ =	shalt  }
0x60: {  	_ =	shalt  }
0x61: {  	_ =	shalt  }
0x62: {  	_ =	shalt  }
0x63: {  	_ =	shalt  }
0x64: {  	_ =	shalt  }
0x65: {  	_ =	shalt  }
0x66: {  	_ =	shalt  }
0x67: {  	_ =	shalt  }
0x68: {  	_ =	shalt  }
0x69: {  	_ =	shalt  }
0x6a: {  	_ =	shalt  }
0x6b: {  	_ =	shalt  }
0x6c: {  	_ =	shalt  }
0x6d: {  	_ =	shalt  }
0x6e: {  	_ =	shalt  }
0x6f: {  	_ =	shalt  }
0x70: {  	_ =	shalt  }
0x71: {  	_ =	shalt  }
0x72: {  	_ =	shalt  }
0x73: {  	_ =	shalt  }
0x74: {  	_ =	shalt  }
0x75: {  	_ =	shalt  }
0x76: {  	_ =	shalt  }
0x77: {  	_ =	shalt  }
0x78: {  	_ =	shalt  }
0x79: {  	_ =	shalt  }
0x7a: {  	_ =	shalt  }
0x7b: {  	_ =	shalt  }
0x7c: {  	_ =	shalt  }
0x7d: {  	_ =	shalt  }
0x7e: {  	_ =	shalt  }
0x7f: {  	_ =	shalt  }
0x80: {  	_ =	shalt  }
0x81: {  	_ =	shalt  }
0x82: {  	_ =	shalt  }
0x83: {  	_ =	shalt  }
0x84: {  	_ =	shalt  }
0x85: {  	_ =	shalt  }
0x86: {  	_ =	shalt  }
0x87: {  	_ =	shalt  }
.Lfunc_end0:
.L_simem_size_0:
called_computation_lowered:
.L_overlay_start_0:
0x88: {  	s2 =	sld [smem:$0x3FD9]  }
0x89: {  	s3 =	sld [smem:$0x3FFE];
	_ =	sdelay $0x1  }
0x8a: {  	s1 =	srdreg.scid  }
0x8b: {  	s0 =	sand.u32 $0x1, s1  }
0x8c: {  	s16 =	sshll.u32 s0, $0xA;
	s2 =	sadd.s32 s3, s2  }
0x8d: {  	s2 =	sadd.s32 s2, s16  }
0x8e: {  	[smem:$0x3FC7] =	sst s2  }
0x8f: {  	_ = 	snop  }
0x90: {  	(tm) =	ssettm $0x1  }
0x91: {  	s17 =	sld [smem:$0x3FFB];
	_ =	sdelay $0x3  }
0x92: {  	_ =	strace s17  }
0x93: {  	s2 =	sld [smem:$0x3FFC];
	_ =	sdelay $0x3  }
0x94: {  	_ =	strace s2  }
0x95: {  	s2 =	sld [smem:$0x3FFD];
	_ =	sdelay $0x3  }
0x96: {  	_ =	strace s2  }
0x97: {  	_ =	strace $0x8FFFFFFF  }
0x98: {  	s18 =	sld [smem:$0x3FDB];
	_ =	sdelay $0x1  }
0x99: {  	s19 =	simm.s32 $_scs_section_size  }
0x9a: {  	s4 =	simm.s32 $_size__tile_overlayer_lowered;
	s5 =	simm.s32 $_tile_overlayer_lowered  }
0x9b: {  	s22 =	simm.s32 $0x1BFF;
	s21 =	sshll.u32 s5, $0x1;
	s2 =	sadd.s32 s19, s18  }
0x9c: {  	s6 =	simm.s32 $0x0;
	s20 =	sshll.u32 s4, $0x1;
	s4 =	sadd.s32 s21, s2  }
0x9d: {  	[timem:s6], [sflag:s22] =	dma.local [hbm:s4], s20  }
0x9e: {  	_ =	swait.ge [sflag:s22], s20  }
0x9f: {  	s3 =	ssub.s32 $0x0, s20;
	[sflag:s22] =	ssyncset.done $0x0  }
0xa0: {  	[sflag:s22] =	ssyncadd.s32 s3;
	_ =	sdelay $0x1  }
0xa1: {  	s23 =	simm.s32 $0x1B8B  }
0xa2: {  	_ =	swait.ge [sflag:s23], $0x1  }
0xa3: {  	[sflag:s23] =	ssyncset.done $0x0  }
0xa4: {  	s25 =	simm.s32 $0x1B8E;
	s24 =	sld [smem:$0x3FFE];
	[sflag:s23] =	ssyncadd.s32 $0xFFFFFFFF  }
0xa5: {  	s26 =	simm.s32 $execute0_lowered;
	[smem:$0x3FD2] =	sst s25  }
0xa6: {  	s4 =	sshll.u32 s26, $0x1;
	_ =	strace $0x80000046;
	[dreg:$0x1] =	wrdreg $0xFFFFFFFF  }
0xa7: {  	s28 =	simm.s32 $_size_execute0_lowered;
	s2 =	sadd.s32 s2, s4;
	[dreg:$0x0] =	wrdreg $0x0  }
0xa8: {  	s4 =	sshll.u32 s28, $0x1;
	[dreg:$0x2] =	wrdreg s2  }
0xa9: {  	[dreg:$0x3] =	wrdreg s4  }
0xaa: {  	[dreg:$0x4] =	wrdreg $0xC0  }
0xab: {  	_ =	task [dreg:s6], $0x5FFFF  }
0xac: {  	[dreg:$0x1] =	wrdreg $0xFFFFFFFF  }
0xad: {  	[dreg:$0x0] =	wrdreg $0x60  }
0xae: {  	[dreg:$0x2] =	wrdreg s24  }
0xaf: {  	[dreg:$0x3] =	wrdreg $0x9  }
0xb0: {  	_ =	task.clear_ibuf [dreg:s6], $0x4FFFF;
	_ =	strace $0x90000046  }
0xb1: {  	s29 =	simm.s32 $0x9;
	_ =	strace $0x80000048  }
0xb2: {  	_ =	swait.ge [sflag:s29], $0x1  }
0xb3: {  	[sflag:s29] =	ssyncadd.s32 $0xFFFFFFFF  }
0xb4: {  	_ =	strace $0x90000048  }
0xb5: {  	_ =	sfence  }
0xb6: {  	s30 =	sld [smem:$0x0];
	_ =	sdelay $0x2  }
0xb7: {  	s31 =	sshll.u32 s1, $0xD;
	s1 =	sshrl.u32 s1, $0x2  }
0xb8: {  	s3 =	sand.u32 $0x4000, s31;
	s1 =	sadd.s32 s1, s30  }
0xb9: {  	s0 =	sor.u32 s3, s0;
	s1 =	sshll.u32 s1, $0x11  }
0xba: {  	s0 =	sor.u32 s1, s0  }
0xbb: {  	s0 =	sadd.s32 $0x8F2B, s0  }
0xbc: {  	[sflag:s0] =	ssyncadd.remote.s32 $0x1  }
0xbd: {  	_ =	sfence.sel $0xFFFF  }
0xbe: {  	[dreg:$0x0] =	wrdreg $0xFFFFFFFF;
	(pc) =	sbr.abs _section_cstart, $3  }
0xbf: {  	[dreg:$0x1] =	wrdreg $0xFFFFFFFF  }
0xc0: {  	_ =	task.clear_ibuf [dreg:s6], $0x2FFFF;
	_ =	strace $0x9FFFFFFF  }
0xc1: {  	(tm) =	ssettm $0x7FFFFFFF  }
tec
execute0_lowered:
.L_overlay_start_1:
0x0: {  	(tag) =	ssettag $0x1  }
0x1: {  	s3 =	rddreg [dreg:$0x0]  }
0x2: {  	s2 =	simm.s32 $0x0;
	s4 =	srdreg.scid;
	s1 =	stileid.u32  }
0x3: {  	s28 =	simm.s32 $0x2;
	s29 =	simm.s32 $0x3;
	s30 =	simm.s32 $0x0  }
0x4: {  	s4 =	sand.u32 $0x1, s4;
	s5 =	sshrl.u32 s1, $0x2;
	s6 =	sshll.u32 s1, $0x8  }
0x5: {  	[smem:$0x7FF] =	sst s2;
	s19 =	sadd.s32 $0x800, s3;
	s8 =	smul.u32 $0x7000, s5  }
0x6: {  	s7 =	sshll.u32 s4, $0x7;
	s6 =	sand.u32 $0x300, s6;
	s5 =	smul.u32 $0x61C00, s5  }
0x7: {  	_ =	strace $0x80000047;
	s4 =	ssub.s32 $0x2, s4;
	s6 =	sor.u32 s7, s6  }
0x8: {  	s16 =	sshrl.u32 s4, $0x1;
	s7 =	sor.u32 s8, s6;
	s17 =	sor.u32 s5, s6  }
0x9: {  	s21 =	ssub.s32 s4, s16;
	s7 =	sshrl.u32 s7, $0x3;
	s5 =	sadd.s32 $0x5C00, s17  }
0xa: {  	s18 =	sshrl.u32 s17, $0x3;
	s23 =	sadd.s32 $0xB800, s17;
	s6 =	sadd.s32 $0x11400, s17  }
0xb: {  	s24 =	sadd.s32 $0x17000, s17;
	s25 =	sadd.s32 $0x1CC00, s17;
	s9 =	sadd.s32 $0x22800, s17  }
0xc: {  	s10 =	sadd.s32 $0x28400, s17;
	s11 =	sadd.s32 $0x2E000, s17;
	s12 =	sadd.s32 $0x33C00, s17  }
0xd: {  	s13 =	sadd.s32 $0x39800, s17;
	s14 =	sadd.s32 $0x3F400, s17;
	s15 =	sadd.s32 $0x45000, s17  }
0xe: {  	s16 =	sadd.s32 $0x4AC00, s17;
	s21 =	smax.u32 s21, $0x1;
	s20 =	sadd.s32 s7, s3  }
0xf: {  	s22 =	sshrl.u32 s5, $0x3;
	s3 =	sadd.s32 s19, s18;
	s5 =	sshrl.u32 s23, $0x3  }
0x10: {  	s6 =	sshrl.u32 s6, $0x3;
	s7 =	sshrl.u32 s24, $0x3;
	s8 =	sshrl.u32 s25, $0x3  }
0x11: {  	s9 =	sshrl.u32 s9, $0x3;
	s10 =	sshrl.u32 s10, $0x3;
	s11 =	sshrl.u32 s11, $0x3  }
0x12: {  	s12 =	sshrl.u32 s12, $0x3;
	s13 =	sshrl.u32 s13, $0x3;
	s14 =	sshrl.u32 s14, $0x3  }
0x13: {  	s15 =	sshrl.u32 s15, $0x3;
	s16 =	sshrl.u32 s16, $0x3;
	s18 =	sadd.s32 $0x50800, s17  }
0x14: {  	s23 =	sadd.s32 $0x5C000, s17;
	s24 =	simm.s32 $0xB80;
	s25 =	simm.s32 $0x1  }
0x15: {  	s4 =	sadd.s32 s19, s22;
	s5 =	sadd.s32 s19, s5;
	s6 =	sadd.s32 s19, s6  }
0x16: {  	s7 =	sadd.s32 s19, s7;
	s8 =	sadd.s32 s19, s8;
	s9 =	sadd.s32 s19, s9  }
0x17: {  	s10 =	sadd.s32 s19, s10;
	s11 =	sadd.s32 s19, s11;
	s12 =	sadd.s32 s19, s12  }
0x18: {  	s13 =	sadd.s32 s19, s13;
	s14 =	sadd.s32 s19, s14;
	s15 =	sadd.s32 s19, s15  }
0x19: {  	v0 =	vlaneseq.u32;
	s16 =	sadd.s32 s19, s16;
	s18 =	sshrl.u32 s18, $0x3;
	s22 =	sadd.s32 $0x56400, s17  }
0x1a: {  	v0 =	vmul.u32 $0x70, v0;
	s31 =	sshrl.u32 s23, $0x3;
	s20 =	sadd.s32 $0x31600, s20;
	s23 =	simm.s32 $0x400  }
0x1b: {  	s17 =	sadd.s32 s19, s18;
	s26 =	sshrl.u32 s22, $0x3;
	s22 =	simm.s32 $0x80  }
0x1c: {  	v1 =	vimm.f32 $0.0e+00;
	v2 =	vimm.f32 $1.000000000e+00;
	v3 =	vadd.s32 $0x700, v0;
	s18 =	sadd.s32 s19, s26;
	s19 =	sadd.s32 s19, s31;
	s26 =	simm.s32 $0x1700  }
.LBB2_1:
0x1d: {  	[tilespmem:$0x1700] =	vst v1  }
0x1e: {  	[tilespmem:$0x1710] =	vst v1  }
0x1f: {  	[tilespmem:$0x1720] =	vst v1  }
0x20: {  	[tilespmem:$0x1730] =	vst v1  }
0x21: {  	[tilespmem:$0x1740] =	vst v1  }
0x22: {  	[tilespmem:$0x1750] =	vst v1  }
0x23: {  	[tilespmem:$0x1760] =	vst v1  }
0x24: {  	[tilespmem:$0x1770] =	vst v1  }
0x25: {  	[tilespmem:$0x1780] =	vst v1  }
0x26: {  	[tilespmem:$0x1790] =	vst v1  }
0x27: {  	[tilespmem:$0x17A0] =	vst v1  }
0x28: {  	[tilespmem:$0x17B0] =	vst v1  }
0x29: {  	[tilespmem:$0x17C0] =	vst v1  }
0x2a: {  	[tilespmem:$0x17D0] =	vst v1  }
0x2b: {  	[tilespmem:$0x17E0] =	vst v1  }
0x2c: {  	[tilespmem:$0x17F0] =	vst v1  }
0x2d: {  	[tilespmem:$0x1800] =	vst v1  }
0x2e: {  	[tilespmem:$0x1810] =	vst v1  }
0x2f: {  	[tilespmem:$0x1820] =	vst v1  }
0x30: {  	[tilespmem:$0x1830] =	vst v1  }
0x31: {  	[tilespmem:$0x1840] =	vst v1  }
0x32: {  	[tilespmem:$0x1850] =	vst v1  }
0x33: {  	[tilespmem:$0x1860] =	vst v1  }
0x34: {  	[tilespmem:$0x1870] =	vst v1  }
0x35: {  	[tilespmem:$0x1880] =	vst v1  }
0x36: {  	[tilespmem:$0x1890] =	vst v1  }
0x37: {  	[tilespmem:$0x18A0] =	vst v1  }
0x38: {  	[tilespmem:$0x18B0] =	vst v1  }
0x39: {  	[tilespmem:$0x18C0] =	vst v1  }
0x3a: {  	[tilespmem:$0x18D0] =	vst v1  }
0x3b: {  	[tilespmem:$0x18E0] =	vst v1  }
0x3c: {  	[tilespmem:$0x18F0] =	vst v1  }
0x3d: {  	[tilespmem:$0x1900] =	vst v1  }
0x3e: {  	[tilespmem:$0x1910] =	vst v1  }
0x3f: {  	[tilespmem:$0x1920] =	vst v1  }
0x40: {  	[tilespmem:$0x1930] =	vst v1  }
0x41: {  	[tilespmem:$0x1940] =	vst v1  }
0x42: {  	[tilespmem:$0x1950] =	vst v1  }
0x43: {  	[tilespmem:$0x1960] =	vst v1  }
0x44: {  	[tilespmem:$0x1970] =	vst v1  }
0x45: {  	[tilespmem:$0x1980] =	vst v1  }
0x46: {  	[tilespmem:$0x1990] =	vst v1  }
0x47: {  	[tilespmem:$0x19A0] =	vst v1  }
0x48: {  	[tilespmem:$0x19B0] =	vst v1  }
0x49: {  	[tilespmem:$0x19C0] =	vst v1  }
0x4a: {  	[tilespmem:$0x19D0] =	vst v1  }
0x4b: {  	[tilespmem:$0x19E0] =	vst v1  }
0x4c: {  	[tilespmem:$0x19F0] =	vst v1  }
0x4d: {  	[tilespmem:$0x1A00] =	vst v1  }
0x4e: {  	[tilespmem:$0x1A10] =	vst v1  }
0x4f: {  	[tilespmem:$0x1A20] =	vst v1  }
0x50: {  	[tilespmem:$0x1A30] =	vst v1  }
0x51: {  	[tilespmem:$0x1A40] =	vst v1  }
0x52: {  	[tilespmem:$0x1A50] =	vst v1  }
0x53: {  	[tilespmem:$0x1A60] =	vst v1  }
0x54: {  	[tilespmem:$0x1A70] =	vst v1  }
0x55: {  	[tilespmem:$0x1A80] =	vst v1  }
0x56: {  	[tilespmem:$0x1A90] =	vst v1  }
0x57: {  	[tilespmem:$0x1AA0] =	vst v1  }
0x58: {  	[tilespmem:$0x1AB0] =	vst v1  }
0x59: {  	[tilespmem:$0x1AC0] =	vst v1  }
0x5a: {  	[tilespmem:$0x1AD0] =	vst v1  }
0x5b: {  	[tilespmem:$0x1AE0] =	vst v1  }
0x5c: {  	[tilespmem:$0x1AF0] =	vst v1  }
0x5d: {  	[tilespmem:$0x1B00] =	vst v1  }
0x5e: {  	[tilespmem:$0x1B10] =	vst v1  }
0x5f: {  	[tilespmem:$0x1B20] =	vst v1  }
0x60: {  	[tilespmem:$0x1B30] =	vst v1  }
0x61: {  	[tilespmem:$0x1B40] =	vst v1  }
0x62: {  	[tilespmem:$0x1B50] =	vst v1  }
0x63: {  	[tilespmem:$0x1B60] =	vst v1  }
0x64: {  	[tilespmem:$0x1B70] =	vst v1  }
0x65: {  	[tilespmem:$0x1B80] =	vst v1  }
0x66: {  	[tilespmem:$0x1B90] =	vst v1  }
0x67: {  	[tilespmem:$0x1BA0] =	vst v1  }
0x68: {  	[tilespmem:$0x1BB0] =	vst v1  }
0x69: {  	[tilespmem:$0x1BC0] =	vst v1  }
0x6a: {  	[tilespmem:$0x1BD0] =	vst v1  }
0x6b: {  	[tilespmem:$0x1BE0] =	vst v1  }
0x6c: {  	[tilespmem:$0x1BF0] =	vst v1  }
0x6d: {  	[tilespmem:$0x1C00] =	vst v1  }
0x6e: {  	[tilespmem:$0x1C10] =	vst v1  }
0x6f: {  	[tilespmem:$0x1C20] =	vst v1  }
0x70: {  	[tilespmem:$0x1C30] =	vst v1  }
0x71: {  	[tilespmem:$0x1C40] =	vst v1  }
0x72: {  	[tilespmem:$0x1C50] =	vst v1  }
0x73: {  	[tilespmem:$0x1C60] =	vst v1  }
0x74: {  	[tilespmem:$0x1C70] =	vst v1  }
0x75: {  	[tilespmem:$0x1C80] =	vst v1  }
0x76: {  	[tilespmem:$0x1C90] =	vst v1  }
0x77: {  	[tilespmem:$0x1CA0] =	vst v1  }
0x78: {  	[tilespmem:$0x1CB0] =	vst v1  }
0x79: {  	[tilespmem:$0x1CC0] =	vst v1  }
0x7a: {  	[tilespmem:$0x1CD0] =	vst v1  }
0x7b: {  	[tilespmem:$0x1CE0] =	vst v1  }
0x7c: {  	[tilespmem:$0x1CF0] =	vst v1  }
0x7d: {  	[tilespmem:$0x1D00] =	vst v1  }
0x7e: {  	[tilespmem:$0x1D10] =	vst v1  }
0x7f: {  	[tilespmem:$0x1D20] =	vst v1  }
0x80: {  	[tilespmem:$0x1D30] =	vst v1  }
0x81: {  	[tilespmem:$0x1D40] =	vst v1  }
0x82: {  	[tilespmem:$0x1D50] =	vst v1  }
0x83: {  	[tilespmem:$0x1D60] =	vst v1  }
0x84: {  	[tilespmem:$0x1D70] =	vst v1  }
0x85: {  	[tilespmem:$0x1D80] =	vst v1  }
0x86: {  	[tilespmem:$0x1D90] =	vst v1  }
0x87: {  	[tilespmem:$0x1DA0] =	vst v1  }
0x88: {  	[tilespmem:$0x1DB0] =	vst v1  }
0x89: {  	[tilespmem:$0x1DC0] =	vst v1  }
0x8a: {  	[tilespmem:$0x1DD0] =	vst v1  }
0x8b: {  	[tilespmem:$0x1DE0] =	vst v1  }
0x8c: {  	[tilespmem:$0x1DF0] =	vst v1  }
0x8d: {  	[tilespmem:$0x1E00] =	vst v1  }
0x8e: {  	[tilespmem:$0x1E10] =	vst v1  }
0x8f: {  	[tilespmem:$0x1E20] =	vst v1  }
0x90: {  	[tilespmem:$0x1E30] =	vst v1  }
0x91: {  	[tilespmem:$0x1E40] =	vst v1  }
0x92: {  	[tilespmem:$0x1E50] =	vst v1  }
0x93: {  	[tilespmem:$0x1E60] =	vst v1  }
0x94: {  	[tilespmem:$0x1E70] =	vst v1  }
0x95: {  	[tilespmem:$0x1E80] =	vst v1  }
0x96: {  	[tilespmem:$0x1E90] =	vst v1  }
0x97: {  	[tilespmem:$0x1EA0] =	vst v1  }
0x98: {  	[tilespmem:$0x1EB0] =	vst v1  }
0x99: {  	[tilespmem:$0x1EC0] =	vst v1  }
0x9a: {  	[tilespmem:$0x1ED0] =	vst v1  }
0x9b: {  	[tilespmem:$0x1EE0] =	vst v1  }
0x9c: {  	[tilespmem:$0x1EF0] =	vst v1  }
0x9d: {  	[tilespmem:$0x1F00] =	vst v1  }
0x9e: {  	[tilespmem:$0x1F10] =	vst v1  }
0x9f: {  	[tilespmem:$0x1F20] =	vst v1  }
0xa0: {  	[tilespmem:$0x1F30] =	vst v1  }
0xa1: {  	[tilespmem:$0x1F40] =	vst v1  }
0xa2: {  	[tilespmem:$0x1F50] =	vst v1  }
0xa3: {  	[tilespmem:$0x1F60] =	vst v1  }
0xa4: {  	[tilespmem:$0x1F70] =	vst v1  }
0xa5: {  	[tilespmem:$0x1F80] =	vst v1  }
0xa6: {  	[tilespmem:$0x1F90] =	vst v1  }
0xa7: {  	[tilespmem:$0x1FA0] =	vst v1  }
0xa8: {  	[tilespmem:$0x1FB0] =	vst v1  }
0xa9: {  	[tilespmem:$0x1FC0] =	vst v1  }
0xaa: {  	[tilespmem:$0x1FD0] =	vst v1  }
0xab: {  	[tilespmem:$0x1FE0] =	vst v1  }
0xac: {  	[tilespmem:$0x1FF0] =	vst v1  }
0xad: {  	[tilespmem:$0x2000] =	vst v1  }
0xae: {  	[tilespmem:$0x2010] =	vst v1  }
0xaf: {  	[tilespmem:$0x2020] =	vst v1  }
0xb0: {  	[tilespmem:$0x2030] =	vst v1  }
0xb1: {  	[tilespmem:$0x2040] =	vst v1  }
0xb2: {  	[tilespmem:$0x2050] =	vst v1  }
0xb3: {  	[tilespmem:$0x2060] =	vst v1  }
0xb4: {  	[tilespmem:$0x2070] =	vst v1  }
0xb5: {  	[tilespmem:$0x2080] =	vst v1  }
0xb6: {  	[tilespmem:$0x2090] =	vst v1  }
0xb7: {  	[tilespmem:$0x20A0] =	vst v1  }
0xb8: {  	[tilespmem:$0x20B0] =	vst v1  }
0xb9: {  	[tilespmem:$0x20C0] =	vst v1  }
0xba: {  	[tilespmem:$0x20D0] =	vst v1  }
0xbb: {  	[tilespmem:$0x20E0] =	vst v1  }
0xbc: {  	[tilespmem:$0x20F0] =	vst v1  }
0xbd: {  	[tilespmem:$0x2100] =	vst v1  }
0xbe: {  	[tilespmem:$0x2110] =	vst v1  }
0xbf: {  	[tilespmem:$0x2120] =	vst v1  }
0xc0: {  	[tilespmem:$0x2130] =	vst v1  }
0xc1: {  	[tilespmem:$0x2140] =	vst v1  }
0xc2: {  	[tilespmem:$0x2150] =	vst v1  }
0xc3: {  	[tilespmem:$0x2160] =	vst v1  }
0xc4: {  	[tilespmem:$0x2170] =	vst v1  }
0xc5: {  	[tilespmem:$0x2180] =	vst v1  }
0xc6: {  	[tilespmem:$0x2190] =	vst v1  }
0xc7: {  	[tilespmem:$0x21A0] =	vst v1  }
0xc8: {  	[tilespmem:$0x21B0] =	vst v1  }
0xc9: {  	[tilespmem:$0x21C0] =	vst v1  }
0xca: {  	[tilespmem:$0x21D0] =	vst v1  }
0xcb: {  	[tilespmem:$0x21E0] =	vst v1  }
0xcc: {  	[tilespmem:$0x21F0] =	vst v1  }
0xcd: {  	[tilespmem:$0x2200] =	vst v1  }
0xce: {  	[tilespmem:$0x2210] =	vst v1  }
0xcf: {  	[tilespmem:$0x2220] =	vst v1  }
0xd0: {  	[tilespmem:$0x2230] =	vst v1  }
0xd1: {  	[tilespmem:$0x2240] =	vst v1  }
0xd2: {  	[tilespmem:$0x2250] =	vst v1  }
0xd3: {  	[tilespmem:$0x2260] =	vst v1  }
0xd4: {  	[tilespmem:$0x2270] =	vst v1  }
0xd5: {  	[tilespmem:$0x2280] =	vst v1  }
0xd6: {  	[tilespmem:$0x2290] =	vst v1  }
0xd7: {  	[tilespmem:$0x22A0] =	vst v1  }
0xd8: {  	[tilespmem:$0x22B0] =	vst v1  }
0xd9: {  	[tilespmem:$0x22C0] =	vst v1  }
0xda: {  	[tilespmem:$0x22D0] =	vst v1  }
0xdb: {  	[tilespmem:$0x22E0] =	vst v1  }
0xdc: {  	[tilespmem:$0x22F0] =	vst v1  }
0xdd: {  	[tilespmem:$0x2300] =	vst v1  }
0xde: {  	[tilespmem:$0x2310] =	vst v1  }
0xdf: {  	[tilespmem:$0x2320] =	vst v1  }
0xe0: {  	[tilespmem:$0x2330] =	vst v1  }
0xe1: {  	[tilespmem:$0x2340] =	vst v1  }
0xe2: {  	[tilespmem:$0x2350] =	vst v1  }
0xe3: {  	[tilespmem:$0x2360] =	vst v1  }
0xe4: {  	[tilespmem:$0x2370] =	vst v1  }
0xe5: {  	[tilespmem:$0x2380] =	vst v1  }
0xe6: {  	[tilespmem:$0x2390] =	vst v1  }
0xe7: {  	[tilespmem:$0x23A0] =	vst v1  }
0xe8: {  	[tilespmem:$0x23B0] =	vst v1  }
0xe9: {  	[tilespmem:$0x23C0] =	vst v1  }
0xea: {  	[tilespmem:$0x23D0] =	vst v1  }
0xeb: {  	[tilespmem:$0x23E0] =	vst v1  }
0xec: {  	[tilespmem:$0x23F0] =	vst v1  }
0xed: {  	[tilespmem:$0x2400] =	vst v1  }
0xee: {  	[tilespmem:$0x2410] =	vst v1  }
0xef: {  	[tilespmem:$0x2420] =	vst v1  }
0xf0: {  	[tilespmem:$0x2430] =	vst v1  }
0xf1: {  	[tilespmem:$0x2440] =	vst v1  }
0xf2: {  	[tilespmem:$0x2450] =	vst v1  }
0xf3: {  	[tilespmem:$0x2460] =	vst v1  }
0xf4: {  	[tilespmem:$0x2470] =	vst v1  }
0xf5: {  	[tilespmem:$0x2480] =	vst v1  }
0xf6: {  	[tilespmem:$0x2490] =	vst v1  }
0xf7: {  	[tilespmem:$0x24A0] =	vst v1  }
0xf8: {  	[tilespmem:$0x24B0] =	vst v1  }
0xf9: {  	[tilespmem:$0x24C0] =	vst v1  }
0xfa: {  	[tilespmem:$0x24D0] =	vst v1  }
0xfb: {  	[tilespmem:$0x24E0] =	vst v1  }
0xfc: {  	[tilespmem:$0x24F0] =	vst v1  }
0xfd: {  	[tilespmem:s2], [sflag:$0x1] =	stream.strided.gather [hbm4b:s3+s22], $0xB80, s23, s22, $0x38;
	[tilespmem:$0x2500] =	vst v63  }
0xfe: {  	_ = 	snop  }
0xff: {  	[tilespmem:s24], [sflag:$0x2] =	stream.strided.gather [hbm4b:s4+s22], $0xB80, s23, s22, $0x38;
	[tilespmem:$0x2500] =	vst v63  }
0x100: {  	_ =	swait.ge [sflag:s25], $0xB80  }
0x101: {  	[sflag:s25] =	ssyncset.done $0x0  }
0x102: {  	s31 =	simm.s32 $0x0;
	[sflag:s25] =	ssyncadd.s32 $0xFFFFF480  }
.LBB2_2:
0x103: {  	s0 =	sshra.s32 s31, $0x2  }
0x104: {  	v4 =	vld [tilespmem:s0+$0x0];
	_ =	sdelay $0x4  }
0x105: {  	v5 =	vand.u32 $0xFFFF, v4  }
0x106: {  	v4 =	vshrl.u32 v4, $0x10;
	v5 =	vadd.s32 v0, v5  }
0x107: {  	v4 =	vadd.s32 v3, v4;
	_ =	sdelay $0x3  }
0x108: {  	[tilespmem:v5+s26+$0x0] =	vst.idx.add.f32.msk $0xffff, v2  }
0x109: {  	[tilespmem:v4+s26+$0x0] =	vst.idx.add.f32.msk $0xffff, v2  }
0x10a: {  	v4 =	vld [tilespmem:s0+$0x10];
	_ =	sdelay $0x4  }
0x10b: {  	v5 =	vand.u32 $0xFFFF, v4  }
0x10c: {  	v4 =	vshrl.u32 v4, $0x10;
	v5 =	vadd.s32 v0, v5  }
0x10d: {  	v4 =	vadd.s32 v3, v4;
	_ =	sdelay $0x3  }
0x10e: {  	[tilespmem:v5+s26+$0x0] =	vst.idx.add.f32.msk $0xffff, v2  }
0x10f: {  	[tilespmem:v4+s26+$0x0] =	vst.idx.add.f32.msk $0xffff, v2  }
0x110: {  	v4 =	vld [tilespmem:s0+$0x20];
	_ =	sdelay $0x4  }
0x111: {  	v5 =	vand.u32 $0xFFFF, v4  }
0x112: {  	v4 =	vshrl.u32 v4, $0x10;
	v5 =	vadd.s32 v0, v5  }
0x113: {  	v4 =	vadd.s32 v3, v4;
	_ =	sdelay $0x3  }
0x114: {  	[tilespmem:v5+s26+$0x0] =	vst.idx.add.f32.msk $0xffff, v2  }
0x115: {  	[tilespmem:v4+s26+$0x0] =	vst.idx.add.f32.msk $0xffff, v2  }
0x116: {  	v4 =	vld [tilespmem:s0+$0x30];
	_ =	sdelay $0x4  }
0x117: {  	v5 =	vand.u32 $0xFFFF, v4  }
0x118: {  	v4 =	vshrl.u32 v4, $0x10;
	v5 =	vadd.s32 v0, v5  }
0x119: {  	p0 =	sne.s32 s31, $0x2D00;
	v4 =	vadd.s32 v3, v4  }
.Ltmp0:
0x11a: {  	_ = 	snop;
	(pc) =	sbr.rel @p0 .LBB2_2-.Ltmp0, $3  }
0x11b: {  	_ =	sdelay $0x1  }
0x11c: {  	[tilespmem:v5+s26+$0x0] =	vst.idx.add.f32.msk $0xffff, v2  }
0x11d: {  	s31 =	sadd.s32 $0x100, s31;
	[tilespmem:v4+s26+$0x0] =	vst.idx.add.f32.msk $0xffff, v2  }
0x11e: {  	s31 =	simm.s32 $0x0  }
0x11f: {  	[tilespmem:s31], [sflag:$0x1] =	stream.strided.gather [hbm4b:s5+s22], $0xB80, s23, s22, $0x38;
	[tilespmem:$0x2500] =	vst v63  }
0x120: {  	_ =	swait.ge [sflag:s28], $0xB80  }
0x121: {  	[sflag:s28] =	ssyncset.done $0x0  }
0x122: {  	[sflag:s28] =	ssyncadd.s32 $0xFFFFF480  }
.LBB2_4:
0x123: {  	s0 =	sshra.s32 s31, $0x2  }
0x124: {  	v4 =	vld [tilespmem:s0+$0xB80];
	_ =	sdelay $0x4  }
0x125: {  	v5 =	vand.u32 $0xFFFF, v4  }
0x126: {  	v4 =	vshrl.u32 v4, $0x10;
	v5 =	vadd.s32 v0, v5  }
0x127: {  	v4 =	vadd.s32 v3, v4;
	_ =	sdelay $0x3  }
0x128: {  	[tilespmem:v5+s26+$0x0] =	vst.idx.add.f32.msk $0xffff, v2  }
0x129: {  	[tilespmem:v4+s26+$0x0] =	vst.idx.add.f32.msk $0xffff, v2  }
0x12a: {  	v4 =	vld [tilespmem:s0+$0xB90];
	_ =	sdelay $0x4  }
0x12b: {  	v5 =	vand.u32 $0xFFFF, v4  }
0x12c: {  	v4 =	vshrl.u32 v4, $0x10;
	v5 =	vadd.s32 v0, v5  }
0x12d: {  	v4 =	vadd.s32 v3, v4;
	_ =	sdelay $0x3  }
0x12e: {  	[tilespmem:v5+s26+$0x0] =	vst.idx.add.f32.msk $0xffff, v2  }
0x12f: {  	[tilespmem:v4+s26+$0x0] =	vst.idx.add.f32.msk $0xffff, v2  }
0x130: {  	v4 =	vld [tilespmem:s0+$0xBA0];
	_ =	sdelay $0x4  }
0x131: {  	v5 =	vand.u32 $0xFFFF, v4  }
0x132: {  	v4 =	vshrl.u32 v4, $0x10;
	v5 =	vadd.s32 v0, v5  }
0x133: {  	v4 =	vadd.s32 v3, v4;
	_ =	sdelay $0x3  }
0x134: {  	[tilespmem:v5+s26+$0x0] =	vst.idx.add.f32.msk $0xffff, v2  }
0x135: {  	[tilespmem:v4+s26+$0x0] =	vst.idx.add.f32.msk $0xffff, v2  }
0x136: {  	v4 =	vld [tilespmem:s0+$0xBB0];
	_ =	sdelay $0x4  }
0x137: {  	v5 =	vand.u32 $0xFFFF, v4  }
0x138: {  	v4 =	vshrl.u32 v4, $0x10;
	v5 =	vadd.s32 v0, v5  }
0x139: {  	p0 =	sne.s32 s31, $0x2D00;
	v4 =	vadd.s32 v3, v4  }
.Ltmp1:
0x13a: {  	_ = 	snop;
	(pc) =	sbr.rel @p0 .LBB2_4-.Ltmp1, $3  }
0x13b: {  	_ =	sdelay $0x1  }
0x13c: {  	[tilespmem:v5+s26+$0x0] =	vst.idx.add.f32.msk $0xffff, v2  }
0x13d: {  	s31 =	sadd.s32 $0x100, s31;
	[tilespmem:v4+s26+$0x0] =	vst.idx.add.f32.msk $0xffff, v2  }
0x13e: {  	[tilespmem:s24], [sflag:$0x2] =	stream.strided.gather [hbm4b:s6+s22], $0xB80, s23, s22, $0x38;
	[tilespmem:$0x2500] =	vst v63  }
0x13f: {  	_ =	swait.ge [sflag:s25], $0xB80  }
0x140: {  	[sflag:s25] =	ssyncset.done $0x0  }
0x141: {  	s31 =	simm.s32 $0x0;
	[sflag:s25] =	ssyncadd.s32 $0xFFFFF480  }
.LBB2_6:
0x142: {  	s0 =	sshra.s32 s31, $0x2  }
0x143: {  	v4 =	vld [tilespmem:s0+$0x0];
	_ =	sdelay $0x4  }
0x144: {  	v5 =	vand.u32 $0xFFFF, v4  }
0x145: {  	v4 =	vshrl.u32 v4, $0x10;
	v5 =	vadd.s32 v0, v5  }
0x146: {  	v4 =	vadd.s32 v3, v4;
	_ =	sdelay $0x3  }
0x147: {  	[tilespmem:v5+s26+$0x0] =	vst.idx.add.f32.msk $0xffff, v2  }
0x148: {  	[tilespmem:v4+s26+$0x0] =	vst.idx.add.f32.msk $0xffff, v2  }
0x149: {  	v4 =	vld [tilespmem:s0+$0x10];
	_ =	sdelay $0x4  }
0x14a: {  	v5 =	vand.u32 $0xFFFF, v4  }
0x14b: {  	v4 =	vshrl.u32 v4, $0x10;
	v5 =	vadd.s32 v0, v5  }
0x14c: {  	v4 =	vadd.s32 v3, v4;
	_ =	sdelay $0x3  }
0x14d: {  	[tilespmem:v5+s26+$0x0] =	vst.idx.add.f32.msk $0xffff, v2  }
0x14e: {  	[tilespmem:v4+s26+$0x0] =	vst.idx.add.f32.msk $0xffff, v2  }
0x14f: {  	v4 =	vld [tilespmem:s0+$0x20];
	_ =	sdelay $0x4  }
0x150: {  	v5 =	vand.u32 $0xFFFF, v4  }
0x151: {  	v4 =	vshrl.u32 v4, $0x10;
	v5 =	vadd.s32 v0, v5  }
0x152: {  	v4 =	vadd.s32 v3, v4;
	_ =	sdelay $0x3  }
0x153: {  	[tilespmem:v5+s26+$0x0] =	vst.idx.add.f32.msk $0xffff, v2  }
0x154: {  	[tilespmem:v4+s26+$0x0] =	vst.idx.add.f32.msk $0xffff, v2  }
0x155: {  	v4 =	vld [tilespmem:s0+$0x30];
	_ =	sdelay $0x4  }
0x156: {  	v5 =	vand.u32 $0xFFFF, v4  }
0x157: {  	v4 =	vshrl.u32 v4, $0x10;
	v5 =	vadd.s32 v0, v5  }
0x158: {  	p0 =	sne.s32 s31, $0x2D00;
	v4 =	vadd.s32 v3, v4  }
.Ltmp2:
0x159: {  	_ = 	snop;
	(pc) =	sbr.rel @p0 .LBB2_6-.Ltmp2, $3  }
0x15a: {  	_ =	sdelay $0x1  }
0x15b: {  	[tilespmem:v5+s26+$0x0] =	vst.idx.add.f32.msk $0xffff, v2  }
0x15c: {  	s31 =	sadd.s32 $0x100, s31;
	[tilespmem:v4+s26+$0x0] =	vst.idx.add.f32.msk $0xffff, v2  }
0x15d: {  	s31 =	simm.s32 $0x0  }
0x15e: {  	[tilespmem:s31], [sflag:$0x1] =	stream.strided.gather [hbm4b:s7+s22], $0xB80, s23, s22, $0x38;
	[tilespmem:$0x2500] =	vst v63  }
0x15f: {  	_ =	swait.ge [sflag:s28], $0xB80  }
0x160: {  	[sflag:s28] =	ssyncset.done $0x0  }
0x161: {  	[sflag:s28] =	ssyncadd.s32 $0xFFFFF480  }
.LBB2_8:
0x162: {  	s0 =	sshra.s32 s31, $0x2  }
0x163: {  	v4 =	vld [tilespmem:s0+$0xB80];
	_ =	sdelay $0x4  }
0x164: {  	v5 =	vand.u32 $0xFFFF, v4  }
0x165: {  	v4 =	vshrl.u32 v4, $0x10;
	v5 =	vadd.s32 v0, v5  }
0x166: {  	v4 =	vadd.s32 v3, v4;
	_ =	sdelay $0x3  }
0x167: {  	[tilespmem:v5+s26+$0x0] =	vst.idx.add.f32.msk $0xffff, v2  }
0x168: {  	[tilespmem:v4+s26+$0x0] =	vst.idx.add.f32.msk $0xffff, v2  }
0x169: {  	v4 =	vld [tilespmem:s0+$0xB90];
	_ =	sdelay $0x4  }
0x16a: {  	v5 =	vand.u32 $0xFFFF, v4  }
0x16b: {  	v4 =	vshrl.u32 v4, $0x10;
	v5 =	vadd.s32 v0, v5  }
0x16c: {  	v4 =	vadd.s32 v3, v4;
	_ =	sdelay $0x3  }
0x16d: {  	[tilespmem:v5+s26+$0x0] =	vst.idx.add.f32.msk $0xffff, v2  }
0x16e: {  	[tilespmem:v4+s26+$0x0] =	vst.idx.add.f32.msk $0xffff, v2  }
0x16f: {  	v4 =	vld [tilespmem:s0+$0xBA0];
	_ =	sdelay $0x4  }
0x170: {  	v5 =	vand.u32 $0xFFFF, v4  }
0x171: {  	v4 =	vshrl.u32 v4, $0x10;
	v5 =	vadd.s32 v0, v5  }
0x172: {  	v4 =	vadd.s32 v3, v4;
	_ =	sdelay $0x3  }
0x173: {  	[tilespmem:v5+s26+$0x0] =	vst.idx.add.f32.msk $0xffff, v2  }
0x174: {  	[tilespmem:v4+s26+$0x0] =	vst.idx.add.f32.msk $0xffff, v2  }
0x175: {  	v4 =	vld [tilespmem:s0+$0xBB0];
	_ =	sdelay $0x4  }
0x176: {  	v5 =	vand.u32 $0xFFFF, v4  }
0x177: {  	v4 =	vshrl.u32 v4, $0x10;
	v5 =	vadd.s32 v0, v5  }
0x178: {  	p0 =	sne.s32 s31, $0x2D00;
	v4 =	vadd.s32 v3, v4  }
.Ltmp3:
0x179: {  	_ = 	snop;
	(pc) =	sbr.rel @p0 .LBB2_8-.Ltmp3, $3  }
0x17a: {  	_ =	sdelay $0x1  }
0x17b: {  	[tilespmem:v5+s26+$0x0] =	vst.idx.add.f32.msk $0xffff, v2  }
0x17c: {  	s31 =	sadd.s32 $0x100, s31;
	[tilespmem:v4+s26+$0x0] =	vst.idx.add.f32.msk $0xffff, v2  }
0x17d: {  	[tilespmem:s24], [sflag:$0x2] =	stream.strided.gather [hbm4b:s8+s22], $0xB80, s23, s22, $0x38;
	[tilespmem:$0x2500] =	vst v63  }
0x17e: {  	_ =	swait.ge [sflag:s25], $0xB80  }
0x17f: {  	[sflag:s25] =	ssyncset.done $0x0  }
0x180: {  	s31 =	simm.s32 $0x0;
	[sflag:s25] =	ssyncadd.s32 $0xFFFFF480  }
.LBB2_10:
0x181: {  	s0 =	sshra.s32 s31, $0x2  }
0x182: {  	v4 =	vld [tilespmem:s0+$0x0];
	_ =	sdelay $0x4  }
0x183: {  	v5 =	vand.u32 $0xFFFF, v4  }
0x184: {  	v4 =	vshrl.u32 v4, $0x10;
	v5 =	vadd.s32 v0, v5  }
0x185: {  	v4 =	vadd.s32 v3, v4;
	_ =	sdelay $0x3  }
0x186: {  	[tilespmem:v5+s26+$0x0] =	vst.idx.add.f32.msk $0xffff, v2  }
0x187: {  	[tilespmem:v4+s26+$0x0] =	vst.idx.add.f32.msk $0xffff, v2  }
0x188: {  	v4 =	vld [tilespmem:s0+$0x10];
	_ =	sdelay $0x4  }
0x189: {  	v5 =	vand.u32 $0xFFFF, v4  }
0x18a: {  	v4 =	vshrl.u32 v4, $0x10;
	v5 =	vadd.s32 v0, v5  }
0x18b: {  	v4 =	vadd.s32 v3, v4;
	_ =	sdelay $0x3  }
0x18c: {  	[tilespmem:v5+s26+$0x0] =	vst.idx.add.f32.msk $0xffff, v2  }
0x18d: {  	[tilespmem:v4+s26+$0x0] =	vst.idx.add.f32.msk $0xffff, v2  }
0x18e: {  	v4 =	vld [tilespmem:s0+$0x20];
	_ =	sdelay $0x4  }
0x18f: {  	v5 =	vand.u32 $0xFFFF, v4  }
0x190: {  	v4 =	vshrl.u32 v4, $0x10;
	v5 =	vadd.s32 v0, v5  }
0x191: {  	v4 =	vadd.s32 v3, v4;
	_ =	sdelay $0x3  }
0x192: {  	[tilespmem:v5+s26+$0x0] =	vst.idx.add.f32.msk $0xffff, v2  }
0x193: {  	[tilespmem:v4+s26+$0x0] =	vst.idx.add.f32.msk $0xffff, v2  }
0x194: {  	v4 =	vld [tilespmem:s0+$0x30];
	_ =	sdelay $0x4  }
0x195: {  	v5 =	vand.u32 $0xFFFF, v4  }
0x196: {  	v4 =	vshrl.u32 v4, $0x10;
	v5 =	vadd.s32 v0, v5  }
0x197: {  	p0 =	sne.s32 s31, $0x2D00;
	v4 =	vadd.s32 v3, v4  }
.Ltmp4:
0x198: {  	_ = 	snop;
	(pc) =	sbr.rel @p0 .LBB2_10-.Ltmp4, $3  }
0x199: {  	_ =	sdelay $0x1  }
0x19a: {  	[tilespmem:v5+s26+$0x0] =	vst.idx.add.f32.msk $0xffff, v2  }
0x19b: {  	s31 =	sadd.s32 $0x100, s31;
	[tilespmem:v4+s26+$0x0] =	vst.idx.add.f32.msk $0xffff, v2  }
0x19c: {  	s31 =	simm.s32 $0x0  }
0x19d: {  	[tilespmem:s31], [sflag:$0x1] =	stream.strided.gather [hbm4b:s9+s22], $0xB80, s23, s22, $0x38;
	[tilespmem:$0x2500] =	vst v63  }
0x19e: {  	_ =	swait.ge [sflag:s28], $0xB80  }
0x19f: {  	[sflag:s28] =	ssyncset.done $0x0  }
0x1a0: {  	[sflag:s28] =	ssyncadd.s32 $0xFFFFF480  }
.LBB2_12:
0x1a1: {  	s0 =	sshra.s32 s31, $0x2  }
0x1a2: {  	v4 =	vld [tilespmem:s0+$0xB80];
	_ =	sdelay $0x4  }
0x1a3: {  	v5 =	vand.u32 $0xFFFF, v4  }
0x1a4: {  	v4 =	vshrl.u32 v4, $0x10;
	v5 =	vadd.s32 v0, v5  }
0x1a5: {  	v4 =	vadd.s32 v3, v4;
	_ =	sdelay $0x3  }
0x1a6: {  	[tilespmem:v5+s26+$0x0] =	vst.idx.add.f32.msk $0xffff, v2  }
0x1a7: {  	[tilespmem:v4+s26+$0x0] =	vst.idx.add.f32.msk $0xffff, v2  }
0x1a8: {  	v4 =	vld [tilespmem:s0+$0xB90];
	_ =	sdelay $0x4  }
0x1a9: {  	v5 =	vand.u32 $0xFFFF, v4  }
0x1aa: {  	v4 =	vshrl.u32 v4, $0x10;
	v5 =	vadd.s32 v0, v5  }
0x1ab: {  	v4 =	vadd.s32 v3, v4;
	_ =	sdelay $0x3  }
0x1ac: {  	[tilespmem:v5+s26+$0x0] =	vst.idx.add.f32.msk $0xffff, v2  }
0x1ad: {  	[tilespmem:v4+s26+$0x0] =	vst.idx.add.f32.msk $0xffff, v2  }
0x1ae: {  	v4 =	vld [tilespmem:s0+$0xBA0];
	_ =	sdelay $0x4  }
0x1af: {  	v5 =	vand.u32 $0xFFFF, v4  }
0x1b0: {  	v4 =	vshrl.u32 v4, $0x10;
	v5 =	vadd.s32 v0, v5  }
0x1b1: {  	v4 =	vadd.s32 v3, v4;
	_ =	sdelay $0x3  }
0x1b2: {  	[tilespmem:v5+s26+$0x0] =	vst.idx.add.f32.msk $0xffff, v2  }
0x1b3: {  	[tilespmem:v4+s26+$0x0] =	vst.idx.add.f32.msk $0xffff, v2  }
0x1b4: {  	v4 =	vld [tilespmem:s0+$0xBB0];
	_ =	sdelay $0x4  }
0x1b5: {  	v5 =	vand.u32 $0xFFFF, v4  }
0x1b6: {  	v4 =	vshrl.u32 v4, $0x10;
	v5 =	vadd.s32 v0, v5  }
0x1b7: {  	p0 =	sne.s32 s31, $0x2D00;
	v4 =	vadd.s32 v3, v4  }
.Ltmp5:
0x1b8: {  	_ = 	snop;
	(pc) =	sbr.rel @p0 .LBB2_12-.Ltmp5, $3  }
0x1b9: {  	_ =	sdelay $0x1  }
0x1ba: {  	[tilespmem:v5+s26+$0x0] =	vst.idx.add.f32.msk $0xffff, v2  }
0x1bb: {  	s31 =	sadd.s32 $0x100, s31;
	[tilespmem:v4+s26+$0x0] =	vst.idx.add.f32.msk $0xffff, v2  }
0x1bc: {  	[tilespmem:s24], [sflag:$0x2] =	stream.strided.gather [hbm4b:s10+s22], $0xB80, s23, s22, $0x38;
	[tilespmem:$0x2500] =	vst v63  }
0x1bd: {  	_ =	swait.ge [sflag:s25], $0xB80  }
0x1be: {  	[sflag:s25] =	ssyncset.done $0x0  }
0x1bf: {  	s31 =	simm.s32 $0x0;
	[sflag:s25] =	ssyncadd.s32 $0xFFFFF480  }
.LBB2_14:
0x1c0: {  	s0 =	sshra.s32 s31, $0x2  }
0x1c1: {  	v4 =	vld [tilespmem:s0+$0x0];
	_ =	sdelay $0x4  }
0x1c2: {  	v5 =	vand.u32 $0xFFFF, v4  }
0x1c3: {  	v4 =	vshrl.u32 v4, $0x10;
	v5 =	vadd.s32 v0, v5  }
0x1c4: {  	v4 =	vadd.s32 v3, v4;
	_ =	sdelay $0x3  }
0x1c5: {  	[tilespmem:v5+s26+$0x0] =	vst.idx.add.f32.msk $0xffff, v2  }
0x1c6: {  	[tilespmem:v4+s26+$0x0] =	vst.idx.add.f32.msk $0xffff, v2  }
0x1c7: {  	v4 =	vld [tilespmem:s0+$0x10];
	_ =	sdelay $0x4  }
0x1c8: {  	v5 =	vand.u32 $0xFFFF, v4  }
0x1c9: {  	v4 =	vshrl.u32 v4, $0x10;
	v5 =	vadd.s32 v0, v5  }
0x1ca: {  	v4 =	vadd.s32 v3, v4;
	_ =	sdelay $0x3  }
0x1cb: {  	[tilespmem:v5+s26+$0x0] =	vst.idx.add.f32.msk $0xffff, v2  }
0x1cc: {  	[tilespmem:v4+s26+$0x0] =	vst.idx.add.f32.msk $0xffff, v2  }
0x1cd: {  	v4 =	vld [tilespmem:s0+$0x20];
	_ =	sdelay $0x4  }
0x1ce: {  	v5 =	vand.u32 $0xFFFF, v4  }
0x1cf: {  	v4 =	vshrl.u32 v4, $0x10;
	v5 =	vadd.s32 v0, v5  }
0x1d0: {  	v4 =	vadd.s32 v3, v4;
	_ =	sdelay $0x3  }
0x1d1: {  	[tilespmem:v5+s26+$0x0] =	vst.idx.add.f32.msk $0xffff, v2  }
0x1d2: {  	[tilespmem:v4+s26+$0x0] =	vst.idx.add.f32.msk $0xffff, v2  }
0x1d3: {  	v4 =	vld [tilespmem:s0+$0x30];
	_ =	sdelay $0x4  }
0x1d4: {  	v5 =	vand.u32 $0xFFFF, v4  }
0x1d5: {  	v4 =	vshrl.u32 v4, $0x10;
	v5 =	vadd.s32 v0, v5  }
0x1d6: {  	p0 =	sne.s32 s31, $0x2D00;
	v4 =	vadd.s32 v3, v4  }
.Ltmp6:
0x1d7: {  	_ = 	snop;
	(pc) =	sbr.rel @p0 .LBB2_14-.Ltmp6, $3  }
0x1d8: {  	_ =	sdelay $0x1  }
0x1d9: {  	[tilespmem:v5+s26+$0x0] =	vst.idx.add.f32.msk $0xffff, v2  }
0x1da: {  	s31 =	sadd.s32 $0x100, s31;
	[tilespmem:v4+s26+$0x0] =	vst.idx.add.f32.msk $0xffff, v2  }
0x1db: {  	s31 =	simm.s32 $0x0  }
0x1dc: {  	[tilespmem:s31], [sflag:$0x1] =	stream.strided.gather [hbm4b:s11+s22], $0xB80, s23, s22, $0x38;
	[tilespmem:$0x2500] =	vst v63  }
0x1dd: {  	_ =	swait.ge [sflag:s28], $0xB80  }
0x1de: {  	[sflag:s28] =	ssyncset.done $0x0  }
0x1df: {  	[sflag:s28] =	ssyncadd.s32 $0xFFFFF480  }
.LBB2_16:
0x1e0: {  	s0 =	sshra.s32 s31, $0x2  }
0x1e1: {  	v4 =	vld [tilespmem:s0+$0xB80];
	_ =	sdelay $0x4  }
0x1e2: {  	v5 =	vand.u32 $0xFFFF, v4  }
0x1e3: {  	v4 =	vshrl.u32 v4, $0x10;
	v5 =	vadd.s32 v0, v5  }
0x1e4: {  	v4 =	vadd.s32 v3, v4;
	_ =	sdelay $0x3  }
0x1e5: {  	[tilespmem:v5+s26+$0x0] =	vst.idx.add.f32.msk $0xffff, v2  }
0x1e6: {  	[tilespmem:v4+s26+$0x0] =	vst.idx.add.f32.msk $0xffff, v2  }
0x1e7: {  	v4 =	vld [tilespmem:s0+$0xB90];
	_ =	sdelay $0x4  }
0x1e8: {  	v5 =	vand.u32 $0xFFFF, v4  }
0x1e9: {  	v4 =	vshrl.u32 v4, $0x10;
	v5 =	vadd.s32 v0, v5  }
0x1ea: {  	v4 =	vadd.s32 v3, v4;
	_ =	sdelay $0x3  }
0x1eb: {  	[tilespmem:v5+s26+$0x0] =	vst.idx.add.f32.msk $0xffff, v2  }
0x1ec: {  	[tilespmem:v4+s26+$0x0] =	vst.idx.add.f32.msk $0xffff, v2  }
0x1ed: {  	v4 =	vld [tilespmem:s0+$0xBA0];
	_ =	sdelay $0x4  }
0x1ee: {  	v5 =	vand.u32 $0xFFFF, v4  }
0x1ef: {  	v4 =	vshrl.u32 v4, $0x10;
	v5 =	vadd.s32 v0, v5  }
0x1f0: {  	v4 =	vadd.s32 v3, v4;
	_ =	sdelay $0x3  }
0x1f1: {  	[tilespmem:v5+s26+$0x0] =	vst.idx.add.f32.msk $0xffff, v2  }
0x1f2: {  	[tilespmem:v4+s26+$0x0] =	vst.idx.add.f32.msk $0xffff, v2  }
0x1f3: {  	v4 =	vld [tilespmem:s0+$0xBB0];
	_ =	sdelay $0x4  }
0x1f4: {  	v5 =	vand.u32 $0xFFFF, v4  }
0x1f5: {  	v4 =	vshrl.u32 v4, $0x10;
	v5 =	vadd.s32 v0, v5  }
0x1f6: {  	p0 =	sne.s32 s31, $0x2D00;
	v4 =	vadd.s32 v3, v4  }
.Ltmp7:
0x1f7: {  	_ = 	snop;
	(pc) =	sbr.rel @p0 .LBB2_16-.Ltmp7, $3  }
0x1f8: {  	_ =	sdelay $0x1  }
0x1f9: {  	[tilespmem:v5+s26+$0x0] =	vst.idx.add.f32.msk $0xffff, v2  }
0x1fa: {  	s31 =	sadd.s32 $0x100, s31;
	[tilespmem:v4+s26+$0x0] =	vst.idx.add.f32.msk $0xffff, v2  }
0x1fb: {  	[tilespmem:s24], [sflag:$0x2] =	stream.strided.gather [hbm4b:s12+s22], $0xB80, s23, s22, $0x38;
	[tilespmem:$0x2500] =	vst v63  }
0x1fc: {  	_ =	swait.ge [sflag:s25], $0xB80  }
0x1fd: {  	[sflag:s25] =	ssyncset.done $0x0  }
0x1fe: {  	s31 =	simm.s32 $0x0;
	[sflag:s25] =	ssyncadd.s32 $0xFFFFF480  }
.LBB2_18:
0x1ff: {  	s0 =	sshra.s32 s31, $0x2  }
0x200: {  	v4 =	vld [tilespmem:s0+$0x0];
	_ =	sdelay $0x4  }
0x201: {  	v5 =	vand.u32 $0xFFFF, v4  }
0x202: {  	v4 =	vshrl.u32 v4, $0x10;
	v5 =	vadd.s32 v0, v5  }
0x203: {  	v4 =	vadd.s32 v3, v4;
	_ =	sdelay $0x3  }
0x204: {  	[tilespmem:v5+s26+$0x0] =	vst.idx.add.f32.msk $0xffff, v2  }
0x205: {  	[tilespmem:v4+s26+$0x0] =	vst.idx.add.f32.msk $0xffff, v2  }
0x206: {  	v4 =	vld [tilespmem:s0+$0x10];
	_ =	sdelay $0x4  }
0x207: {  	v5 =	vand.u32 $0xFFFF, v4  }
0x208: {  	v4 =	vshrl.u32 v4, $0x10;
	v5 =	vadd.s32 v0, v5  }
0x209: {  	v4 =	vadd.s32 v3, v4;
	_ =	sdelay $0x3  }
0x20a: {  	[tilespmem:v5+s26+$0x0] =	vst.idx.add.f32.msk $0xffff, v2  }
0x20b: {  	[tilespmem:v4+s26+$0x0] =	vst.idx.add.f32.msk $0xffff, v2  }
0x20c: {  	v4 =	vld [tilespmem:s0+$0x20];
	_ =	sdelay $0x4  }
0x20d: {  	v5 =	vand.u32 $0xFFFF, v4  }
0x20e: {  	v4 =	vshrl.u32 v4, $0x10;
	v5 =	vadd.s32 v0, v5  }
0x20f: {  	v4 =	vadd.s32 v3, v4;
	_ =	sdelay $0x3  }
0x210: {  	[tilespmem:v5+s26+$0x0] =	vst.idx.add.f32.msk $0xffff, v2  }
0x211: {  	[tilespmem:v4+s26+$0x0] =	vst.idx.add.f32.msk $0xffff, v2  }
0x212: {  	v4 =	vld [tilespmem:s0+$0x30];
	_ =	sdelay $0x4  }
0x213: {  	v5 =	vand.u32 $0xFFFF, v4  }
0x214: {  	v4 =	vshrl.u32 v4, $0x10;
	v5 =	vadd.s32 v0, v5  }
0x215: {  	p0 =	sne.s32 s31, $0x2D00;
	v4 =	vadd.s32 v3, v4  }
.Ltmp8:
0x216: {  	_ = 	snop;
	(pc) =	sbr.rel @p0 .LBB2_18-.Ltmp8, $3  }
0x217: {  	_ =	sdelay $0x1  }
0x218: {  	[tilespmem:v5+s26+$0x0] =	vst.idx.add.f32.msk $0xffff, v2  }
0x219: {  	s31 =	sadd.s32 $0x100, s31;
	[tilespmem:v4+s26+$0x0] =	vst.idx.add.f32.msk $0xffff, v2  }
0x21a: {  	s31 =	simm.s32 $0x0  }
0x21b: {  	[tilespmem:s31], [sflag:$0x1] =	stream.strided.gather [hbm4b:s13+s22], $0xB80, s23, s22, $0x38;
	[tilespmem:$0x2500] =	vst v63  }
0x21c: {  	_ =	swait.ge [sflag:s28], $0xB80  }
0x21d: {  	[sflag:s28] =	ssyncset.done $0x0  }
0x21e: {  	[sflag:s28] =	ssyncadd.s32 $0xFFFFF480  }
.LBB2_20:
0x21f: {  	s0 =	sshra.s32 s31, $0x2  }
0x220: {  	v4 =	vld [tilespmem:s0+$0xB80];
	_ =	sdelay $0x4  }
0x221: {  	v5 =	vand.u32 $0xFFFF, v4  }
0x222: {  	v4 =	vshrl.u32 v4, $0x10;
	v5 =	vadd.s32 v0, v5  }
0x223: {  	v4 =	vadd.s32 v3, v4;
	_ =	sdelay $0x3  }
0x224: {  	[tilespmem:v5+s26+$0x0] =	vst.idx.add.f32.msk $0xffff, v2  }
0x225: {  	[tilespmem:v4+s26+$0x0] =	vst.idx.add.f32.msk $0xffff, v2  }
0x226: {  	v4 =	vld [tilespmem:s0+$0xB90];
	_ =	sdelay $0x4  }
0x227: {  	v5 =	vand.u32 $0xFFFF, v4  }
0x228: {  	v4 =	vshrl.u32 v4, $0x10;
	v5 =	vadd.s32 v0, v5  }
0x229: {  	v4 =	vadd.s32 v3, v4;
	_ =	sdelay $0x3  }
0x22a: {  	[tilespmem:v5+s26+$0x0] =	vst.idx.add.f32.msk $0xffff, v2  }
0x22b: {  	[tilespmem:v4+s26+$0x0] =	vst.idx.add.f32.msk $0xffff, v2  }
0x22c: {  	v4 =	vld [tilespmem:s0+$0xBA0];
	_ =	sdelay $0x4  }
0x22d: {  	v5 =	vand.u32 $0xFFFF, v4  }
0x22e: {  	v4 =	vshrl.u32 v4, $0x10;
	v5 =	vadd.s32 v0, v5  }
0x22f: {  	v4 =	vadd.s32 v3, v4;
	_ =	sdelay $0x3  }
0x230: {  	[tilespmem:v5+s26+$0x0] =	vst.idx.add.f32.msk $0xffff, v2  }
0x231: {  	[tilespmem:v4+s26+$0x0] =	vst.idx.add.f32.msk $0xffff, v2  }
0x232: {  	v4 =	vld [tilespmem:s0+$0xBB0];
	_ =	sdelay $0x4  }
0x233: {  	v5 =	vand.u32 $0xFFFF, v4  }
0x234: {  	v4 =	vshrl.u32 v4, $0x10;
	v5 =	vadd.s32 v0, v5  }
0x235: {  	p0 =	sne.s32 s31, $0x2D00;
	v4 =	vadd.s32 v3, v4  }
.Ltmp9:
0x236: {  	_ = 	snop;
	(pc) =	sbr.rel @p0 .LBB2_20-.Ltmp9, $3  }
0x237: {  	_ =	sdelay $0x1  }
0x238: {  	[tilespmem:v5+s26+$0x0] =	vst.idx.add.f32.msk $0xffff, v2  }
0x239: {  	s31 =	sadd.s32 $0x100, s31;
	[tilespmem:v4+s26+$0x0] =	vst.idx.add.f32.msk $0xffff, v2  }
0x23a: {  	[tilespmem:s24], [sflag:$0x2] =	stream.strided.gather [hbm4b:s14+s22], $0xB80, s23, s22, $0x38;
	[tilespmem:$0x2500] =	vst v63  }
0x23b: {  	_ =	swait.ge [sflag:s25], $0xB80  }
0x23c: {  	[sflag:s25] =	ssyncset.done $0x0  }
0x23d: {  	s31 =	simm.s32 $0x0;
	[sflag:s25] =	ssyncadd.s32 $0xFFFFF480  }
.LBB2_22:
0x23e: {  	s0 =	sshra.s32 s31, $0x2  }
0x23f: {  	v4 =	vld [tilespmem:s0+$0x0];
	_ =	sdelay $0x4  }
0x240: {  	v5 =	vand.u32 $0xFFFF, v4  }
0x241: {  	v4 =	vshrl.u32 v4, $0x10;
	v5 =	vadd.s32 v0, v5  }
0x242: {  	v4 =	vadd.s32 v3, v4;
	_ =	sdelay $0x3  }
0x243: {  	[tilespmem:v5+s26+$0x0] =	vst.idx.add.f32.msk $0xffff, v2  }
0x244: {  	[tilespmem:v4+s26+$0x0] =	vst.idx.add.f32.msk $0xffff, v2  }
0x245: {  	v4 =	vld [tilespmem:s0+$0x10];
	_ =	sdelay $0x4  }
0x246: {  	v5 =	vand.u32 $0xFFFF, v4  }
0x247: {  	v4 =	vshrl.u32 v4, $0x10;
	v5 =	vadd.s32 v0, v5  }
0x248: {  	v4 =	vadd.s32 v3, v4;
	_ =	sdelay $0x3  }
0x249: {  	[tilespmem:v5+s26+$0x0] =	vst.idx.add.f32.msk $0xffff, v2  }
0x24a: {  	[tilespmem:v4+s26+$0x0] =	vst.idx.add.f32.msk $0xffff, v2  }
0x24b: {  	v4 =	vld [tilespmem:s0+$0x20];
	_ =	sdelay $0x4  }
0x24c: {  	v5 =	vand.u32 $0xFFFF, v4  }
0x24d: {  	v4 =	vshrl.u32 v4, $0x10;
	v5 =	vadd.s32 v0, v5  }
0x24e: {  	v4 =	vadd.s32 v3, v4;
	_ =	sdelay $0x3  }
0x24f: {  	[tilespmem:v5+s26+$0x0] =	vst.idx.add.f32.msk $0xffff, v2  }
0x250: {  	[tilespmem:v4+s26+$0x0] =	vst.idx.add.f32.msk $0xffff, v2  }
0x251: {  	v4 =	vld [tilespmem:s0+$0x30];
	_ =	sdelay $0x4  }
0x252: {  	v5 =	vand.u32 $0xFFFF, v4  }
0x253: {  	v4 =	vshrl.u32 v4, $0x10;
	v5 =	vadd.s32 v0, v5  }
0x254: {  	p0 =	sne.s32 s31, $0x2D00;
	v4 =	vadd.s32 v3, v4  }
.Ltmp10:
0x255: {  	_ = 	snop;
	(pc) =	sbr.rel @p0 .LBB2_22-.Ltmp10, $3  }
0x256: {  	_ =	sdelay $0x1  }
0x257: {  	[tilespmem:v5+s26+$0x0] =	vst.idx.add.f32.msk $0xffff, v2  }
0x258: {  	s31 =	sadd.s32 $0x100, s31;
	[tilespmem:v4+s26+$0x0] =	vst.idx.add.f32.msk $0xffff, v2  }
0x259: {  	s31 =	simm.s32 $0x0  }
0x25a: {  	[tilespmem:s31], [sflag:$0x1] =	stream.strided.gather [hbm4b:s15+s22], $0xB80, s23, s22, $0x38;
	[tilespmem:$0x2500] =	vst v63  }
0x25b: {  	_ =	swait.ge [sflag:s28], $0xB80  }
0x25c: {  	[sflag:s28] =	ssyncset.done $0x0  }
0x25d: {  	[sflag:s28] =	ssyncadd.s32 $0xFFFFF480  }
.LBB2_24:
0x25e: {  	s0 =	sshra.s32 s31, $0x2  }
0x25f: {  	v4 =	vld [tilespmem:s0+$0xB80];
	_ =	sdelay $0x4  }
0x260: {  	v5 =	vand.u32 $0xFFFF, v4  }
0x261: {  	v4 =	vshrl.u32 v4, $0x10;
	v5 =	vadd.s32 v0, v5  }
0x262: {  	v4 =	vadd.s32 v3, v4;
	_ =	sdelay $0x3  }
0x263: {  	[tilespmem:v5+s26+$0x0] =	vst.idx.add.f32.msk $0xffff, v2  }
0x264: {  	[tilespmem:v4+s26+$0x0] =	vst.idx.add.f32.msk $0xffff, v2  }
0x265: {  	v4 =	vld [tilespmem:s0+$0xB90];
	_ =	sdelay $0x4  }
0x266: {  	v5 =	vand.u32 $0xFFFF, v4  }
0x267: {  	v4 =	vshrl.u32 v4, $0x10;
	v5 =	vadd.s32 v0, v5  }
0x268: {  	v4 =	vadd.s32 v3, v4;
	_ =	sdelay $0x3  }
0x269: {  	[tilespmem:v5+s26+$0x0] =	vst.idx.add.f32.msk $0xffff, v2  }
0x26a: {  	[tilespmem:v4+s26+$0x0] =	vst.idx.add.f32.msk $0xffff, v2  }
0x26b: {  	v4 =	vld [tilespmem:s0+$0xBA0];
	_ =	sdelay $0x4  }
0x26c: {  	v5 =	vand.u32 $0xFFFF, v4  }
0x26d: {  	v4 =	vshrl.u32 v4, $0x10;
	v5 =	vadd.s32 v0, v5  }
0x26e: {  	v4 =	vadd.s32 v3, v4;
	_ =	sdelay $0x3  }
0x26f: {  	[tilespmem:v5+s26+$0x0] =	vst.idx.add.f32.msk $0xffff, v2  }
0x270: {  	[tilespmem:v4+s26+$0x0] =	vst.idx.add.f32.msk $0xffff, v2  }
0x271: {  	v4 =	vld [tilespmem:s0+$0xBB0];
	_ =	sdelay $0x4  }
0x272: {  	v5 =	vand.u32 $0xFFFF, v4  }
0x273: {  	v4 =	vshrl.u32 v4, $0x10;
	v5 =	vadd.s32 v0, v5  }
0x274: {  	p0 =	sne.s32 s31, $0x2D00;
	v4 =	vadd.s32 v3, v4  }
.Ltmp11:
0x275: {  	_ = 	snop;
	(pc) =	sbr.rel @p0 .LBB2_24-.Ltmp11, $3  }
0x276: {  	_ =	sdelay $0x1  }
0x277: {  	[tilespmem:v5+s26+$0x0] =	vst.idx.add.f32.msk $0xffff, v2  }
0x278: {  	s31 =	sadd.s32 $0x100, s31;
	[tilespmem:v4+s26+$0x0] =	vst.idx.add.f32.msk $0xffff, v2  }
0x279: {  	[tilespmem:s24], [sflag:$0x2] =	stream.strided.gather [hbm4b:s16+s22], $0xB80, s23, s22, $0x38;
	[tilespmem:$0x2500] =	vst v63  }
0x27a: {  	_ =	swait.ge [sflag:s25], $0xB80  }
0x27b: {  	[sflag:s25] =	ssyncset.done $0x0  }
0x27c: {  	s31 =	simm.s32 $0x0;
	[sflag:s25] =	ssyncadd.s32 $0xFFFFF480  }
.LBB2_26:
0x27d: {  	s0 =	sshra.s32 s31, $0x2  }
0x27e: {  	v4 =	vld [tilespmem:s0+$0x0];
	_ =	sdelay $0x4  }
0x27f: {  	v5 =	vand.u32 $0xFFFF, v4  }
0x280: {  	v4 =	vshrl.u32 v4, $0x10;
	v5 =	vadd.s32 v0, v5  }
0x281: {  	v4 =	vadd.s32 v3, v4;
	_ =	sdelay $0x3  }
0x282: {  	[tilespmem:v5+s26+$0x0] =	vst.idx.add.f32.msk $0xffff, v2  }
0x283: {  	[tilespmem:v4+s26+$0x0] =	vst.idx.add.f32.msk $0xffff, v2  }
0x284: {  	v4 =	vld [tilespmem:s0+$0x10];
	_ =	sdelay $0x4  }
0x285: {  	v5 =	vand.u32 $0xFFFF, v4  }
0x286: {  	v4 =	vshrl.u32 v4, $0x10;
	v5 =	vadd.s32 v0, v5  }
0x287: {  	v4 =	vadd.s32 v3, v4;
	_ =	sdelay $0x3  }
0x288: {  	[tilespmem:v5+s26+$0x0] =	vst.idx.add.f32.msk $0xffff, v2  }
0x289: {  	[tilespmem:v4+s26+$0x0] =	vst.idx.add.f32.msk $0xffff, v2  }
0x28a: {  	v4 =	vld [tilespmem:s0+$0x20];
	_ =	sdelay $0x4  }
0x28b: {  	v5 =	vand.u32 $0xFFFF, v4  }
0x28c: {  	v4 =	vshrl.u32 v4, $0x10;
	v5 =	vadd.s32 v0, v5  }
0x28d: {  	v4 =	vadd.s32 v3, v4;
	_ =	sdelay $0x3  }
0x28e: {  	[tilespmem:v5+s26+$0x0] =	vst.idx.add.f32.msk $0xffff, v2  }
0x28f: {  	[tilespmem:v4+s26+$0x0] =	vst.idx.add.f32.msk $0xffff, v2  }
0x290: {  	v4 =	vld [tilespmem:s0+$0x30];
	_ =	sdelay $0x4  }
0x291: {  	v5 =	vand.u32 $0xFFFF, v4  }
0x292: {  	v4 =	vshrl.u32 v4, $0x10;
	v5 =	vadd.s32 v0, v5  }
0x293: {  	p0 =	sne.s32 s31, $0x2D00;
	v4 =	vadd.s32 v3, v4  }
.Ltmp12:
0x294: {  	_ = 	snop;
	(pc) =	sbr.rel @p0 .LBB2_26-.Ltmp12, $3  }
0x295: {  	_ =	sdelay $0x1  }
0x296: {  	[tilespmem:v5+s26+$0x0] =	vst.idx.add.f32.msk $0xffff, v2  }
0x297: {  	s31 =	sadd.s32 $0x100, s31;
	[tilespmem:v4+s26+$0x0] =	vst.idx.add.f32.msk $0xffff, v2  }
0x298: {  	s31 =	simm.s32 $0x0  }
0x299: {  	[tilespmem:s31], [sflag:$0x1] =	stream.strided.gather [hbm4b:s17+s22], $0xB80, s23, s22, $0x38;
	[tilespmem:$0x2500] =	vst v63  }
0x29a: {  	_ =	swait.ge [sflag:s28], $0xB80  }
0x29b: {  	[sflag:s28] =	ssyncset.done $0x0  }
0x29c: {  	[sflag:s28] =	ssyncadd.s32 $0xFFFFF480  }
.LBB2_28:
0x29d: {  	s0 =	sshra.s32 s31, $0x2  }
0x29e: {  	v4 =	vld [tilespmem:s0+$0xB80];
	_ =	sdelay $0x4  }
0x29f: {  	v5 =	vand.u32 $0xFFFF, v4  }
0x2a0: {  	v4 =	vshrl.u32 v4, $0x10;
	v5 =	vadd.s32 v0, v5  }
0x2a1: {  	v4 =	vadd.s32 v3, v4;
	_ =	sdelay $0x3  }
0x2a2: {  	[tilespmem:v5+s26+$0x0] =	vst.idx.add.f32.msk $0xffff, v2  }
0x2a3: {  	[tilespmem:v4+s26+$0x0] =	vst.idx.add.f32.msk $0xffff, v2  }
0x2a4: {  	v4 =	vld [tilespmem:s0+$0xB90];
	_ =	sdelay $0x4  }
0x2a5: {  	v5 =	vand.u32 $0xFFFF, v4  }
0x2a6: {  	v4 =	vshrl.u32 v4, $0x10;
	v5 =	vadd.s32 v0, v5  }
0x2a7: {  	v4 =	vadd.s32 v3, v4;
	_ =	sdelay $0x3  }
0x2a8: {  	[tilespmem:v5+s26+$0x0] =	vst.idx.add.f32.msk $0xffff, v2  }
0x2a9: {  	[tilespmem:v4+s26+$0x0] =	vst.idx.add.f32.msk $0xffff, v2  }
0x2aa: {  	v4 =	vld [tilespmem:s0+$0xBA0];
	_ =	sdelay $0x4  }
0x2ab: {  	v5 =	vand.u32 $0xFFFF, v4  }
0x2ac: {  	v4 =	vshrl.u32 v4, $0x10;
	v5 =	vadd.s32 v0, v5  }
0x2ad: {  	v4 =	vadd.s32 v3, v4;
	_ =	sdelay $0x3  }
0x2ae: {  	[tilespmem:v5+s26+$0x0] =	vst.idx.add.f32.msk $0xffff, v2  }
0x2af: {  	[tilespmem:v4+s26+$0x0] =	vst.idx.add.f32.msk $0xffff, v2  }
0x2b0: {  	v4 =	vld [tilespmem:s0+$0xBB0];
	_ =	sdelay $0x4  }
0x2b1: {  	v5 =	vand.u32 $0xFFFF, v4  }
0x2b2: {  	v4 =	vshrl.u32 v4, $0x10;
	v5 =	vadd.s32 v0, v5  }
0x2b3: {  	p0 =	sne.s32 s31, $0x2D00;
	v4 =	vadd.s32 v3, v4  }
.Ltmp13:
0x2b4: {  	_ = 	snop;
	(pc) =	sbr.rel @p0 .LBB2_28-.Ltmp13, $3  }
0x2b5: {  	_ =	sdelay $0x1  }
0x2b6: {  	[tilespmem:v5+s26+$0x0] =	vst.idx.add.f32.msk $0xffff, v2  }
0x2b7: {  	s31 =	sadd.s32 $0x100, s31;
	[tilespmem:v4+s26+$0x0] =	vst.idx.add.f32.msk $0xffff, v2  }
0x2b8: {  	[tilespmem:s24], [sflag:$0x2] =	stream.strided.gather [hbm4b:s18+s22], $0xB80, s23, s22, $0x38;
	[tilespmem:$0x2500] =	vst v63  }
0x2b9: {  	_ =	swait.ge [sflag:s25], $0xB80  }
0x2ba: {  	[sflag:s25] =	ssyncset.done $0x0  }
0x2bb: {  	s31 =	simm.s32 $0x0;
	[sflag:s25] =	ssyncadd.s32 $0xFFFFF480  }
.LBB2_30:
0x2bc: {  	s0 =	sshra.s32 s31, $0x2  }
0x2bd: {  	v4 =	vld [tilespmem:s0+$0x0];
	_ =	sdelay $0x4  }
0x2be: {  	v5 =	vand.u32 $0xFFFF, v4  }
0x2bf: {  	v4 =	vshrl.u32 v4, $0x10;
	v5 =	vadd.s32 v0, v5  }
0x2c0: {  	v4 =	vadd.s32 v3, v4;
	_ =	sdelay $0x3  }
0x2c1: {  	[tilespmem:v5+s26+$0x0] =	vst.idx.add.f32.msk $0xffff, v2  }
0x2c2: {  	[tilespmem:v4+s26+$0x0] =	vst.idx.add.f32.msk $0xffff, v2  }
0x2c3: {  	v4 =	vld [tilespmem:s0+$0x10];
	_ =	sdelay $0x4  }
0x2c4: {  	v5 =	vand.u32 $0xFFFF, v4  }
0x2c5: {  	v4 =	vshrl.u32 v4, $0x10;
	v5 =	vadd.s32 v0, v5  }
0x2c6: {  	v4 =	vadd.s32 v3, v4;
	_ =	sdelay $0x3  }
0x2c7: {  	[tilespmem:v5+s26+$0x0] =	vst.idx.add.f32.msk $0xffff, v2  }
0x2c8: {  	[tilespmem:v4+s26+$0x0] =	vst.idx.add.f32.msk $0xffff, v2  }
0x2c9: {  	v4 =	vld [tilespmem:s0+$0x20];
	_ =	sdelay $0x4  }
0x2ca: {  	v5 =	vand.u32 $0xFFFF, v4  }
0x2cb: {  	v4 =	vshrl.u32 v4, $0x10;
	v5 =	vadd.s32 v0, v5  }
0x2cc: {  	v4 =	vadd.s32 v3, v4;
	_ =	sdelay $0x3  }
0x2cd: {  	[tilespmem:v5+s26+$0x0] =	vst.idx.add.f32.msk $0xffff, v2  }
0x2ce: {  	[tilespmem:v4+s26+$0x0] =	vst.idx.add.f32.msk $0xffff, v2  }
0x2cf: {  	v4 =	vld [tilespmem:s0+$0x30];
	_ =	sdelay $0x4  }
0x2d0: {  	v5 =	vand.u32 $0xFFFF, v4  }
0x2d1: {  	v4 =	vshrl.u32 v4, $0x10;
	v5 =	vadd.s32 v0, v5  }
0x2d2: {  	p0 =	sne.s32 s31, $0x2D00;
	v4 =	vadd.s32 v3, v4  }
.Ltmp14:
0x2d3: {  	_ = 	snop;
	(pc) =	sbr.rel @p0 .LBB2_30-.Ltmp14, $3  }
0x2d4: {  	_ =	sdelay $0x1  }
0x2d5: {  	[tilespmem:v5+s26+$0x0] =	vst.idx.add.f32.msk $0xffff, v2  }
0x2d6: {  	s31 =	sadd.s32 $0x100, s31;
	[tilespmem:v4+s26+$0x0] =	vst.idx.add.f32.msk $0xffff, v2  }
0x2d7: {  	s31 =	simm.s32 $0x0  }
0x2d8: {  	[tilespmem:s31], [sflag:$0x1] =	stream.strided.gather [hbm4b:s19+s22], $0xB80, s23, s22, $0x38;
	[tilespmem:$0x2500] =	vst v63  }
0x2d9: {  	_ =	swait.ge [sflag:s28], $0xB80  }
0x2da: {  	[sflag:s28] =	ssyncset.done $0x0  }
0x2db: {  	[sflag:s28] =	ssyncadd.s32 $0xFFFFF480  }
.LBB2_32:
0x2dc: {  	s0 =	sshra.s32 s31, $0x2  }
0x2dd: {  	v4 =	vld [tilespmem:s0+$0xB80];
	_ =	sdelay $0x4  }
0x2de: {  	v5 =	vand.u32 $0xFFFF, v4  }
0x2df: {  	v4 =	vshrl.u32 v4, $0x10;
	v5 =	vadd.s32 v0, v5  }
0x2e0: {  	v4 =	vadd.s32 v3, v4;
	_ =	sdelay $0x3  }
0x2e1: {  	[tilespmem:v5+s26+$0x0] =	vst.idx.add.f32.msk $0xffff, v2  }
0x2e2: {  	[tilespmem:v4+s26+$0x0] =	vst.idx.add.f32.msk $0xffff, v2  }
0x2e3: {  	v4 =	vld [tilespmem:s0+$0xB90];
	_ =	sdelay $0x4  }
0x2e4: {  	v5 =	vand.u32 $0xFFFF, v4  }
0x2e5: {  	v4 =	vshrl.u32 v4, $0x10;
	v5 =	vadd.s32 v0, v5  }
0x2e6: {  	v4 =	vadd.s32 v3, v4;
	_ =	sdelay $0x3  }
0x2e7: {  	[tilespmem:v5+s26+$0x0] =	vst.idx.add.f32.msk $0xffff, v2  }
0x2e8: {  	[tilespmem:v4+s26+$0x0] =	vst.idx.add.f32.msk $0xffff, v2  }
0x2e9: {  	v4 =	vld [tilespmem:s0+$0xBA0];
	_ =	sdelay $0x4  }
0x2ea: {  	v5 =	vand.u32 $0xFFFF, v4  }
0x2eb: {  	v4 =	vshrl.u32 v4, $0x10;
	v5 =	vadd.s32 v0, v5  }
0x2ec: {  	v4 =	vadd.s32 v3, v4;
	_ =	sdelay $0x3  }
0x2ed: {  	[tilespmem:v5+s26+$0x0] =	vst.idx.add.f32.msk $0xffff, v2  }
0x2ee: {  	[tilespmem:v4+s26+$0x0] =	vst.idx.add.f32.msk $0xffff, v2  }
0x2ef: {  	v4 =	vld [tilespmem:s0+$0xBB0];
	_ =	sdelay $0x4  }
0x2f0: {  	v5 =	vand.u32 $0xFFFF, v4  }
0x2f1: {  	v4 =	vshrl.u32 v4, $0x10;
	v5 =	vadd.s32 v0, v5  }
0x2f2: {  	p0 =	sne.s32 s31, $0x2D00;
	v4 =	vadd.s32 v3, v4  }
.Ltmp15:
0x2f3: {  	_ = 	snop;
	(pc) =	sbr.rel @p0 .LBB2_32-.Ltmp15, $3  }
0x2f4: {  	_ =	sdelay $0x1  }
0x2f5: {  	[tilespmem:v5+s26+$0x0] =	vst.idx.add.f32.msk $0xffff, v2  }
0x2f6: {  	s31 =	sadd.s32 $0x100, s31;
	[tilespmem:v4+s26+$0x0] =	vst.idx.add.f32.msk $0xffff, v2  }
0x2f7: {  	_ =	swait.ge [sflag:s25], $0xB80  }
0x2f8: {  	[sflag:s25] =	ssyncset.done $0x0  }
0x2f9: {  	s31 =	simm.s32 $0x0;
	[sflag:s25] =	ssyncadd.s32 $0xFFFFF480  }
.LBB2_34:
0x2fa: {  	s0 =	sshra.s32 s31, $0x2  }
0x2fb: {  	v4 =	vld [tilespmem:s0+$0x0];
	_ =	sdelay $0x4  }
0x2fc: {  	v5 =	vand.u32 $0xFFFF, v4  }
0x2fd: {  	v4 =	vshrl.u32 v4, $0x10;
	v5 =	vadd.s32 v0, v5  }
0x2fe: {  	v4 =	vadd.s32 v3, v4;
	_ =	sdelay $0x3  }
0x2ff: {  	[tilespmem:v5+s26+$0x0] =	vst.idx.add.f32.msk $0xffff, v2  }
0x300: {  	[tilespmem:v4+s26+$0x0] =	vst.idx.add.f32.msk $0xffff, v2  }
0x301: {  	v4 =	vld [tilespmem:s0+$0x10];
	_ =	sdelay $0x4  }
0x302: {  	v5 =	vand.u32 $0xFFFF, v4  }
0x303: {  	v4 =	vshrl.u32 v4, $0x10;
	v5 =	vadd.s32 v0, v5  }
0x304: {  	v4 =	vadd.s32 v3, v4;
	_ =	sdelay $0x3  }
0x305: {  	[tilespmem:v5+s26+$0x0] =	vst.idx.add.f32.msk $0xffff, v2  }
0x306: {  	[tilespmem:v4+s26+$0x0] =	vst.idx.add.f32.msk $0xffff, v2  }
0x307: {  	v4 =	vld [tilespmem:s0+$0x20];
	_ =	sdelay $0x4  }
0x308: {  	v5 =	vand.u32 $0xFFFF, v4  }
0x309: {  	v4 =	vshrl.u32 v4, $0x10;
	v5 =	vadd.s32 v0, v5  }
0x30a: {  	v4 =	vadd.s32 v3, v4;
	_ =	sdelay $0x3  }
0x30b: {  	[tilespmem:v5+s26+$0x0] =	vst.idx.add.f32.msk $0xffff, v2  }
0x30c: {  	[tilespmem:v4+s26+$0x0] =	vst.idx.add.f32.msk $0xffff, v2  }
0x30d: {  	v4 =	vld [tilespmem:s0+$0x30];
	_ =	sdelay $0x4  }
0x30e: {  	v5 =	vand.u32 $0xFFFF, v4  }
0x30f: {  	v4 =	vshrl.u32 v4, $0x10;
	v5 =	vadd.s32 v0, v5  }
0x310: {  	p0 =	sne.s32 s31, $0x2D00;
	v4 =	vadd.s32 v3, v4  }
.Ltmp16:
0x311: {  	_ = 	snop;
	(pc) =	sbr.rel @p0 .LBB2_34-.Ltmp16, $3  }
0x312: {  	_ =	sdelay $0x1  }
0x313: {  	[tilespmem:v5+s26+$0x0] =	vst.idx.add.f32.msk $0xffff, v2  }
0x314: {  	s31 =	sadd.s32 $0x100, s31;
	[tilespmem:v4+s26+$0x0] =	vst.idx.add.f32.msk $0xffff, v2  }
0x315: {  	s30 =	sadd.s32 $0x1, s30  }
0x316: {  	p0 =	sne.s32 s30, s21  }
.Ltmp17:
0x317: {  	_ = 	snop;
	(pc) =	sbr.rel @p0 .LBB2_1-.Ltmp17, $4  }
0x318: {  	[hbm4b:s20+s22] =	stream.strided.scatter [tilespmem:s26], [sflag:$0x3], $0xE00, s23, s22, $0x38;
	[tilespmem:$0x2500] =	vst v63  }
0x319: {  	_ =	swait.ge [sflag:s29], $0xE00  }
0x31a: {  	[sflag:s29] =	ssyncset.done $0x0  }
0x31b: {  	[sflag:s29] =	ssyncadd.s32 $0xFFFFF200  }
0x31c: {  	_ =	sfence.sel $0x180000  }
0x31d: {  	[bflag:$0x0] =	sbarrier.arrive $0xFFFF  }
0x31e: {  	_ =	strace $0x90000047  }
0x31f: {  	[bflag:$0x2] =	sbarrier.arrive $0xFFFF  }
0x320: {  	p0 =	sne.s32 s1, $0x0;
	s0 =	rddreg [dreg:$0x1]  }
0x321: {  	s0 =	sadd.s32 @!p0 $0x100000, s0  }
0x322: {  	[sflag:s0] =	ssyncadd.tile.s32 @!p0 $0x1;
	_ =	shalt  }
.Lfunc_end2:
_tile_overlayer_lowered:
.L_overlay_start_2:
0x323: {  	(tag) =	ssettag $0x2  }
0x324: {  	s0 =	rddreg [dreg:$0x0];
	s2 =	stileid.u32  }
0x325: {  	s1 =	rddreg [dreg:$0x1];
	p0 =	sne.s32 s2, $0x0  }
0x326: {  	s3 =	rddreg [dreg:$0x2];
	[bflag:$0x3] =	sbarrier.arrive $0xFFFF;
	s2 =	simm.s32 @!p0 $0x1C03  }
0x327: {  	[timem:s3], [sflag:s2] =	dma.local @!p0 [hbm:s0], s1  }
0x328: {  	s0 =	simm.s32 @!p0 $0x3  }
0x329: {  	_ =	swait.ge @!p0 [sflag:s0], s1  }
0x32a: {  	s1 =	ssub.s32 @!p0 $0x0, s1;
	[sflag:s0] =	ssyncset.done @!p0 $0x0  }
0x32b: {  	[sflag:s0] =	ssyncadd.s32 @!p0 s1  }
0x32c: {  	[bflag:$0x3] =	sbarrier.arrive $0xFFFF  }
0x32d: {  	_ =	shalt  }

// kernel: kernel.9.cloned.1.call-start
scs
__scs_entry_jumppad:
0x0: {  	(pc) =	sbr.rel $0x88, $3  }
0x1: {  	(tag) =	ssettag $0x0;
	lr =	simm.s32 $0x1  }
0x2: {  	[smem:$0x3FA0] =	sst lr;
	_ =	strace $0xD0000000  }
0x3: {  	_ = 	snop  }
0x4: {  	_ = 	snop  }
0x5: {  	_ = 	snop  }
0x6: {  	_ = 	snop  }
0x7: {  	_ = 	snop  }
__scs_overlays_trampoline_lowered:
0x8: {  	[smem:$0x3FAF] =	sst s0  }
0x9: {  	[smem:$0x3FB0] =	sst s1  }
0xa: {  	[smem:$0x3FB1] =	sst s2  }
0xb: {  	[smem:$0x3FB2] =	sst s3  }
0xc: {  	[smem:$0x3FB3] =	sst s4  }
0xd: {  	[smem:$0x3FB4] =	sst s5  }
0xe: {  	[smem:$0x3FB5] =	sst s6  }
0xf: {  	[smem:$0x3FB6] =	sst s7  }
0x10: {  	[smem:$0x3FB7] =	sst s8  }
0x11: {  	[smem:$0x3FB8] =	sst s9;
	s0 =	simm.s32 @!p0 $0x0  }
0x12: {  	s1 =	sld [smem:$0x3F9E];
	s0 =	simm.s32 @p0 $0x1  }
0x13: {  	[smem:$0x3FB9] =	sst s0;
	s0 =	simm.s32 @!p1 $0x0  }
0x14: {  	s2 =	sld [smem:$0x3F9D];
	s0 =	simm.s32 @p1 $0x1  }
0x15: {  	[smem:$0x3FBA] =	sst s0;
	s0 =	simm.s32 @!p2 $0x0  }
0x16: {  	s3 =	sld [smem:$0x3FDB];
	s0 =	simm.s32 @p2 $0x1  }
0x17: {  	s4 =	simm.s32 $0x1BF5;
	[smem:$0x3FBC] =	sst s0  }
0x18: {  	s0 =	sld [smem:$0x3F9F];
	_ =	swait.ge [sflag:s4], $0x0  }
0x19: {  	s7 =	sld [smem:$0x3FA0]  }
0x1a: {  	s8 =	sadd.s32 $0xFFFFE003, lr  }
0x1b: {  	s9 =	sadd.s32 $0xFFFFFEF7, lr;
	s5 =	simm.s32 $0xFFFFFFFF;
	p2 =	slt.u32 s8, $0xFFFFF086  }
0x1c: {  	p1 =	slt.u32 s9, $0xF7A;
	s5 =	simm.s32 @!p2 $0x0  }
0x1d: {  	s5 =	simm.s32 @p1 $0x1;
	p0 =	seq.s32 s7, s2  }
0x1e: {  	s7 =	smul.u32 @!p0 $0xF7A, s2;
	p2 =	seq.s32 @!p0 s5, $0x0  }
0x1f: {  	s9 =	smul.u32 $0xF7A, s1;
	s8 =	simm.s32 @!p0 $0x1BF5;
	p2 =	por !p2, p0  }
0x20: {  	[sflag:s8] =	ssyncset.s32 @!p0 $0xFFFFF086;
	s6 =	sadd.s32 @!p0 s3, s7;
	s7 =	simm.s32 @!p0 $0x108  }
0x21: {  	s3 =	sadd.s32 s3, s9;
	s6 =	sadd.s32 @!p0 $0x88, s6;
	s7 =	simm.s32 @p2 $0x1082  }
0x22: {  	[simem:s7], [sflag:s8] =	dma.local @!p0 [hbm:s6], $0xF7A  }
0x23: {  	s9 =	sor.u32 $0xD0000000, s2;
	s6 =	simm.s32 $0x108;
	_ =	swait.ge @!p0 [sflag:s8], $0x0  }
0x24: {  	s3 =	sadd.s32 $0x88, s3;
	s6 =	simm.s32 @!p1 $0x1082;
	[sflag:s4] =	ssyncset.s32 $0xFFFFF086  }
0x25: {  	[simem:s6], [sflag:s4] =	dma.local [hbm:s3], $0xF7A  }
0x26: {  	[smem:$0x3FA0] =	sst s1;
	(tag) =	ssettag s2;
	_ =	strace s9  }
0x27: {  	s1 =	sld [smem:$0x3FB0]  }
0x28: {  	s2 =	sld [smem:$0x3FB1]  }
0x29: {  	s4 =	sld [smem:$0x3FB3]  }
0x2a: {  	p0 =	seq.s32 s5, $0x0;
	s5 =	sld [smem:$0x3FB4]  }
0x2b: {  	s6 =	sld [smem:$0x3FB5]  }
0x2c: {  	s7 =	sld [smem:$0x3FB6]  }
0x2d: {  	s3 =	simm.s32 $0x108;
	s8 =	sld [smem:$0x3FB7]  }
0x2e: {  	s3 =	simm.s32 @!p0 $0x1082;
	s9 =	sld [smem:$0x3FB8]  }
0x2f: {  	lr =	sadd.s32 s0, s3;
	s0 =	sld [smem:$0x3FAF]  }
0x30: {  	s3 =	sld [smem:$0x3FB2]  }
0x31: {  	[smem:$0x3FBB] =	sst s10  }
0x32: {  	s10 =	sld [smem:$0x3FB9];
	_ =	sdelay $0x3  }
0x33: {  	p0 =	seq.s32 s10, $0x1;
	s10 =	sld [smem:$0x3FBB];
	_ =	sdelay $0x3  }
0x34: {  	[smem:$0x3FBB] =	sst s10  }
0x35: {  	s10 =	sld [smem:$0x3FBA];
	_ =	sdelay $0x3  }
0x36: {  	p1 =	seq.s32 s10, $0x1;
	s10 =	sld [smem:$0x3FBB];
	_ =	sdelay $0x3  }
0x37: {  	[smem:$0x3FBB] =	sst s10  }
0x38: {  	s10 =	sld [smem:$0x3FBC]  }
0x39: {  	_ = 	snop;
	(pc) =	sbr.ind lr, $3  }
0x3a: {  	_ = 	snop  }
0x3b: {  	_ = 	snop  }
0x3c: {  	p2 =	seq.s32 s10, $0x1;
	s10 =	sld [smem:$0x3FBB]  }
0x3d: {  	_ =	shalt  }
0x3e: {  	_ =	shalt  }
0x3f: {  	_ =	shalt  }
0x40: {  	_ =	shalt  }
0x41: {  	_ =	shalt  }
0x42: {  	_ =	shalt  }
0x43: {  	_ =	shalt  }
0x44: {  	_ =	shalt  }
0x45: {  	_ =	shalt  }
0x46: {  	_ =	shalt  }
0x47: {  	_ =	shalt  }
0x48: {  	_ =	shalt  }
0x49: {  	_ =	shalt  }
0x4a: {  	_ =	shalt  }
0x4b: {  	_ =	shalt  }
0x4c: {  	_ =	shalt  }
0x4d: {  	_ =	shalt  }
0x4e: {  	_ =	shalt  }
0x4f: {  	_ =	shalt  }
0x50: {  	_ =	shalt  }
0x51: {  	_ =	shalt  }
0x52: {  	_ =	shalt  }
0x53: {  	_ =	shalt  }
0x54: {  	_ =	shalt  }
0x55: {  	_ =	shalt  }
0x56: {  	_ =	shalt  }
0x57: {  	_ =	shalt  }
0x58: {  	_ =	shalt  }
0x59: {  	_ =	shalt  }
0x5a: {  	_ =	shalt  }
0x5b: {  	_ =	shalt  }
0x5c: {  	_ =	shalt  }
0x5d: {  	_ =	shalt  }
0x5e: {  	_ =	shalt  }
0x5f: {  	_ =	shalt  }
0x60: {  	_ =	shalt  }
0x61: {  	_ =	shalt  }
0x62: {  	_ =	shalt  }
0x63: {  	_ =	shalt  }
0x64: {  	_ =	shalt  }
0x65: {  	_ =	shalt  }
0x66: {  	_ =	shalt  }
0x67: {  	_ =	shalt  }
0x68: {  	_ =	shalt  }
0x69: {  	_ =	shalt  }
0x6a: {  	_ =	shalt  }
0x6b: {  	_ =	shalt  }
0x6c: {  	_ =	shalt  }
0x6d: {  	_ =	shalt  }
0x6e: {  	_ =	shalt  }
0x6f: {  	_ =	shalt  }
0x70: {  	_ =	shalt  }
0x71: {  	_ =	shalt  }
0x72: {  	_ =	shalt  }
0x73: {  	_ =	shalt  }
0x74: {  	_ =	shalt  }
0x75: {  	_ =	shalt  }
0x76: {  	_ =	shalt  }
0x77: {  	_ =	shalt  }
0x78: {  	_ =	shalt  }
0x79: {  	_ =	shalt  }
0x7a: {  	_ =	shalt  }
0x7b: {  	_ =	shalt  }
0x7c: {  	_ =	shalt  }
0x7d: {  	_ =	shalt  }
0x7e: {  	_ =	shalt  }
0x7f: {  	_ =	shalt  }
0x80: {  	_ =	shalt  }
0x81: {  	_ =	shalt  }
0x82: {  	_ =	shalt  }
0x83: {  	_ =	shalt  }
0x84: {  	_ =	shalt  }
0x85: {  	_ =	shalt  }
0x86: {  	_ =	shalt  }
0x87: {  	_ =	shalt  }
.Lfunc_end0:
.L_simem_size_0:
called_computation.1_lowered:
.L_overlay_start_0:
0x88: {  	s2 =	sld [smem:$0x3FD9]  }
0x89: {  	s3 =	sld [smem:$0x3FFE];
	_ =	sdelay $0x1  }
0x8a: {  	s1 =	srdreg.scid  }
0x8b: {  	s0 =	sand.u32 $0x1, s1  }
0x8c: {  	s17 =	sshll.u32 s0, $0xA;
	s2 =	sadd.s32 s3, s2  }
0x8d: {  	s2 =	sadd.s32 s2, s17  }
0x8e: {  	[smem:$0x3FC7] =	sst s2  }
0x8f: {  	_ = 	snop  }
0x90: {  	(tm) =	ssettm $0x1  }
0x91: {  	s18 =	sld [smem:$0x3FFB];
	_ =	sdelay $0x3  }
0x92: {  	_ =	strace s18  }
0x93: {  	s2 =	sld [smem:$0x3FFC];
	_ =	sdelay $0x3  }
0x94: {  	_ =	strace s2  }
0x95: {  	s2 =	sld [smem:$0x3FFD];
	_ =	sdelay $0x3  }
0x96: {  	_ =	strace s2  }
0x97: {  	_ =	strace $0x8FFFFFFF  }
0x98: {  	s19 =	sld [smem:$0x3FDB];
	_ =	sdelay $0x1  }
0x99: {  	s20 =	simm.s32 $_scs_section_size  }
0x9a: {  	s4 =	simm.s32 $_size__tile_overlayer_lowered;
	s5 =	simm.s32 $_tile_overlayer_lowered  }
0x9b: {  	s6 =	simm.s32 $0x1BFF;
	s21 =	sshll.u32 s5, $0x1;
	s3 =	sadd.s32 s20, s19  }
0x9c: {  	s22 =	simm.s32 $0x0;
	s4 =	sshll.u32 s4, $0x1;
	s5 =	sadd.s32 s21, s3  }
0x9d: {  	[timem:s22], [sflag:s6] =	dma.local [hbm:s5], s4  }
0x9e: {  	_ =	swait.ge [sflag:s6], s4  }
0x9f: {  	s4 =	ssub.s32 $0x0, s4;
	[sflag:s6] =	ssyncset.done $0x0  }
0xa0: {  	[sflag:s6] =	ssyncadd.s32 s4;
	_ =	sdelay $0x1  }
0xa1: {  	s23 =	simm.s32 $0x1B8B  }
0xa2: {  	_ =	swait.ge [sflag:s23], $0x1  }
0xa3: {  	[sflag:s23] =	ssyncset.done $0x0  }
0xa4: {  	[sflag:s23] =	ssyncadd.s32 $0xFFFFFFFF  }
0xa5: {  	s4 =	sld [smem:$0x0]  }
0xa6: {  	s5 =	sand.u32 $0xFFFFFFFE, s1  }
0xa7: {  	p0 =	sne.s32 s1, s5  }
0xa8: {  	s5 =	sshll.u32 @p0 s5, $0xE  }
0xa9: {  	s5 =	sadd.s32 @p0 $0x11B8D, s5;
	s6 =	sshll.u32 @p0 s4, $0x11  }
0xaa: {  	s5 =	sor.u32 @p0 s6, s5  }
0xab: {  	[sflag:s5] =	ssyncadd.remote.s32 @p0 $0x1;
	_ =	sdelay $0x1  }
0xac: {  	s5 =	simm.s32 @p0 $0x1B8D  }
0xad: {  	_ =	swait.eq @p0 [sflag:s5], $0x1  }
0xae: {  	[sflag:s5] =	ssyncadd.s32 @p0 $0xFFFFFFFF  }
0xaf: {  	s6 =	sshll.u32 @!p0 s1, $0xE  }
0xb0: {  	s6 =	sor.u32 @!p0 $0x4000, s6;
	s5 =	simm.s32 @!p0 $0x1B8D  }
0xb1: {  	s4 =	sshll.u32 @!p0 s4, $0x11;
	s6 =	sadd.s32 @!p0 $0x11B8D, s6;
	_ =	swait.eq @!p0 [sflag:s5], $0x1  }
0xb2: {  	s4 =	sor.u32 @!p0 s4, s6;
	[sflag:s5] =	ssyncadd.s32 @!p0 $0xFFFFFFFF  }
0xb3: {  	s25 =	simm.s32 $0x1B8E;
	s24 =	sld [smem:$0x3FFE];
	[sflag:s4] =	ssyncadd.remote.s32 @!p0 $0x1  }
0xb4: {  	s26 =	simm.s32 $execute0_lowered;
	[smem:$0x3FD2] =	sst s25  }
0xb5: {  	s5 =	sshll.u32 s26, $0x1;
	_ =	strace $0x80000049;
	[dreg:$0x1] =	wrdreg $0xFFFFFFFF  }
0xb6: {  	s28 =	simm.s32 $_size_execute0_lowered;
	s3 =	sadd.s32 s3, s5;
	[dreg:$0x0] =	wrdreg $0x0  }
0xb7: {  	s5 =	sshll.u32 s28, $0x1;
	[dreg:$0x2] =	wrdreg s3  }
0xb8: {  	[dreg:$0x3] =	wrdreg s5  }
0xb9: {  	[dreg:$0x4] =	wrdreg $0xC0  }
0xba: {  	_ =	task [dreg:s22], $0x5FFFF  }
0xbb: {  	[dreg:$0x1] =	wrdreg $0xFFFFFFFF  }
0xbc: {  	[dreg:$0x0] =	wrdreg $0x60  }
0xbd: {  	[dreg:$0x2] =	wrdreg s24  }
0xbe: {  	[dreg:$0x3] =	wrdreg $0xA  }
0xbf: {  	_ =	task.clear_ibuf [dreg:s22], $0x4FFFF;
	_ =	strace $0x90000049  }
0xc0: {  	s29 =	simm.s32 $0xA;
	_ =	strace $0x8000004B  }
0xc1: {  	_ =	swait.ge [sflag:s29], $0x1  }
0xc2: {  	[sflag:s29] =	ssyncadd.s32 $0xFFFFFFFF  }
0xc3: {  	_ =	strace $0x9000004B  }
0xc4: {  	_ =	sfence  }
0xc5: {  	s30 =	sld [smem:$0x0];
	_ =	sdelay $0x2  }
0xc6: {  	s31 =	sshll.u32 s1, $0xD;
	s1 =	sshrl.u32 s1, $0x2  }
0xc7: {  	s4 =	sand.u32 $0x4000, s31;
	s1 =	sadd.s32 s1, s30  }
0xc8: {  	s0 =	sor.u32 s4, s0;
	s1 =	sshll.u32 s1, $0x11  }
0xc9: {  	s0 =	sor.u32 s1, s0  }
0xca: {  	s0 =	sadd.s32 $0x8F2B, s0  }
0xcb: {  	[sflag:s0] =	ssyncadd.remote.s32 $0x1  }
0xcc: {  	_ =	sfence.sel $0xFFFF  }
0xcd: {  	[dreg:$0x0] =	wrdreg $0xFFFFFFFF;
	(pc) =	sbr.abs _section_cstart, $3  }
0xce: {  	[dreg:$0x1] =	wrdreg $0xFFFFFFFF  }
0xcf: {  	_ =	task.clear_ibuf [dreg:s22], $0x2FFFF;
	_ =	strace $0x9FFFFFFF  }
0xd0: {  	(tm) =	ssettm $0x7FFFFFFF  }
0xd1: {  	_ =	shalt  }
tec
execute0_lowered:
.L_overlay_start_1:
0x0: {  	(tag) =	ssettag $0x1  }
0x1: {  	s3 =	rddreg [dreg:$0x0]  }
0x2: {  	s2 =	simm.s32 $0x0;
	s4 =	srdreg.scid;
	s1 =	stileid.u32  }
0x3: {  	s28 =	simm.s32 $0x2;
	s29 =	simm.s32 $0x3;
	s30 =	simm.s32 $0x0  }
0x4: {  	s4 =	sand.u32 $0x1, s4;
	s5 =	sshrl.u32 s1, $0x2;
	s6 =	sshll.u32 s1, $0x8  }
0x5: {  	[smem:$0x7FF] =	sst s2;
	s19 =	sadd.s32 $0x34E00, s3;
	s8 =	smul.u32 $0x7000, s5  }
0x6: {  	s7 =	sshll.u32 s4, $0x7;
	s6 =	sand.u32 $0x300, s6;
	s5 =	smul.u32 $0x61C00, s5  }
0x7: {  	_ =	strace $0x8000004A;
	s4 =	ssub.s32 $0x2, s4;
	s6 =	sor.u32 s7, s6  }
0x8: {  	s16 =	sshrl.u32 s4, $0x1;
	s7 =	sor.u32 s8, s6;
	s17 =	sor.u32 s5, s6  }
0x9: {  	s21 =	ssub.s32 s4, s16;
	s7 =	sshrl.u32 s7, $0x3;
	s5 =	sadd.s32 $0x5C00, s17  }
0xa: {  	s18 =	sshrl.u32 s17, $0x3;
	s23 =	sadd.s32 $0xB800, s17;
	s6 =	sadd.s32 $0x11400, s17  }
0xb: {  	s24 =	sadd.s32 $0x17000, s17;
	s25 =	sadd.s32 $0x1CC00, s17;
	s9 =	sadd.s32 $0x22800, s17  }
0xc: {  	s10 =	sadd.s32 $0x28400, s17;
	s11 =	sadd.s32 $0x2E000, s17;
	s12 =	sadd.s32 $0x33C00, s17  }
0xd: {  	s13 =	sadd.s32 $0x39800, s17;
	s14 =	sadd.s32 $0x3F400, s17;
	s15 =	sadd.s32 $0x45000, s17  }
0xe: {  	s16 =	sadd.s32 $0x4AC00, s17;
	s21 =	smax.u32 s21, $0x1;
	s20 =	sadd.s32 s7, s3  }
0xf: {  	s22 =	sshrl.u32 s5, $0x3;
	s3 =	sadd.s32 s19, s18;
	s5 =	sshrl.u32 s23, $0x3  }
0x10: {  	s6 =	sshrl.u32 s6, $0x3;
	s7 =	sshrl.u32 s24, $0x3;
	s8 =	sshrl.u32 s25, $0x3  }
0x11: {  	s9 =	sshrl.u32 s9, $0x3;
	s10 =	sshrl.u32 s10, $0x3;
	s11 =	sshrl.u32 s11, $0x3  }
0x12: {  	s12 =	sshrl.u32 s12, $0x3;
	s13 =	sshrl.u32 s13, $0x3;
	s14 =	sshrl.u32 s14, $0x3  }
0x13: {  	s15 =	sshrl.u32 s15, $0x3;
	s16 =	sshrl.u32 s16, $0x3;
	s18 =	sadd.s32 $0x50800, s17  }
0x14: {  	s23 =	sadd.s32 $0x5C000, s17;
	s24 =	simm.s32 $0xB80;
	s25 =	simm.s32 $0x1  }
0x15: {  	s4 =	sadd.s32 s19, s22;
	s5 =	sadd.s32 s19, s5;
	s6 =	sadd.s32 s19, s6  }
0x16: {  	s7 =	sadd.s32 s19, s7;
	s8 =	sadd.s32 s19, s8;
	s9 =	sadd.s32 s19, s9  }
0x17: {  	s10 =	sadd.s32 s19, s10;
	s11 =	sadd.s32 s19, s11;
	s12 =	sadd.s32 s19, s12  }
0x18: {  	s13 =	sadd.s32 s19, s13;
	s14 =	sadd.s32 s19, s14;
	s15 =	sadd.s32 s19, s15  }
0x19: {  	v0 =	vlaneseq.u32;
	s16 =	sadd.s32 s19, s16;
	s18 =	sshrl.u32 s18, $0x3;
	s22 =	sadd.s32 $0x56400, s17  }
0x1a: {  	v0 =	vmul.u32 $0x70, v0;
	s31 =	sshrl.u32 s23, $0x3;
	s20 =	sadd.s32 $0x65C00, s20;
	s23 =	simm.s32 $0x400  }
0x1b: {  	s17 =	sadd.s32 s19, s18;
	s26 =	sshrl.u32 s22, $0x3;
	s22 =	simm.s32 $0x80  }
0x1c: {  	v1 =	vimm.f32 $0.0e+00;
	v2 =	vimm.f32 $1.000000000e+00;
	v3 =	vadd.s32 $0x700, v0;
	s18 =	sadd.s32 s19, s26;
	s19 =	sadd.s32 s19, s31;
	s26 =	simm.s32 $0x1700  }
.LBB2_1:
0x1d: {  	[tilespmem:$0x1700] =	vst v1  }
0x1e: {  	[tilespmem:$0x1710] =	vst v1  }
0x1f: {  	[tilespmem:$0x1720] =	vst v1  }
0x20: {  	[tilespmem:$0x1730] =	vst v1  }
0x21: {  	[tilespmem:$0x1740] =	vst v1  }
0x22: {  	[tilespmem:$0x1750] =	vst v1  }
0x23: {  	[tilespmem:$0x1760] =	vst v1  }
0x24: {  	[tilespmem:$0x1770] =	vst v1  }
0x25: {  	[tilespmem:$0x1780] =	vst v1  }
0x26: {  	[tilespmem:$0x1790] =	vst v1  }
0x27: {  	[tilespmem:$0x17A0] =	vst v1  }
0x28: {  	[tilespmem:$0x17B0] =	vst v1  }
0x29: {  	[tilespmem:$0x17C0] =	vst v1  }
0x2a: {  	[tilespmem:$0x17D0] =	vst v1  }
0x2b: {  	[tilespmem:$0x17E0] =	vst v1  }
0x2c: {  	[tilespmem:$0x17F0] =	vst v1  }
0x2d: {  	[tilespmem:$0x1800] =	vst v1  }
0x2e: {  	[tilespmem:$0x1810] =	vst v1  }
0x2f: {  	[tilespmem:$0x1820] =	vst v1  }
0x30: {  	[tilespmem:$0x1830] =	vst v1  }
0x31: {  	[tilespmem:$0x1840] =	vst v1  }
0x32: {  	[tilespmem:$0x1850] =	vst v1  }
0x33: {  	[tilespmem:$0x1860] =	vst v1  }
0x34: {  	[tilespmem:$0x1870] =	vst v1  }
0x35: {  	[tilespmem:$0x1880] =	vst v1  }
0x36: {  	[tilespmem:$0x1890] =	vst v1  }
0x37: {  	[tilespmem:$0x18A0] =	vst v1  }
0x38: {  	[tilespmem:$0x18B0] =	vst v1  }
0x39: {  	[tilespmem:$0x18C0] =	vst v1  }
0x3a: {  	[tilespmem:$0x18D0] =	vst v1  }
0x3b: {  	[tilespmem:$0x18E0] =	vst v1  }
0x3c: {  	[tilespmem:$0x18F0] =	vst v1  }
0x3d: {  	[tilespmem:$0x1900] =	vst v1  }
0x3e: {  	[tilespmem:$0x1910] =	vst v1  }
0x3f: {  	[tilespmem:$0x1920] =	vst v1  }
0x40: {  	[tilespmem:$0x1930] =	vst v1  }
0x41: {  	[tilespmem:$0x1940] =	vst v1  }
0x42: {  	[tilespmem:$0x1950] =	vst v1  }
0x43: {  	[tilespmem:$0x1960] =	vst v1  }
0x44: {  	[tilespmem:$0x1970] =	vst v1  }
0x45: {  	[tilespmem:$0x1980] =	vst v1  }
0x46: {  	[tilespmem:$0x1990] =	vst v1  }
0x47: {  	[tilespmem:$0x19A0] =	vst v1  }
0x48: {  	[tilespmem:$0x19B0] =	vst v1  }
0x49: {  	[tilespmem:$0x19C0] =	vst v1  }
0x4a: {  	[tilespmem:$0x19D0] =	vst v1  }
0x4b: {  	[tilespmem:$0x19E0] =	vst v1  }
0x4c: {  	[tilespmem:$0x19F0] =	vst v1  }
0x4d: {  	[tilespmem:$0x1A00] =	vst v1  }
0x4e: {  	[tilespmem:$0x1A10] =	vst v1  }
0x4f: {  	[tilespmem:$0x1A20] =	vst v1  }
0x50: {  	[tilespmem:$0x1A30] =	vst v1  }
0x51: {  	[tilespmem:$0x1A40] =	vst v1  }
0x52: {  	[tilespmem:$0x1A50] =	vst v1  }
0x53: {  	[tilespmem:$0x1A60] =	vst v1  }
0x54: {  	[tilespmem:$0x1A70] =	vst v1  }
0x55: {  	[tilespmem:$0x1A80] =	vst v1  }
0x56: {  	[tilespmem:$0x1A90] =	vst v1  }
0x57: {  	[tilespmem:$0x1AA0] =	vst v1  }
0x58: {  	[tilespmem:$0x1AB0] =	vst v1  }
0x59: {  	[tilespmem:$0x1AC0] =	vst v1  }
0x5a: {  	[tilespmem:$0x1AD0] =	vst v1  }
0x5b: {  	[tilespmem:$0x1AE0] =	vst v1  }
0x5c: {  	[tilespmem:$0x1AF0] =	vst v1  }
0x5d: {  	[tilespmem:$0x1B00] =	vst v1  }
0x5e: {  	[tilespmem:$0x1B10] =	vst v1  }
0x5f: {  	[tilespmem:$0x1B20] =	vst v1  }
0x60: {  	[tilespmem:$0x1B30] =	vst v1  }
0x61: {  	[tilespmem:$0x1B40] =	vst v1  }
0x62: {  	[tilespmem:$0x1B50] =	vst v1  }
0x63: {  	[tilespmem:$0x1B60] =	vst v1  }
0x64: {  	[tilespmem:$0x1B70] =	vst v1  }
0x65: {  	[tilespmem:$0x1B80] =	vst v1  }
0x66: {  	[tilespmem:$0x1B90] =	vst v1  }
0x67: {  	[tilespmem:$0x1BA0] =	vst v1  }
0x68: {  	[tilespmem:$0x1BB0] =	vst v1  }
0x69: {  	[tilespmem:$0x1BC0] =	vst v1  }
0x6a: {  	[tilespmem:$0x1BD0] =	vst v1  }
0x6b: {  	[tilespmem:$0x1BE0] =	vst v1  }
0x6c: {  	[tilespmem:$0x1BF0] =	vst v1  }
0x6d: {  	[tilespmem:$0x1C00] =	vst v1  }
0x6e: {  	[tilespmem:$0x1C10] =	vst v1  }
0x6f: {  	[tilespmem:$0x1C20] =	vst v1  }
0x70: {  	[tilespmem:$0x1C30] =	vst v1  }
0x71: {  	[tilespmem:$0x1C40] =	vst v1  }
0x72: {  	[tilespmem:$0x1C50] =	vst v1  }
0x73: {  	[tilespmem:$0x1C60] =	vst v1  }
0x74: {  	[tilespmem:$0x1C70] =	vst v1  }
0x75: {  	[tilespmem:$0x1C80] =	vst v1  }
0x76: {  	[tilespmem:$0x1C90] =	vst v1  }
0x77: {  	[tilespmem:$0x1CA0] =	vst v1  }
0x78: {  	[tilespmem:$0x1CB0] =	vst v1  }
0x79: {  	[tilespmem:$0x1CC0] =	vst v1  }
0x7a: {  	[tilespmem:$0x1CD0] =	vst v1  }
0x7b: {  	[tilespmem:$0x1CE0] =	vst v1  }
0x7c: {  	[tilespmem:$0x1CF0] =	vst v1  }
0x7d: {  	[tilespmem:$0x1D00] =	vst v1  }
0x7e: {  	[tilespmem:$0x1D10] =	vst v1  }
0x7f: {  	[tilespmem:$0x1D20] =	vst v1  }
0x80: {  	[tilespmem:$0x1D30] =	vst v1  }
0x81: {  	[tilespmem:$0x1D40] =	vst v1  }
0x82: {  	[tilespmem:$0x1D50] =	vst v1  }
0x83: {  	[tilespmem:$0x1D60] =	vst v1  }
0x84: {  	[tilespmem:$0x1D70] =	vst v1  }
0x85: {  	[tilespmem:$0x1D80] =	vst v1  }
0x86: {  	[tilespmem:$0x1D90] =	vst v1  }
0x87: {  	[tilespmem:$0x1DA0] =	vst v1  }
0x88: {  	[tilespmem:$0x1DB0] =	vst v1  }
0x89: {  	[tilespmem:$0x1DC0] =	vst v1  }
0x8a: {  	[tilespmem:$0x1DD0] =	vst v1  }
0x8b: {  	[tilespmem:$0x1DE0] =	vst v1  }
0x8c: {  	[tilespmem:$0x1DF0] =	vst v1  }
0x8d: {  	[tilespmem:$0x1E00] =	vst v1  }
0x8e: {  	[tilespmem:$0x1E10] =	vst v1  }
0x8f: {  	[tilespmem:$0x1E20] =	vst v1  }
0x90: {  	[tilespmem:$0x1E30] =	vst v1  }
0x91: {  	[tilespmem:$0x1E40] =	vst v1  }
0x92: {  	[tilespmem:$0x1E50] =	vst v1  }
0x93: {  	[tilespmem:$0x1E60] =	vst v1  }
0x94: {  	[tilespmem:$0x1E70] =	vst v1  }
0x95: {  	[tilespmem:$0x1E80] =	vst v1  }
0x96: {  	[tilespmem:$0x1E90] =	vst v1  }
0x97: {  	[tilespmem:$0x1EA0] =	vst v1  }
0x98: {  	[tilespmem:$0x1EB0] =	vst v1  }
0x99: {  	[tilespmem:$0x1EC0] =	vst v1  }
0x9a: {  	[tilespmem:$0x1ED0] =	vst v1  }
0x9b: {  	[tilespmem:$0x1EE0] =	vst v1  }
0x9c: {  	[tilespmem:$0x1EF0] =	vst v1  }
0x9d: {  	[tilespmem:$0x1F00] =	vst v1  }
0x9e: {  	[tilespmem:$0x1F10] =	vst v1  }
0x9f: {  	[tilespmem:$0x1F20] =	vst v1  }
0xa0: {  	[tilespmem:$0x1F30] =	vst v1  }
0xa1: {  	[tilespmem:$0x1F40] =	vst v1  }
0xa2: {  	[tilespmem:$0x1F50] =	vst v1  }
0xa3: {  	[tilespmem:$0x1F60] =	vst v1  }
0xa4: {  	[tilespmem:$0x1F70] =	vst v1  }
0xa5: {  	[tilespmem:$0x1F80] =	vst v1  }
0xa6: {  	[tilespmem:$0x1F90] =	vst v1  }
0xa7: {  	[tilespmem:$0x1FA0] =	vst v1  }
0xa8: {  	[tilespmem:$0x1FB0] =	vst v1  }
0xa9: {  	[tilespmem:$0x1FC0] =	vst v1  }
0xaa: {  	[tilespmem:$0x1FD0] =	vst v1  }
0xab: {  	[tilespmem:$0x1FE0] =	vst v1  }
0xac: {  	[tilespmem:$0x1FF0] =	vst v1  }
0xad: {  	[tilespmem:$0x2000] =	vst v1  }
0xae: {  	[tilespmem:$0x2010] =	vst v1  }
0xaf: {  	[tilespmem:$0x2020] =	vst v1  }
0xb0: {  	[tilespmem:$0x2030] =	vst v1  }
0xb1: {  	[tilespmem:$0x2040] =	vst v1  }
0xb2: {  	[tilespmem:$0x2050] =	vst v1  }
0xb3: {  	[tilespmem:$0x2060] =	vst v1  }
0xb4: {  	[tilespmem:$0x2070] =	vst v1  }
0xb5: {  	[tilespmem:$0x2080] =	vst v1  }
0xb6: {  	[tilespmem:$0x2090] =	vst v1  }
0xb7: {  	[tilespmem:$0x20A0] =	vst v1  }
0xb8: {  	[tilespmem:$0x20B0] =	vst v1  }
0xb9: {  	[tilespmem:$0x20C0] =	vst v1  }
0xba: {  	[tilespmem:$0x20D0] =	vst v1  }
0xbb: {  	[tilespmem:$0x20E0] =	vst v1  }
0xbc: {  	[tilespmem:$0x20F0] =	vst v1  }
0xbd: {  	[tilespmem:$0x2100] =	vst v1  }
0xbe: {  	[tilespmem:$0x2110] =	vst v1  }
0xbf: {  	[tilespmem:$0x2120] =	vst v1  }
0xc0: {  	[tilespmem:$0x2130] =	vst v1  }
0xc1: {  	[tilespmem:$0x2140] =	vst v1  }
0xc2: {  	[tilespmem:$0x2150] =	vst v1  }
0xc3: {  	[tilespmem:$0x2160] =	vst v1  }
0xc4: {  	[tilespmem:$0x2170] =	vst v1  }
0xc5: {  	[tilespmem:$0x2180] =	vst v1  }
0xc6: {  	[tilespmem:$0x2190] =	vst v1  }
0xc7: {  	[tilespmem:$0x21A0] =	vst v1  }
0xc8: {  	[tilespmem:$0x21B0] =	vst v1  }
0xc9: {  	[tilespmem:$0x21C0] =	vst v1  }
0xca: {  	[tilespmem:$0x21D0] =	vst v1  }
0xcb: {  	[tilespmem:$0x21E0] =	vst v1  }
0xcc: {  	[tilespmem:$0x21F0] =	vst v1  }
0xcd: {  	[tilespmem:$0x2200] =	vst v1  }
0xce: {  	[tilespmem:$0x2210] =	vst v1  }
0xcf: {  	[tilespmem:$0x2220] =	vst v1  }
0xd0: {  	[tilespmem:$0x2230] =	vst v1  }
0xd1: {  	[tilespmem:$0x2240] =	vst v1  }
0xd2: {  	[tilespmem:$0x2250] =	vst v1  }
0xd3: {  	[tilespmem:$0x2260] =	vst v1  }
0xd4: {  	[tilespmem:$0x2270] =	vst v1  }
0xd5: {  	[tilespmem:$0x2280] =	vst v1  }
0xd6: {  	[tilespmem:$0x2290] =	vst v1  }
0xd7: {  	[tilespmem:$0x22A0] =	vst v1  }
0xd8: {  	[tilespmem:$0x22B0] =	vst v1  }
0xd9: {  	[tilespmem:$0x22C0] =	vst v1  }
0xda: {  	[tilespmem:$0x22D0] =	vst v1  }
0xdb: {  	[tilespmem:$0x22E0] =	vst v1  }
0xdc: {  	[tilespmem:$0x22F0] =	vst v1  }
0xdd: {  	[tilespmem:$0x2300] =	vst v1  }
0xde: {  	[tilespmem:$0x2310] =	vst v1  }
0xdf: {  	[tilespmem:$0x2320] =	vst v1  }
0xe0: {  	[tilespmem:$0x2330] =	vst v1  }
0xe1: {  	[tilespmem:$0x2340] =	vst v1  }
0xe2: {  	[tilespmem:$0x2350] =	vst v1  }
0xe3: {  	[tilespmem:$0x2360] =	vst v1  }
0xe4: {  	[tilespmem:$0x2370] =	vst v1  }
0xe5: {  	[tilespmem:$0x2380] =	vst v1  }
0xe6: {  	[tilespmem:$0x2390] =	vst v1  }
0xe7: {  	[tilespmem:$0x23A0] =	vst v1  }
0xe8: {  	[tilespmem:$0x23B0] =	vst v1  }
0xe9: {  	[tilespmem:$0x23C0] =	vst v1  }
0xea: {  	[tilespmem:$0x23D0] =	vst v1  }
0xeb: {  	[tilespmem:$0x23E0] =	vst v1  }
0xec: {  	[tilespmem:$0x23F0] =	vst v1  }
0xed: {  	[tilespmem:$0x2400] =	vst v1  }
0xee: {  	[tilespmem:$0x2410] =	vst v1  }
0xef: {  	[tilespmem:$0x2420] =	vst v1  }
0xf0: {  	[tilespmem:$0x2430] =	vst v1  }
0xf1: {  	[tilespmem:$0x2440] =	vst v1  }
0xf2: {  	[tilespmem:$0x2450] =	vst v1  }
0xf3: {  	[tilespmem:$0x2460] =	vst v1  }
0xf4: {  	[tilespmem:$0x2470] =	vst v1  }
0xf5: {  	[tilespmem:$0x2480] =	vst v1  }
0xf6: {  	[tilespmem:$0x2490] =	vst v1  }
0xf7: {  	[tilespmem:$0x24A0] =	vst v1  }
0xf8: {  	[tilespmem:$0x24B0] =	vst v1  }
0xf9: {  	[tilespmem:$0x24C0] =	vst v1  }
0xfa: {  	[tilespmem:$0x24D0] =	vst v1  }
0xfb: {  	[tilespmem:$0x24E0] =	vst v1  }
0xfc: {  	[tilespmem:$0x24F0] =	vst v1  }
0xfd: {  	[tilespmem:s2], [sflag:$0x1] =	stream.strided.gather [hbm4b:s3+s22], $0xB80, s23, s22, $0x38;
	[tilespmem:$0x2500] =	vst v63  }
0xfe: {  	_ = 	snop  }
0xff: {  	[tilespmem:s24], [sflag:$0x2] =	stream.strided.gather [hbm4b:s4+s22], $0xB80, s23, s22, $0x38;
	[tilespmem:$0x2500] =	vst v63  }
0x100: {  	_ =	swait.ge [sflag:s25], $0xB80  }
0x101: {  	[sflag:s25] =	ssyncset.done $0x0  }
0x102: {  	s31 =	simm.s32 $0x0;
	[sflag:s25] =	ssyncadd.s32 $0xFFFFF480  }
.LBB2_2:
0x103: {  	s0 =	sshra.s32 s31, $0x2  }
0x104: {  	v4 =	vld [tilespmem:s0+$0x0];
	_ =	sdelay $0x4  }
0x105: {  	v5 =	vand.u32 $0xFFFF, v4  }
0x106: {  	v4 =	vshrl.u32 v4, $0x10;
	v5 =	vadd.s32 v0, v5  }
0x107: {  	v4 =	vadd.s32 v3, v4;
	_ =	sdelay $0x3  }
0x108: {  	[tilespmem:v5+s26+$0x0] =	vst.idx.add.f32.msk $0xffff, v2  }
0x109: {  	[tilespmem:v4+s26+$0x0] =	vst.idx.add.f32.msk $0xffff, v2  }
0x10a: {  	v4 =	vld [tilespmem:s0+$0x10];
	_ =	sdelay $0x4  }
0x10b: {  	v5 =	vand.u32 $0xFFFF, v4  }
0x10c: {  	v4 =	vshrl.u32 v4, $0x10;
	v5 =	vadd.s32 v0, v5  }
0x10d: {  	v4 =	vadd.s32 v3, v4;
	_ =	sdelay $0x3  }
0x10e: {  	[tilespmem:v5+s26+$0x0] =	vst.idx.add.f32.msk $0xffff, v2  }
0x10f: {  	[tilespmem:v4+s26+$0x0] =	vst.idx.add.f32.msk $0xffff, v2  }
0x110: {  	v4 =	vld [tilespmem:s0+$0x20];
	_ =	sdelay $0x4  }
0x111: {  	v5 =	vand.u32 $0xFFFF, v4  }
0x112: {  	v4 =	vshrl.u32 v4, $0x10;
	v5 =	vadd.s32 v0, v5  }
0x113: {  	v4 =	vadd.s32 v3, v4;
	_ =	sdelay $0x3  }
0x114: {  	[tilespmem:v5+s26+$0x0] =	vst.idx.add.f32.msk $0xffff, v2  }
0x115: {  	[tilespmem:v4+s26+$0x0] =	vst.idx.add.f32.msk $0xffff, v2  }
0x116: {  	v4 =	vld [tilespmem:s0+$0x30];
	_ =	sdelay $0x4  }
0x117: {  	v5 =	vand.u32 $0xFFFF, v4  }
0x118: {  	v4 =	vshrl.u32 v4, $0x10;
	v5 =	vadd.s32 v0, v5  }
0x119: {  	p0 =	sne.s32 s31, $0x2D00;
	v4 =	vadd.s32 v3, v4  }
.Ltmp0:
0x11a: {  	_ = 	snop;
	(pc) =	sbr.rel @p0 .LBB2_2-.Ltmp0, $3  }
0x11b: {  	_ =	sdelay $0x1  }
0x11c: {  	[tilespmem:v5+s26+$0x0] =	vst.idx.add.f32.msk $0xffff, v2  }
0x11d: {  	s31 =	sadd.s32 $0x100, s31;
	[tilespmem:v4+s26+$0x0] =	vst.idx.add.f32.msk $0xffff, v2  }
0x11e: {  	s31 =	simm.s32 $0x0  }
0x11f: {  	[tilespmem:s31], [sflag:$0x1] =	stream.strided.gather [hbm4b:s5+s22], $0xB80, s23, s22, $0x38;
	[tilespmem:$0x2500] =	vst v63  }
0x120: {  	_ =	swait.ge [sflag:s28], $0xB80  }
0x121: {  	[sflag:s28] =	ssyncset.done $0x0  }
0x122: {  	[sflag:s28] =	ssyncadd.s32 $0xFFFFF480  }
.LBB2_4:
0x123: {  	s0 =	sshra.s32 s31, $0x2  }
0x124: {  	v4 =	vld [tilespmem:s0+$0xB80];
	_ =	sdelay $0x4  }
0x125: {  	v5 =	vand.u32 $0xFFFF, v4  }
0x126: {  	v4 =	vshrl.u32 v4, $0x10;
	v5 =	vadd.s32 v0, v5  }
0x127: {  	v4 =	vadd.s32 v3, v4;
	_ =	sdelay $0x3  }
0x128: {  	[tilespmem:v5+s26+$0x0] =	vst.idx.add.f32.msk $0xffff, v2  }
0x129: {  	[tilespmem:v4+s26+$0x0] =	vst.idx.add.f32.msk $0xffff, v2  }
0x12a: {  	v4 =	vld [tilespmem:s0+$0xB90];
	_ =	sdelay $0x4  }
0x12b: {  	v5 =	vand.u32 $0xFFFF, v4  }
0x12c: {  	v4 =	vshrl.u32 v4, $0x10;
	v5 =	vadd.s32 v0, v5  }
0x12d: {  	v4 =	vadd.s32 v3, v4;
	_ =	sdelay $0x3  }
0x12e: {  	[tilespmem:v5+s26+$0x0] =	vst.idx.add.f32.msk $0xffff, v2  }
0x12f: {  	[tilespmem:v4+s26+$0x0] =	vst.idx.add.f32.msk $0xffff, v2  }
0x130: {  	v4 =	vld [tilespmem:s0+$0xBA0];
	_ =	sdelay $0x4  }
0x131: {  	v5 =	vand.u32 $0xFFFF, v4  }
0x132: {  	v4 =	vshrl.u32 v4, $0x10;
	v5 =	vadd.s32 v0, v5  }
0x133: {  	v4 =	vadd.s32 v3, v4;
	_ =	sdelay $0x3  }
0x134: {  	[tilespmem:v5+s26+$0x0] =	vst.idx.add.f32.msk $0xffff, v2  }
0x135: {  	[tilespmem:v4+s26+$0x0] =	vst.idx.add.f32.msk $0xffff, v2  }
0x136: {  	v4 =	vld [tilespmem:s0+$0xBB0];
	_ =	sdelay $0x4  }
0x137: {  	v5 =	vand.u32 $0xFFFF, v4  }
0x138: {  	v4 =	vshrl.u32 v4, $0x10;
	v5 =	vadd.s32 v0, v5  }
0x139: {  	p0 =	sne.s32 s31, $0x2D00;
	v4 =	vadd.s32 v3, v4  }
.Ltmp1:
0x13a: {  	_ = 	snop;
	(pc) =	sbr.rel @p0 .LBB2_4-.Ltmp1, $3  }
0x13b: {  	_ =	sdelay $0x1  }
0x13c: {  	[tilespmem:v5+s26+$0x0] =	vst.idx.add.f32.msk $0xffff, v2  }
0x13d: {  	s31 =	sadd.s32 $0x100, s31;
	[tilespmem:v4+s26+$0x0] =	vst.idx.add.f32.msk $0xffff, v2  }
0x13e: {  	[tilespmem:s24], [sflag:$0x2] =	stream.strided.gather [hbm4b:s6+s22], $0xB80, s23, s22, $0x38;
	[tilespmem:$0x2500] =	vst v63  }
0x13f: {  	_ =	swait.ge [sflag:s25], $0xB80  }
0x140: {  	[sflag:s25] =	ssyncset.done $0x0  }
0x141: {  	s31 =	simm.s32 $0x0;
	[sflag:s25] =	ssyncadd.s32 $0xFFFFF480  }
.LBB2_6:
0x142: {  	s0 =	sshra.s32 s31, $0x2  }
0x143: {  	v4 =	vld [tilespmem:s0+$0x0];
	_ =	sdelay $0x4  }
0x144: {  	v5 =	vand.u32 $0xFFFF, v4  }
0x145: {  	v4 =	vshrl.u32 v4, $0x10;
	v5 =	vadd.s32 v0, v5  }
0x146: {  	v4 =	vadd.s32 v3, v4;
	_ =	sdelay $0x3  }
0x147: {  	[tilespmem:v5+s26+$0x0] =	vst.idx.add.f32.msk $0xffff, v2  }
0x148: {  	[tilespmem:v4+s26+$0x0] =	vst.idx.add.f32.msk $0xffff, v2  }
0x149: {  	v4 =	vld [tilespmem:s0+$0x10];
	_ =	sdelay $0x4  }
0x14a: {  	v5 =	vand.u32 $0xFFFF, v4  }
0x14b: {  	v4 =	vshrl.u32 v4, $0x10;
	v5 =	vadd.s32 v0, v5  }
0x14c: {  	v4 =	vadd.s32 v3, v4;
	_ =	sdelay $0x3  }
0x14d: {  	[tilespmem:v5+s26+$0x0] =	vst.idx.add.f32.msk $0xffff, v2  }
0x14e: {  	[tilespmem:v4+s26+$0x0] =	vst.idx.add.f32.msk $0xffff, v2  }
0x14f: {  	v4 =	vld [tilespmem:s0+$0x20];
	_ =	sdelay $0x4  }
0x150: {  	v5 =	vand.u32 $0xFFFF, v4  }
0x151: {  	v4 =	vshrl.u32 v4, $0x10;
	v5 =	vadd.s32 v0, v5  }
0x152: {  	v4 =	vadd.s32 v3, v4;
	_ =	sdelay $0x3  }
0x153: {  	[tilespmem:v5+s26+$0x0] =	vst.idx.add.f32.msk $0xffff, v2  }
0x154: {  	[tilespmem:v4+s26+$0x0] =	vst.idx.add.f32.msk $0xffff, v2  }
0x155: {  	v4 =	vld [tilespmem:s0+$0x30];
	_ =	sdelay $0x4  }
0x156: {  	v5 =	vand.u32 $0xFFFF, v4  }
0x157: {  	v4 =	vshrl.u32 v4, $0x10;
	v5 =	vadd.s32 v0, v5  }
0x158: {  	p0 =	sne.s32 s31, $0x2D00;
	v4 =	vadd.s32 v3, v4  }
.Ltmp2:
0x159: {  	_ = 	snop;
	(pc) =	sbr.rel @p0 .LBB2_6-.Ltmp2, $3  }
0x15a: {  	_ =	sdelay $0x1  }
0x15b: {  	[tilespmem:v5+s26+$0x0] =	vst.idx.add.f32.msk $0xffff, v2  }
0x15c: {  	s31 =	sadd.s32 $0x100, s31;
	[tilespmem:v4+s26+$0x0] =	vst.idx.add.f32.msk $0xffff, v2  }
0x15d: {  	s31 =	simm.s32 $0x0  }
0x15e: {  	[tilespmem:s31], [sflag:$0x1] =	stream.strided.gather [hbm4b:s7+s22], $0xB80, s23, s22, $0x38;
	[tilespmem:$0x2500] =	vst v63  }
0x15f: {  	_ =	swait.ge [sflag:s28], $0xB80  }
0x160: {  	[sflag:s28] =	ssyncset.done $0x0  }
0x161: {  	[sflag:s28] =	ssyncadd.s32 $0xFFFFF480  }
.LBB2_8:
0x162: {  	s0 =	sshra.s32 s31, $0x2  }
0x163: {  	v4 =	vld [tilespmem:s0+$0xB80];
	_ =	sdelay $0x4  }
0x164: {  	v5 =	vand.u32 $0xFFFF, v4  }
0x165: {  	v4 =	vshrl.u32 v4, $0x10;
	v5 =	vadd.s32 v0, v5  }
0x166: {  	v4 =	vadd.s32 v3, v4;
	_ =	sdelay $0x3  }
0x167: {  	[tilespmem:v5+s26+$0x0] =	vst.idx.add.f32.msk $0xffff, v2  }
0x168: {  	[tilespmem:v4+s26+$0x0] =	vst.idx.add.f32.msk $0xffff, v2  }
0x169: {  	v4 =	vld [tilespmem:s0+$0xB90];
	_ =	sdelay $0x4  }
0x16a: {  	v5 =	vand.u32 $0xFFFF, v4  }
0x16b: {  	v4 =	vshrl.u32 v4, $0x10;
	v5 =	vadd.s32 v0, v5  }
0x16c: {  	v4 =	vadd.s32 v3, v4;
	_ =	sdelay $0x3  }
0x16d: {  	[tilespmem:v5+s26+$0x0] =	vst.idx.add.f32.msk $0xffff, v2  }
0x16e: {  	[tilespmem:v4+s26+$0x0] =	vst.idx.add.f32.msk $0xffff, v2  }
0x16f: {  	v4 =	vld [tilespmem:s0+$0xBA0];
	_ =	sdelay $0x4  }
0x170: {  	v5 =	vand.u32 $0xFFFF, v4  }
0x171: {  	v4 =	vshrl.u32 v4, $0x10;
	v5 =	vadd.s32 v0, v5  }
0x172: {  	v4 =	vadd.s32 v3, v4;
	_ =	sdelay $0x3  }
0x173: {  	[tilespmem:v5+s26+$0x0] =	vst.idx.add.f32.msk $0xffff, v2  }
0x174: {  	[tilespmem:v4+s26+$0x0] =	vst.idx.add.f32.msk $0xffff, v2  }
0x175: {  	v4 =	vld [tilespmem:s0+$0xBB0];
	_ =	sdelay $0x4  }
0x176: {  	v5 =	vand.u32 $0xFFFF, v4  }
0x177: {  	v4 =	vshrl.u32 v4, $0x10;
	v5 =	vadd.s32 v0, v5  }
0x178: {  	p0 =	sne.s32 s31, $0x2D00;
	v4 =	vadd.s32 v3, v4  }
.Ltmp3:
0x179: {  	_ = 	snop;
	(pc) =	sbr.rel @p0 .LBB2_8-.Ltmp3, $3  }
0x17a: {  	_ =	sdelay $0x1  }
0x17b: {  	[tilespmem:v5+s26+$0x0] =	vst.idx.add.f32.msk $0xffff, v2  }
0x17c: {  	s31 =	sadd.s32 $0x100, s31;
	[tilespmem:v4+s26+$0x0] =	vst.idx.add.f32.msk $0xffff, v2  }
0x17d: {  	[tilespmem:s24], [sflag:$0x2] =	stream.strided.gather [hbm4b:s8+s22], $0xB80, s23, s22, $0x38;
	[tilespmem:$0x2500] =	vst v63  }
0x17e: {  	_ =	swait.ge [sflag:s25], $0xB80  }
0x17f: {  	[sflag:s25] =	ssyncset.done $0x0  }
0x180: {  	s31 =	simm.s32 $0x0;
	[sflag:s25] =	ssyncadd.s32 $0xFFFFF480  }
.LBB2_10:
0x181: {  	s0 =	sshra.s32 s31, $0x2  }
0x182: {  	v4 =	vld [tilespmem:s0+$0x0];
	_ =	sdelay $0x4  }
0x183: {  	v5 =	vand.u32 $0xFFFF, v4  }
0x184: {  	v4 =	vshrl.u32 v4, $0x10;
	v5 =	vadd.s32 v0, v5  }
0x185: {  	v4 =	vadd.s32 v3, v4;
	_ =	sdelay $0x3  }
0x186: {  	[tilespmem:v5+s26+$0x0] =	vst.idx.add.f32.msk $0xffff, v2  }
0x187: {  	[tilespmem:v4+s26+$0x0] =	vst.idx.add.f32.msk $0xffff, v2  }
0x188: {  	v4 =	vld [tilespmem:s0+$0x10];
	_ =	sdelay $0x4  }
0x189: {  	v5 =	vand.u32 $0xFFFF, v4  }
0x18a: {  	v4 =	vshrl.u32 v4, $0x10;
	v5 =	vadd.s32 v0, v5  }
0x18b: {  	v4 =	vadd.s32 v3, v4;
	_ =	sdelay $0x3  }
0x18c: {  	[tilespmem:v5+s26+$0x0] =	vst.idx.add.f32.msk $0xffff, v2  }
0x18d: {  	[tilespmem:v4+s26+$0x0] =	vst.idx.add.f32.msk $0xffff, v2  }
0x18e: {  	v4 =	vld [tilespmem:s0+$0x20];
	_ =	sdelay $0x4  }
0x18f: {  	v5 =	vand.u32 $0xFFFF, v4  }
0x190: {  	v4 =	vshrl.u32 v4, $0x10;
	v5 =	vadd.s32 v0, v5  }
0x191: {  	v4 =	vadd.s32 v3, v4;
	_ =	sdelay $0x3  }
0x192: {  	[tilespmem:v5+s26+$0x0] =	vst.idx.add.f32.msk $0xffff, v2  }
0x193: {  	[tilespmem:v4+s26+$0x0] =	vst.idx.add.f32.msk $0xffff, v2  }
0x194: {  	v4 =	vld [tilespmem:s0+$0x30];
	_ =	sdelay $0x4  }
0x195: {  	v5 =	vand.u32 $0xFFFF, v4  }
0x196: {  	v4 =	vshrl.u32 v4, $0x10;
	v5 =	vadd.s32 v0, v5  }
0x197: {  	p0 =	sne.s32 s31, $0x2D00;
	v4 =	vadd.s32 v3, v4  }
.Ltmp4:
0x198: {  	_ = 	snop;
	(pc) =	sbr.rel @p0 .LBB2_10-.Ltmp4, $3  }
0x199: {  	_ =	sdelay $0x1  }
0x19a: {  	[tilespmem:v5+s26+$0x0] =	vst.idx.add.f32.msk $0xffff, v2  }
0x19b: {  	s31 =	sadd.s32 $0x100, s31;
	[tilespmem:v4+s26+$0x0] =	vst.idx.add.f32.msk $0xffff, v2  }
0x19c: {  	s31 =	simm.s32 $0x0  }
0x19d: {  	[tilespmem:s31], [sflag:$0x1] =	stream.strided.gather [hbm4b:s9+s22], $0xB80, s23, s22, $0x38;
	[tilespmem:$0x2500] =	vst v63  }
0x19e: {  	_ =	swait.ge [sflag:s28], $0xB80  }
0x19f: {  	[sflag:s28] =	ssyncset.done $0x0  }
0x1a0: {  	[sflag:s28] =	ssyncadd.s32 $0xFFFFF480  }
.LBB2_12:
0x1a1: {  	s0 =	sshra.s32 s31, $0x2  }
0x1a2: {  	v4 =	vld [tilespmem:s0+$0xB80];
	_ =	sdelay $0x4  }
0x1a3: {  	v5 =	vand.u32 $0xFFFF, v4  }
0x1a4: {  	v4 =	vshrl.u32 v4, $0x10;
	v5 =	vadd.s32 v0, v5  }
0x1a5: {  	v4 =	vadd.s32 v3, v4;
	_ =	sdelay $0x3  }
0x1a6: {  	[tilespmem:v5+s26+$0x0] =	vst.idx.add.f32.msk $0xffff, v2  }
0x1a7: {  	[tilespmem:v4+s26+$0x0] =	vst.idx.add.f32.msk $0xffff, v2  }
0x1a8: {  	v4 =	vld [tilespmem:s0+$0xB90];
	_ =	sdelay $0x4  }
0x1a9: {  	v5 =	vand.u32 $0xFFFF, v4  }
0x1aa: {  	v4 =	vshrl.u32 v4, $0x10;
	v5 =	vadd.s32 v0, v5  }
0x1ab: {  	v4 =	vadd.s32 v3, v4;
	_ =	sdelay $0x3  }
0x1ac: {  	[tilespmem:v5+s26+$0x0] =	vst.idx.add.f32.msk $0xffff, v2  }
0x1ad: {  	[tilespmem:v4+s26+$0x0] =	vst.idx.add.f32.msk $0xffff, v2  }
0x1ae: {  	v4 =	vld [tilespmem:s0+$0xBA0];
	_ =	sdelay $0x4  }
0x1af: {  	v5 =	vand.u32 $0xFFFF, v4  }
0x1b0: {  	v4 =	vshrl.u32 v4, $0x10;
	v5 =	vadd.s32 v0, v5  }
0x1b1: {  	v4 =	vadd.s32 v3, v4;
	_ =	sdelay $0x3  }
0x1b2: {  	[tilespmem:v5+s26+$0x0] =	vst.idx.add.f32.msk $0xffff, v2  }
0x1b3: {  	[tilespmem:v4+s26+$0x0] =	vst.idx.add.f32.msk $0xffff, v2  }
0x1b4: {  	v4 =	vld [tilespmem:s0+$0xBB0];
	_ =	sdelay $0x4  }
0x1b5: {  	v5 =	vand.u32 $0xFFFF, v4  }
0x1b6: {  	v4 =	vshrl.u32 v4, $0x10;
	v5 =	vadd.s32 v0, v5  }
0x1b7: {  	p0 =	sne.s32 s31, $0x2D00;
	v4 =	vadd.s32 v3, v4  }
.Ltmp5:
0x1b8: {  	_ = 	snop;
	(pc) =	sbr.rel @p0 .LBB2_12-.Ltmp5, $3  }
0x1b9: {  	_ =	sdelay $0x1  }
0x1ba: {  	[tilespmem:v5+s26+$0x0] =	vst.idx.add.f32.msk $0xffff, v2  }
0x1bb: {  	s31 =	sadd.s32 $0x100, s31;
	[tilespmem:v4+s26+$0x0] =	vst.idx.add.f32.msk $0xffff, v2  }
0x1bc: {  	[tilespmem:s24], [sflag:$0x2] =	stream.strided.gather [hbm4b:s10+s22], $0xB80, s23, s22, $0x38;
	[tilespmem:$0x2500] =	vst v63  }
0x1bd: {  	_ =	swait.ge [sflag:s25], $0xB80  }
0x1be: {  	[sflag:s25] =	ssyncset.done $0x0  }
0x1bf: {  	s31 =	simm.s32 $0x0;
	[sflag:s25] =	ssyncadd.s32 $0xFFFFF480  }
.LBB2_14:
0x1c0: {  	s0 =	sshra.s32 s31, $0x2  }
0x1c1: {  	v4 =	vld [tilespmem:s0+$0x0];
	_ =	sdelay $0x4  }
0x1c2: {  	v5 =	vand.u32 $0xFFFF, v4  }
0x1c3: {  	v4 =	vshrl.u32 v4, $0x10;
	v5 =	vadd.s32 v0, v5  }
0x1c4: {  	v4 =	vadd.s32 v3, v4;
	_ =	sdelay $0x3  }
0x1c5: {  	[tilespmem:v5+s26+$0x0] =	vst.idx.add.f32.msk $0xffff, v2  }
0x1c6: {  	[tilespmem:v4+s26+$0x0] =	vst.idx.add.f32.msk $0xffff, v2  }
0x1c7: {  	v4 =	vld [tilespmem:s0+$0x10];
	_ =	sdelay $0x4  }
0x1c8: {  	v5 =	vand.u32 $0xFFFF, v4  }
0x1c9: {  	v4 =	vshrl.u32 v4, $0x10;
	v5 =	vadd.s32 v0, v5  }
0x1ca: {  	v4 =	vadd.s32 v3, v4;
	_ =	sdelay $0x3  }
0x1cb: {  	[tilespmem:v5+s26+$0x0] =	vst.idx.add.f32.msk $0xffff, v2  }
0x1cc: {  	[tilespmem:v4+s26+$0x0] =	vst.idx.add.f32.msk $0xffff, v2  }
0x1cd: {  	v4 =	vld [tilespmem:s0+$0x20];
	_ =	sdelay $0x4  }
0x1ce: {  	v5 =	vand.u32 $0xFFFF, v4  }
0x1cf: {  	v4 =	vshrl.u32 v4, $0x10;
	v5 =	vadd.s32 v0, v5  }
0x1d0: {  	v4 =	vadd.s32 v3, v4;
	_ =	sdelay $0x3  }
0x1d1: {  	[tilespmem:v5+s26+$0x0] =	vst.idx.add.f32.msk $0xffff, v2  }
0x1d2: {  	[tilespmem:v4+s26+$0x0] =	vst.idx.add.f32.msk $0xffff, v2  }
0x1d3: {  	v4 =	vld [tilespmem:s0+$0x30];
	_ =	sdelay $0x4  }
0x1d4: {  	v5 =	vand.u32 $0xFFFF, v4  }
0x1d5: {  	v4 =	vshrl.u32 v4, $0x10;
	v5 =	vadd.s32 v0, v5  }
0x1d6: {  	p0 =	sne.s32 s31, $0x2D00;
	v4 =	vadd.s32 v3, v4  }
.Ltmp6:
0x1d7: {  	_ = 	snop;
	(pc) =	sbr.rel @p0 .LBB2_14-.Ltmp6, $3  }
0x1d8: {  	_ =	sdelay $0x1  }
0x1d9: {  	[tilespmem:v5+s26+$0x0] =	vst.idx.add.f32.msk $0xffff, v2  }
0x1da: {  	s31 =	sadd.s32 $0x100, s31;
	[tilespmem:v4+s26+$0x0] =	vst.idx.add.f32.msk $0xffff, v2  }
0x1db: {  	s31 =	simm.s32 $0x0  }
0x1dc: {  	[tilespmem:s31], [sflag:$0x1] =	stream.strided.gather [hbm4b:s11+s22], $0xB80, s23, s22, $0x38;
	[tilespmem:$0x2500] =	vst v63  }
0x1dd: {  	_ =	swait.ge [sflag:s28], $0xB80  }
0x1de: {  	[sflag:s28] =	ssyncset.done $0x0  }
0x1df: {  	[sflag:s28] =	ssyncadd.s32 $0xFFFFF480  }
.LBB2_16:
0x1e0: {  	s0 =	sshra.s32 s31, $0x2  }
0x1e1: {  	v4 =	vld [tilespmem:s0+$0xB80];
	_ =	sdelay $0x4  }
0x1e2: {  	v5 =	vand.u32 $0xFFFF, v4  }
0x1e3: {  	v4 =	vshrl.u32 v4, $0x10;
	v5 =	vadd.s32 v0, v5  }
0x1e4: {  	v4 =	vadd.s32 v3, v4;
	_ =	sdelay $0x3  }
0x1e5: {  	[tilespmem:v5+s26+$0x0] =	vst.idx.add.f32.msk $0xffff, v2  }
0x1e6: {  	[tilespmem:v4+s26+$0x0] =	vst.idx.add.f32.msk $0xffff, v2  }
0x1e7: {  	v4 =	vld [tilespmem:s0+$0xB90];
	_ =	sdelay $0x4  }
0x1e8: {  	v5 =	vand.u32 $0xFFFF, v4  }
0x1e9: {  	v4 =	vshrl.u32 v4, $0x10;
	v5 =	vadd.s32 v0, v5  }
0x1ea: {  	v4 =	vadd.s32 v3, v4;
	_ =	sdelay $0x3  }
0x1eb: {  	[tilespmem:v5+s26+$0x0] =	vst.idx.add.f32.msk $0xffff, v2  }
0x1ec: {  	[tilespmem:v4+s26+$0x0] =	vst.idx.add.f32.msk $0xffff, v2  }
0x1ed: {  	v4 =	vld [tilespmem:s0+$0xBA0];
	_ =	sdelay $0x4  }
0x1ee: {  	v5 =	vand.u32 $0xFFFF, v4  }
0x1ef: {  	v4 =	vshrl.u32 v4, $0x10;
	v5 =	vadd.s32 v0, v5  }
0x1f0: {  	v4 =	vadd.s32 v3, v4;
	_ =	sdelay $0x3  }
0x1f1: {  	[tilespmem:v5+s26+$0x0] =	vst.idx.add.f32.msk $0xffff, v2  }
0x1f2: {  	[tilespmem:v4+s26+$0x0] =	vst.idx.add.f32.msk $0xffff, v2  }
0x1f3: {  	v4 =	vld [tilespmem:s0+$0xBB0];
	_ =	sdelay $0x4  }
0x1f4: {  	v5 =	vand.u32 $0xFFFF, v4  }
0x1f5: {  	v4 =	vshrl.u32 v4, $0x10;
	v5 =	vadd.s32 v0, v5  }
0x1f6: {  	p0 =	sne.s32 s31, $0x2D00;
	v4 =	vadd.s32 v3, v4  }
.Ltmp7:
0x1f7: {  	_ = 	snop;
	(pc) =	sbr.rel @p0 .LBB2_16-.Ltmp7, $3  }
0x1f8: {  	_ =	sdelay $0x1  }
0x1f9: {  	[tilespmem:v5+s26+$0x0] =	vst.idx.add.f32.msk $0xffff, v2  }
0x1fa: {  	s31 =	sadd.s32 $0x100, s31;
	[tilespmem:v4+s26+$0x0] =	vst.idx.add.f32.msk $0xffff, v2  }
0x1fb: {  	[tilespmem:s24], [sflag:$0x2] =	stream.strided.gather [hbm4b:s12+s22], $0xB80, s23, s22, $0x38;
	[tilespmem:$0x2500] =	vst v63  }
0x1fc: {  	_ =	swait.ge [sflag:s25], $0xB80  }
0x1fd: {  	[sflag:s25] =	ssyncset.done $0x0  }
0x1fe: {  	s31 =	simm.s32 $0x0;
	[sflag:s25] =	ssyncadd.s32 $0xFFFFF480  }
.LBB2_18:
0x1ff: {  	s0 =	sshra.s32 s31, $0x2  }
0x200: {  	v4 =	vld [tilespmem:s0+$0x0];
	_ =	sdelay $0x4  }
0x201: {  	v5 =	vand.u32 $0xFFFF, v4  }
0x202: {  	v4 =	vshrl.u32 v4, $0x10;
	v5 =	vadd.s32 v0, v5  }
0x203: {  	v4 =	vadd.s32 v3, v4;
	_ =	sdelay $0x3  }
0x204: {  	[tilespmem:v5+s26+$0x0] =	vst.idx.add.f32.msk $0xffff, v2  }
0x205: {  	[tilespmem:v4+s26+$0x0] =	vst.idx.add.f32.msk $0xffff, v2  }
0x206: {  	v4 =	vld [tilespmem:s0+$0x10];
	_ =	sdelay $0x4  }
0x207: {  	v5 =	vand.u32 $0xFFFF, v4  }
0x208: {  	v4 =	vshrl.u32 v4, $0x10;
	v5 =	vadd.s32 v0, v5  }
0x209: {  	v4 =	vadd.s32 v3, v4;
	_ =	sdelay $0x3  }
0x20a: {  	[tilespmem:v5+s26+$0x0] =	vst.idx.add.f32.msk $0xffff, v2  }
0x20b: {  	[tilespmem:v4+s26+$0x0] =	vst.idx.add.f32.msk $0xffff, v2  }
0x20c: {  	v4 =	vld [tilespmem:s0+$0x20];
	_ =	sdelay $0x4  }
0x20d: {  	v5 =	vand.u32 $0xFFFF, v4  }
0x20e: {  	v4 =	vshrl.u32 v4, $0x10;
	v5 =	vadd.s32 v0, v5  }
0x20f: {  	v4 =	vadd.s32 v3, v4;
	_ =	sdelay $0x3  }
0x210: {  	[tilespmem:v5+s26+$0x0] =	vst.idx.add.f32.msk $0xffff, v2  }
0x211: {  	[tilespmem:v4+s26+$0x0] =	vst.idx.add.f32.msk $0xffff, v2  }
0x212: {  	v4 =	vld [tilespmem:s0+$0x30];
	_ =	sdelay $0x4  }
0x213: {  	v5 =	vand.u32 $0xFFFF, v4  }
0x214: {  	v4 =	vshrl.u32 v4, $0x10;
	v5 =	vadd.s32 v0, v5  }
0x215: {  	p0 =	sne.s32 s31, $0x2D00;
	v4 =	vadd.s32 v3, v4  }
.Ltmp8:
0x216: {  	_ = 	snop;
	(pc) =	sbr.rel @p0 .LBB2_18-.Ltmp8, $3  }
0x217: {  	_ =	sdelay $0x1  }
0x218: {  	[tilespmem:v5+s26+$0x0] =	vst.idx.add.f32.msk $0xffff, v2  }
0x219: {  	s31 =	sadd.s32 $0x100, s31;
	[tilespmem:v4+s26+$0x0] =	vst.idx.add.f32.msk $0xffff, v2  }
0x21a: {  	s31 =	simm.s32 $0x0  }
0x21b: {  	[tilespmem:s31], [sflag:$0x1] =	stream.strided.gather [hbm4b:s13+s22], $0xB80, s23, s22, $0x38;
	[tilespmem:$0x2500] =	vst v63  }
0x21c: {  	_ =	swait.ge [sflag:s28], $0xB80  }
0x21d: {  	[sflag:s28] =	ssyncset.done $0x0  }
0x21e: {  	[sflag:s28] =	ssyncadd.s32 $0xFFFFF480  }
.LBB2_20:
0x21f: {  	s0 =	sshra.s32 s31, $0x2  }
0x220: {  	v4 =	vld [tilespmem:s0+$0xB80];
	_ =	sdelay $0x4  }
0x221: {  	v5 =	vand.u32 $0xFFFF, v4  }
0x222: {  	v4 =	vshrl.u32 v4, $0x10;
	v5 =	vadd.s32 v0, v5  }
0x223: {  	v4 =	vadd.s32 v3, v4;
	_ =	sdelay $0x3  }
0x224: {  	[tilespmem:v5+s26+$0x0] =	vst.idx.add.f32.msk $0xffff, v2  }
0x225: {  	[tilespmem:v4+s26+$0x0] =	vst.idx.add.f32.msk $0xffff, v2  }
0x226: {  	v4 =	vld [tilespmem:s0+$0xB90];
	_ =	sdelay $0x4  }
0x227: {  	v5 =	vand.u32 $0xFFFF, v4  }
0x228: {  	v4 =	vshrl.u32 v4, $0x10;
	v5 =	vadd.s32 v0, v5  }
0x229: {  	v4 =	vadd.s32 v3, v4;
	_ =	sdelay $0x3  }
0x22a: {  	[tilespmem:v5+s26+$0x0] =	vst.idx.add.f32.msk $0xffff, v2  }
0x22b: {  	[tilespmem:v4+s26+$0x0] =	vst.idx.add.f32.msk $0xffff, v2  }
0x22c: {  	v4 =	vld [tilespmem:s0+$0xBA0];
	_ =	sdelay $0x4  }
0x22d: {  	v5 =	vand.u32 $0xFFFF, v4  }
0x22e: {  	v4 =	vshrl.u32 v4, $0x10;
	v5 =	vadd.s32 v0, v5  }
0x22f: {  	v4 =	vadd.s32 v3, v4;
	_ =	sdelay $0x3  }
0x230: {  	[tilespmem:v5+s26+$0x0] =	vst.idx.add.f32.msk $0xffff, v2  }
0x231: {  	[tilespmem:v4+s26+$0x0] =	vst.idx.add.f32.msk $0xffff, v2  }
0x232: {  	v4 =	vld [tilespmem:s0+$0xBB0];
	_ =	sdelay $0x4  }
0x233: {  	v5 =	vand.u32 $0xFFFF, v4  }
0x234: {  	v4 =	vshrl.u32 v4, $0x10;
	v5 =	vadd.s32 v0, v5  }
0x235: {  	p0 =	sne.s32 s31, $0x2D00;
	v4 =	vadd.s32 v3, v4  }
.Ltmp9:
0x236: {  	_ = 	snop;
	(pc) =	sbr.rel @p0 .LBB2_20-.Ltmp9, $3  }
0x237: {  	_ =	sdelay $0x1  }
0x238: {  	[tilespmem:v5+s26+$0x0] =	vst.idx.add.f32.msk $0xffff, v2  }
0x239: {  	s31 =	sadd.s32 $0x100, s31;
	[tilespmem:v4+s26+$0x0] =	vst.idx.add.f32.msk $0xffff, v2  }
0x23a: {  	[tilespmem:s24], [sflag:$0x2] =	stream.strided.gather [hbm4b:s14+s22], $0xB80, s23, s22, $0x38;
	[tilespmem:$0x2500] =	vst v63  }
0x23b: {  	_ =	swait.ge [sflag:s25], $0xB80  }
0x23c: {  	[sflag:s25] =	ssyncset.done $0x0  }
0x23d: {  	s31 =	simm.s32 $0x0;
	[sflag:s25] =	ssyncadd.s32 $0xFFFFF480  }
.LBB2_22:
0x23e: {  	s0 =	sshra.s32 s31, $0x2  }
0x23f: {  	v4 =	vld [tilespmem:s0+$0x0];
	_ =	sdelay $0x4  }
0x240: {  	v5 =	vand.u32 $0xFFFF, v4  }
0x241: {  	v4 =	vshrl.u32 v4, $0x10;
	v5 =	vadd.s32 v0, v5  }
0x242: {  	v4 =	vadd.s32 v3, v4;
	_ =	sdelay $0x3  }
0x243: {  	[tilespmem:v5+s26+$0x0] =	vst.idx.add.f32.msk $0xffff, v2  }
0x244: {  	[tilespmem:v4+s26+$0x0] =	vst.idx.add.f32.msk $0xffff, v2  }
0x245: {  	v4 =	vld [tilespmem:s0+$0x10];
	_ =	sdelay $0x4  }
0x246: {  	v5 =	vand.u32 $0xFFFF, v4  }
0x247: {  	v4 =	vshrl.u32 v4, $0x10;
	v5 =	vadd.s32 v0, v5  }
0x248: {  	v4 =	vadd.s32 v3, v4;
	_ =	sdelay $0x3  }
0x249: {  	[tilespmem:v5+s26+$0x0] =	vst.idx.add.f32.msk $0xffff, v2  }
0x24a: {  	[tilespmem:v4+s26+$0x0] =	vst.idx.add.f32.msk $0xffff, v2  }
0x24b: {  	v4 =	vld [tilespmem:s0+$0x20];
	_ =	sdelay $0x4  }
0x24c: {  	v5 =	vand.u32 $0xFFFF, v4  }
0x24d: {  	v4 =	vshrl.u32 v4, $0x10;
	v5 =	vadd.s32 v0, v5  }
0x24e: {  	v4 =	vadd.s32 v3, v4;
	_ =	sdelay $0x3  }
0x24f: {  	[tilespmem:v5+s26+$0x0] =	vst.idx.add.f32.msk $0xffff, v2  }
0x250: {  	[tilespmem:v4+s26+$0x0] =	vst.idx.add.f32.msk $0xffff, v2  }
0x251: {  	v4 =	vld [tilespmem:s0+$0x30];
	_ =	sdelay $0x4  }
0x252: {  	v5 =	vand.u32 $0xFFFF, v4  }
0x253: {  	v4 =	vshrl.u32 v4, $0x10;
	v5 =	vadd.s32 v0, v5  }
0x254: {  	p0 =	sne.s32 s31, $0x2D00;
	v4 =	vadd.s32 v3, v4  }
.Ltmp10:
0x255: {  	_ = 	snop;
	(pc) =	sbr.rel @p0 .LBB2_22-.Ltmp10, $3  }
0x256: {  	_ =	sdelay $0x1  }
0x257: {  	[tilespmem:v5+s26+$0x0] =	vst.idx.add.f32.msk $0xffff, v2  }
0x258: {  	s31 =	sadd.s32 $0x100, s31;
	[tilespmem:v4+s26+$0x0] =	vst.idx.add.f32.msk $0xffff, v2  }
0x259: {  	s31 =	simm.s32 $0x0  }
0x25a: {  	[tilespmem:s31], [sflag:$0x1] =	stream.strided.gather [hbm4b:s15+s22], $0xB80, s23, s22, $0x38;
	[tilespmem:$0x2500] =	vst v63  }
0x25b: {  	_ =	swait.ge [sflag:s28], $0xB80  }
0x25c: {  	[sflag:s28] =	ssyncset.done $0x0  }
0x25d: {  	[sflag:s28] =	ssyncadd.s32 $0xFFFFF480  }
.LBB2_24:
0x25e: {  	s0 =	sshra.s32 s31, $0x2  }
0x25f: {  	v4 =	vld [tilespmem:s0+$0xB80];
	_ =	sdelay $0x4  }
0x260: {  	v5 =	vand.u32 $0xFFFF, v4  }
0x261: {  	v4 =	vshrl.u32 v4, $0x10;
	v5 =	vadd.s32 v0, v5  }
0x262: {  	v4 =	vadd.s32 v3, v4;
	_ =	sdelay $0x3  }
0x263: {  	[tilespmem:v5+s26+$0x0] =	vst.idx.add.f32.msk $0xffff, v2  }
0x264: {  	[tilespmem:v4+s26+$0x0] =	vst.idx.add.f32.msk $0xffff, v2  }
0x265: {  	v4 =	vld [tilespmem:s0+$0xB90];
	_ =	sdelay $0x4  }
0x266: {  	v5 =	vand.u32 $0xFFFF, v4  }
0x267: {  	v4 =	vshrl.u32 v4, $0x10;
	v5 =	vadd.s32 v0, v5  }
0x268: {  	v4 =	vadd.s32 v3, v4;
	_ =	sdelay $0x3  }
0x269: {  	[tilespmem:v5+s26+$0x0] =	vst.idx.add.f32.msk $0xffff, v2  }
0x26a: {  	[tilespmem:v4+s26+$0x0] =	vst.idx.add.f32.msk $0xffff, v2  }
0x26b: {  	v4 =	vld [tilespmem:s0+$0xBA0];
	_ =	sdelay $0x4  }
0x26c: {  	v5 =	vand.u32 $0xFFFF, v4  }
0x26d: {  	v4 =	vshrl.u32 v4, $0x10;
	v5 =	vadd.s32 v0, v5  }
0x26e: {  	v4 =	vadd.s32 v3, v4;
	_ =	sdelay $0x3  }
0x26f: {  	[tilespmem:v5+s26+$0x0] =	vst.idx.add.f32.msk $0xffff, v2  }
0x270: {  	[tilespmem:v4+s26+$0x0] =	vst.idx.add.f32.msk $0xffff, v2  }
0x271: {  	v4 =	vld [tilespmem:s0+$0xBB0];
	_ =	sdelay $0x4  }
0x272: {  	v5 =	vand.u32 $0xFFFF, v4  }
0x273: {  	v4 =	vshrl.u32 v4, $0x10;
	v5 =	vadd.s32 v0, v5  }
0x274: {  	p0 =	sne.s32 s31, $0x2D00;
	v4 =	vadd.s32 v3, v4  }
.Ltmp11:
0x275: {  	_ = 	snop;
	(pc) =	sbr.rel @p0 .LBB2_24-.Ltmp11, $3  }
0x276: {  	_ =	sdelay $0x1  }
0x277: {  	[tilespmem:v5+s26+$0x0] =	vst.idx.add.f32.msk $0xffff, v2  }
0x278: {  	s31 =	sadd.s32 $0x100, s31;
	[tilespmem:v4+s26+$0x0] =	vst.idx.add.f32.msk $0xffff, v2  }
0x279: {  	[tilespmem:s24], [sflag:$0x2] =	stream.strided.gather [hbm4b:s16+s22], $0xB80, s23, s22, $0x38;
	[tilespmem:$0x2500] =	vst v63  }
0x27a: {  	_ =	swait.ge [sflag:s25], $0xB80  }
0x27b: {  	[sflag:s25] =	ssyncset.done $0x0  }
0x27c: {  	s31 =	simm.s32 $0x0;
	[sflag:s25] =	ssyncadd.s32 $0xFFFFF480  }
.LBB2_26:
0x27d: {  	s0 =	sshra.s32 s31, $0x2  }
0x27e: {  	v4 =	vld [tilespmem:s0+$0x0];
	_ =	sdelay $0x4  }
0x27f: {  	v5 =	vand.u32 $0xFFFF, v4  }
0x280: {  	v4 =	vshrl.u32 v4, $0x10;
	v5 =	vadd.s32 v0, v5  }
0x281: {  	v4 =	vadd.s32 v3, v4;
	_ =	sdelay $0x3  }
0x282: {  	[tilespmem:v5+s26+$0x0] =	vst.idx.add.f32.msk $0xffff, v2  }
0x283: {  	[tilespmem:v4+s26+$0x0] =	vst.idx.add.f32.msk $0xffff, v2  }
0x284: {  	v4 =	vld [tilespmem:s0+$0x10];
	_ =	sdelay $0x4  }
0x285: {  	v5 =	vand.u32 $0xFFFF, v4  }
0x286: {  	v4 =	vshrl.u32 v4, $0x10;
	v5 =	vadd.s32 v0, v5  }
0x287: {  	v4 =	vadd.s32 v3, v4;
	_ =	sdelay $0x3  }
0x288: {  	[tilespmem:v5+s26+$0x0] =	vst.idx.add.f32.msk $0xffff, v2  }
0x289: {  	[tilespmem:v4+s26+$0x0] =	vst.idx.add.f32.msk $0xffff, v2  }
0x28a: {  	v4 =	vld [tilespmem:s0+$0x20];
	_ =	sdelay $0x4  }
0x28b: {  	v5 =	vand.u32 $0xFFFF, v4  }
0x28c: {  	v4 =	vshrl.u32 v4, $0x10;
	v5 =	vadd.s32 v0, v5  }
0x28d: {  	v4 =	vadd.s32 v3, v4;
	_ =	sdelay $0x3  }
0x28e: {  	[tilespmem:v5+s26+$0x0] =	vst.idx.add.f32.msk $0xffff, v2  }
0x28f: {  	[tilespmem:v4+s26+$0x0] =	vst.idx.add.f32.msk $0xffff, v2  }
0x290: {  	v4 =	vld [tilespmem:s0+$0x30];
	_ =	sdelay $0x4  }
0x291: {  	v5 =	vand.u32 $0xFFFF, v4  }
0x292: {  	v4 =	vshrl.u32 v4, $0x10;
	v5 =	vadd.s32 v0, v5  }
0x293: {  	p0 =	sne.s32 s31, $0x2D00;
	v4 =	vadd.s32 v3, v4  }
.Ltmp12:
0x294: {  	_ = 	snop;
	(pc) =	sbr.rel @p0 .LBB2_26-.Ltmp12, $3  }
0x295: {  	_ =	sdelay $0x1  }
0x296: {  	[tilespmem:v5+s26+$0x0] =	vst.idx.add.f32.msk $0xffff, v2  }
0x297: {  	s31 =	sadd.s32 $0x100, s31;
	[tilespmem:v4+s26+$0x0] =	vst.idx.add.f32.msk $0xffff, v2  }
0x298: {  	s31 =	simm.s32 $0x0  }
0x299: {  	[tilespmem:s31], [sflag:$0x1] =	stream.strided.gather [hbm4b:s17+s22], $0xB80, s23, s22, $0x38;
	[tilespmem:$0x2500] =	vst v63  }
0x29a: {  	_ =	swait.ge [sflag:s28], $0xB80  }
0x29b: {  	[sflag:s28] =	ssyncset.done $0x0  }
0x29c: {  	[sflag:s28] =	ssyncadd.s32 $0xFFFFF480  }
.LBB2_28:
0x29d: {  	s0 =	sshra.s32 s31, $0x2  }
0x29e: {  	v4 =	vld [tilespmem:s0+$0xB80];
	_ =	sdelay $0x4  }
0x29f: {  	v5 =	vand.u32 $0xFFFF, v4  }
0x2a0: {  	v4 =	vshrl.u32 v4, $0x10;
	v5 =	vadd.s32 v0, v5  }
0x2a1: {  	v4 =	vadd.s32 v3, v4;
	_ =	sdelay $0x3  }
0x2a2: {  	[tilespmem:v5+s26+$0x0] =	vst.idx.add.f32.msk $0xffff, v2  }
0x2a3: {  	[tilespmem:v4+s26+$0x0] =	vst.idx.add.f32.msk $0xffff, v2  }
0x2a4: {  	v4 =	vld [tilespmem:s0+$0xB90];
	_ =	sdelay $0x4  }
0x2a5: {  	v5 =	vand.u32 $0xFFFF, v4  }
0x2a6: {  	v4 =	vshrl.u32 v4, $0x10;
	v5 =	vadd.s32 v0, v5  }
0x2a7: {  	v4 =	vadd.s32 v3, v4;
	_ =	sdelay $0x3  }
0x2a8: {  	[tilespmem:v5+s26+$0x0] =	vst.idx.add.f32.msk $0xffff, v2  }
0x2a9: {  	[tilespmem:v4+s26+$0x0] =	vst.idx.add.f32.msk $0xffff, v2  }
0x2aa: {  	v4 =	vld [tilespmem:s0+$0xBA0];
	_ =	sdelay $0x4  }
0x2ab: {  	v5 =	vand.u32 $0xFFFF, v4  }
0x2ac: {  	v4 =	vshrl.u32 v4, $0x10;
	v5 =	vadd.s32 v0, v5  }
0x2ad: {  	v4 =	vadd.s32 v3, v4;
	_ =	sdelay $0x3  }
0x2ae: {  	[tilespmem:v5+s26+$0x0] =	vst.idx.add.f32.msk $0xffff, v2  }
0x2af: {  	[tilespmem:v4+s26+$0x0] =	vst.idx.add.f32.msk $0xffff, v2  }
0x2b0: {  	v4 =	vld [tilespmem:s0+$0xBB0];
	_ =	sdelay $0x4  }
0x2b1: {  	v5 =	vand.u32 $0xFFFF, v4  }
0x2b2: {  	v4 =	vshrl.u32 v4, $0x10;
	v5 =	vadd.s32 v0, v5  }
0x2b3: {  	p0 =	sne.s32 s31, $0x2D00;
	v4 =	vadd.s32 v3, v4  }
.Ltmp13:
0x2b4: {  	_ = 	snop;
	(pc) =	sbr.rel @p0 .LBB2_28-.Ltmp13, $3  }
0x2b5: {  	_ =	sdelay $0x1  }
0x2b6: {  	[tilespmem:v5+s26+$0x0] =	vst.idx.add.f32.msk $0xffff, v2  }
0x2b7: {  	s31 =	sadd.s32 $0x100, s31;
	[tilespmem:v4+s26+$0x0] =	vst.idx.add.f32.msk $0xffff, v2  }
0x2b8: {  	[tilespmem:s24], [sflag:$0x2] =	stream.strided.gather [hbm4b:s18+s22], $0xB80, s23, s22, $0x38;
	[tilespmem:$0x2500] =	vst v63  }
0x2b9: {  	_ =	swait.ge [sflag:s25], $0xB80  }
0x2ba: {  	[sflag:s25] =	ssyncset.done $0x0  }
0x2bb: {  	s31 =	simm.s32 $0x0;
	[sflag:s25] =	ssyncadd.s32 $0xFFFFF480  }
.LBB2_30:
0x2bc: {  	s0 =	sshra.s32 s31, $0x2  }
0x2bd: {  	v4 =	vld [tilespmem:s0+$0x0];
	_ =	sdelay $0x4  }
0x2be: {  	v5 =	vand.u32 $0xFFFF, v4  }
0x2bf: {  	v4 =	vshrl.u32 v4, $0x10;
	v5 =	vadd.s32 v0, v5  }
0x2c0: {  	v4 =	vadd.s32 v3, v4;
	_ =	sdelay $0x3  }
0x2c1: {  	[tilespmem:v5+s26+$0x0] =	vst.idx.add.f32.msk $0xffff, v2  }
0x2c2: {  	[tilespmem:v4+s26+$0x0] =	vst.idx.add.f32.msk $0xffff, v2  }
0x2c3: {  	v4 =	vld [tilespmem:s0+$0x10];
	_ =	sdelay $0x4  }
0x2c4: {  	v5 =	vand.u32 $0xFFFF, v4  }
0x2c5: {  	v4 =	vshrl.u32 v4, $0x10;
	v5 =	vadd.s32 v0, v5  }
0x2c6: {  	v4 =	vadd.s32 v3, v4;
	_ =	sdelay $0x3  }
0x2c7: {  	[tilespmem:v5+s26+$0x0] =	vst.idx.add.f32.msk $0xffff, v2  }
0x2c8: {  	[tilespmem:v4+s26+$0x0] =	vst.idx.add.f32.msk $0xffff, v2  }
0x2c9: {  	v4 =	vld [tilespmem:s0+$0x20];
	_ =	sdelay $0x4  }
0x2ca: {  	v5 =	vand.u32 $0xFFFF, v4  }
0x2cb: {  	v4 =	vshrl.u32 v4, $0x10;
	v5 =	vadd.s32 v0, v5  }
0x2cc: {  	v4 =	vadd.s32 v3, v4;
	_ =	sdelay $0x3  }
0x2cd: {  	[tilespmem:v5+s26+$0x0] =	vst.idx.add.f32.msk $0xffff, v2  }
0x2ce: {  	[tilespmem:v4+s26+$0x0] =	vst.idx.add.f32.msk $0xffff, v2  }
0x2cf: {  	v4 =	vld [tilespmem:s0+$0x30];
	_ =	sdelay $0x4  }
0x2d0: {  	v5 =	vand.u32 $0xFFFF, v4  }
0x2d1: {  	v4 =	vshrl.u32 v4, $0x10;
	v5 =	vadd.s32 v0, v5  }
0x2d2: {  	p0 =	sne.s32 s31, $0x2D00;
	v4 =	vadd.s32 v3, v4  }
.Ltmp14:
0x2d3: {  	_ = 	snop;
	(pc) =	sbr.rel @p0 .LBB2_30-.Ltmp14, $3  }
0x2d4: {  	_ =	sdelay $0x1  }
0x2d5: {  	[tilespmem:v5+s26+$0x0] =	vst.idx.add.f32.msk $0xffff, v2  }
0x2d6: {  	s31 =	sadd.s32 $0x100, s31;
	[tilespmem:v4+s26+$0x0] =	vst.idx.add.f32.msk $0xffff, v2  }
0x2d7: {  	s31 =	simm.s32 $0x0  }
0x2d8: {  	[tilespmem:s31], [sflag:$0x1] =	stream.strided.gather [hbm4b:s19+s22], $0xB80, s23, s22, $0x38;
	[tilespmem:$0x2500] =	vst v63  }
0x2d9: {  	_ =	swait.ge [sflag:s28], $0xB80  }
0x2da: {  	[sflag:s28] =	ssyncset.done $0x0  }
0x2db: {  	[sflag:s28] =	ssyncadd.s32 $0xFFFFF480  }
.LBB2_32:
0x2dc: {  	s0 =	sshra.s32 s31, $0x2  }
0x2dd: {  	v4 =	vld [tilespmem:s0+$0xB80];
	_ =	sdelay $0x4  }
0x2de: {  	v5 =	vand.u32 $0xFFFF, v4  }
0x2df: {  	v4 =	vshrl.u32 v4, $0x10;
	v5 =	vadd.s32 v0, v5  }
0x2e0: {  	v4 =	vadd.s32 v3, v4;
	_ =	sdelay $0x3  }
0x2e1: {  	[tilespmem:v5+s26+$0x0] =	vst.idx.add.f32.msk $0xffff, v2  }
0x2e2: {  	[tilespmem:v4+s26+$0x0] =	vst.idx.add.f32.msk $0xffff, v2  }
0x2e3: {  	v4 =	vld [tilespmem:s0+$0xB90];
	_ =	sdelay $0x4  }
0x2e4: {  	v5 =	vand.u32 $0xFFFF, v4  }
0x2e5: {  	v4 =	vshrl.u32 v4, $0x10;
	v5 =	vadd.s32 v0, v5  }
0x2e6: {  	v4 =	vadd.s32 v3, v4;
	_ =	sdelay $0x3  }
0x2e7: {  	[tilespmem:v5+s26+$0x0] =	vst.idx.add.f32.msk $0xffff, v2  }
0x2e8: {  	[tilespmem:v4+s26+$0x0] =	vst.idx.add.f32.msk $0xffff, v2  }
0x2e9: {  	v4 =	vld [tilespmem:s0+$0xBA0];
	_ =	sdelay $0x4  }
0x2ea: {  	v5 =	vand.u32 $0xFFFF, v4  }
0x2eb: {  	v4 =	vshrl.u32 v4, $0x10;
	v5 =	vadd.s32 v0, v5  }
0x2ec: {  	v4 =	vadd.s32 v3, v4;
	_ =	sdelay $0x3  }
0x2ed: {  	[tilespmem:v5+s26+$0x0] =	vst.idx.add.f32.msk $0xffff, v2  }
0x2ee: {  	[tilespmem:v4+s26+$0x0] =	vst.idx.add.f32.msk $0xffff, v2  }
0x2ef: {  	v4 =	vld [tilespmem:s0+$0xBB0];
	_ =	sdelay $0x4  }
0x2f0: {  	v5 =	vand.u32 $0xFFFF, v4  }
0x2f1: {  	v4 =	vshrl.u32 v4, $0x10;
	v5 =	vadd.s32 v0, v5  }
0x2f2: {  	p0 =	sne.s32 s31, $0x2D00;
	v4 =	vadd.s32 v3, v4  }
.Ltmp15:
0x2f3: {  	_ = 	snop;
	(pc) =	sbr.rel @p0 .LBB2_32-.Ltmp15, $3  }
0x2f4: {  	_ =	sdelay $0x1  }
0x2f5: {  	[tilespmem:v5+s26+$0x0] =	vst.idx.add.f32.msk $0xffff, v2  }
0x2f6: {  	s31 =	sadd.s32 $0x100, s31;
	[tilespmem:v4+s26+$0x0] =	vst.idx.add.f32.msk $0xffff, v2  }
0x2f7: {  	_ =	swait.ge [sflag:s25], $0xB80  }
0x2f8: {  	[sflag:s25] =	ssyncset.done $0x0  }
0x2f9: {  	s31 =	simm.s32 $0x0;
	[sflag:s25] =	ssyncadd.s32 $0xFFFFF480  }
.LBB2_34:
0x2fa: {  	s0 =	sshra.s32 s31, $0x2  }
0x2fb: {  	v4 =	vld [tilespmem:s0+$0x0];
	_ =	sdelay $0x4  }
0x2fc: {  	v5 =	vand.u32 $0xFFFF, v4  }
0x2fd: {  	v4 =	vshrl.u32 v4, $0x10;
	v5 =	vadd.s32 v0, v5  }
0x2fe: {  	v4 =	vadd.s32 v3, v4;
	_ =	sdelay $0x3  }
0x2ff: {  	[tilespmem:v5+s26+$0x0] =	vst.idx.add.f32.msk $0xffff, v2  }
0x300: {  	[tilespmem:v4+s26+$0x0] =	vst.idx.add.f32.msk $0xffff, v2  }
0x301: {  	v4 =	vld [tilespmem:s0+$0x10];
	_ =	sdelay $0x4  }
0x302: {  	v5 =	vand.u32 $0xFFFF, v4  }
0x303: {  	v4 =	vshrl.u32 v4, $0x10;
	v5 =	vadd.s32 v0, v5  }
0x304: {  	v4 =	vadd.s32 v3, v4;
	_ =	sdelay $0x3  }
0x305: {  	[tilespmem:v5+s26+$0x0] =	vst.idx.add.f32.msk $0xffff, v2  }
0x306: {  	[tilespmem:v4+s26+$0x0] =	vst.idx.add.f32.msk $0xffff, v2  }
0x307: {  	v4 =	vld [tilespmem:s0+$0x20];
	_ =	sdelay $0x4  }
0x308: {  	v5 =	vand.u32 $0xFFFF, v4  }
0x309: {  	v4 =	vshrl.u32 v4, $0x10;
	v5 =	vadd.s32 v0, v5  }
0x30a: {  	v4 =	vadd.s32 v3, v4;
	_ =	sdelay $0x3  }
0x30b: {  	[tilespmem:v5+s26+$0x0] =	vst.idx.add.f32.msk $0xffff, v2  }
0x30c: {  	[tilespmem:v4+s26+$0x0] =	vst.idx.add.f32.msk $0xffff, v2  }
0x30d: {  	v4 =	vld [tilespmem:s0+$0x30];
	_ =	sdelay $0x4  }
0x30e: {  	v5 =	vand.u32 $0xFFFF, v4  }
0x30f: {  	v4 =	vshrl.u32 v4, $0x10;
	v5 =	vadd.s32 v0, v5  }
0x310: {  	p0 =	sne.s32 s31, $0x2D00;
	v4 =	vadd.s32 v3, v4  }
.Ltmp16:
0x311: {  	_ = 	snop;
	(pc) =	sbr.rel @p0 .LBB2_34-.Ltmp16, $3  }
0x312: {  	_ =	sdelay $0x1  }
0x313: {  	[tilespmem:v5+s26+$0x0] =	vst.idx.add.f32.msk $0xffff, v2  }
0x314: {  	s31 =	sadd.s32 $0x100, s31;
	[tilespmem:v4+s26+$0x0] =	vst.idx.add.f32.msk $0xffff, v2  }
0x315: {  	s30 =	sadd.s32 $0x1, s30  }
0x316: {  	p0 =	sne.s32 s30, s21  }
.Ltmp17:
0x317: {  	_ = 	snop;
	(pc) =	sbr.rel @p0 .LBB2_1-.Ltmp17, $4  }
0x318: {  	[hbm4b:s20+s22] =	stream.strided.scatter [tilespmem:s26], [sflag:$0x3], $0xE00, s23, s22, $0x38;
	[tilespmem:$0x2500] =	vst v63  }
0x319: {  	_ =	swait.ge [sflag:s29], $0xE00  }
0x31a: {  	[sflag:s29] =	ssyncset.done $0x0  }
0x31b: {  	[sflag:s29] =	ssyncadd.s32 $0xFFFFF200  }
0x31c: {  	_ =	sfence.sel $0x180000  }
0x31d: {  	[bflag:$0x0] =	sbarrier.arrive $0xFFFF  }
0x31e: {  	_ =	strace $0x9000004A  }
0x31f: {  	[bflag:$0x2] =	sbarrier.arrive $0xFFFF  }
0x320: {  	p0 =	sne.s32 s1, $0x0;
	s0 =	rddreg [dreg:$0x1]  }
0x321: {  	s0 =	sadd.s32 @!p0 $0x100000, s0  }
0x322: {  	[sflag:s0] =	ssyncadd.tile.s32 @!p0 $0x1;
	_ =	shalt  }
.Lfunc_end2:
_tile_overlayer_lowered:
.L_overlay_start_2:
0x323: {  	(tag) =	ssettag $0x2  }
0x324: {  	s0 =	rddreg [dreg:$0x0];
	s2 =	stileid.u32  }
0x325: {  	s1 =	rddreg [dreg:$0x1];
	p0 =	sne.s32 s2, $0x0  }
0x326: {  	s3 =	rddreg [dreg:$0x2];
	[bflag:$0x3] =	sbarrier.arrive $0xFFFF;
	s2 =	simm.s32 @!p0 $0x1C03  }
0x327: {  	[timem:s3], [sflag:s2] =	dma.local @!p0 [hbm:s0], s1  }
0x328: {  	s0 =	simm.s32 @!p0 $0x3  }
0x329: {  	_ =	swait.ge @!p0 [sflag:s0], s1  }
0x32a: {  	s1 =	ssub.s32 @!p0 $0x0, s1;
	[sflag:s0] =	ssyncset.done @!p0 $0x0  }
0x32b: {  	[sflag:s0] =	ssyncadd.s32 @!p0 s1  }
0x32c: {  	[bflag:$0x3] =	sbarrier.arrive $0xFFFF  }
0x32d: {  	_ =	shalt  }

</sc_bundles>
